<compile_context>
chip_gen: v7x
topology: tpu7x:2x2x1
jax: 0.10.2.dev20260603
libtpu: 0.0.44.dev20260713+nightly
codegen_flags: <defaults>
</compile_context>

<pallas_src>
import functools

import jax
import jax.numpy as jnp
from jax import lax
from jax.experimental import pallas as pl
from jax.experimental.pallas import tpu as pltpu
from jax.experimental.pallas import tpu_sc as plsc

N = 50000
E = 800000
D_A = 75
D_P = 14

HALF_N = N // 2
ACC_ROWS = 12544
DUMMY_ROW = 12536
CHUNK = 128
NCH = E // CHUNK
ROWS_PER_TILE = ACC_ROWS // 16
PAD_W = 64
UV_W = 128



def _prep_atoms_body(af_ref, w_aa_ref, b_aa_ref, w_uv_ref, b_uv_ref,
                     aa_ref, uv_ref):
    af = af_ref[...]
    aa = jnp.dot(af, w_aa_ref[...], preferred_element_type=jnp.float32)
    aa_ref[...] = jnp.maximum(aa + b_aa_ref[...], 0.0)
    uv = jnp.dot(af, w_uv_ref[...], preferred_element_type=jnp.float32)
    uv_ref[...] = uv + b_uv_ref[...]


def _prep_pairs_body(pf_ref, split_ref, w_pa_ref, b_pa_ref, par_ref):
    pa = jnp.dot(pf_ref[...], w_pa_ref[...], preferred_element_type=jnp.float32)
    pa = jnp.maximum(pa + b_pa_ref[...], 0.0)
    even = split_ref[...] % 2 == 0
    par_ref[...] = jnp.concatenate(
        [jnp.where(even, pa, 0.0), jnp.where(even, 0.0, pa)], axis=-1)


def _final_p_body(aps_ref, pf_ref, w_pp_ref, b_pp_ref, w_top_ref, w_bot_ref,
                  b_po_ref, p_ref):
    pp = jnp.dot(pf_ref[...], w_pp_ref[...], preferred_element_type=jnp.float32)
    pp = jnp.maximum(pp + b_pp_ref[...], 0.0)
    acc = jnp.dot(aps_ref[...], w_top_ref[...], preferred_element_type=jnp.float32)
    acc = acc + jnp.dot(pp, w_bot_ref[...], preferred_element_type=jnp.float32)
    p_ref[...] = jnp.maximum(acc + b_po_ref[...], 0.0)


def _final_a_body(aa_ref, s_ref, w_top_ref, w_bot_ref, b_ao_ref, a_ref):
    acc = jnp.dot(aa_ref[...], w_top_ref[...], preferred_element_type=jnp.float32)
    acc = acc + jnp.dot(s_ref[...], w_bot_ref[...], preferred_element_type=jnp.float32)
    a_ref[...] = jnp.maximum(acc + b_ao_ref[...], 0.0)



CH3 = 32
NCH3 = E // CH3
CPT3 = (NCH3 + 15) // 16


def _seg_sum_body(par_hbm, split_hbm,
                  s_hbm,
                  acc,
                  ia0, d0, ia1, d1, ia2, d2,
                  ls0, ss0, ls1, ss1, ls2, ss2):
    core = lax.axis_index("c")
    sub = lax.axis_index("s")
    base_node = core * HALF_N
    base = sub * CPT3
    cnt = jnp.minimum(CPT3, NCH3 - base)

    IA = (ia0, ia1, ia2)
    DD = (d0, d1, d2)
    LS = (ls0, ls1, ls2)
    SS = (ss0, ss1, ss2)

    zero = jnp.zeros((16,), jnp.float32)

    def _zrow(r, _):
        for k in range(2 * PAD_W // 16):
            d0[r, pl.ds(k * 16, 16)] = zero
        return ()
    lax.fori_loop(0, CH3, _zrow, (), unroll=False)

    rbase = sub * ROWS_PER_TILE
    n_full = ROWS_PER_TILE // CH3
    for b in range(n_full):
        pltpu.sync_copy(d0, acc.at[pl.ds(rbase + b * CH3, CH3)])
    pltpu.sync_copy(d0.at[pl.ds(0, 16)], acc.at[pl.ds(rbase + n_full * CH3, 16)])
    plsc.subcore_barrier()

    def issue_loads(h, s):
        c0 = jnp.minimum(base + h, NCH3 - 1) * CH3
        pltpu.async_copy(split_hbm.at[pl.ds(c0, CH3)], IA[s], LS[s])
        pltpu.async_copy(par_hbm.at[pl.ds(c0, CH3)], DD[s], LS[s])

    def wait_loads(s):
        pltpu.make_async_copy(split_hbm.at[pl.ds(0, CH3)], IA[s], LS[s]).wait()
        pltpu.make_async_copy(par_hbm.at[pl.ds(0, CH3)], DD[s], LS[s]).wait()

    def issue_scatter(s):
        pltpu.async_copy(DD[s], acc.at[IA[s]], SS[s], add=True)

    def wait_scatter(s):
        pltpu.make_async_copy(DD[s], acc.at[IA[s]], SS[s]).wait()

    def clamp(idx_ref, valid_b):
        penalty = jnp.where(valid_b, 0, 2 * N)
        for k in range(CH3 // 16):
            v = idx_ref[pl.ds(k * 16, 16)] - base_node - penalty
            ok = (v >= 0) & (v < HALF_N)
            idx_ref[pl.ds(k * 16, 16)] = jnp.where(ok, v >> 1, DUMMY_ROW)

    def iteration(h, s):
        @pl.when(h >= 1)
        def _():
            wait_scatter((s + 2) % 3)

        @pl.when(h + 2 <= CPT3 - 1)
        def _():
            issue_loads(h + 2, (s + 2) % 3)

        wait_loads(s)
        clamp(IA[s], h < cnt)
        issue_scatter(s)

    issue_loads(0, 0)
    issue_loads(1, 1)

    def outer(h3, _):
        for s in range(3):
            iteration(h3 * 3 + s, s)
        return ()

    n_main = (CPT3 - 2) // 3
    lax.fori_loop(0, n_main, outer, (), unroll=False)
    for h in range(3 * n_main, CPT3):
        iteration(h, h % 3)
    wait_scatter((CPT3 - 1) % 3)

    plsc.subcore_barrier()

    for b in range(n_full):
        pltpu.sync_copy(acc.at[pl.ds(rbase + b * CH3, CH3)], d0)
        pltpu.sync_copy(d0, s_hbm.at[core, pl.ds(rbase + b * CH3, CH3)])
    pltpu.sync_copy(acc.at[pl.ds(rbase + n_full * CH3, 16)], d0.at[pl.ds(0, 16)])
    pltpu.sync_copy(d0.at[pl.ds(0, 16)], s_hbm.at[core, pl.ds(rbase + n_full * CH3, 16)])


CH4 = 64
NCH4 = E // CH4
CPT_G = (NCH4 + 31) // 32


def _gather_combine_body(uv_hbm, i_hbm, j_hbm,
                         aps_hbm,
                         iv0, jv0, ba0, bb0, ob0,
                         iv1, jv1, ba1, bb1, ob1,
                         iv2, jv2, ba2, bb2, ob2,
                         is0, gs0, ss0, is1, gs1, ss1, is2, gs2, ss2):
    core = lax.axis_index("c")
    sub = lax.axis_index("s")
    wid = core * 16 + sub
    base = wid * CPT_G

    IV = (iv0, iv1, iv2)
    JV = (jv0, jv1, jv2)
    BA = (ba0, ba1, ba2)
    BB = (bb0, bb1, bb2)
    OB = (ob0, ob1, ob2)
    IS = (is0, is1, is2)
    GS = (gs0, gs1, gs2)
    SS = (ss0, ss1, ss2)

    zero = jnp.zeros((16,), jnp.float32)

    def _zrow(r, _):
        for s in range(3):
            for k in range(PAD_W // 16):
                OB[s][r, pl.ds(PAD_W + k * 16, 16)] = zero
        return ()
    lax.fori_loop(0, CH4, _zrow, (), unroll=False)

    def off_of(h):
        return jnp.minimum(base + h, NCH4 - 1) * CH4

    def issue_idx(h, s):
        off = off_of(h)
        pltpu.async_copy(i_hbm.at[pl.ds(off, CH4)], IV[s], IS[s])
        pltpu.async_copy(j_hbm.at[pl.ds(off, CH4)], JV[s], IS[s])

    def wait_idx(s):
        pltpu.make_async_copy(i_hbm.at[pl.ds(0, CH4)], IV[s], IS[s]).wait()
        pltpu.make_async_copy(j_hbm.at[pl.ds(0, CH4)], JV[s], IS[s]).wait()

    def issue_gathers(s):
        pltpu.async_copy(uv_hbm.at[IV[s]], BA[s], GS[s])
        pltpu.async_copy(uv_hbm.at[JV[s]], BB[s], GS[s])

    def wait_gathers(s):
        pltpu.make_async_copy(uv_hbm.at[IV[s]], BA[s], GS[s]).wait()
        pltpu.make_async_copy(uv_hbm.at[JV[s]], BB[s], GS[s]).wait()

    def issue_store(h, s):
        pltpu.async_copy(OB[s], aps_hbm.at[pl.ds(off_of(h), CH4)], SS[s])

    def wait_store(s):
        pltpu.make_async_copy(OB[s], aps_hbm.at[pl.ds(0, CH4)], SS[s]).wait()

    def combine(s):
        ba, bb, ob = BA[s], BB[s], OB[s]

        def _edge(e, _):
            for k in range(PAD_W // 16):
                u_i = ba[e, pl.ds(k * 16, 16)]
                v_i = ba[e, pl.ds(64 + k * 16, 16)]
                u_j = bb[e, pl.ds(k * 16, 16)]
                v_j = bb[e, pl.ds(64 + k * 16, 16)]
                ob[e, pl.ds(k * 16, 16)] = (jnp.maximum(u_i + v_j, 0.0)
                                            + jnp.maximum(u_j + v_i, 0.0))
            return ()
        lax.fori_loop(0, CH4, _edge, (), unroll=False)

    def iteration(h, s):
        @pl.when(h + 2 <= CPT_G - 1)
        def _():
            issue_idx(h + 2, (s + 2) % 3)

        @pl.when(h + 1 <= CPT_G - 1)
        def _():
            wait_idx((s + 1) % 3)
            issue_gathers((s + 1) % 3)

        wait_gathers(s)

        @pl.when(h >= 3)
        def _():
            wait_store(s)

        combine(s)
        issue_store(h, s)

    issue_idx(0, 0)
    issue_idx(1, 1)
    wait_idx(0)
    issue_gathers(0)

    def outer(h3, _):
        for s in range(3):
            iteration(h3 * 3 + s, s)
        return ()

    lax.fori_loop(0, (CPT_G - 1) // 3, outer, (), unroll=False)
    iteration(CPT_G - 1, (CPT_G - 1) % 3)
    for s in range(3):
        wait_store(s)


def _run_seg_sum(par_packed, split32):
    seg = pl.kernel(
        _seg_sum_body,
        out_type=jax.ShapeDtypeStruct((2, ACC_ROWS, 2 * PAD_W), jnp.float32),
        mesh=plsc.VectorSubcoreMesh(core_axis_name="c", subcore_axis_name="s",
                                    num_cores=2, num_subcores=16),
        scratch_types=(
            [pltpu.MemorySpace.VMEM_SHARED((ACC_ROWS, 2 * PAD_W), jnp.float32)]
            + [pltpu.VMEM((CH3,), jnp.int32),
               pltpu.VMEM((CH3, 2 * PAD_W), jnp.float32)] * 3
            + [pltpu.SemaphoreType.DMA] * 6
        ),
        compiler_params=pltpu.CompilerParams(use_tc_tiling_on_sc=True),
    )
    parts = seg(par_packed, split32)
    s0 = parts[0].reshape(2 * ACC_ROWS, PAD_W)[:HALF_N]
    s1 = parts[1].reshape(2 * ACC_ROWS, PAD_W)[:HALF_N]
    return jnp.concatenate([s0, s1], axis=0)


def _run_gather(uv, i_idx, j_idx):
    gat = pl.kernel(
        _gather_combine_body,
        out_type=jax.ShapeDtypeStruct((E, UV_W), jnp.float32),
        mesh=plsc.VectorSubcoreMesh(core_axis_name="c", subcore_axis_name="s",
                                    num_cores=2, num_subcores=16),
        scratch_types=(
            [pltpu.VMEM((CH4,), jnp.int32),
             pltpu.VMEM((CH4,), jnp.int32),
             pltpu.VMEM((CH4, UV_W), jnp.float32),
             pltpu.VMEM((CH4, UV_W), jnp.float32),
             pltpu.VMEM((CH4, UV_W), jnp.float32)] * 3
            + [pltpu.SemaphoreType.DMA] * 9
        ),
        compiler_params=pltpu.CompilerParams(use_tc_tiling_on_sc=True),
    )
    return gat(uv, i_idx, j_idx)



def kernel(atom_features, pair_features, pair_split, atom_to_pair,
           W_aa, b_aa, W_pa, b_pa, W_ao, b_ao, W_ap, b_ap, W_pp, b_pp,
           W_po, b_po):
    f32 = jnp.float32

    w_uv = jnp.zeros((D_A, UV_W), f32)
    w_uv = w_uv.at[:, 0:50].set(W_ap[0:D_A, :])
    w_uv = w_uv.at[:, 64:114].set(W_ap[D_A:2 * D_A, :])
    b_uv = jnp.zeros((UV_W,), f32).at[0:50].set(b_ap)

    w_pa_pad = jnp.zeros((D_P, PAD_W), f32).at[:, 0:50].set(W_pa)
    b_pa_pad = jnp.zeros((PAD_W,), f32).at[0:50].set(b_pa)

    w_po_top = jnp.zeros((UV_W, 50), f32).at[0:50, :].set(W_po[0:50, :])
    w_ao_top = W_ao[0:100, :]
    w_ao_bot = jnp.zeros((PAD_W, 50), f32).at[0:50, :].set(W_ao[100:150, :])

    i_idx = atom_to_pair[:, 0].astype(jnp.int32)
    j_idx = atom_to_pair[:, 1].astype(jnp.int32)
    split32 = pair_split.astype(jnp.int32)

    run_seg_sum = _run_seg_sum
    run_gather = _run_gather

    nb = 50
    blk_n = N // nb
    aa, uv = pl.pallas_call(
        _prep_atoms_body,
        grid=(nb,),
        in_specs=[
            pl.BlockSpec((blk_n, D_A), lambda i: (i, 0)),
            pl.BlockSpec((D_A, 100), lambda i: (0, 0)),
            pl.BlockSpec((100,), lambda i: (0,)),
            pl.BlockSpec((D_A, UV_W), lambda i: (0, 0)),
            pl.BlockSpec((UV_W,), lambda i: (0,)),
        ],
        out_specs=[
            pl.BlockSpec((blk_n, 100), lambda i: (i, 0)),
            pl.BlockSpec((blk_n, UV_W), lambda i: (i, 0)),
        ],
        out_shape=[
            jax.ShapeDtypeStruct((N, 100), f32),
            jax.ShapeDtypeStruct((N, UV_W), f32),
        ],
    )(atom_features, W_aa, b_aa, w_uv, b_uv)

    eb = 200
    blk_e = E // eb
    par = pl.pallas_call(
        _prep_pairs_body,
        grid=(eb,),
        in_specs=[
            pl.BlockSpec((blk_e, D_P), lambda i: (i, 0)),
            pl.BlockSpec((blk_e, 1), lambda i: (i, 0)),
            pl.BlockSpec((D_P, PAD_W), lambda i: (0, 0)),
            pl.BlockSpec((PAD_W,), lambda i: (0,)),
        ],
        out_specs=pl.BlockSpec((blk_e, 2 * PAD_W), lambda i: (i, 0)),
        out_shape=jax.ShapeDtypeStruct((E, 2 * PAD_W), f32),
    )(pair_features, split32.reshape(E, 1), w_pa_pad, b_pa_pad)

    s_sum = run_seg_sum(par, split32)

    aps = run_gather(uv, i_idx, j_idx)

    p_out = pl.pallas_call(
        _final_p_body,
        grid=(eb,),
        in_specs=[
            pl.BlockSpec((blk_e, UV_W), lambda i: (i, 0)),
            pl.BlockSpec((blk_e, D_P), lambda i: (i, 0)),
            pl.BlockSpec((D_P, 50), lambda i: (0, 0)),
            pl.BlockSpec((50,), lambda i: (0,)),
            pl.BlockSpec((UV_W, 50), lambda i: (0, 0)),
            pl.BlockSpec((50, 50), lambda i: (0, 0)),
            pl.BlockSpec((50,), lambda i: (0,)),
        ],
        out_specs=pl.BlockSpec((blk_e, 50), lambda i: (i, 0)),
        out_shape=jax.ShapeDtypeStruct((E, 50), f32),
    )(aps, pair_features, W_pp, b_pp, w_po_top, W_po[50:100, :], b_po)

    a_out = pl.pallas_call(
        _final_a_body,
        grid=(nb,),
        in_specs=[
            pl.BlockSpec((blk_n, 100), lambda i: (i, 0)),
            pl.BlockSpec((blk_n, PAD_W), lambda i: (i, 0)),
            pl.BlockSpec((100, 50), lambda i: (0, 0)),
            pl.BlockSpec((PAD_W, 50), lambda i: (0, 0)),
            pl.BlockSpec((50,), lambda i: (0,)),
        ],
        out_specs=pl.BlockSpec((blk_n, 50), lambda i: (i, 0)),
        out_shape=jax.ShapeDtypeStruct((N, 50), f32),
    )(aa, s_sum, w_ao_top, w_ao_bot, b_ao)

    return (a_out, p_out)

# --- scband reference (transcript-rebuilt; emitter-appended) ---
"""Pipeline reference for scband-weave-layer-14705968022036 (READ-ONLY COPY).

The authoritative reference and input builder live on the scoring server;
editing this copy changes nothing except your own understanding.
"""

import jax, jax.numpy as jnp
import numpy as np

N = 50000
E = 800000
D_A = 75
D_P = 14

def _glorot(key, shape):
    fan_in, fan_out = shape
    lim = np.sqrt(6.0 / (fan_in + fan_out))
    return jax.random.uniform(key, shape, jnp.float32, -lim, lim)

def setup_inputs(seed: int = 0):
    key = jax.random.key(seed)
    ks = jax.random.split(key, 12)
    inp = {}
    inp['atom_features'] = jax.random.normal(ks[0], (N, D_A), jnp.float32)
    inp['pair_features'] = jax.random.normal(ks[1], (E, D_P), jnp.float32)
    inp['pair_split'] = jnp.sort(jax.random.randint(ks[2], (E,), 0, N))
    inp['atom_to_pair'] = jax.random.randint(ks[3], (E, 2), 0, N)
    inp['W_aa'] = _glorot(ks[4], (D_A, 100)); inp['b_aa'] = jnp.zeros((100,), jnp.float32)
    inp['W_pa'] = _glorot(ks[5], (D_P, 50)); inp['b_pa'] = jnp.zeros((50,), jnp.float32)
    inp['W_ao'] = _glorot(ks[6], (150, 50)); inp['b_ao'] = jnp.zeros((50,), jnp.float32)
    inp['W_ap'] = _glorot(ks[7], (150, 50)); inp['b_ap'] = jnp.zeros((50,), jnp.float32)
    inp['W_pp'] = _glorot(ks[8], (D_P, 50)); inp['b_pp'] = jnp.zeros((50,), jnp.float32)
    inp['W_po'] = _glorot(ks[9], (100, 50)); inp['b_po'] = jnp.zeros((50,), jnp.float32)
    return inp

def reference(atom_features, pair_features, pair_split, atom_to_pair, W_aa, b_aa, W_pa, b_pa, W_ao, b_ao, W_ap, b_ap, W_pp, b_pp, W_po, b_po):
    relu = lambda t: jnp.maximum(t, 0.0)
    AA = relu(atom_features @ W_aa + b_aa)
    PA = relu(pair_features @ W_pa + b_pa)
    PA = jax.ops.segment_sum(PA, pair_split, num_segments=atom_features.shape[0])
    atom_hidden = jnp.concatenate([AA, PA], axis=-1)
    A = relu(atom_hidden @ W_ao + b_ao)
    g_ij = jnp.take(atom_features, atom_to_pair, axis=0).reshape(-1, 2 * D_A)
    g_ji = jnp.take(atom_features, atom_to_pair[:, ::-1], axis=0).reshape(-1, 2 * D_A)
    AP_ij = relu(g_ij @ W_ap + b_ap)
    AP_ji = relu(g_ji @ W_ap + b_ap)
    PP = relu(pair_features @ W_pp + b_pp)
    P = relu(jnp.concatenate([AP_ij + AP_ji, PP], axis=-1) @ W_po + b_po)
    return (A, P)

if __name__ == "__main__":
    import jax
    _d = setup_inputs()
    print(jax.jit(kernel)(*tuple(_d.values())))

</pallas_src>

<mosaic_0001>
#map = affine_map<(d0, d1) -> (0, 0)>
#map1 = affine_map<(d0, d1) -> (0)>
#map2 = affine_map<(d0, d1) -> (0, 0, 0)>
module attributes {stable_mosaic.version = 14 : i64} {
  func.func @_seg_sum_body(%arg0: i32, %arg1: i32, %arg2: memref<800000x128xf32, #tpu.memory_space<hbm>>, %arg3: memref<800000xi32, #tpu.memory_space<hbm>>, %arg4: memref<2x12544x128xf32, #tpu.memory_space<hbm>>, %arg5: memref<12544x128xf32, #tpu.memory_space<vmem_shared>>, %arg6: memref<32xi32, #tpu.memory_space<vmem>>, %arg7: memref<32x128xf32, #tpu.memory_space<vmem>>, %arg8: memref<32xi32, #tpu.memory_space<vmem>>, %arg9: memref<32x128xf32, #tpu.memory_space<vmem>>, %arg10: memref<32xi32, #tpu.memory_space<vmem>>, %arg11: memref<32x128xf32, #tpu.memory_space<vmem>>, %arg12: memref<!tpu.dma_semaphore, #tpu.memory_space<semaphore_mem>>, %arg13: memref<!tpu.dma_semaphore, #tpu.memory_space<semaphore_mem>>, %arg14: memref<!tpu.dma_semaphore, #tpu.memory_space<semaphore_mem>>, %arg15: memref<!tpu.dma_semaphore, #tpu.memory_space<semaphore_mem>>, %arg16: memref<!tpu.dma_semaphore, #tpu.memory_space<semaphore_mem>>, %arg17: memref<!tpu.dma_semaphore, #tpu.memory_space<semaphore_mem>>) attributes {dimension_semantics = [#tpu.dimension_semantics<core_parallel>, #tpu.dimension_semantics<subcore_parallel>], iteration_bounds = array<i64: 2, 16>, scalar_prefetch = 0 : i64, scratch_operands = 13 : i64, tpu.core_type = #tpu.core_type<sc_vector_subcore>, window_params = [{transform_indices = #map}, {transform_indices = #map1}, {transform_indices = #map2}]} {
    %mul3A = arith.constant 25000 : i32
    %mul3A_0 = arith.muli %arg0, %mul3A : i32
    %mul3A_1 = arith.constant 1563 : i32
    %mul3A_2 = arith.muli %arg1, %mul3A_1 : i32
    %sub3A = arith.constant 25000 : i32
    %sub3A_3 = arith.subi %sub3A, %mul3A_2 : i32
    %min3A = arith.constant 1563 : i32
    %min3A_4 = arith.minsi %min3A, %sub3A_3 : i32
    %broadcast_in_dim3A = arith.constant 0.000000e+00 : f32
    %broadcast_in_dim3A_5 = vector.broadcast %broadcast_in_dim3A : f32 to vector<16xf32>
    %scan3A = arith.constant 0 : i32
    %scan3A_6 = arith.constant 32 : i32
    %scan3A_7 = arith.addi %scan3A, %scan3A_6 : i32
    %scan3A_8 = arith.constant 1 : i32
    scf.for %scan3A_402 = %scan3A to %scan3A_7 step %scan3A_8  : i32 {
      %swap3A_403 = arith.index_cast %scan3A_402 : i32 to index
      %swap3A_404 = arith.constant 0 : index
      %swap3A_405 = tpu.vector_load %arg7[%swap3A_403, %swap3A_404] {strides = array<i32>} : memref<32x128xf32, #tpu.memory_space<vmem>>, vector<1x16xf32>,
      %swap3A_406 = vector.shape_cast %swap3A_405 : vector<1x16xf32> to vector<16xf32>
      %swap3A_407 = vector.shape_cast %broadcast_in_dim3A_5 : vector<16xf32> to vector<1x16xf32>
      tpu.vector_store %arg7[%swap3A_403, %swap3A_404], %swap3A_407 {strides = array<i32>} : memref<32x128xf32, #tpu.memory_space<vmem>>, vector<1x16xf32>,
      %swap3A_408 = arith.index_cast %scan3A_402 : i32 to index
      %swap3A_409 = arith.constant 16 : index
      %swap3A_410 = tpu.vector_load %arg7[%swap3A_408, %swap3A_409] {strides = array<i32>} : memref<32x128xf32, #tpu.memory_space<vmem>>, vector<1x16xf32>,
      %swap3A_411 = vector.shape_cast %swap3A_410 : vector<1x16xf32> to vector<16xf32>
      %swap3A_412 = vector.shape_cast %broadcast_in_dim3A_5 : vector<16xf32> to vector<1x16xf32>
      tpu.vector_store %arg7[%swap3A_408, %swap3A_409], %swap3A_412 {strides = array<i32>} : memref<32x128xf32, #tpu.memory_space<vmem>>, vector<1x16xf32>,
      %swap3A_413 = arith.index_cast %scan3A_402 : i32 to index
      %swap3A_414 = arith.constant 32 : index
      %swap3A_415 = tpu.vector_load %arg7[%swap3A_413, %swap3A_414] {strides = array<i32>} : memref<32x128xf32, #tpu.memory_space<vmem>>, vector<1x16xf32>,
      %swap3A_416 = vector.shape_cast %swap3A_415 : vector<1x16xf32> to vector<16xf32>
      %swap3A_417 = vector.shape_cast %broadcast_in_dim3A_5 : vector<16xf32> to vector<1x16xf32>
      tpu.vector_store %arg7[%swap3A_413, %swap3A_414], %swap3A_417 {strides = array<i32>} : memref<32x128xf32, #tpu.memory_space<vmem>>, vector<1x16xf32>,
      %swap3A_418 = arith.index_cast %scan3A_402 : i32 to index
      %swap3A_419 = arith.constant 48 : index
      %swap3A_420 = tpu.vector_load %arg7[%swap3A_418, %swap3A_419] {strides = array<i32>} : memref<32x128xf32, #tpu.memory_space<vmem>>, vector<1x16xf32>,
      %swap3A_421 = vector.shape_cast %swap3A_420 : vector<1x16xf32> to vector<16xf32>
      %swap3A_422 = vector.shape_cast %broadcast_in_dim3A_5 : vector<16xf32> to vector<1x16xf32>
      tpu.vector_store %arg7[%swap3A_418, %swap3A_419], %swap3A_422 {strides = array<i32>} : memref<32x128xf32, #tpu.memory_space<vmem>>, vector<1x16xf32>,
      %swap3A_423 = arith.index_cast %scan3A_402 : i32 to index
      %swap3A_424 = arith.constant 64 : index
      %swap3A_425 = tpu.vector_load %arg7[%swap3A_423, %swap3A_424] {strides = array<i32>} : memref<32x128xf32, #tpu.memory_space<vmem>>, vector<1x16xf32>,
      %swap3A_426 = vector.shape_cast %swap3A_425 : vector<1x16xf32> to vector<16xf32>
      %swap3A_427 = vector.shape_cast %broadcast_in_dim3A_5 : vector<16xf32> to vector<1x16xf32>
      tpu.vector_store %arg7[%swap3A_423, %swap3A_424], %swap3A_427 {strides = array<i32>} : memref<32x128xf32, #tpu.memory_space<vmem>>, vector<1x16xf32>,
      %swap3A_428 = arith.index_cast %scan3A_402 : i32 to index
      %swap3A_429 = arith.constant 80 : index
      %swap3A_430 = tpu.vector_load %arg7[%swap3A_428, %swap3A_429] {strides = array<i32>} : memref<32x128xf32, #tpu.memory_space<vmem>>, vector<1x16xf32>,
      %swap3A_431 = vector.shape_cast %swap3A_430 : vector<1x16xf32> to vector<16xf32>
      %swap3A_432 = vector.shape_cast %broadcast_in_dim3A_5 : vector<16xf32> to vector<1x16xf32>
      tpu.vector_store %arg7[%swap3A_428, %swap3A_429], %swap3A_432 {strides = array<i32>} : memref<32x128xf32, #tpu.memory_space<vmem>>, vector<1x16xf32>,
      %swap3A_433 = arith.index_cast %scan3A_402 : i32 to index
      %swap3A_434 = arith.constant 96 : index
      %swap3A_435 = tpu.vector_load %arg7[%swap3A_433, %swap3A_434] {strides = array<i32>} : memref<32x128xf32, #tpu.memory_space<vmem>>, vector<1x16xf32>,
      %swap3A_436 = vector.shape_cast %swap3A_435 : vector<1x16xf32> to vector<16xf32>
      %swap3A_437 = vector.shape_cast %broadcast_in_dim3A_5 : vector<16xf32> to vector<1x16xf32>
      tpu.vector_store %arg7[%swap3A_433, %swap3A_434], %swap3A_437 {strides = array<i32>} : memref<32x128xf32, #tpu.memory_space<vmem>>, vector<1x16xf32>,
      %swap3A_438 = arith.index_cast %scan3A_402 : i32 to index
      %swap3A_439 = arith.constant 112 : index
      %swap3A_440 = tpu.vector_load %arg7[%swap3A_438, %swap3A_439] {strides = array<i32>} : memref<32x128xf32, #tpu.memory_space<vmem>>, vector<1x16xf32>,
      %swap3A_441 = vector.shape_cast %swap3A_440 : vector<1x16xf32> to vector<16xf32>
      %swap3A_442 = vector.shape_cast %broadcast_in_dim3A_5 : vector<16xf32> to vector<1x16xf32>
      tpu.vector_store %arg7[%swap3A_438, %swap3A_439], %swap3A_442 {strides = array<i32>} : memref<32x128xf32, #tpu.memory_space<vmem>>, vector<1x16xf32>,
    }
    %scan3A_9 = arith.constant 32 : i32
    %mul3A_10 = arith.constant 784 : i32
    %mul3A_11 = arith.muli %arg1, %mul3A_10 : i32
    %add3A = arith.constant 0 : i32
    %add3A_12 = arith.addi %mul3A_11, %add3A : i32
    "tpu.region"() ({
      %run_scoped3A = tpu.sem_alloc : memref<!tpu.dma_semaphore, #tpu.memory_space<semaphore_mem>>
      %dma_start3A_402 = arith.constant 0 : i32
      %dma_start3A_403 = tpu.memref_slice %arg5[%add3A_12, %dma_start3A_402] : memref<12544x128xf32, #tpu.memory_space<vmem_shared>> -> memref<32x128xf32, #tpu.memory_space<vmem_shared>>
      %dma_start3A_404 = arith.constant 0 : i32
      %dma_start3A_405 = tpu.memref_slice %arg5[%add3A_12, %dma_start3A_404] : memref<12544x128xf32, #tpu.memory_space<vmem_shared>> -> memref<32x128xf32, #tpu.memory_space<vmem_shared>>
      tpu.enqueue_dma source(%arg7 : memref<32x128xf32, #tpu.memory_space<vmem>>) target(%dma_start3A_405 : memref<32x128xf32, #tpu.memory_space<vmem_shared>>) target_semaphore(%run_scoped3A : memref<!tpu.dma_semaphore, #tpu.memory_space<semaphore_mem>>)
      %dma_wait3A_406 = arith.constant 0 : i32
      %dma_wait3A_407 = tpu.memref_slice %arg5[%add3A_12, %dma_wait3A_406] : memref<12544x128xf32, #tpu.memory_space<vmem_shared>> -> memref<32x128xf32, #tpu.memory_space<vmem_shared>>
      %dma_wait3A_408 = arith.constant 0 : i32
      %dma_wait3A_409 = tpu.memref_slice %arg5[%add3A_12, %dma_wait3A_408] : memref<12544x128xf32, #tpu.memory_space<vmem_shared>> -> memref<32x128xf32, #tpu.memory_space<vmem_shared>>
      tpu.wait_dma2 semaphore(%run_scoped3A : memref<!tpu.dma_semaphore, #tpu.memory_space<semaphore_mem>>) src(%arg7 : memref<32x128xf32, #tpu.memory_space<vmem>>) dst(%dma_wait3A_409 : memref<32x128xf32, #tpu.memory_space<vmem_shared>>)
      tpu.yield
    }) : () -> ()
    %add3A_13 = arith.constant 32 : i32
    %add3A_14 = arith.addi %mul3A_11, %add3A_13 : i32
    "tpu.region"() ({
      %run_scoped3A = tpu.sem_alloc : memref<!tpu.dma_semaphore, #tpu.memory_space<semaphore_mem>>
      %dma_start3A_402 = arith.constant 0 : i32
      %dma_start3A_403 = tpu.memref_slice %arg5[%add3A_14, %dma_start3A_402] : memref<12544x128xf32, #tpu.memory_space<vmem_shared>> -> memref<32x128xf32, #tpu.memory_space<vmem_shared>>
      %dma_start3A_404 = arith.constant 0 : i32
      %dma_start3A_405 = tpu.memref_slice %arg5[%add3A_14, %dma_start3A_404] : memref<12544x128xf32, #tpu.memory_space<vmem_shared>> -> memref<32x128xf32, #tpu.memory_space<vmem_shared>>
      tpu.enqueue_dma source(%arg7 : memref<32x128xf32, #tpu.memory_space<vmem>>) target(%dma_start3A_405 : memref<32x128xf32, #tpu.memory_space<vmem_shared>>) target_semaphore(%run_scoped3A : memref<!tpu.dma_semaphore, #tpu.memory_space<semaphore_mem>>)
      %dma_wait3A_406 = arith.constant 0 : i32
      %dma_wait3A_407 = tpu.memref_slice %arg5[%add3A_14, %dma_wait3A_406] : memref<12544x128xf32, #tpu.memory_space<vmem_shared>> -> memref<32x128xf32, #tpu.memory_space<vmem_shared>>
      %dma_wait3A_408 = arith.constant 0 : i32
      %dma_wait3A_409 = tpu.memref_slice %arg5[%add3A_14, %dma_wait3A_408] : memref<12544x128xf32, #tpu.memory_space<vmem_shared>> -> memref<32x128xf32, #tpu.memory_space<vmem_shared>>
      tpu.wait_dma2 semaphore(%run_scoped3A : memref<!tpu.dma_semaphore, #tpu.memory_space<semaphore_mem>>) src(%arg7 : memref<32x128xf32, #tpu.memory_space<vmem>>) dst(%dma_wait3A_409 : memref<32x128xf32, #tpu.memory_space<vmem_shared>>)
      tpu.yield
    }) : () -> ()
    %add3A_15 = arith.constant 64 : i32
    %add3A_16 = arith.addi %mul3A_11, %add3A_15 : i32
    "tpu.region"() ({
      %run_scoped3A = tpu.sem_alloc : memref<!tpu.dma_semaphore, #tpu.memory_space<semaphore_mem>>
      %dma_start3A_402 = arith.constant 0 : i32
      %dma_start3A_403 = tpu.memref_slice %arg5[%add3A_16, %dma_start3A_402] : memref<12544x128xf32, #tpu.memory_space<vmem_shared>> -> memref<32x128xf32, #tpu.memory_space<vmem_shared>>
      %dma_start3A_404 = arith.constant 0 : i32
      %dma_start3A_405 = tpu.memref_slice %arg5[%add3A_16, %dma_start3A_404] : memref<12544x128xf32, #tpu.memory_space<vmem_shared>> -> memref<32x128xf32, #tpu.memory_space<vmem_shared>>
      tpu.enqueue_dma source(%arg7 : memref<32x128xf32, #tpu.memory_space<vmem>>) target(%dma_start3A_405 : memref<32x128xf32, #tpu.memory_space<vmem_shared>>) target_semaphore(%run_scoped3A : memref<!tpu.dma_semaphore, #tpu.memory_space<semaphore_mem>>)
      %dma_wait3A_406 = arith.constant 0 : i32
      %dma_wait3A_407 = tpu.memref_slice %arg5[%add3A_16, %dma_wait3A_406] : memref<12544x128xf32, #tpu.memory_space<vmem_shared>> -> memref<32x128xf32, #tpu.memory_space<vmem_shared>>
      %dma_wait3A_408 = arith.constant 0 : i32
      %dma_wait3A_409 = tpu.memref_slice %arg5[%add3A_16, %dma_wait3A_408] : memref<12544x128xf32, #tpu.memory_space<vmem_shared>> -> memref<32x128xf32, #tpu.memory_space<vmem_shared>>
      tpu.wait_dma2 semaphore(%run_scoped3A : memref<!tpu.dma_semaphore, #tpu.memory_space<semaphore_mem>>) src(%arg7 : memref<32x128xf32, #tpu.memory_space<vmem>>) dst(%dma_wait3A_409 : memref<32x128xf32, #tpu.memory_space<vmem_shared>>)
      tpu.yield
    }) : () -> ()
    %add3A_17 = arith.constant 96 : i32
    %add3A_18 = arith.addi %mul3A_11, %add3A_17 : i32
    "tpu.region"() ({
      %run_scoped3A = tpu.sem_alloc : memref<!tpu.dma_semaphore, #tpu.memory_space<semaphore_mem>>
      %dma_start3A_402 = arith.constant 0 : i32
      %dma_start3A_403 = tpu.memref_slice %arg5[%add3A_18, %dma_start3A_402] : memref<12544x128xf32, #tpu.memory_space<vmem_shared>> -> memref<32x128xf32, #tpu.memory_space<vmem_shared>>
      %dma_start3A_404 = arith.constant 0 : i32
      %dma_start3A_405 = tpu.memref_slice %arg5[%add3A_18, %dma_start3A_404] : memref<12544x128xf32, #tpu.memory_space<vmem_shared>> -> memref<32x128xf32, #tpu.memory_space<vmem_shared>>
      tpu.enqueue_dma source(%arg7 : memref<32x128xf32, #tpu.memory_space<vmem>>) target(%dma_start3A_405 : memref<32x128xf32, #tpu.memory_space<vmem_shared>>) target_semaphore(%run_scoped3A : memref<!tpu.dma_semaphore, #tpu.memory_space<semaphore_mem>>)
      %dma_wait3A_406 = arith.constant 0 : i32
      %dma_wait3A_407 = tpu.memref_slice %arg5[%add3A_18, %dma_wait3A_406] : memref<12544x128xf32, #tpu.memory_space<vmem_shared>> -> memref<32x128xf32, #tpu.memory_space<vmem_shared>>
      %dma_wait3A_408 = arith.constant 0 : i32
      %dma_wait3A_409 = tpu.memref_slice %arg5[%add3A_18, %dma_wait3A_408] : memref<12544x128xf32, #tpu.memory_space<vmem_shared>> -> memref<32x128xf32, #tpu.memory_space<vmem_shared>>
      tpu.wait_dma2 semaphore(%run_scoped3A : memref<!tpu.dma_semaphore, #tpu.memory_space<semaphore_mem>>) src(%arg7 : memref<32x128xf32, #tpu.memory_space<vmem>>) dst(%dma_wait3A_409 : memref<32x128xf32, #tpu.memory_space<vmem_shared>>)
      tpu.yield
    }) : () -> ()
    %add3A_19 = arith.constant 128 : i32
    %add3A_20 = arith.addi %mul3A_11, %add3A_19 : i32
    "tpu.region"() ({
      %run_scoped3A = tpu.sem_alloc : memref<!tpu.dma_semaphore, #tpu.memory_space<semaphore_mem>>
      %dma_start3A_402 = arith.constant 0 : i32
      %dma_start3A_403 = tpu.memref_slice %arg5[%add3A_20, %dma_start3A_402] : memref<12544x128xf32, #tpu.memory_space<vmem_shared>> -> memref<32x128xf32, #tpu.memory_space<vmem_shared>>
      %dma_start3A_404 = arith.constant 0 : i32
      %dma_start3A_405 = tpu.memref_slice %arg5[%add3A_20, %dma_start3A_404] : memref<12544x128xf32, #tpu.memory_space<vmem_shared>> -> memref<32x128xf32, #tpu.memory_space<vmem_shared>>
      tpu.enqueue_dma source(%arg7 : memref<32x128xf32, #tpu.memory_space<vmem>>) target(%dma_start3A_405 : memref<32x128xf32, #tpu.memory_space<vmem_shared>>) target_semaphore(%run_scoped3A : memref<!tpu.dma_semaphore, #tpu.memory_space<semaphore_mem>>)
      %dma_wait3A_406 = arith.constant 0 : i32
      %dma_wait3A_407 = tpu.memref_slice %arg5[%add3A_20, %dma_wait3A_406] : memref<12544x128xf32, #tpu.memory_space<vmem_shared>> -> memref<32x128xf32, #tpu.memory_space<vmem_shared>>
      %dma_wait3A_408 = arith.constant 0 : i32
      %dma_wait3A_409 = tpu.memref_slice %arg5[%add3A_20, %dma_wait3A_408] : memref<12544x128xf32, #tpu.memory_space<vmem_shared>> -> memref<32x128xf32, #tpu.memory_space<vmem_shared>>
      tpu.wait_dma2 semaphore(%run_scoped3A : memref<!tpu.dma_semaphore, #tpu.memory_space<semaphore_mem>>) src(%arg7 : memref<32x128xf32, #tpu.memory_space<vmem>>) dst(%dma_wait3A_409 : memref<32x128xf32, #tpu.memory_space<vmem_shared>>)
      tpu.yield
    }) : () -> ()
    %add3A_21 = arith.constant 160 : i32
    %add3A_22 = arith.addi %mul3A_11, %add3A_21 : i32
    "tpu.region"() ({
      %run_scoped3A = tpu.sem_alloc : memref<!tpu.dma_semaphore, #tpu.memory_space<semaphore_mem>>
      %dma_start3A_402 = arith.constant 0 : i32
      %dma_start3A_403 = tpu.memref_slice %arg5[%add3A_22, %dma_start3A_402] : memref<12544x128xf32, #tpu.memory_space<vmem_shared>> -> memref<32x128xf32, #tpu.memory_space<vmem_shared>>
      %dma_start3A_404 = arith.constant 0 : i32
      %dma_start3A_405 = tpu.memref_slice %arg5[%add3A_22, %dma_start3A_404] : memref<12544x128xf32, #tpu.memory_space<vmem_shared>> -> memref<32x128xf32, #tpu.memory_space<vmem_shared>>
      tpu.enqueue_dma source(%arg7 : memref<32x128xf32, #tpu.memory_space<vmem>>) target(%dma_start3A_405 : memref<32x128xf32, #tpu.memory_space<vmem_shared>>) target_semaphore(%run_scoped3A : memref<!tpu.dma_semaphore, #tpu.memory_space<semaphore_mem>>)
      %dma_wait3A_406 = arith.constant 0 : i32
      %dma_wait3A_407 = tpu.memref_slice %arg5[%add3A_22, %dma_wait3A_406] : memref<12544x128xf32, #tpu.memory_space<vmem_shared>> -> memref<32x128xf32, #tpu.memory_space<vmem_shared>>
      %dma_wait3A_408 = arith.constant 0 : i32
      %dma_wait3A_409 = tpu.memref_slice %arg5[%add3A_22, %dma_wait3A_408] : memref<12544x128xf32, #tpu.memory_space<vmem_shared>> -> memref<32x128xf32, #tpu.memory_space<vmem_shared>>
      tpu.wait_dma2 semaphore(%run_scoped3A : memref<!tpu.dma_semaphore, #tpu.memory_space<semaphore_mem>>) src(%arg7 : memref<32x128xf32, #tpu.memory_space<vmem>>) dst(%dma_wait3A_409 : memref<32x128xf32, #tpu.memory_space<vmem_shared>>)
      tpu.yield
    }) : () -> ()
    %add3A_23 = arith.constant 192 : i32
    %add3A_24 = arith.addi %mul3A_11, %add3A_23 : i32
    "tpu.region"() ({
      %run_scoped3A = tpu.sem_alloc : memref<!tpu.dma_semaphore, #tpu.memory_space<semaphore_mem>>
      %dma_start3A_402 = arith.constant 0 : i32
      %dma_start3A_403 = tpu.memref_slice %arg5[%add3A_24, %dma_start3A_402] : memref<12544x128xf32, #tpu.memory_space<vmem_shared>> -> memref<32x128xf32, #tpu.memory_space<vmem_shared>>
      %dma_start3A_404 = arith.constant 0 : i32
      %dma_start3A_405 = tpu.memref_slice %arg5[%add3A_24, %dma_start3A_404] : memref<12544x128xf32, #tpu.memory_space<vmem_shared>> -> memref<32x128xf32, #tpu.memory_space<vmem_shared>>
      tpu.enqueue_dma source(%arg7 : memref<32x128xf32, #tpu.memory_space<vmem>>) target(%dma_start3A_405 : memref<32x128xf32, #tpu.memory_space<vmem_shared>>) target_semaphore(%run_scoped3A : memref<!tpu.dma_semaphore, #tpu.memory_space<semaphore_mem>>)
      %dma_wait3A_406 = arith.constant 0 : i32
      %dma_wait3A_407 = tpu.memref_slice %arg5[%add3A_24, %dma_wait3A_406] : memref<12544x128xf32, #tpu.memory_space<vmem_shared>> -> memref<32x128xf32, #tpu.memory_space<vmem_shared>>
      %dma_wait3A_408 = arith.constant 0 : i32
      %dma_wait3A_409 = tpu.memref_slice %arg5[%add3A_24, %dma_wait3A_408] : memref<12544x128xf32, #tpu.memory_space<vmem_shared>> -> memref<32x128xf32, #tpu.memory_space<vmem_shared>>
      tpu.wait_dma2 semaphore(%run_scoped3A : memref<!tpu.dma_semaphore, #tpu.memory_space<semaphore_mem>>) src(%arg7 : memref<32x128xf32, #tpu.memory_space<vmem>>) dst(%dma_wait3A_409 : memref<32x128xf32, #tpu.memory_space<vmem_shared>>)
      tpu.yield
    }) : () -> ()
    %add3A_25 = arith.constant 224 : i32
    %add3A_26 = arith.addi %mul3A_11, %add3A_25 : i32
    "tpu.region"() ({
      %run_scoped3A = tpu.sem_alloc : memref<!tpu.dma_semaphore, #tpu.memory_space<semaphore_mem>>
      %dma_start3A_402 = arith.constant 0 : i32
      %dma_start3A_403 = tpu.memref_slice %arg5[%add3A_26, %dma_start3A_402] : memref<12544x128xf32, #tpu.memory_space<vmem_shared>> -> memref<32x128xf32, #tpu.memory_space<vmem_shared>>
      %dma_start3A_404 = arith.constant 0 : i32
      %dma_start3A_405 = tpu.memref_slice %arg5[%add3A_26, %dma_start3A_404] : memref<12544x128xf32, #tpu.memory_space<vmem_shared>> -> memref<32x128xf32, #tpu.memory_space<vmem_shared>>
      tpu.enqueue_dma source(%arg7 : memref<32x128xf32, #tpu.memory_space<vmem>>) target(%dma_start3A_405 : memref<32x128xf32, #tpu.memory_space<vmem_shared>>) target_semaphore(%run_scoped3A : memref<!tpu.dma_semaphore, #tpu.memory_space<semaphore_mem>>)
      %dma_wait3A_406 = arith.constant 0 : i32
      %dma_wait3A_407 = tpu.memref_slice %arg5[%add3A_26, %dma_wait3A_406] : memref<12544x128xf32, #tpu.memory_space<vmem_shared>> -> memref<32x128xf32, #tpu.memory_space<vmem_shared>>
      %dma_wait3A_408 = arith.constant 0 : i32
      %dma_wait3A_409 = tpu.memref_slice %arg5[%add3A_26, %dma_wait3A_408] : memref<12544x128xf32, #tpu.memory_space<vmem_shared>> -> memref<32x128xf32, #tpu.memory_space<vmem_shared>>
      tpu.wait_dma2 semaphore(%run_scoped3A : memref<!tpu.dma_semaphore, #tpu.memory_space<semaphore_mem>>) src(%arg7 : memref<32x128xf32, #tpu.memory_space<vmem>>) dst(%dma_wait3A_409 : memref<32x128xf32, #tpu.memory_space<vmem_shared>>)
      tpu.yield
    }) : () -> ()
    %add3A_27 = arith.constant 256 : i32
    %add3A_28 = arith.addi %mul3A_11, %add3A_27 : i32
    "tpu.region"() ({
      %run_scoped3A = tpu.sem_alloc : memref<!tpu.dma_semaphore, #tpu.memory_space<semaphore_mem>>
      %dma_start3A_402 = arith.constant 0 : i32
      %dma_start3A_403 = tpu.memref_slice %arg5[%add3A_28, %dma_start3A_402] : memref<12544x128xf32, #tpu.memory_space<vmem_shared>> -> memref<32x128xf32, #tpu.memory_space<vmem_shared>>
      %dma_start3A_404 = arith.constant 0 : i32
      %dma_start3A_405 = tpu.memref_slice %arg5[%add3A_28, %dma_start3A_404] : memref<12544x128xf32, #tpu.memory_space<vmem_shared>> -> memref<32x128xf32, #tpu.memory_space<vmem_shared>>
      tpu.enqueue_dma source(%arg7 : memref<32x128xf32, #tpu.memory_space<vmem>>) target(%dma_start3A_405 : memref<32x128xf32, #tpu.memory_space<vmem_shared>>) target_semaphore(%run_scoped3A : memref<!tpu.dma_semaphore, #tpu.memory_space<semaphore_mem>>)
      %dma_wait3A_406 = arith.constant 0 : i32
      %dma_wait3A_407 = tpu.memref_slice %arg5[%add3A_28, %dma_wait3A_406] : memref<12544x128xf32, #tpu.memory_space<vmem_shared>> -> memref<32x128xf32, #tpu.memory_space<vmem_shared>>
      %dma_wait3A_408 = arith.constant 0 : i32
      %dma_wait3A_409 = tpu.memref_slice %arg5[%add3A_28, %dma_wait3A_408] : memref<12544x128xf32, #tpu.memory_space<vmem_shared>> -> memref<32x128xf32, #tpu.memory_space<vmem_shared>>
      tpu.wait_dma2 semaphore(%run_scoped3A : memref<!tpu.dma_semaphore, #tpu.memory_space<semaphore_mem>>) src(%arg7 : memref<32x128xf32, #tpu.memory_space<vmem>>) dst(%dma_wait3A_409 : memref<32x128xf32, #tpu.memory_space<vmem_shared>>)
      tpu.yield
    }) : () -> ()
    %add3A_29 = arith.constant 288 : i32
    %add3A_30 = arith.addi %mul3A_11, %add3A_29 : i32
    "tpu.region"() ({
      %run_scoped3A = tpu.sem_alloc : memref<!tpu.dma_semaphore, #tpu.memory_space<semaphore_mem>>
      %dma_start3A_402 = arith.constant 0 : i32
      %dma_start3A_403 = tpu.memref_slice %arg5[%add3A_30, %dma_start3A_402] : memref<12544x128xf32, #tpu.memory_space<vmem_shared>> -> memref<32x128xf32, #tpu.memory_space<vmem_shared>>
      %dma_start3A_404 = arith.constant 0 : i32
      %dma_start3A_405 = tpu.memref_slice %arg5[%add3A_30, %dma_start3A_404] : memref<12544x128xf32, #tpu.memory_space<vmem_shared>> -> memref<32x128xf32, #tpu.memory_space<vmem_shared>>
      tpu.enqueue_dma source(%arg7 : memref<32x128xf32, #tpu.memory_space<vmem>>) target(%dma_start3A_405 : memref<32x128xf32, #tpu.memory_space<vmem_shared>>) target_semaphore(%run_scoped3A : memref<!tpu.dma_semaphore, #tpu.memory_space<semaphore_mem>>)
      %dma_wait3A_406 = arith.constant 0 : i32
      %dma_wait3A_407 = tpu.memref_slice %arg5[%add3A_30, %dma_wait3A_406] : memref<12544x128xf32, #tpu.memory_space<vmem_shared>> -> memref<32x128xf32, #tpu.memory_space<vmem_shared>>
      %dma_wait3A_408 = arith.constant 0 : i32
      %dma_wait3A_409 = tpu.memref_slice %arg5[%add3A_30, %dma_wait3A_408] : memref<12544x128xf32, #tpu.memory_space<vmem_shared>> -> memref<32x128xf32, #tpu.memory_space<vmem_shared>>
      tpu.wait_dma2 semaphore(%run_scoped3A : memref<!tpu.dma_semaphore, #tpu.memory_space<semaphore_mem>>) src(%arg7 : memref<32x128xf32, #tpu.memory_space<vmem>>) dst(%dma_wait3A_409 : memref<32x128xf32, #tpu.memory_space<vmem_shared>>)
      tpu.yield
    }) : () -> ()
    %add3A_31 = arith.constant 320 : i32
    %add3A_32 = arith.addi %mul3A_11, %add3A_31 : i32
    "tpu.region"() ({
      %run_scoped3A = tpu.sem_alloc : memref<!tpu.dma_semaphore, #tpu.memory_space<semaphore_mem>>
      %dma_start3A_402 = arith.constant 0 : i32
      %dma_start3A_403 = tpu.memref_slice %arg5[%add3A_32, %dma_start3A_402] : memref<12544x128xf32, #tpu.memory_space<vmem_shared>> -> memref<32x128xf32, #tpu.memory_space<vmem_shared>>
      %dma_start3A_404 = arith.constant 0 : i32
      %dma_start3A_405 = tpu.memref_slice %arg5[%add3A_32, %dma_start3A_404] : memref<12544x128xf32, #tpu.memory_space<vmem_shared>> -> memref<32x128xf32, #tpu.memory_space<vmem_shared>>
      tpu.enqueue_dma source(%arg7 : memref<32x128xf32, #tpu.memory_space<vmem>>) target(%dma_start3A_405 : memref<32x128xf32, #tpu.memory_space<vmem_shared>>) target_semaphore(%run_scoped3A : memref<!tpu.dma_semaphore, #tpu.memory_space<semaphore_mem>>)
      %dma_wait3A_406 = arith.constant 0 : i32
      %dma_wait3A_407 = tpu.memref_slice %arg5[%add3A_32, %dma_wait3A_406] : memref<12544x128xf32, #tpu.memory_space<vmem_shared>> -> memref<32x128xf32, #tpu.memory_space<vmem_shared>>
      %dma_wait3A_408 = arith.constant 0 : i32
      %dma_wait3A_409 = tpu.memref_slice %arg5[%add3A_32, %dma_wait3A_408] : memref<12544x128xf32, #tpu.memory_space<vmem_shared>> -> memref<32x128xf32, #tpu.memory_space<vmem_shared>>
      tpu.wait_dma2 semaphore(%run_scoped3A : memref<!tpu.dma_semaphore, #tpu.memory_space<semaphore_mem>>) src(%arg7 : memref<32x128xf32, #tpu.memory_space<vmem>>) dst(%dma_wait3A_409 : memref<32x128xf32, #tpu.memory_space<vmem_shared>>)
      tpu.yield
    }) : () -> ()
    %add3A_33 = arith.constant 352 : i32
    %add3A_34 = arith.addi %mul3A_11, %add3A_33 : i32
    "tpu.region"() ({
      %run_scoped3A = tpu.sem_alloc : memref<!tpu.dma_semaphore, #tpu.memory_space<semaphore_mem>>
      %dma_start3A_402 = arith.constant 0 : i32
      %dma_start3A_403 = tpu.memref_slice %arg5[%add3A_34, %dma_start3A_402] : memref<12544x128xf32, #tpu.memory_space<vmem_shared>> -> memref<32x128xf32, #tpu.memory_space<vmem_shared>>
      %dma_start3A_404 = arith.constant 0 : i32
      %dma_start3A_405 = tpu.memref_slice %arg5[%add3A_34, %dma_start3A_404] : memref<12544x128xf32, #tpu.memory_space<vmem_shared>> -> memref<32x128xf32, #tpu.memory_space<vmem_shared>>
      tpu.enqueue_dma source(%arg7 : memref<32x128xf32, #tpu.memory_space<vmem>>) target(%dma_start3A_405 : memref<32x128xf32, #tpu.memory_space<vmem_shared>>) target_semaphore(%run_scoped3A : memref<!tpu.dma_semaphore, #tpu.memory_space<semaphore_mem>>)
      %dma_wait3A_406 = arith.constant 0 : i32
      %dma_wait3A_407 = tpu.memref_slice %arg5[%add3A_34, %dma_wait3A_406] : memref<12544x128xf32, #tpu.memory_space<vmem_shared>> -> memref<32x128xf32, #tpu.memory_space<vmem_shared>>
      %dma_wait3A_408 = arith.constant 0 : i32
      %dma_wait3A_409 = tpu.memref_slice %arg5[%add3A_34, %dma_wait3A_408] : memref<12544x128xf32, #tpu.memory_space<vmem_shared>> -> memref<32x128xf32, #tpu.memory_space<vmem_shared>>
      tpu.wait_dma2 semaphore(%run_scoped3A : memref<!tpu.dma_semaphore, #tpu.memory_space<semaphore_mem>>) src(%arg7 : memref<32x128xf32, #tpu.memory_space<vmem>>) dst(%dma_wait3A_409 : memref<32x128xf32, #tpu.memory_space<vmem_shared>>)
      tpu.yield
    }) : () -> ()
    %add3A_35 = arith.constant 384 : i32
    %add3A_36 = arith.addi %mul3A_11, %add3A_35 : i32
    "tpu.region"() ({
      %run_scoped3A = tpu.sem_alloc : memref<!tpu.dma_semaphore, #tpu.memory_space<semaphore_mem>>
      %dma_start3A_402 = arith.constant 0 : i32
      %dma_start3A_403 = tpu.memref_slice %arg5[%add3A_36, %dma_start3A_402] : memref<12544x128xf32, #tpu.memory_space<vmem_shared>> -> memref<32x128xf32, #tpu.memory_space<vmem_shared>>
      %dma_start3A_404 = arith.constant 0 : i32
      %dma_start3A_405 = tpu.memref_slice %arg5[%add3A_36, %dma_start3A_404] : memref<12544x128xf32, #tpu.memory_space<vmem_shared>> -> memref<32x128xf32, #tpu.memory_space<vmem_shared>>
      tpu.enqueue_dma source(%arg7 : memref<32x128xf32, #tpu.memory_space<vmem>>) target(%dma_start3A_405 : memref<32x128xf32, #tpu.memory_space<vmem_shared>>) target_semaphore(%run_scoped3A : memref<!tpu.dma_semaphore, #tpu.memory_space<semaphore_mem>>)
      %dma_wait3A_406 = arith.constant 0 : i32
      %dma_wait3A_407 = tpu.memref_slice %arg5[%add3A_36, %dma_wait3A_406] : memref<12544x128xf32, #tpu.memory_space<vmem_shared>> -> memref<32x128xf32, #tpu.memory_space<vmem_shared>>
      %dma_wait3A_408 = arith.constant 0 : i32
      %dma_wait3A_409 = tpu.memref_slice %arg5[%add3A_36, %dma_wait3A_408] : memref<12544x128xf32, #tpu.memory_space<vmem_shared>> -> memref<32x128xf32, #tpu.memory_space<vmem_shared>>
      tpu.wait_dma2 semaphore(%run_scoped3A : memref<!tpu.dma_semaphore, #tpu.memory_space<semaphore_mem>>) src(%arg7 : memref<32x128xf32, #tpu.memory_space<vmem>>) dst(%dma_wait3A_409 : memref<32x128xf32, #tpu.memory_space<vmem_shared>>)
      tpu.yield
    }) : () -> ()
    %add3A_37 = arith.constant 416 : i32
    %add3A_38 = arith.addi %mul3A_11, %add3A_37 : i32
    "tpu.region"() ({
      %run_scoped3A = tpu.sem_alloc : memref<!tpu.dma_semaphore, #tpu.memory_space<semaphore_mem>>
      %dma_start3A_402 = arith.constant 0 : i32
      %dma_start3A_403 = tpu.memref_slice %arg5[%add3A_38, %dma_start3A_402] : memref<12544x128xf32, #tpu.memory_space<vmem_shared>> -> memref<32x128xf32, #tpu.memory_space<vmem_shared>>
      %dma_start3A_404 = arith.constant 0 : i32
      %dma_start3A_405 = tpu.memref_slice %arg5[%add3A_38, %dma_start3A_404] : memref<12544x128xf32, #tpu.memory_space<vmem_shared>> -> memref<32x128xf32, #tpu.memory_space<vmem_shared>>
      tpu.enqueue_dma source(%arg7 : memref<32x128xf32, #tpu.memory_space<vmem>>) target(%dma_start3A_405 : memref<32x128xf32, #tpu.memory_space<vmem_shared>>) target_semaphore(%run_scoped3A : memref<!tpu.dma_semaphore, #tpu.memory_space<semaphore_mem>>)
      %dma_wait3A_406 = arith.constant 0 : i32
      %dma_wait3A_407 = tpu.memref_slice %arg5[%add3A_38, %dma_wait3A_406] : memref<12544x128xf32, #tpu.memory_space<vmem_shared>> -> memref<32x128xf32, #tpu.memory_space<vmem_shared>>
      %dma_wait3A_408 = arith.constant 0 : i32
      %dma_wait3A_409 = tpu.memref_slice %arg5[%add3A_38, %dma_wait3A_408] : memref<12544x128xf32, #tpu.memory_space<vmem_shared>> -> memref<32x128xf32, #tpu.memory_space<vmem_shared>>
      tpu.wait_dma2 semaphore(%run_scoped3A : memref<!tpu.dma_semaphore, #tpu.memory_space<semaphore_mem>>) src(%arg7 : memref<32x128xf32, #tpu.memory_space<vmem>>) dst(%dma_wait3A_409 : memref<32x128xf32, #tpu.memory_space<vmem_shared>>)
      tpu.yield
    }) : () -> ()
    %add3A_39 = arith.constant 448 : i32
    %add3A_40 = arith.addi %mul3A_11, %add3A_39 : i32
    "tpu.region"() ({
      %run_scoped3A = tpu.sem_alloc : memref<!tpu.dma_semaphore, #tpu.memory_space<semaphore_mem>>
      %dma_start3A_402 = arith.constant 0 : i32
      %dma_start3A_403 = tpu.memref_slice %arg5[%add3A_40, %dma_start3A_402] : memref<12544x128xf32, #tpu.memory_space<vmem_shared>> -> memref<32x128xf32, #tpu.memory_space<vmem_shared>>
      %dma_start3A_404 = arith.constant 0 : i32
      %dma_start3A_405 = tpu.memref_slice %arg5[%add3A_40, %dma_start3A_404] : memref<12544x128xf32, #tpu.memory_space<vmem_shared>> -> memref<32x128xf32, #tpu.memory_space<vmem_shared>>
      tpu.enqueue_dma source(%arg7 : memref<32x128xf32, #tpu.memory_space<vmem>>) target(%dma_start3A_405 : memref<32x128xf32, #tpu.memory_space<vmem_shared>>) target_semaphore(%run_scoped3A : memref<!tpu.dma_semaphore, #tpu.memory_space<semaphore_mem>>)
      %dma_wait3A_406 = arith.constant 0 : i32
      %dma_wait3A_407 = tpu.memref_slice %arg5[%add3A_40, %dma_wait3A_406] : memref<12544x128xf32, #tpu.memory_space<vmem_shared>> -> memref<32x128xf32, #tpu.memory_space<vmem_shared>>
      %dma_wait3A_408 = arith.constant 0 : i32
      %dma_wait3A_409 = tpu.memref_slice %arg5[%add3A_40, %dma_wait3A_408] : memref<12544x128xf32, #tpu.memory_space<vmem_shared>> -> memref<32x128xf32, #tpu.memory_space<vmem_shared>>
      tpu.wait_dma2 semaphore(%run_scoped3A : memref<!tpu.dma_semaphore, #tpu.memory_space<semaphore_mem>>) src(%arg7 : memref<32x128xf32, #tpu.memory_space<vmem>>) dst(%dma_wait3A_409 : memref<32x128xf32, #tpu.memory_space<vmem_shared>>)
      tpu.yield
    }) : () -> ()
    %add3A_41 = arith.constant 480 : i32
    %add3A_42 = arith.addi %mul3A_11, %add3A_41 : i32
    "tpu.region"() ({
      %run_scoped3A = tpu.sem_alloc : memref<!tpu.dma_semaphore, #tpu.memory_space<semaphore_mem>>
      %dma_start3A_402 = arith.constant 0 : i32
      %dma_start3A_403 = tpu.memref_slice %arg5[%add3A_42, %dma_start3A_402] : memref<12544x128xf32, #tpu.memory_space<vmem_shared>> -> memref<32x128xf32, #tpu.memory_space<vmem_shared>>
      %dma_start3A_404 = arith.constant 0 : i32
      %dma_start3A_405 = tpu.memref_slice %arg5[%add3A_42, %dma_start3A_404] : memref<12544x128xf32, #tpu.memory_space<vmem_shared>> -> memref<32x128xf32, #tpu.memory_space<vmem_shared>>
      tpu.enqueue_dma source(%arg7 : memref<32x128xf32, #tpu.memory_space<vmem>>) target(%dma_start3A_405 : memref<32x128xf32, #tpu.memory_space<vmem_shared>>) target_semaphore(%run_scoped3A : memref<!tpu.dma_semaphore, #tpu.memory_space<semaphore_mem>>)
      %dma_wait3A_406 = arith.constant 0 : i32
      %dma_wait3A_407 = tpu.memref_slice %arg5[%add3A_42, %dma_wait3A_406] : memref<12544x128xf32, #tpu.memory_space<vmem_shared>> -> memref<32x128xf32, #tpu.memory_space<vmem_shared>>
      %dma_wait3A_408 = arith.constant 0 : i32
      %dma_wait3A_409 = tpu.memref_slice %arg5[%add3A_42, %dma_wait3A_408] : memref<12544x128xf32, #tpu.memory_space<vmem_shared>> -> memref<32x128xf32, #tpu.memory_space<vmem_shared>>
      tpu.wait_dma2 semaphore(%run_scoped3A : memref<!tpu.dma_semaphore, #tpu.memory_space<semaphore_mem>>) src(%arg7 : memref<32x128xf32, #tpu.memory_space<vmem>>) dst(%dma_wait3A_409 : memref<32x128xf32, #tpu.memory_space<vmem_shared>>)
      tpu.yield
    }) : () -> ()
    %add3A_43 = arith.constant 512 : i32
    %add3A_44 = arith.addi %mul3A_11, %add3A_43 : i32
    "tpu.region"() ({
      %run_scoped3A = tpu.sem_alloc : memref<!tpu.dma_semaphore, #tpu.memory_space<semaphore_mem>>
      %dma_start3A_402 = arith.constant 0 : i32
      %dma_start3A_403 = tpu.memref_slice %arg5[%add3A_44, %dma_start3A_402] : memref<12544x128xf32, #tpu.memory_space<vmem_shared>> -> memref<32x128xf32, #tpu.memory_space<vmem_shared>>
      %dma_start3A_404 = arith.constant 0 : i32
      %dma_start3A_405 = tpu.memref_slice %arg5[%add3A_44, %dma_start3A_404] : memref<12544x128xf32, #tpu.memory_space<vmem_shared>> -> memref<32x128xf32, #tpu.memory_space<vmem_shared>>
      tpu.enqueue_dma source(%arg7 : memref<32x128xf32, #tpu.memory_space<vmem>>) target(%dma_start3A_405 : memref<32x128xf32, #tpu.memory_space<vmem_shared>>) target_semaphore(%run_scoped3A : memref<!tpu.dma_semaphore, #tpu.memory_space<semaphore_mem>>)
      %dma_wait3A_406 = arith.constant 0 : i32
      %dma_wait3A_407 = tpu.memref_slice %arg5[%add3A_44, %dma_wait3A_406] : memref<12544x128xf32, #tpu.memory_space<vmem_shared>> -> memref<32x128xf32, #tpu.memory_space<vmem_shared>>
      %dma_wait3A_408 = arith.constant 0 : i32
      %dma_wait3A_409 = tpu.memref_slice %arg5[%add3A_44, %dma_wait3A_408] : memref<12544x128xf32, #tpu.memory_space<vmem_shared>> -> memref<32x128xf32, #tpu.memory_space<vmem_shared>>
      tpu.wait_dma2 semaphore(%run_scoped3A : memref<!tpu.dma_semaphore, #tpu.memory_space<semaphore_mem>>) src(%arg7 : memref<32x128xf32, #tpu.memory_space<vmem>>) dst(%dma_wait3A_409 : memref<32x128xf32, #tpu.memory_space<vmem_shared>>)
      tpu.yield
    }) : () -> ()
    %add3A_45 = arith.constant 544 : i32
    %add3A_46 = arith.addi %mul3A_11, %add3A_45 : i32
    "tpu.region"() ({
      %run_scoped3A = tpu.sem_alloc : memref<!tpu.dma_semaphore, #tpu.memory_space<semaphore_mem>>
      %dma_start3A_402 = arith.constant 0 : i32
      %dma_start3A_403 = tpu.memref_slice %arg5[%add3A_46, %dma_start3A_402] : memref<12544x128xf32, #tpu.memory_space<vmem_shared>> -> memref<32x128xf32, #tpu.memory_space<vmem_shared>>
      %dma_start3A_404 = arith.constant 0 : i32
      %dma_start3A_405 = tpu.memref_slice %arg5[%add3A_46, %dma_start3A_404] : memref<12544x128xf32, #tpu.memory_space<vmem_shared>> -> memref<32x128xf32, #tpu.memory_space<vmem_shared>>
      tpu.enqueue_dma source(%arg7 : memref<32x128xf32, #tpu.memory_space<vmem>>) target(%dma_start3A_405 : memref<32x128xf32, #tpu.memory_space<vmem_shared>>) target_semaphore(%run_scoped3A : memref<!tpu.dma_semaphore, #tpu.memory_space<semaphore_mem>>)
      %dma_wait3A_406 = arith.constant 0 : i32
      %dma_wait3A_407 = tpu.memref_slice %arg5[%add3A_46, %dma_wait3A_406] : memref<12544x128xf32, #tpu.memory_space<vmem_shared>> -> memref<32x128xf32, #tpu.memory_space<vmem_shared>>
      %dma_wait3A_408 = arith.constant 0 : i32
      %dma_wait3A_409 = tpu.memref_slice %arg5[%add3A_46, %dma_wait3A_408] : memref<12544x128xf32, #tpu.memory_space<vmem_shared>> -> memref<32x128xf32, #tpu.memory_space<vmem_shared>>
      tpu.wait_dma2 semaphore(%run_scoped3A : memref<!tpu.dma_semaphore, #tpu.memory_space<semaphore_mem>>) src(%arg7 : memref<32x128xf32, #tpu.memory_space<vmem>>) dst(%dma_wait3A_409 : memref<32x128xf32, #tpu.memory_space<vmem_shared>>)
      tpu.yield
    }) : () -> ()
    %add3A_47 = arith.constant 576 : i32
    %add3A_48 = arith.addi %mul3A_11, %add3A_47 : i32
    "tpu.region"() ({
      %run_scoped3A = tpu.sem_alloc : memref<!tpu.dma_semaphore, #tpu.memory_space<semaphore_mem>>
      %dma_start3A_402 = arith.constant 0 : i32
      %dma_start3A_403 = tpu.memref_slice %arg5[%add3A_48, %dma_start3A_402] : memref<12544x128xf32, #tpu.memory_space<vmem_shared>> -> memref<32x128xf32, #tpu.memory_space<vmem_shared>>
      %dma_start3A_404 = arith.constant 0 : i32
      %dma_start3A_405 = tpu.memref_slice %arg5[%add3A_48, %dma_start3A_404] : memref<12544x128xf32, #tpu.memory_space<vmem_shared>> -> memref<32x128xf32, #tpu.memory_space<vmem_shared>>
      tpu.enqueue_dma source(%arg7 : memref<32x128xf32, #tpu.memory_space<vmem>>) target(%dma_start3A_405 : memref<32x128xf32, #tpu.memory_space<vmem_shared>>) target_semaphore(%run_scoped3A : memref<!tpu.dma_semaphore, #tpu.memory_space<semaphore_mem>>)
      %dma_wait3A_406 = arith.constant 0 : i32
      %dma_wait3A_407 = tpu.memref_slice %arg5[%add3A_48, %dma_wait3A_406] : memref<12544x128xf32, #tpu.memory_space<vmem_shared>> -> memref<32x128xf32, #tpu.memory_space<vmem_shared>>
      %dma_wait3A_408 = arith.constant 0 : i32
      %dma_wait3A_409 = tpu.memref_slice %arg5[%add3A_48, %dma_wait3A_408] : memref<12544x128xf32, #tpu.memory_space<vmem_shared>> -> memref<32x128xf32, #tpu.memory_space<vmem_shared>>
      tpu.wait_dma2 semaphore(%run_scoped3A : memref<!tpu.dma_semaphore, #tpu.memory_space<semaphore_mem>>) src(%arg7 : memref<32x128xf32, #tpu.memory_space<vmem>>) dst(%dma_wait3A_409 : memref<32x128xf32, #tpu.memory_space<vmem_shared>>)
      tpu.yield
    }) : () -> ()
    %add3A_49 = arith.constant 608 : i32
    %add3A_50 = arith.addi %mul3A_11, %add3A_49 : i32
    "tpu.region"() ({
      %run_scoped3A = tpu.sem_alloc : memref<!tpu.dma_semaphore, #tpu.memory_space<semaphore_mem>>
      %dma_start3A_402 = arith.constant 0 : i32
      %dma_start3A_403 = tpu.memref_slice %arg5[%add3A_50, %dma_start3A_402] : memref<12544x128xf32, #tpu.memory_space<vmem_shared>> -> memref<32x128xf32, #tpu.memory_space<vmem_shared>>
      %dma_start3A_404 = arith.constant 0 : i32
      %dma_start3A_405 = tpu.memref_slice %arg5[%add3A_50, %dma_start3A_404] : memref<12544x128xf32, #tpu.memory_space<vmem_shared>> -> memref<32x128xf32, #tpu.memory_space<vmem_shared>>
      tpu.enqueue_dma source(%arg7 : memref<32x128xf32, #tpu.memory_space<vmem>>) target(%dma_start3A_405 : memref<32x128xf32, #tpu.memory_space<vmem_shared>>) target_semaphore(%run_scoped3A : memref<!tpu.dma_semaphore, #tpu.memory_space<semaphore_mem>>)
      %dma_wait3A_406 = arith.constant 0 : i32
      %dma_wait3A_407 = tpu.memref_slice %arg5[%add3A_50, %dma_wait3A_406] : memref<12544x128xf32, #tpu.memory_space<vmem_shared>> -> memref<32x128xf32, #tpu.memory_space<vmem_shared>>
      %dma_wait3A_408 = arith.constant 0 : i32
      %dma_wait3A_409 = tpu.memref_slice %arg5[%add3A_50, %dma_wait3A_408] : memref<12544x128xf32, #tpu.memory_space<vmem_shared>> -> memref<32x128xf32, #tpu.memory_space<vmem_shared>>
      tpu.wait_dma2 semaphore(%run_scoped3A : memref<!tpu.dma_semaphore, #tpu.memory_space<semaphore_mem>>) src(%arg7 : memref<32x128xf32, #tpu.memory_space<vmem>>) dst(%dma_wait3A_409 : memref<32x128xf32, #tpu.memory_space<vmem_shared>>)
      tpu.yield
    }) : () -> ()
    %add3A_51 = arith.constant 640 : i32
    %add3A_52 = arith.addi %mul3A_11, %add3A_51 : i32
    "tpu.region"() ({
      %run_scoped3A = tpu.sem_alloc : memref<!tpu.dma_semaphore, #tpu.memory_space<semaphore_mem>>
      %dma_start3A_402 = arith.constant 0 : i32
      %dma_start3A_403 = tpu.memref_slice %arg5[%add3A_52, %dma_start3A_402] : memref<12544x128xf32, #tpu.memory_space<vmem_shared>> -> memref<32x128xf32, #tpu.memory_space<vmem_shared>>
      %dma_start3A_404 = arith.constant 0 : i32
      %dma_start3A_405 = tpu.memref_slice %arg5[%add3A_52, %dma_start3A_404] : memref<12544x128xf32, #tpu.memory_space<vmem_shared>> -> memref<32x128xf32, #tpu.memory_space<vmem_shared>>
      tpu.enqueue_dma source(%arg7 : memref<32x128xf32, #tpu.memory_space<vmem>>) target(%dma_start3A_405 : memref<32x128xf32, #tpu.memory_space<vmem_shared>>) target_semaphore(%run_scoped3A : memref<!tpu.dma_semaphore, #tpu.memory_space<semaphore_mem>>)
      %dma_wait3A_406 = arith.constant 0 : i32
      %dma_wait3A_407 = tpu.memref_slice %arg5[%add3A_52, %dma_wait3A_406] : memref<12544x128xf32, #tpu.memory_space<vmem_shared>> -> memref<32x128xf32, #tpu.memory_space<vmem_shared>>
      %dma_wait3A_408 = arith.constant 0 : i32
      %dma_wait3A_409 = tpu.memref_slice %arg5[%add3A_52, %dma_wait3A_408] : memref<12544x128xf32, #tpu.memory_space<vmem_shared>> -> memref<32x128xf32, #tpu.memory_space<vmem_shared>>
      tpu.wait_dma2 semaphore(%run_scoped3A : memref<!tpu.dma_semaphore, #tpu.memory_space<semaphore_mem>>) src(%arg7 : memref<32x128xf32, #tpu.memory_space<vmem>>) dst(%dma_wait3A_409 : memref<32x128xf32, #tpu.memory_space<vmem_shared>>)
      tpu.yield
    }) : () -> ()
    %add3A_53 = arith.constant 672 : i32
    %add3A_54 = arith.addi %mul3A_11, %add3A_53 : i32
    "tpu.region"() ({
      %run_scoped3A = tpu.sem_alloc : memref<!tpu.dma_semaphore, #tpu.memory_space<semaphore_mem>>
      %dma_start3A_402 = arith.constant 0 : i32
      %dma_start3A_403 = tpu.memref_slice %arg5[%add3A_54, %dma_start3A_402] : memref<12544x128xf32, #tpu.memory_space<vmem_shared>> -> memref<32x128xf32, #tpu.memory_space<vmem_shared>>
      %dma_start3A_404 = arith.constant 0 : i32
      %dma_start3A_405 = tpu.memref_slice %arg5[%add3A_54, %dma_start3A_404] : memref<12544x128xf32, #tpu.memory_space<vmem_shared>> -> memref<32x128xf32, #tpu.memory_space<vmem_shared>>
      tpu.enqueue_dma source(%arg7 : memref<32x128xf32, #tpu.memory_space<vmem>>) target(%dma_start3A_405 : memref<32x128xf32, #tpu.memory_space<vmem_shared>>) target_semaphore(%run_scoped3A : memref<!tpu.dma_semaphore, #tpu.memory_space<semaphore_mem>>)
      %dma_wait3A_406 = arith.constant 0 : i32
      %dma_wait3A_407 = tpu.memref_slice %arg5[%add3A_54, %dma_wait3A_406] : memref<12544x128xf32, #tpu.memory_space<vmem_shared>> -> memref<32x128xf32, #tpu.memory_space<vmem_shared>>
      %dma_wait3A_408 = arith.constant 0 : i32
      %dma_wait3A_409 = tpu.memref_slice %arg5[%add3A_54, %dma_wait3A_408] : memref<12544x128xf32, #tpu.memory_space<vmem_shared>> -> memref<32x128xf32, #tpu.memory_space<vmem_shared>>
      tpu.wait_dma2 semaphore(%run_scoped3A : memref<!tpu.dma_semaphore, #tpu.memory_space<semaphore_mem>>) src(%arg7 : memref<32x128xf32, #tpu.memory_space<vmem>>) dst(%dma_wait3A_409 : memref<32x128xf32, #tpu.memory_space<vmem_shared>>)
      tpu.yield
    }) : () -> ()
    %add3A_55 = arith.constant 704 : i32
    %add3A_56 = arith.addi %mul3A_11, %add3A_55 : i32
    "tpu.region"() ({
      %run_scoped3A = tpu.sem_alloc : memref<!tpu.dma_semaphore, #tpu.memory_space<semaphore_mem>>
      %dma_start3A_402 = arith.constant 0 : i32
      %dma_start3A_403 = tpu.memref_slice %arg5[%add3A_56, %dma_start3A_402] : memref<12544x128xf32, #tpu.memory_space<vmem_shared>> -> memref<32x128xf32, #tpu.memory_space<vmem_shared>>
      %dma_start3A_404 = arith.constant 0 : i32
      %dma_start3A_405 = tpu.memref_slice %arg5[%add3A_56, %dma_start3A_404] : memref<12544x128xf32, #tpu.memory_space<vmem_shared>> -> memref<32x128xf32, #tpu.memory_space<vmem_shared>>
      tpu.enqueue_dma source(%arg7 : memref<32x128xf32, #tpu.memory_space<vmem>>) target(%dma_start3A_405 : memref<32x128xf32, #tpu.memory_space<vmem_shared>>) target_semaphore(%run_scoped3A : memref<!tpu.dma_semaphore, #tpu.memory_space<semaphore_mem>>)
      %dma_wait3A_406 = arith.constant 0 : i32
      %dma_wait3A_407 = tpu.memref_slice %arg5[%add3A_56, %dma_wait3A_406] : memref<12544x128xf32, #tpu.memory_space<vmem_shared>> -> memref<32x128xf32, #tpu.memory_space<vmem_shared>>
      %dma_wait3A_408 = arith.constant 0 : i32
      %dma_wait3A_409 = tpu.memref_slice %arg5[%add3A_56, %dma_wait3A_408] : memref<12544x128xf32, #tpu.memory_space<vmem_shared>> -> memref<32x128xf32, #tpu.memory_space<vmem_shared>>
      tpu.wait_dma2 semaphore(%run_scoped3A : memref<!tpu.dma_semaphore, #tpu.memory_space<semaphore_mem>>) src(%arg7 : memref<32x128xf32, #tpu.memory_space<vmem>>) dst(%dma_wait3A_409 : memref<32x128xf32, #tpu.memory_space<vmem_shared>>)
      tpu.yield
    }) : () -> ()
    %add3A_57 = arith.constant 736 : i32
    %add3A_58 = arith.addi %mul3A_11, %add3A_57 : i32
    "tpu.region"() ({
      %run_scoped3A = tpu.sem_alloc : memref<!tpu.dma_semaphore, #tpu.memory_space<semaphore_mem>>
      %dma_start3A_402 = arith.constant 0 : i32
      %dma_start3A_403 = tpu.memref_slice %arg5[%add3A_58, %dma_start3A_402] : memref<12544x128xf32, #tpu.memory_space<vmem_shared>> -> memref<32x128xf32, #tpu.memory_space<vmem_shared>>
      %dma_start3A_404 = arith.constant 0 : i32
      %dma_start3A_405 = tpu.memref_slice %arg5[%add3A_58, %dma_start3A_404] : memref<12544x128xf32, #tpu.memory_space<vmem_shared>> -> memref<32x128xf32, #tpu.memory_space<vmem_shared>>
      tpu.enqueue_dma source(%arg7 : memref<32x128xf32, #tpu.memory_space<vmem>>) target(%dma_start3A_405 : memref<32x128xf32, #tpu.memory_space<vmem_shared>>) target_semaphore(%run_scoped3A : memref<!tpu.dma_semaphore, #tpu.memory_space<semaphore_mem>>)
      %dma_wait3A_406 = arith.constant 0 : i32
      %dma_wait3A_407 = tpu.memref_slice %arg5[%add3A_58, %dma_wait3A_406] : memref<12544x128xf32, #tpu.memory_space<vmem_shared>> -> memref<32x128xf32, #tpu.memory_space<vmem_shared>>
      %dma_wait3A_408 = arith.constant 0 : i32
      %dma_wait3A_409 = tpu.memref_slice %arg5[%add3A_58, %dma_wait3A_408] : memref<12544x128xf32, #tpu.memory_space<vmem_shared>> -> memref<32x128xf32, #tpu.memory_space<vmem_shared>>
      tpu.wait_dma2 semaphore(%run_scoped3A : memref<!tpu.dma_semaphore, #tpu.memory_space<semaphore_mem>>) src(%arg7 : memref<32x128xf32, #tpu.memory_space<vmem>>) dst(%dma_wait3A_409 : memref<32x128xf32, #tpu.memory_space<vmem_shared>>)
      tpu.yield
    }) : () -> ()
    %add3A_59 = arith.constant 768 : i32
    %add3A_60 = arith.addi %mul3A_11, %add3A_59 : i32
    "tpu.region"() ({
      %run_scoped3A = tpu.sem_alloc : memref<!tpu.dma_semaphore, #tpu.memory_space<semaphore_mem>>
      %dma_start3A_402 = arith.constant 0 : i32
      %dma_start3A_403 = arith.constant 0 : i32
      %dma_start3A_404 = tpu.memref_slice %arg7[%dma_start3A_402, %dma_start3A_403] : memref<32x128xf32, #tpu.memory_space<vmem>> -> memref<16x128xf32, #tpu.memory_space<vmem>>
      %dma_start3A_405 = arith.constant 0 : i32
      %dma_start3A_406 = tpu.memref_slice %arg5[%add3A_60, %dma_start3A_405] : memref<12544x128xf32, #tpu.memory_space<vmem_shared>> -> memref<16x128xf32, #tpu.memory_space<vmem_shared>>
      %dma_start3A_407 = arith.constant 0 : i32
      %dma_start3A_408 = tpu.memref_slice %arg5[%add3A_60, %dma_start3A_407] : memref<12544x128xf32, #tpu.memory_space<vmem_shared>> -> memref<16x128xf32, #tpu.memory_space<vmem_shared>>
      %dma_start3A_409 = arith.constant 0 : i32
      %dma_start3A_410 = arith.constant 0 : i32
      %dma_start3A_411 = tpu.memref_slice %arg7[%dma_start3A_409, %dma_start3A_410] : memref<32x128xf32, #tpu.memory_space<vmem>> -> memref<16x128xf32, #tpu.memory_space<vmem>>
      tpu.enqueue_dma source(%dma_start3A_411 : memref<16x128xf32, #tpu.memory_space<vmem>>) target(%dma_start3A_408 : memref<16x128xf32, #tpu.memory_space<vmem_shared>>) target_semaphore(%run_scoped3A : memref<!tpu.dma_semaphore, #tpu.memory_space<semaphore_mem>>)
      %dma_wait3A_412 = arith.constant 0 : i32
      %dma_wait3A_413 = arith.constant 0 : i32
      %dma_wait3A_414 = tpu.memref_slice %arg7[%dma_wait3A_412, %dma_wait3A_413] : memref<32x128xf32, #tpu.memory_space<vmem>> -> memref<16x128xf32, #tpu.memory_space<vmem>>
      %dma_wait3A_415 = arith.constant 0 : i32
      %dma_wait3A_416 = tpu.memref_slice %arg5[%add3A_60, %dma_wait3A_415] : memref<12544x128xf32, #tpu.memory_space<vmem_shared>> -> memref<16x128xf32, #tpu.memory_space<vmem_shared>>
      %dma_wait3A_417 = arith.constant 0 : i32
      %dma_wait3A_418 = tpu.memref_slice %arg5[%add3A_60, %dma_wait3A_417] : memref<12544x128xf32, #tpu.memory_space<vmem_shared>> -> memref<16x128xf32, #tpu.memory_space<vmem_shared>>
      %dma_wait3A_419 = arith.constant 0 : i32
      %dma_wait3A_420 = arith.constant 0 : i32
      %dma_wait3A_421 = tpu.memref_slice %arg7[%dma_wait3A_419, %dma_wait3A_420] : memref<32x128xf32, #tpu.memory_space<vmem>> -> memref<16x128xf32, #tpu.memory_space<vmem>>
      tpu.wait_dma2 semaphore(%run_scoped3A : memref<!tpu.dma_semaphore, #tpu.memory_space<semaphore_mem>>) src(%dma_wait3A_421 : memref<16x128xf32, #tpu.memory_space<vmem>>) dst(%dma_wait3A_418 : memref<16x128xf32, #tpu.memory_space<vmem_shared>>)
      tpu.yield
    }) : () -> ()
    %barrier3A = arith.constant 0 : index
    tpu.barrier barrier_id(%barrier3A)
    %add3A_61 = arith.constant 0 : i32
    %add3A_62 = arith.addi %mul3A_2, %add3A_61 : i32
    %min3A_63 = arith.constant 24999 : i32
    %min3A_64 = arith.minsi %add3A_62, %min3A_63 : i32
    %mul3A_65 = arith.constant 32 : i32
    %mul3A_66 = arith.muli %min3A_64, %mul3A_65 : i32
    %dma_start3A = tpu.memref_slice %arg3[%mul3A_66] : memref<800000xi32, #tpu.memory_space<hbm>> -> memref<32xi32, #tpu.memory_space<hbm>>
    %dma_start3A_67 = tpu.memref_slice %arg3[%mul3A_66] : memref<800000xi32, #tpu.memory_space<hbm>> -> memref<32xi32, #tpu.memory_space<hbm>>
    tpu.enqueue_dma source(%dma_start3A_67 : memref<32xi32, #tpu.memory_space<hbm>>) target(%arg6 : memref<32xi32, #tpu.memory_space<vmem>>) target_semaphore(%arg12 : memref<!tpu.dma_semaphore, #tpu.memory_space<semaphore_mem>>)
    %dma_start3A_68 = arith.constant 0 : i32
    %dma_start3A_69 = tpu.memref_slice %arg2[%mul3A_66, %dma_start3A_68] : memref<800000x128xf32, #tpu.memory_space<hbm>> -> memref<32x128xf32, #tpu.memory_space<hbm>>
    %dma_start3A_70 = arith.constant 0 : i32
    %dma_start3A_71 = tpu.memref_slice %arg2[%mul3A_66, %dma_start3A_70] : memref<800000x128xf32, #tpu.memory_space<hbm>> -> memref<32x128xf32, #tpu.memory_space<hbm>>
    tpu.enqueue_dma source(%dma_start3A_71 : memref<32x128xf32, #tpu.memory_space<hbm>>) target(%arg7 : memref<32x128xf32, #tpu.memory_space<vmem>>) target_semaphore(%arg12 : memref<!tpu.dma_semaphore, #tpu.memory_space<semaphore_mem>>)
    %add3A_72 = arith.constant 1 : i32
    %add3A_73 = arith.addi %mul3A_2, %add3A_72 : i32
    %min3A_74 = arith.constant 24999 : i32
    %min3A_75 = arith.minsi %add3A_73, %min3A_74 : i32
    %mul3A_76 = arith.constant 32 : i32
    %mul3A_77 = arith.muli %min3A_75, %mul3A_76 : i32
    %dma_start3A_78 = tpu.memref_slice %arg3[%mul3A_77] : memref<800000xi32, #tpu.memory_space<hbm>> -> memref<32xi32, #tpu.memory_space<hbm>>
    %dma_start3A_79 = tpu.memref_slice %arg3[%mul3A_77] : memref<800000xi32, #tpu.memory_space<hbm>> -> memref<32xi32, #tpu.memory_space<hbm>>
    tpu.enqueue_dma source(%dma_start3A_79 : memref<32xi32, #tpu.memory_space<hbm>>) target(%arg8 : memref<32xi32, #tpu.memory_space<vmem>>) target_semaphore(%arg14 : memref<!tpu.dma_semaphore, #tpu.memory_space<semaphore_mem>>)
    %dma_start3A_80 = arith.constant 0 : i32
    %dma_start3A_81 = tpu.memref_slice %arg2[%mul3A_77, %dma_start3A_80] : memref<800000x128xf32, #tpu.memory_space<hbm>> -> memref<32x128xf32, #tpu.memory_space<hbm>>
    %dma_start3A_82 = arith.constant 0 : i32
    %dma_start3A_83 = tpu.memref_slice %arg2[%mul3A_77, %dma_start3A_82] : memref<800000x128xf32, #tpu.memory_space<hbm>> -> memref<32x128xf32, #tpu.memory_space<hbm>>
    tpu.enqueue_dma source(%dma_start3A_83 : memref<32x128xf32, #tpu.memory_space<hbm>>) target(%arg9 : memref<32x128xf32, #tpu.memory_space<vmem>>) target_semaphore(%arg14 : memref<!tpu.dma_semaphore, #tpu.memory_space<semaphore_mem>>)
    %scan3A_84 = arith.constant 0 : i32
    %scan3A_85 = arith.constant 520 : i32
    %scan3A_86 = arith.addi %scan3A_84, %scan3A_85 : i32
    %scan3A_87 = arith.constant 1 : i32
    scf.for %scan3A_402 = %scan3A_84 to %scan3A_86 step %scan3A_87  : i32 {
      %mul3A_403 = arith.constant 3 : i32
      %mul3A_404 = arith.muli %scan3A_402, %mul3A_403 : i32
      %add3A_405 = arith.constant 0 : i32
      %add3A_406 = arith.addi %mul3A_404, %add3A_405 : i32
      %ge3A_407 = arith.constant 1 : i32
      %ge3A_408 = arith.cmpi sge, %add3A_406, %ge3A_407 : i32
      %convert_element_type3A = arith.extui %ge3A_408 : i1 to i32
      %cond3A = arith.constant 0 : i32
      %cond3A_409 = arith.cmpi ne, %convert_element_type3A, %cond3A : i32
      scf.if %cond3A_409 {
        %dma_wait3A_643 = arith.constant 0 : i32
        %dma_wait3A_644 = arith.constant 0 : i32
        %dma_wait3A_645 = tpu.memref_slice %arg5[%dma_wait3A_643, %dma_wait3A_644] : memref<12544x128xf32, #tpu.memory_space<vmem_shared>> -> memref<12544x128xf32, #tpu.memory_space<vmem_shared>>
        tpu.wait_indirect_dma semaphore(%arg17 : memref<!tpu.dma_semaphore, #tpu.memory_space<semaphore_mem>>) src(%arg11 : memref<32x128xf32, #tpu.memory_space<vmem>>) dst(%dma_wait3A_645 : memref<12544x128xf32, #tpu.memory_space<vmem_shared>>)
      } else {
      }
      %add3A_410 = arith.constant 2 : i32
      %add3A_411 = arith.addi %add3A_406, %add3A_410 : i32
      %le3A = arith.constant 1562 : i32
      %le3A_412 = arith.cmpi sle, %add3A_411, %le3A : i32
      %convert_element_type3A_413 = arith.extui %le3A_412 : i1 to i32
      %cond3A_414 = arith.constant 0 : i32
      %cond3A_415 = arith.cmpi ne, %convert_element_type3A_413, %cond3A_414 : i32
      scf.if %cond3A_415 {
        %add3A_643 = arith.constant 2 : i32
        %add3A_644 = arith.addi %add3A_406, %add3A_643 : i32
        %add3A_645 = arith.addi %mul3A_2, %add3A_644 : i32
        %min3A_646 = arith.constant 24999 : i32
        %min3A_647 = arith.minsi %add3A_645, %min3A_646 : i32
        %mul3A_648 = arith.constant 32 : i32
        %mul3A_649 = arith.muli %min3A_647, %mul3A_648 : i32
        %dma_start3A_650 = tpu.memref_slice %arg3[%mul3A_649] : memref<800000xi32, #tpu.memory_space<hbm>> -> memref<32xi32, #tpu.memory_space<hbm>>
        %dma_start3A_651 = tpu.memref_slice %arg3[%mul3A_649] : memref<800000xi32, #tpu.memory_space<hbm>> -> memref<32xi32, #tpu.memory_space<hbm>>
        tpu.enqueue_dma source(%dma_start3A_651 : memref<32xi32, #tpu.memory_space<hbm>>) target(%arg10 : memref<32xi32, #tpu.memory_space<vmem>>) target_semaphore(%arg16 : memref<!tpu.dma_semaphore, #tpu.memory_space<semaphore_mem>>)
        %dma_start3A_652 = arith.constant 0 : i32
        %dma_start3A_653 = tpu.memref_slice %arg2[%mul3A_649, %dma_start3A_652] : memref<800000x128xf32, #tpu.memory_space<hbm>> -> memref<32x128xf32, #tpu.memory_space<hbm>>
        %dma_start3A_654 = arith.constant 0 : i32
        %dma_start3A_655 = tpu.memref_slice %arg2[%mul3A_649, %dma_start3A_654] : memref<800000x128xf32, #tpu.memory_space<hbm>> -> memref<32x128xf32, #tpu.memory_space<hbm>>
        tpu.enqueue_dma source(%dma_start3A_655 : memref<32x128xf32, #tpu.memory_space<hbm>>) target(%arg11 : memref<32x128xf32, #tpu.memory_space<vmem>>) target_semaphore(%arg16 : memref<!tpu.dma_semaphore, #tpu.memory_space<semaphore_mem>>)
      } else {
      }
      %dma_wait3A_416 = arith.constant 0 : i32
      %dma_wait3A_417 = tpu.memref_slice %arg3[%dma_wait3A_416] : memref<800000xi32, #tpu.memory_space<hbm>> -> memref<32xi32, #tpu.memory_space<hbm>>
      %dma_wait3A_418 = arith.constant 0 : i32
      %dma_wait3A_419 = tpu.memref_slice %arg3[%dma_wait3A_418] : memref<800000xi32, #tpu.memory_space<hbm>> -> memref<32xi32, #tpu.memory_space<hbm>>
      tpu.wait_dma2 semaphore(%arg12 : memref<!tpu.dma_semaphore, #tpu.memory_space<semaphore_mem>>) src(%dma_wait3A_419 : memref<32xi32, #tpu.memory_space<hbm>>) dst(%arg6 : memref<32xi32, #tpu.memory_space<vmem>>)
      %dma_wait3A_420 = arith.constant 0 : i32
      %dma_wait3A_421 = arith.constant 0 : i32
      %dma_wait3A_422 = tpu.memref_slice %arg2[%dma_wait3A_420, %dma_wait3A_421] : memref<800000x128xf32, #tpu.memory_space<hbm>> -> memref<32x128xf32, #tpu.memory_space<hbm>>
      %dma_wait3A_423 = arith.constant 0 : i32
      %dma_wait3A_424 = arith.constant 0 : i32
      %dma_wait3A_425 = tpu.memref_slice %arg2[%dma_wait3A_423, %dma_wait3A_424] : memref<800000x128xf32, #tpu.memory_space<hbm>> -> memref<32x128xf32, #tpu.memory_space<hbm>>
      tpu.wait_dma2 semaphore(%arg12 : memref<!tpu.dma_semaphore, #tpu.memory_space<semaphore_mem>>) src(%dma_wait3A_425 : memref<32x128xf32, #tpu.memory_space<hbm>>) dst(%arg7 : memref<32x128xf32, #tpu.memory_space<vmem>>)
      %lt3A_426 = arith.cmpi slt, %add3A_406, %min3A_4 : i32
      %jit3A_427 = arith.constant 0 : i32
      %jit3A_428 = arith.constant 100000 : i32
      %select_n3A_429 = arith.select %lt3A_426, %jit3A_427, %jit3A_428 : i32
      %get3A_430 = arith.constant 0 : index
      %get3A_431 = tpu.vector_load %arg6[%get3A_430] {strides = array<i32>} : memref<32xi32, #tpu.memory_space<vmem>>, vector<16xi32>,
      %get3A_432 = vector.shape_cast %get3A_431 : vector<16xi32> to vector<16xi32>
      %sub3A_433 = vector.broadcast %mul3A_0 : i32 to vector<16xi32>
      %sub3A_434 = arith.subi %get3A_432, %sub3A_433 : vector<16xi32>
      %sub3A_435 = vector.broadcast %select_n3A_429 : i32 to vector<16xi32>
      %sub3A_436 = arith.subi %sub3A_434, %sub3A_435 : vector<16xi32>
      %ge3A_437 = arith.constant 0 : i32
      %ge3A_438 = vector.broadcast %ge3A_437 : i32 to vector<16xi32>
      %ge3A_439 = arith.cmpi sge, %sub3A_436, %ge3A_438 : vector<16xi32>
      %lt3A_440 = arith.constant 25000 : i32
      %lt3A_441 = vector.broadcast %lt3A_440 : i32 to vector<16xi32>
      %lt3A_442 = arith.cmpi slt, %sub3A_436, %lt3A_441 : vector<16xi32>
      %and3A_443 = arith.andi %ge3A_439, %lt3A_442 : vector<16xi1>
      %shift_right_arithmetic3A_444 = arith.constant 1 : i32
      %shift_right_arithmetic3A_445 = vector.broadcast %shift_right_arithmetic3A_444 : i32 to vector<16xi32>
      %shift_right_arithmetic3A_446 = arith.shrsi %sub3A_436, %shift_right_arithmetic3A_445 : vector<16xi32>
      %jit3A_447 = arith.constant 12536 : i32
      %broadcast_in_dim3A_448 = vector.broadcast %jit3A_447 : i32 to vector<16xi32>
      %select_n3A_449 = arith.select %and3A_443, %shift_right_arithmetic3A_446, %broadcast_in_dim3A_448 : vector<16xi1>, vector<16xi32>
      %swap3A_450 = arith.constant 0 : index
      %swap3A_451 = tpu.vector_load %arg6[%swap3A_450] {strides = array<i32>} : memref<32xi32, #tpu.memory_space<vmem>>, vector<16xi32>,
      %swap3A_452 = vector.shape_cast %swap3A_451 : vector<16xi32> to vector<16xi32>
      %swap3A_453 = vector.shape_cast %select_n3A_449 : vector<16xi32> to vector<16xi32>
      tpu.vector_store %arg6[%swap3A_450], %swap3A_453 {strides = array<i32>} : memref<32xi32, #tpu.memory_space<vmem>>, vector<16xi32>,
      %get3A_454 = arith.constant 16 : index
      %get3A_455 = tpu.vector_load %arg6[%get3A_454] {strides = array<i32>} : memref<32xi32, #tpu.memory_space<vmem>>, vector<16xi32>,
      %get3A_456 = vector.shape_cast %get3A_455 : vector<16xi32> to vector<16xi32>
      %sub3A_457 = vector.broadcast %mul3A_0 : i32 to vector<16xi32>
      %sub3A_458 = arith.subi %get3A_456, %sub3A_457 : vector<16xi32>
      %sub3A_459 = vector.broadcast %select_n3A_429 : i32 to vector<16xi32>
      %sub3A_460 = arith.subi %sub3A_458, %sub3A_459 : vector<16xi32>
      %ge3A_461 = arith.constant 0 : i32
      %ge3A_462 = vector.broadcast %ge3A_461 : i32 to vector<16xi32>
      %ge3A_463 = arith.cmpi sge, %sub3A_460, %ge3A_462 : vector<16xi32>
      %lt3A_464 = arith.constant 25000 : i32
      %lt3A_465 = vector.broadcast %lt3A_464 : i32 to vector<16xi32>
      %lt3A_466 = arith.cmpi slt, %sub3A_460, %lt3A_465 : vector<16xi32>
      %and3A_467 = arith.andi %ge3A_463, %lt3A_466 : vector<16xi1>
      %shift_right_arithmetic3A_468 = arith.constant 1 : i32
      %shift_right_arithmetic3A_469 = vector.broadcast %shift_right_arithmetic3A_468 : i32 to vector<16xi32>
      %shift_right_arithmetic3A_470 = arith.shrsi %sub3A_460, %shift_right_arithmetic3A_469 : vector<16xi32>
      %jit3A_471 = arith.constant 12536 : i32
      %broadcast_in_dim3A_472 = vector.broadcast %jit3A_471 : i32 to vector<16xi32>
      %select_n3A_473 = arith.select %and3A_467, %shift_right_arithmetic3A_470, %broadcast_in_dim3A_472 : vector<16xi1>, vector<16xi32>
      %swap3A_474 = arith.constant 16 : index
      %swap3A_475 = tpu.vector_load %arg6[%swap3A_474] {strides = array<i32>} : memref<32xi32, #tpu.memory_space<vmem>>, vector<16xi32>,
      %swap3A_476 = vector.shape_cast %swap3A_475 : vector<16xi32> to vector<16xi32>
      %swap3A_477 = vector.shape_cast %select_n3A_473 : vector<16xi32> to vector<16xi32>
      tpu.vector_store %arg6[%swap3A_474], %swap3A_477 {strides = array<i32>} : memref<32xi32, #tpu.memory_space<vmem>>, vector<16xi32>,
      %dma_start3A_478 = arith.constant 0 : i32
      %dma_start3A_479 = arith.constant 0 : i32
      %dma_start3A_480 = tpu.memref_slice %arg5[%dma_start3A_478, %dma_start3A_479] : memref<12544x128xf32, #tpu.memory_space<vmem_shared>> -> memref<12544x128xf32, #tpu.memory_space<vmem_shared>>
      tpu.enqueue_indirect_dma source(%arg7 : memref<32x128xf32, #tpu.memory_space<vmem>>) target(%dma_start3A_480 : memref<12544x128xf32, #tpu.memory_space<vmem_shared>>) offsets(%arg6 : memref<32xi32, #tpu.memory_space<vmem>>) semaphore(%arg13 : memref<!tpu.dma_semaphore, #tpu.memory_space<semaphore_mem>>) {add = true}
      %mul3A_481 = arith.constant 3 : i32
      %mul3A_482 = arith.muli %scan3A_402, %mul3A_481 : i32
      %add3A_483 = arith.constant 1 : i32
      %add3A_484 = arith.addi %mul3A_482, %add3A_483 : i32
      %ge3A_485 = arith.constant 1 : i32
      %ge3A_486 = arith.cmpi sge, %add3A_484, %ge3A_485 : i32
      %convert_element_type3A_487 = arith.extui %ge3A_486 : i1 to i32
      %cond3A_488 = arith.constant 0 : i32
      %cond3A_489 = arith.cmpi ne, %convert_element_type3A_487, %cond3A_488 : i32
      scf.if %cond3A_489 {
        %dma_wait3A_643 = arith.constant 0 : i32
        %dma_wait3A_644 = arith.constant 0 : i32
        %dma_wait3A_645 = tpu.memref_slice %arg5[%dma_wait3A_643, %dma_wait3A_644] : memref<12544x128xf32, #tpu.memory_space<vmem_shared>> -> memref<12544x128xf32, #tpu.memory_space<vmem_shared>>
        tpu.wait_indirect_dma semaphore(%arg13 : memref<!tpu.dma_semaphore, #tpu.memory_space<semaphore_mem>>) src(%arg7 : memref<32x128xf32, #tpu.memory_space<vmem>>) dst(%dma_wait3A_645 : memref<12544x128xf32, #tpu.memory_space<vmem_shared>>)
      } else {
      }
      %add3A_490 = arith.constant 2 : i32
      %add3A_491 = arith.addi %add3A_484, %add3A_490 : i32
      %le3A_492 = arith.constant 1562 : i32
      %le3A_493 = arith.cmpi sle, %add3A_491, %le3A_492 : i32
      %convert_element_type3A_494 = arith.extui %le3A_493 : i1 to i32
      %cond3A_495 = arith.constant 0 : i32
      %cond3A_496 = arith.cmpi ne, %convert_element_type3A_494, %cond3A_495 : i32
      scf.if %cond3A_496 {
        %add3A_643 = arith.constant 2 : i32
        %add3A_644 = arith.addi %add3A_484, %add3A_643 : i32
        %add3A_645 = arith.addi %mul3A_2, %add3A_644 : i32
        %min3A_646 = arith.constant 24999 : i32
        %min3A_647 = arith.minsi %add3A_645, %min3A_646 : i32
        %mul3A_648 = arith.constant 32 : i32
        %mul3A_649 = arith.muli %min3A_647, %mul3A_648 : i32
        %dma_start3A_650 = tpu.memref_slice %arg3[%mul3A_649] : memref<800000xi32, #tpu.memory_space<hbm>> -> memref<32xi32, #tpu.memory_space<hbm>>
        %dma_start3A_651 = tpu.memref_slice %arg3[%mul3A_649] : memref<800000xi32, #tpu.memory_space<hbm>> -> memref<32xi32, #tpu.memory_space<hbm>>
        tpu.enqueue_dma source(%dma_start3A_651 : memref<32xi32, #tpu.memory_space<hbm>>) target(%arg6 : memref<32xi32, #tpu.memory_space<vmem>>) target_semaphore(%arg12 : memref<!tpu.dma_semaphore, #tpu.memory_space<semaphore_mem>>)
        %dma_start3A_652 = arith.constant 0 : i32
        %dma_start3A_653 = tpu.memref_slice %arg2[%mul3A_649, %dma_start3A_652] : memref<800000x128xf32, #tpu.memory_space<hbm>> -> memref<32x128xf32, #tpu.memory_space<hbm>>
        %dma_start3A_654 = arith.constant 0 : i32
        %dma_start3A_655 = tpu.memref_slice %arg2[%mul3A_649, %dma_start3A_654] : memref<800000x128xf32, #tpu.memory_space<hbm>> -> memref<32x128xf32, #tpu.memory_space<hbm>>
        tpu.enqueue_dma source(%dma_start3A_655 : memref<32x128xf32, #tpu.memory_space<hbm>>) target(%arg7 : memref<32x128xf32, #tpu.memory_space<vmem>>) target_semaphore(%arg12 : memref<!tpu.dma_semaphore, #tpu.memory_space<semaphore_mem>>)
      } else {
      }
      %dma_wait3A_497 = arith.constant 0 : i32
      %dma_wait3A_498 = tpu.memref_slice %arg3[%dma_wait3A_497] : memref<800000xi32, #tpu.memory_space<hbm>> -> memref<32xi32, #tpu.memory_space<hbm>>
      %dma_wait3A_499 = arith.constant 0 : i32
      %dma_wait3A_500 = tpu.memref_slice %arg3[%dma_wait3A_499] : memref<800000xi32, #tpu.memory_space<hbm>> -> memref<32xi32, #tpu.memory_space<hbm>>
      tpu.wait_dma2 semaphore(%arg14 : memref<!tpu.dma_semaphore, #tpu.memory_space<semaphore_mem>>) src(%dma_wait3A_500 : memref<32xi32, #tpu.memory_space<hbm>>) dst(%arg8 : memref<32xi32, #tpu.memory_space<vmem>>)
      %dma_wait3A_501 = arith.constant 0 : i32
      %dma_wait3A_502 = arith.constant 0 : i32
      %dma_wait3A_503 = tpu.memref_slice %arg2[%dma_wait3A_501, %dma_wait3A_502] : memref<800000x128xf32, #tpu.memory_space<hbm>> -> memref<32x128xf32, #tpu.memory_space<hbm>>
      %dma_wait3A_504 = arith.constant 0 : i32
      %dma_wait3A_505 = arith.constant 0 : i32
      %dma_wait3A_506 = tpu.memref_slice %arg2[%dma_wait3A_504, %dma_wait3A_505] : memref<800000x128xf32, #tpu.memory_space<hbm>> -> memref<32x128xf32, #tpu.memory_space<hbm>>
      tpu.wait_dma2 semaphore(%arg14 : memref<!tpu.dma_semaphore, #tpu.memory_space<semaphore_mem>>) src(%dma_wait3A_506 : memref<32x128xf32, #tpu.memory_space<hbm>>) dst(%arg9 : memref<32x128xf32, #tpu.memory_space<vmem>>)
      %lt3A_507 = arith.cmpi slt, %add3A_484, %min3A_4 : i32
      %jit3A_508 = arith.constant 0 : i32
      %jit3A_509 = arith.constant 100000 : i32
      %select_n3A_510 = arith.select %lt3A_507, %jit3A_508, %jit3A_509 : i32
      %get3A_511 = arith.constant 0 : index
      %get3A_512 = tpu.vector_load %arg8[%get3A_511] {strides = array<i32>} : memref<32xi32, #tpu.memory_space<vmem>>, vector<16xi32>,
      %get3A_513 = vector.shape_cast %get3A_512 : vector<16xi32> to vector<16xi32>
      %sub3A_514 = vector.broadcast %mul3A_0 : i32 to vector<16xi32>
      %sub3A_515 = arith.subi %get3A_513, %sub3A_514 : vector<16xi32>
      %sub3A_516 = vector.broadcast %select_n3A_510 : i32 to vector<16xi32>
      %sub3A_517 = arith.subi %sub3A_515, %sub3A_516 : vector<16xi32>
      %ge3A_518 = arith.constant 0 : i32
      %ge3A_519 = vector.broadcast %ge3A_518 : i32 to vector<16xi32>
      %ge3A_520 = arith.cmpi sge, %sub3A_517, %ge3A_519 : vector<16xi32>
      %lt3A_521 = arith.constant 25000 : i32
      %lt3A_522 = vector.broadcast %lt3A_521 : i32 to vector<16xi32>
      %lt3A_523 = arith.cmpi slt, %sub3A_517, %lt3A_522 : vector<16xi32>
      %and3A_524 = arith.andi %ge3A_520, %lt3A_523 : vector<16xi1>
      %shift_right_arithmetic3A_525 = arith.constant 1 : i32
      %shift_right_arithmetic3A_526 = vector.broadcast %shift_right_arithmetic3A_525 : i32 to vector<16xi32>
      %shift_right_arithmetic3A_527 = arith.shrsi %sub3A_517, %shift_right_arithmetic3A_526 : vector<16xi32>
      %jit3A_528 = arith.constant 12536 : i32
      %broadcast_in_dim3A_529 = vector.broadcast %jit3A_528 : i32 to vector<16xi32>
      %select_n3A_530 = arith.select %and3A_524, %shift_right_arithmetic3A_527, %broadcast_in_dim3A_529 : vector<16xi1>, vector<16xi32>
      %swap3A_531 = arith.constant 0 : index
      %swap3A_532 = tpu.vector_load %arg8[%swap3A_531] {strides = array<i32>} : memref<32xi32, #tpu.memory_space<vmem>>, vector<16xi32>,
      %swap3A_533 = vector.shape_cast %swap3A_532 : vector<16xi32> to vector<16xi32>
      %swap3A_534 = vector.shape_cast %select_n3A_530 : vector<16xi32> to vector<16xi32>
      tpu.vector_store %arg8[%swap3A_531], %swap3A_534 {strides = array<i32>} : memref<32xi32, #tpu.memory_space<vmem>>, vector<16xi32>,
      %get3A_535 = arith.constant 16 : index
      %get3A_536 = tpu.vector_load %arg8[%get3A_535] {strides = array<i32>} : memref<32xi32, #tpu.memory_space<vmem>>, vector<16xi32>,
      %get3A_537 = vector.shape_cast %get3A_536 : vector<16xi32> to vector<16xi32>
      %sub3A_538 = vector.broadcast %mul3A_0 : i32 to vector<16xi32>
      %sub3A_539 = arith.subi %get3A_537, %sub3A_538 : vector<16xi32>
      %sub3A_540 = vector.broadcast %select_n3A_510 : i32 to vector<16xi32>
      %sub3A_541 = arith.subi %sub3A_539, %sub3A_540 : vector<16xi32>
      %ge3A_542 = arith.constant 0 : i32
      %ge3A_543 = vector.broadcast %ge3A_542 : i32 to vector<16xi32>
      %ge3A_544 = arith.cmpi sge, %sub3A_541, %ge3A_543 : vector<16xi32>
      %lt3A_545 = arith.constant 25000 : i32
      %lt3A_546 = vector.broadcast %lt3A_545 : i32 to vector<16xi32>
      %lt3A_547 = arith.cmpi slt, %sub3A_541, %lt3A_546 : vector<16xi32>
      %and3A_548 = arith.andi %ge3A_544, %lt3A_547 : vector<16xi1>
      %shift_right_arithmetic3A_549 = arith.constant 1 : i32
      %shift_right_arithmetic3A_550 = vector.broadcast %shift_right_arithmetic3A_549 : i32 to vector<16xi32>
      %shift_right_arithmetic3A_551 = arith.shrsi %sub3A_541, %shift_right_arithmetic3A_550 : vector<16xi32>
      %jit3A_552 = arith.constant 12536 : i32
      %broadcast_in_dim3A_553 = vector.broadcast %jit3A_552 : i32 to vector<16xi32>
      %select_n3A_554 = arith.select %and3A_548, %shift_right_arithmetic3A_551, %broadcast_in_dim3A_553 : vector<16xi1>, vector<16xi32>
      %swap3A_555 = arith.constant 16 : index
      %swap3A_556 = tpu.vector_load %arg8[%swap3A_555] {strides = array<i32>} : memref<32xi32, #tpu.memory_space<vmem>>, vector<16xi32>,
      %swap3A_557 = vector.shape_cast %swap3A_556 : vector<16xi32> to vector<16xi32>
      %swap3A_558 = vector.shape_cast %select_n3A_554 : vector<16xi32> to vector<16xi32>
      tpu.vector_store %arg8[%swap3A_555], %swap3A_558 {strides = array<i32>} : memref<32xi32, #tpu.memory_space<vmem>>, vector<16xi32>,
      %dma_start3A_559 = arith.constant 0 : i32
      %dma_start3A_560 = arith.constant 0 : i32
      %dma_start3A_561 = tpu.memref_slice %arg5[%dma_start3A_559, %dma_start3A_560] : memref<12544x128xf32, #tpu.memory_space<vmem_shared>> -> memref<12544x128xf32, #tpu.memory_space<vmem_shared>>
      tpu.enqueue_indirect_dma source(%arg9 : memref<32x128xf32, #tpu.memory_space<vmem>>) target(%dma_start3A_561 : memref<12544x128xf32, #tpu.memory_space<vmem_shared>>) offsets(%arg8 : memref<32xi32, #tpu.memory_space<vmem>>) semaphore(%arg15 : memref<!tpu.dma_semaphore, #tpu.memory_space<semaphore_mem>>) {add = true}
      %mul3A_562 = arith.constant 3 : i32
      %mul3A_563 = arith.muli %scan3A_402, %mul3A_562 : i32
      %add3A_564 = arith.constant 2 : i32
      %add3A_565 = arith.addi %mul3A_563, %add3A_564 : i32
      %ge3A_566 = arith.constant 1 : i32
      %ge3A_567 = arith.cmpi sge, %add3A_565, %ge3A_566 : i32
      %convert_element_type3A_568 = arith.extui %ge3A_567 : i1 to i32
      %cond3A_569 = arith.constant 0 : i32
      %cond3A_570 = arith.cmpi ne, %convert_element_type3A_568, %cond3A_569 : i32
      scf.if %cond3A_570 {
        %dma_wait3A_643 = arith.constant 0 : i32
        %dma_wait3A_644 = arith.constant 0 : i32
        %dma_wait3A_645 = tpu.memref_slice %arg5[%dma_wait3A_643, %dma_wait3A_644] : memref<12544x128xf32, #tpu.memory_space<vmem_shared>> -> memref<12544x128xf32, #tpu.memory_space<vmem_shared>>
        tpu.wait_indirect_dma semaphore(%arg15 : memref<!tpu.dma_semaphore, #tpu.memory_space<semaphore_mem>>) src(%arg9 : memref<32x128xf32, #tpu.memory_space<vmem>>) dst(%dma_wait3A_645 : memref<12544x128xf32, #tpu.memory_space<vmem_shared>>)
      } else {
      }
      %add3A_571 = arith.constant 2 : i32
      %add3A_572 = arith.addi %add3A_565, %add3A_571 : i32
      %le3A_573 = arith.constant 1562 : i32
      %le3A_574 = arith.cmpi sle, %add3A_572, %le3A_573 : i32
      %convert_element_type3A_575 = arith.extui %le3A_574 : i1 to i32
      %cond3A_576 = arith.constant 0 : i32
      %cond3A_577 = arith.cmpi ne, %convert_element_type3A_575, %cond3A_576 : i32
      scf.if %cond3A_577 {
        %add3A_643 = arith.constant 2 : i32
        %add3A_644 = arith.addi %add3A_565, %add3A_643 : i32
        %add3A_645 = arith.addi %mul3A_2, %add3A_644 : i32
        %min3A_646 = arith.constant 24999 : i32
        %min3A_647 = arith.minsi %add3A_645, %min3A_646 : i32
        %mul3A_648 = arith.constant 32 : i32
        %mul3A_649 = arith.muli %min3A_647, %mul3A_648 : i32
        %dma_start3A_650 = tpu.memref_slice %arg3[%mul3A_649] : memref<800000xi32, #tpu.memory_space<hbm>> -> memref<32xi32, #tpu.memory_space<hbm>>
        %dma_start3A_651 = tpu.memref_slice %arg3[%mul3A_649] : memref<800000xi32, #tpu.memory_space<hbm>> -> memref<32xi32, #tpu.memory_space<hbm>>
        tpu.enqueue_dma source(%dma_start3A_651 : memref<32xi32, #tpu.memory_space<hbm>>) target(%arg8 : memref<32xi32, #tpu.memory_space<vmem>>) target_semaphore(%arg14 : memref<!tpu.dma_semaphore, #tpu.memory_space<semaphore_mem>>)
        %dma_start3A_652 = arith.constant 0 : i32
        %dma_start3A_653 = tpu.memref_slice %arg2[%mul3A_649, %dma_start3A_652] : memref<800000x128xf32, #tpu.memory_space<hbm>> -> memref<32x128xf32, #tpu.memory_space<hbm>>
        %dma_start3A_654 = arith.constant 0 : i32
        %dma_start3A_655 = tpu.memref_slice %arg2[%mul3A_649, %dma_start3A_654] : memref<800000x128xf32, #tpu.memory_space<hbm>> -> memref<32x128xf32, #tpu.memory_space<hbm>>
        tpu.enqueue_dma source(%dma_start3A_655 : memref<32x128xf32, #tpu.memory_space<hbm>>) target(%arg9 : memref<32x128xf32, #tpu.memory_space<vmem>>) target_semaphore(%arg14 : memref<!tpu.dma_semaphore, #tpu.memory_space<semaphore_mem>>)
      } else {
      }
      %dma_wait3A_578 = arith.constant 0 : i32
      %dma_wait3A_579 = tpu.memref_slice %arg3[%dma_wait3A_578] : memref<800000xi32, #tpu.memory_space<hbm>> -> memref<32xi32, #tpu.memory_space<hbm>>
      %dma_wait3A_580 = arith.constant 0 : i32
      %dma_wait3A_581 = tpu.memref_slice %arg3[%dma_wait3A_580] : memref<800000xi32, #tpu.memory_space<hbm>> -> memref<32xi32, #tpu.memory_space<hbm>>
      tpu.wait_dma2 semaphore(%arg16 : memref<!tpu.dma_semaphore, #tpu.memory_space<semaphore_mem>>) src(%dma_wait3A_581 : memref<32xi32, #tpu.memory_space<hbm>>) dst(%arg10 : memref<32xi32, #tpu.memory_space<vmem>>)
      %dma_wait3A_582 = arith.constant 0 : i32
      %dma_wait3A_583 = arith.constant 0 : i32
      %dma_wait3A_584 = tpu.memref_slice %arg2[%dma_wait3A_582, %dma_wait3A_583] : memref<800000x128xf32, #tpu.memory_space<hbm>> -> memref<32x128xf32, #tpu.memory_space<hbm>>
      %dma_wait3A_585 = arith.constant 0 : i32
      %dma_wait3A_586 = arith.constant 0 : i32
      %dma_wait3A_587 = tpu.memref_slice %arg2[%dma_wait3A_585, %dma_wait3A_586] : memref<800000x128xf32, #tpu.memory_space<hbm>> -> memref<32x128xf32, #tpu.memory_space<hbm>>
      tpu.wait_dma2 semaphore(%arg16 : memref<!tpu.dma_semaphore, #tpu.memory_space<semaphore_mem>>) src(%dma_wait3A_587 : memref<32x128xf32, #tpu.memory_space<hbm>>) dst(%arg11 : memref<32x128xf32, #tpu.memory_space<vmem>>)
      %lt3A_588 = arith.cmpi slt, %add3A_565, %min3A_4 : i32
      %jit3A_589 = arith.constant 0 : i32
      %jit3A_590 = arith.constant 100000 : i32
      %select_n3A_591 = arith.select %lt3A_588, %jit3A_589, %jit3A_590 : i32
      %get3A_592 = arith.constant 0 : index
      %get3A_593 = tpu.vector_load %arg10[%get3A_592] {strides = array<i32>} : memref<32xi32, #tpu.memory_space<vmem>>, vector<16xi32>,
      %get3A_594 = vector.shape_cast %get3A_593 : vector<16xi32> to vector<16xi32>
      %sub3A_595 = vector.broadcast %mul3A_0 : i32 to vector<16xi32>
      %sub3A_596 = arith.subi %get3A_594, %sub3A_595 : vector<16xi32>
      %sub3A_597 = vector.broadcast %select_n3A_591 : i32 to vector<16xi32>
      %sub3A_598 = arith.subi %sub3A_596, %sub3A_597 : vector<16xi32>
      %ge3A_599 = arith.constant 0 : i32
      %ge3A_600 = vector.broadcast %ge3A_599 : i32 to vector<16xi32>
      %ge3A_601 = arith.cmpi sge, %sub3A_598, %ge3A_600 : vector<16xi32>
      %lt3A_602 = arith.constant 25000 : i32
      %lt3A_603 = vector.broadcast %lt3A_602 : i32 to vector<16xi32>
      %lt3A_604 = arith.cmpi slt, %sub3A_598, %lt3A_603 : vector<16xi32>
      %and3A_605 = arith.andi %ge3A_601, %lt3A_604 : vector<16xi1>
      %shift_right_arithmetic3A_606 = arith.constant 1 : i32
      %shift_right_arithmetic3A_607 = vector.broadcast %shift_right_arithmetic3A_606 : i32 to vector<16xi32>
      %shift_right_arithmetic3A_608 = arith.shrsi %sub3A_598, %shift_right_arithmetic3A_607 : vector<16xi32>
      %jit3A_609 = arith.constant 12536 : i32
      %broadcast_in_dim3A_610 = vector.broadcast %jit3A_609 : i32 to vector<16xi32>
      %select_n3A_611 = arith.select %and3A_605, %shift_right_arithmetic3A_608, %broadcast_in_dim3A_610 : vector<16xi1>, vector<16xi32>
      %swap3A_612 = arith.constant 0 : index
      %swap3A_613 = tpu.vector_load %arg10[%swap3A_612] {strides = array<i32>} : memref<32xi32, #tpu.memory_space<vmem>>, vector<16xi32>,
      %swap3A_614 = vector.shape_cast %swap3A_613 : vector<16xi32> to vector<16xi32>
      %swap3A_615 = vector.shape_cast %select_n3A_611 : vector<16xi32> to vector<16xi32>
      tpu.vector_store %arg10[%swap3A_612], %swap3A_615 {strides = array<i32>} : memref<32xi32, #tpu.memory_space<vmem>>, vector<16xi32>,
      %get3A_616 = arith.constant 16 : index
      %get3A_617 = tpu.vector_load %arg10[%get3A_616] {strides = array<i32>} : memref<32xi32, #tpu.memory_space<vmem>>, vector<16xi32>,
      %get3A_618 = vector.shape_cast %get3A_617 : vector<16xi32> to vector<16xi32>
      %sub3A_619 = vector.broadcast %mul3A_0 : i32 to vector<16xi32>
      %sub3A_620 = arith.subi %get3A_618, %sub3A_619 : vector<16xi32>
      %sub3A_621 = vector.broadcast %select_n3A_591 : i32 to vector<16xi32>
      %sub3A_622 = arith.subi %sub3A_620, %sub3A_621 : vector<16xi32>
      %ge3A_623 = arith.constant 0 : i32
      %ge3A_624 = vector.broadcast %ge3A_623 : i32 to vector<16xi32>
      %ge3A_625 = arith.cmpi sge, %sub3A_622, %ge3A_624 : vector<16xi32>
      %lt3A_626 = arith.constant 25000 : i32
      %lt3A_627 = vector.broadcast %lt3A_626 : i32 to vector<16xi32>
      %lt3A_628 = arith.cmpi slt, %sub3A_622, %lt3A_627 : vector<16xi32>
      %and3A_629 = arith.andi %ge3A_625, %lt3A_628 : vector<16xi1>
      %shift_right_arithmetic3A_630 = arith.constant 1 : i32
      %shift_right_arithmetic3A_631 = vector.broadcast %shift_right_arithmetic3A_630 : i32 to vector<16xi32>
      %shift_right_arithmetic3A_632 = arith.shrsi %sub3A_622, %shift_right_arithmetic3A_631 : vector<16xi32>
      %jit3A_633 = arith.constant 12536 : i32
      %broadcast_in_dim3A_634 = vector.broadcast %jit3A_633 : i32 to vector<16xi32>
      %select_n3A_635 = arith.select %and3A_629, %shift_right_arithmetic3A_632, %broadcast_in_dim3A_634 : vector<16xi1>, vector<16xi32>
      %swap3A_636 = arith.constant 16 : index
      %swap3A_637 = tpu.vector_load %arg10[%swap3A_636] {strides = array<i32>} : memref<32xi32, #tpu.memory_space<vmem>>, vector<16xi32>,
      %swap3A_638 = vector.shape_cast %swap3A_637 : vector<16xi32> to vector<16xi32>
      %swap3A_639 = vector.shape_cast %select_n3A_635 : vector<16xi32> to vector<16xi32>
      tpu.vector_store %arg10[%swap3A_636], %swap3A_639 {strides = array<i32>} : memref<32xi32, #tpu.memory_space<vmem>>, vector<16xi32>,
      %dma_start3A_640 = arith.constant 0 : i32
      %dma_start3A_641 = arith.constant 0 : i32
      %dma_start3A_642 = tpu.memref_slice %arg5[%dma_start3A_640, %dma_start3A_641] : memref<12544x128xf32, #tpu.memory_space<vmem_shared>> -> memref<12544x128xf32, #tpu.memory_space<vmem_shared>>
      tpu.enqueue_indirect_dma source(%arg11 : memref<32x128xf32, #tpu.memory_space<vmem>>) target(%dma_start3A_642 : memref<12544x128xf32, #tpu.memory_space<vmem_shared>>) offsets(%arg10 : memref<32xi32, #tpu.memory_space<vmem>>) semaphore(%arg17 : memref<!tpu.dma_semaphore, #tpu.memory_space<semaphore_mem>>) {add = true}
    }
    %scan3A_88 = arith.constant 520 : i32
    %dma_wait3A = arith.constant 0 : i32
    %dma_wait3A_89 = arith.constant 0 : i32
    %dma_wait3A_90 = tpu.memref_slice %arg5[%dma_wait3A, %dma_wait3A_89] : memref<12544x128xf32, #tpu.memory_space<vmem_shared>> -> memref<12544x128xf32, #tpu.memory_space<vmem_shared>>
    tpu.wait_indirect_dma semaphore(%arg17 : memref<!tpu.dma_semaphore, #tpu.memory_space<semaphore_mem>>) src(%arg11 : memref<32x128xf32, #tpu.memory_space<vmem>>) dst(%dma_wait3A_90 : memref<12544x128xf32, #tpu.memory_space<vmem_shared>>)
    %add3A_91 = arith.constant 1562 : i32
    %add3A_92 = arith.addi %mul3A_2, %add3A_91 : i32
    %min3A_93 = arith.constant 24999 : i32
    %min3A_94 = arith.minsi %add3A_92, %min3A_93 : i32
    %mul3A_95 = arith.constant 32 : i32
    %mul3A_96 = arith.muli %min3A_94, %mul3A_95 : i32
    %dma_start3A_97 = tpu.memref_slice %arg3[%mul3A_96] : memref<800000xi32, #tpu.memory_space<hbm>> -> memref<32xi32, #tpu.memory_space<hbm>>
    %dma_start3A_98 = tpu.memref_slice %arg3[%mul3A_96] : memref<800000xi32, #tpu.memory_space<hbm>> -> memref<32xi32, #tpu.memory_space<hbm>>
    tpu.enqueue_dma source(%dma_start3A_98 : memref<32xi32, #tpu.memory_space<hbm>>) target(%arg10 : memref<32xi32, #tpu.memory_space<vmem>>) target_semaphore(%arg16 : memref<!tpu.dma_semaphore, #tpu.memory_space<semaphore_mem>>)
    %dma_start3A_99 = arith.constant 0 : i32
    %dma_start3A_100 = tpu.memref_slice %arg2[%mul3A_96, %dma_start3A_99] : memref<800000x128xf32, #tpu.memory_space<hbm>> -> memref<32x128xf32, #tpu.memory_space<hbm>>
    %dma_start3A_101 = arith.constant 0 : i32
    %dma_start3A_102 = tpu.memref_slice %arg2[%mul3A_96, %dma_start3A_101] : memref<800000x128xf32, #tpu.memory_space<hbm>> -> memref<32x128xf32, #tpu.memory_space<hbm>>
    tpu.enqueue_dma source(%dma_start3A_102 : memref<32x128xf32, #tpu.memory_space<hbm>>) target(%arg11 : memref<32x128xf32, #tpu.memory_space<vmem>>) target_semaphore(%arg16 : memref<!tpu.dma_semaphore, #tpu.memory_space<semaphore_mem>>)
    %dma_wait3A_103 = arith.constant 0 : i32
    %dma_wait3A_104 = tpu.memref_slice %arg3[%dma_wait3A_103] : memref<800000xi32, #tpu.memory_space<hbm>> -> memref<32xi32, #tpu.memory_space<hbm>>
    %dma_wait3A_105 = arith.constant 0 : i32
    %dma_wait3A_106 = tpu.memref_slice %arg3[%dma_wait3A_105] : memref<800000xi32, #tpu.memory_space<hbm>> -> memref<32xi32, #tpu.memory_space<hbm>>
    tpu.wait_dma2 semaphore(%arg12 : memref<!tpu.dma_semaphore, #tpu.memory_space<semaphore_mem>>) src(%dma_wait3A_106 : memref<32xi32, #tpu.memory_space<hbm>>) dst(%arg6 : memref<32xi32, #tpu.memory_space<vmem>>)
    %dma_wait3A_107 = arith.constant 0 : i32
    %dma_wait3A_108 = arith.constant 0 : i32
    %dma_wait3A_109 = tpu.memref_slice %arg2[%dma_wait3A_107, %dma_wait3A_108] : memref<800000x128xf32, #tpu.memory_space<hbm>> -> memref<32x128xf32, #tpu.memory_space<hbm>>
    %dma_wait3A_110 = arith.constant 0 : i32
    %dma_wait3A_111 = arith.constant 0 : i32
    %dma_wait3A_112 = tpu.memref_slice %arg2[%dma_wait3A_110, %dma_wait3A_111] : memref<800000x128xf32, #tpu.memory_space<hbm>> -> memref<32x128xf32, #tpu.memory_space<hbm>>
    tpu.wait_dma2 semaphore(%arg12 : memref<!tpu.dma_semaphore, #tpu.memory_space<semaphore_mem>>) src(%dma_wait3A_112 : memref<32x128xf32, #tpu.memory_space<hbm>>) dst(%arg7 : memref<32x128xf32, #tpu.memory_space<vmem>>)
    %gt3A = arith.constant 1560 : i32
    %gt3A_113 = arith.cmpi sgt, %min3A_4, %gt3A : i32
    %jit3A = arith.constant 0 : i32
    %jit3A_114 = arith.constant 100000 : i32
    %select_n3A = arith.select %gt3A_113, %jit3A, %jit3A_114 : i32
    %get3A = arith.constant 0 : index
    %get3A_115 = tpu.vector_load %arg6[%get3A] {strides = array<i32>} : memref<32xi32, #tpu.memory_space<vmem>>, vector<16xi32>,
    %get3A_116 = vector.shape_cast %get3A_115 : vector<16xi32> to vector<16xi32>
    %sub3A_117 = vector.broadcast %mul3A_0 : i32 to vector<16xi32>
    %sub3A_118 = arith.subi %get3A_116, %sub3A_117 : vector<16xi32>
    %sub3A_119 = vector.broadcast %select_n3A : i32 to vector<16xi32>
    %sub3A_120 = arith.subi %sub3A_118, %sub3A_119 : vector<16xi32>
    %ge3A = arith.constant 0 : i32
    %ge3A_121 = vector.broadcast %ge3A : i32 to vector<16xi32>
    %ge3A_122 = arith.cmpi sge, %sub3A_120, %ge3A_121 : vector<16xi32>
    %lt3A = arith.constant 25000 : i32
    %lt3A_123 = vector.broadcast %lt3A : i32 to vector<16xi32>
    %lt3A_124 = arith.cmpi slt, %sub3A_120, %lt3A_123 : vector<16xi32>
    %and3A = arith.andi %ge3A_122, %lt3A_124 : vector<16xi1>
    %shift_right_arithmetic3A = arith.constant 1 : i32
    %shift_right_arithmetic3A_125 = vector.broadcast %shift_right_arithmetic3A : i32 to vector<16xi32>
    %shift_right_arithmetic3A_126 = arith.shrsi %sub3A_120, %shift_right_arithmetic3A_125 : vector<16xi32>
    %jit3A_127 = arith.constant 12536 : i32
    %broadcast_in_dim3A_128 = vector.broadcast %jit3A_127 : i32 to vector<16xi32>
    %select_n3A_129 = arith.select %and3A, %shift_right_arithmetic3A_126, %broadcast_in_dim3A_128 : vector<16xi1>, vector<16xi32>
    %swap3A = arith.constant 0 : index
    %swap3A_130 = tpu.vector_load %arg6[%swap3A] {strides = array<i32>} : memref<32xi32, #tpu.memory_space<vmem>>, vector<16xi32>,
    %swap3A_131 = vector.shape_cast %swap3A_130 : vector<16xi32> to vector<16xi32>
    %swap3A_132 = vector.shape_cast %select_n3A_129 : vector<16xi32> to vector<16xi32>
    tpu.vector_store %arg6[%swap3A], %swap3A_132 {strides = array<i32>} : memref<32xi32, #tpu.memory_space<vmem>>, vector<16xi32>,
    %get3A_133 = arith.constant 16 : index
    %get3A_134 = tpu.vector_load %arg6[%get3A_133] {strides = array<i32>} : memref<32xi32, #tpu.memory_space<vmem>>, vector<16xi32>,
    %get3A_135 = vector.shape_cast %get3A_134 : vector<16xi32> to vector<16xi32>
    %sub3A_136 = vector.broadcast %mul3A_0 : i32 to vector<16xi32>
    %sub3A_137 = arith.subi %get3A_135, %sub3A_136 : vector<16xi32>
    %sub3A_138 = vector.broadcast %select_n3A : i32 to vector<16xi32>
    %sub3A_139 = arith.subi %sub3A_137, %sub3A_138 : vector<16xi32>
    %ge3A_140 = arith.constant 0 : i32
    %ge3A_141 = vector.broadcast %ge3A_140 : i32 to vector<16xi32>
    %ge3A_142 = arith.cmpi sge, %sub3A_139, %ge3A_141 : vector<16xi32>
    %lt3A_143 = arith.constant 25000 : i32
    %lt3A_144 = vector.broadcast %lt3A_143 : i32 to vector<16xi32>
    %lt3A_145 = arith.cmpi slt, %sub3A_139, %lt3A_144 : vector<16xi32>
    %and3A_146 = arith.andi %ge3A_142, %lt3A_145 : vector<16xi1>
    %shift_right_arithmetic3A_147 = arith.constant 1 : i32
    %shift_right_arithmetic3A_148 = vector.broadcast %shift_right_arithmetic3A_147 : i32 to vector<16xi32>
    %shift_right_arithmetic3A_149 = arith.shrsi %sub3A_139, %shift_right_arithmetic3A_148 : vector<16xi32>
    %jit3A_150 = arith.constant 12536 : i32
    %broadcast_in_dim3A_151 = vector.broadcast %jit3A_150 : i32 to vector<16xi32>
    %select_n3A_152 = arith.select %and3A_146, %shift_right_arithmetic3A_149, %broadcast_in_dim3A_151 : vector<16xi1>, vector<16xi32>
    %swap3A_153 = arith.constant 16 : index
    %swap3A_154 = tpu.vector_load %arg6[%swap3A_153] {strides = array<i32>} : memref<32xi32, #tpu.memory_space<vmem>>, vector<16xi32>,
    %swap3A_155 = vector.shape_cast %swap3A_154 : vector<16xi32> to vector<16xi32>
    %swap3A_156 = vector.shape_cast %select_n3A_152 : vector<16xi32> to vector<16xi32>
    tpu.vector_store %arg6[%swap3A_153], %swap3A_156 {strides = array<i32>} : memref<32xi32, #tpu.memory_space<vmem>>, vector<16xi32>,
    %dma_start3A_157 = arith.constant 0 : i32
    %dma_start3A_158 = arith.constant 0 : i32
    %dma_start3A_159 = tpu.memref_slice %arg5[%dma_start3A_157, %dma_start3A_158] : memref<12544x128xf32, #tpu.memory_space<vmem_shared>> -> memref<12544x128xf32, #tpu.memory_space<vmem_shared>>
    tpu.enqueue_indirect_dma source(%arg7 : memref<32x128xf32, #tpu.memory_space<vmem>>) target(%dma_start3A_159 : memref<12544x128xf32, #tpu.memory_space<vmem_shared>>) offsets(%arg6 : memref<32xi32, #tpu.memory_space<vmem>>) semaphore(%arg13 : memref<!tpu.dma_semaphore, #tpu.memory_space<semaphore_mem>>) {add = true}
    %dma_wait3A_160 = arith.constant 0 : i32
    %dma_wait3A_161 = arith.constant 0 : i32
    %dma_wait3A_162 = tpu.memref_slice %arg5[%dma_wait3A_160, %dma_wait3A_161] : memref<12544x128xf32, #tpu.memory_space<vmem_shared>> -> memref<12544x128xf32, #tpu.memory_space<vmem_shared>>
    tpu.wait_indirect_dma semaphore(%arg13 : memref<!tpu.dma_semaphore, #tpu.memory_space<semaphore_mem>>) src(%arg7 : memref<32x128xf32, #tpu.memory_space<vmem>>) dst(%dma_wait3A_162 : memref<12544x128xf32, #tpu.memory_space<vmem_shared>>)
    %dma_wait3A_163 = arith.constant 0 : i32
    %dma_wait3A_164 = tpu.memref_slice %arg3[%dma_wait3A_163] : memref<800000xi32, #tpu.memory_space<hbm>> -> memref<32xi32, #tpu.memory_space<hbm>>
    %dma_wait3A_165 = arith.constant 0 : i32
    %dma_wait3A_166 = tpu.memref_slice %arg3[%dma_wait3A_165] : memref<800000xi32, #tpu.memory_space<hbm>> -> memref<32xi32, #tpu.memory_space<hbm>>
    tpu.wait_dma2 semaphore(%arg14 : memref<!tpu.dma_semaphore, #tpu.memory_space<semaphore_mem>>) src(%dma_wait3A_166 : memref<32xi32, #tpu.memory_space<hbm>>) dst(%arg8 : memref<32xi32, #tpu.memory_space<vmem>>)
    %dma_wait3A_167 = arith.constant 0 : i32
    %dma_wait3A_168 = arith.constant 0 : i32
    %dma_wait3A_169 = tpu.memref_slice %arg2[%dma_wait3A_167, %dma_wait3A_168] : memref<800000x128xf32, #tpu.memory_space<hbm>> -> memref<32x128xf32, #tpu.memory_space<hbm>>
    %dma_wait3A_170 = arith.constant 0 : i32
    %dma_wait3A_171 = arith.constant 0 : i32
    %dma_wait3A_172 = tpu.memref_slice %arg2[%dma_wait3A_170, %dma_wait3A_171] : memref<800000x128xf32, #tpu.memory_space<hbm>> -> memref<32x128xf32, #tpu.memory_space<hbm>>
    tpu.wait_dma2 semaphore(%arg14 : memref<!tpu.dma_semaphore, #tpu.memory_space<semaphore_mem>>) src(%dma_wait3A_172 : memref<32x128xf32, #tpu.memory_space<hbm>>) dst(%arg9 : memref<32x128xf32, #tpu.memory_space<vmem>>)
    %gt3A_173 = arith.constant 1561 : i32
    %gt3A_174 = arith.cmpi sgt, %min3A_4, %gt3A_173 : i32
    %jit3A_175 = arith.constant 0 : i32
    %jit3A_176 = arith.constant 100000 : i32
    %select_n3A_177 = arith.select %gt3A_174, %jit3A_175, %jit3A_176 : i32
    %get3A_178 = arith.constant 0 : index
    %get3A_179 = tpu.vector_load %arg8[%get3A_178] {strides = array<i32>} : memref<32xi32, #tpu.memory_space<vmem>>, vector<16xi32>,
    %get3A_180 = vector.shape_cast %get3A_179 : vector<16xi32> to vector<16xi32>
    %sub3A_181 = vector.broadcast %mul3A_0 : i32 to vector<16xi32>
    %sub3A_182 = arith.subi %get3A_180, %sub3A_181 : vector<16xi32>
    %sub3A_183 = vector.broadcast %select_n3A_177 : i32 to vector<16xi32>
    %sub3A_184 = arith.subi %sub3A_182, %sub3A_183 : vector<16xi32>
    %ge3A_185 = arith.constant 0 : i32
    %ge3A_186 = vector.broadcast %ge3A_185 : i32 to vector<16xi32>
    %ge3A_187 = arith.cmpi sge, %sub3A_184, %ge3A_186 : vector<16xi32>
    %lt3A_188 = arith.constant 25000 : i32
    %lt3A_189 = vector.broadcast %lt3A_188 : i32 to vector<16xi32>
    %lt3A_190 = arith.cmpi slt, %sub3A_184, %lt3A_189 : vector<16xi32>
    %and3A_191 = arith.andi %ge3A_187, %lt3A_190 : vector<16xi1>
    %shift_right_arithmetic3A_192 = arith.constant 1 : i32
    %shift_right_arithmetic3A_193 = vector.broadcast %shift_right_arithmetic3A_192 : i32 to vector<16xi32>
    %shift_right_arithmetic3A_194 = arith.shrsi %sub3A_184, %shift_right_arithmetic3A_193 : vector<16xi32>
    %jit3A_195 = arith.constant 12536 : i32
    %broadcast_in_dim3A_196 = vector.broadcast %jit3A_195 : i32 to vector<16xi32>
    %select_n3A_197 = arith.select %and3A_191, %shift_right_arithmetic3A_194, %broadcast_in_dim3A_196 : vector<16xi1>, vector<16xi32>
    %swap3A_198 = arith.constant 0 : index
    %swap3A_199 = tpu.vector_load %arg8[%swap3A_198] {strides = array<i32>} : memref<32xi32, #tpu.memory_space<vmem>>, vector<16xi32>,
    %swap3A_200 = vector.shape_cast %swap3A_199 : vector<16xi32> to vector<16xi32>
    %swap3A_201 = vector.shape_cast %select_n3A_197 : vector<16xi32> to vector<16xi32>
    tpu.vector_store %arg8[%swap3A_198], %swap3A_201 {strides = array<i32>} : memref<32xi32, #tpu.memory_space<vmem>>, vector<16xi32>,
    %get3A_202 = arith.constant 16 : index
    %get3A_203 = tpu.vector_load %arg8[%get3A_202] {strides = array<i32>} : memref<32xi32, #tpu.memory_space<vmem>>, vector<16xi32>,
    %get3A_204 = vector.shape_cast %get3A_203 : vector<16xi32> to vector<16xi32>
    %sub3A_205 = vector.broadcast %mul3A_0 : i32 to vector<16xi32>
    %sub3A_206 = arith.subi %get3A_204, %sub3A_205 : vector<16xi32>
    %sub3A_207 = vector.broadcast %select_n3A_177 : i32 to vector<16xi32>
    %sub3A_208 = arith.subi %sub3A_206, %sub3A_207 : vector<16xi32>
    %ge3A_209 = arith.constant 0 : i32
    %ge3A_210 = vector.broadcast %ge3A_209 : i32 to vector<16xi32>
    %ge3A_211 = arith.cmpi sge, %sub3A_208, %ge3A_210 : vector<16xi32>
    %lt3A_212 = arith.constant 25000 : i32
    %lt3A_213 = vector.broadcast %lt3A_212 : i32 to vector<16xi32>
    %lt3A_214 = arith.cmpi slt, %sub3A_208, %lt3A_213 : vector<16xi32>
    %and3A_215 = arith.andi %ge3A_211, %lt3A_214 : vector<16xi1>
    %shift_right_arithmetic3A_216 = arith.constant 1 : i32
    %shift_right_arithmetic3A_217 = vector.broadcast %shift_right_arithmetic3A_216 : i32 to vector<16xi32>
    %shift_right_arithmetic3A_218 = arith.shrsi %sub3A_208, %shift_right_arithmetic3A_217 : vector<16xi32>
    %jit3A_219 = arith.constant 12536 : i32
    %broadcast_in_dim3A_220 = vector.broadcast %jit3A_219 : i32 to vector<16xi32>
    %select_n3A_221 = arith.select %and3A_215, %shift_right_arithmetic3A_218, %broadcast_in_dim3A_220 : vector<16xi1>, vector<16xi32>
    %swap3A_222 = arith.constant 16 : index
    %swap3A_223 = tpu.vector_load %arg8[%swap3A_222] {strides = array<i32>} : memref<32xi32, #tpu.memory_space<vmem>>, vector<16xi32>,
    %swap3A_224 = vector.shape_cast %swap3A_223 : vector<16xi32> to vector<16xi32>
    %swap3A_225 = vector.shape_cast %select_n3A_221 : vector<16xi32> to vector<16xi32>
    tpu.vector_store %arg8[%swap3A_222], %swap3A_225 {strides = array<i32>} : memref<32xi32, #tpu.memory_space<vmem>>, vector<16xi32>,
    %dma_start3A_226 = arith.constant 0 : i32
    %dma_start3A_227 = arith.constant 0 : i32
    %dma_start3A_228 = tpu.memref_slice %arg5[%dma_start3A_226, %dma_start3A_227] : memref<12544x128xf32, #tpu.memory_space<vmem_shared>> -> memref<12544x128xf32, #tpu.memory_space<vmem_shared>>
    tpu.enqueue_indirect_dma source(%arg9 : memref<32x128xf32, #tpu.memory_space<vmem>>) target(%dma_start3A_228 : memref<12544x128xf32, #tpu.memory_space<vmem_shared>>) offsets(%arg8 : memref<32xi32, #tpu.memory_space<vmem>>) semaphore(%arg15 : memref<!tpu.dma_semaphore, #tpu.memory_space<semaphore_mem>>) {add = true}
    %dma_wait3A_229 = arith.constant 0 : i32
    %dma_wait3A_230 = arith.constant 0 : i32
    %dma_wait3A_231 = tpu.memref_slice %arg5[%dma_wait3A_229, %dma_wait3A_230] : memref<12544x128xf32, #tpu.memory_space<vmem_shared>> -> memref<12544x128xf32, #tpu.memory_space<vmem_shared>>
    tpu.wait_indirect_dma semaphore(%arg15 : memref<!tpu.dma_semaphore, #tpu.memory_space<semaphore_mem>>) src(%arg9 : memref<32x128xf32, #tpu.memory_space<vmem>>) dst(%dma_wait3A_231 : memref<12544x128xf32, #tpu.memory_space<vmem_shared>>)
    %dma_wait3A_232 = arith.constant 0 : i32
    %dma_wait3A_233 = tpu.memref_slice %arg3[%dma_wait3A_232] : memref<800000xi32, #tpu.memory_space<hbm>> -> memref<32xi32, #tpu.memory_space<hbm>>
    %dma_wait3A_234 = arith.constant 0 : i32
    %dma_wait3A_235 = tpu.memref_slice %arg3[%dma_wait3A_234] : memref<800000xi32, #tpu.memory_space<hbm>> -> memref<32xi32, #tpu.memory_space<hbm>>
    tpu.wait_dma2 semaphore(%arg16 : memref<!tpu.dma_semaphore, #tpu.memory_space<semaphore_mem>>) src(%dma_wait3A_235 : memref<32xi32, #tpu.memory_space<hbm>>) dst(%arg10 : memref<32xi32, #tpu.memory_space<vmem>>)
    %dma_wait3A_236 = arith.constant 0 : i32
    %dma_wait3A_237 = arith.constant 0 : i32
    %dma_wait3A_238 = tpu.memref_slice %arg2[%dma_wait3A_236, %dma_wait3A_237] : memref<800000x128xf32, #tpu.memory_space<hbm>> -> memref<32x128xf32, #tpu.memory_space<hbm>>
    %dma_wait3A_239 = arith.constant 0 : i32
    %dma_wait3A_240 = arith.constant 0 : i32
    %dma_wait3A_241 = tpu.memref_slice %arg2[%dma_wait3A_239, %dma_wait3A_240] : memref<800000x128xf32, #tpu.memory_space<hbm>> -> memref<32x128xf32, #tpu.memory_space<hbm>>
    tpu.wait_dma2 semaphore(%arg16 : memref<!tpu.dma_semaphore, #tpu.memory_space<semaphore_mem>>) src(%dma_wait3A_241 : memref<32x128xf32, #tpu.memory_space<hbm>>) dst(%arg11 : memref<32x128xf32, #tpu.memory_space<vmem>>)
    %gt3A_242 = arith.constant 1562 : i32
    %gt3A_243 = arith.cmpi sgt, %min3A_4, %gt3A_242 : i32
    %jit3A_244 = arith.constant 0 : i32
    %jit3A_245 = arith.constant 100000 : i32
    %select_n3A_246 = arith.select %gt3A_243, %jit3A_244, %jit3A_245 : i32
    %get3A_247 = arith.constant 0 : index
    %get3A_248 = tpu.vector_load %arg10[%get3A_247] {strides = array<i32>} : memref<32xi32, #tpu.memory_space<vmem>>, vector<16xi32>,
    %get3A_249 = vector.shape_cast %get3A_248 : vector<16xi32> to vector<16xi32>
    %sub3A_250 = vector.broadcast %mul3A_0 : i32 to vector<16xi32>
    %sub3A_251 = arith.subi %get3A_249, %sub3A_250 : vector<16xi32>
    %sub3A_252 = vector.broadcast %select_n3A_246 : i32 to vector<16xi32>
    %sub3A_253 = arith.subi %sub3A_251, %sub3A_252 : vector<16xi32>
    %ge3A_254 = arith.constant 0 : i32
    %ge3A_255 = vector.broadcast %ge3A_254 : i32 to vector<16xi32>
    %ge3A_256 = arith.cmpi sge, %sub3A_253, %ge3A_255 : vector<16xi32>
    %lt3A_257 = arith.constant 25000 : i32
    %lt3A_258 = vector.broadcast %lt3A_257 : i32 to vector<16xi32>
    %lt3A_259 = arith.cmpi slt, %sub3A_253, %lt3A_258 : vector<16xi32>
    %and3A_260 = arith.andi %ge3A_256, %lt3A_259 : vector<16xi1>
    %shift_right_arithmetic3A_261 = arith.constant 1 : i32
    %shift_right_arithmetic3A_262 = vector.broadcast %shift_right_arithmetic3A_261 : i32 to vector<16xi32>
    %shift_right_arithmetic3A_263 = arith.shrsi %sub3A_253, %shift_right_arithmetic3A_262 : vector<16xi32>
    %jit3A_264 = arith.constant 12536 : i32
    %broadcast_in_dim3A_265 = vector.broadcast %jit3A_264 : i32 to vector<16xi32>
    %select_n3A_266 = arith.select %and3A_260, %shift_right_arithmetic3A_263, %broadcast_in_dim3A_265 : vector<16xi1>, vector<16xi32>
    %swap3A_267 = arith.constant 0 : index
    %swap3A_268 = tpu.vector_load %arg10[%swap3A_267] {strides = array<i32>} : memref<32xi32, #tpu.memory_space<vmem>>, vector<16xi32>,
    %swap3A_269 = vector.shape_cast %swap3A_268 : vector<16xi32> to vector<16xi32>
    %swap3A_270 = vector.shape_cast %select_n3A_266 : vector<16xi32> to vector<16xi32>
    tpu.vector_store %arg10[%swap3A_267], %swap3A_270 {strides = array<i32>} : memref<32xi32, #tpu.memory_space<vmem>>, vector<16xi32>,
    %get3A_271 = arith.constant 16 : index
    %get3A_272 = tpu.vector_load %arg10[%get3A_271] {strides = array<i32>} : memref<32xi32, #tpu.memory_space<vmem>>, vector<16xi32>,
    %get3A_273 = vector.shape_cast %get3A_272 : vector<16xi32> to vector<16xi32>
    %sub3A_274 = vector.broadcast %mul3A_0 : i32 to vector<16xi32>
    %sub3A_275 = arith.subi %get3A_273, %sub3A_274 : vector<16xi32>
    %sub3A_276 = vector.broadcast %select_n3A_246 : i32 to vector<16xi32>
    %sub3A_277 = arith.subi %sub3A_275, %sub3A_276 : vector<16xi32>
    %ge3A_278 = arith.constant 0 : i32
    %ge3A_279 = vector.broadcast %ge3A_278 : i32 to vector<16xi32>
    %ge3A_280 = arith.cmpi sge, %sub3A_277, %ge3A_279 : vector<16xi32>
    %lt3A_281 = arith.constant 25000 : i32
    %lt3A_282 = vector.broadcast %lt3A_281 : i32 to vector<16xi32>
    %lt3A_283 = arith.cmpi slt, %sub3A_277, %lt3A_282 : vector<16xi32>
    %and3A_284 = arith.andi %ge3A_280, %lt3A_283 : vector<16xi1>
    %shift_right_arithmetic3A_285 = arith.constant 1 : i32
    %shift_right_arithmetic3A_286 = vector.broadcast %shift_right_arithmetic3A_285 : i32 to vector<16xi32>
    %shift_right_arithmetic3A_287 = arith.shrsi %sub3A_277, %shift_right_arithmetic3A_286 : vector<16xi32>
    %jit3A_288 = arith.constant 12536 : i32
    %broadcast_in_dim3A_289 = vector.broadcast %jit3A_288 : i32 to vector<16xi32>
    %select_n3A_290 = arith.select %and3A_284, %shift_right_arithmetic3A_287, %broadcast_in_dim3A_289 : vector<16xi1>, vector<16xi32>
    %swap3A_291 = arith.constant 16 : index
    %swap3A_292 = tpu.vector_load %arg10[%swap3A_291] {strides = array<i32>} : memref<32xi32, #tpu.memory_space<vmem>>, vector<16xi32>,
    %swap3A_293 = vector.shape_cast %swap3A_292 : vector<16xi32> to vector<16xi32>
    %swap3A_294 = vector.shape_cast %select_n3A_290 : vector<16xi32> to vector<16xi32>
    tpu.vector_store %arg10[%swap3A_291], %swap3A_294 {strides = array<i32>} : memref<32xi32, #tpu.memory_space<vmem>>, vector<16xi32>,
    %dma_start3A_295 = arith.constant 0 : i32
    %dma_start3A_296 = arith.constant 0 : i32
    %dma_start3A_297 = tpu.memref_slice %arg5[%dma_start3A_295, %dma_start3A_296] : memref<12544x128xf32, #tpu.memory_space<vmem_shared>> -> memref<12544x128xf32, #tpu.memory_space<vmem_shared>>
    tpu.enqueue_indirect_dma source(%arg11 : memref<32x128xf32, #tpu.memory_space<vmem>>) target(%dma_start3A_297 : memref<12544x128xf32, #tpu.memory_space<vmem_shared>>) offsets(%arg10 : memref<32xi32, #tpu.memory_space<vmem>>) semaphore(%arg17 : memref<!tpu.dma_semaphore, #tpu.memory_space<semaphore_mem>>) {add = true}
    %dma_wait3A_298 = arith.constant 0 : i32
    %dma_wait3A_299 = arith.constant 0 : i32
    %dma_wait3A_300 = tpu.memref_slice %arg5[%dma_wait3A_298, %dma_wait3A_299] : memref<12544x128xf32, #tpu.memory_space<vmem_shared>> -> memref<12544x128xf32, #tpu.memory_space<vmem_shared>>
    tpu.wait_indirect_dma semaphore(%arg17 : memref<!tpu.dma_semaphore, #tpu.memory_space<semaphore_mem>>) src(%arg11 : memref<32x128xf32, #tpu.memory_space<vmem>>) dst(%dma_wait3A_300 : memref<12544x128xf32, #tpu.memory_space<vmem_shared>>)
    %barrier3A_301 = arith.constant 0 : index
    tpu.barrier barrier_id(%barrier3A_301)
    %add3A_302 = arith.constant 0 : i32
    %add3A_303 = arith.addi %mul3A_11, %add3A_302 : i32
    "tpu.region"() ({
      %run_scoped3A = tpu.sem_alloc : memref<!tpu.dma_semaphore, #tpu.memory_space<semaphore_mem>>
      %dma_start3A_402 = arith.constant 0 : i32
      %dma_start3A_403 = tpu.memref_slice %arg5[%add3A_303, %dma_start3A_402] : memref<12544x128xf32, #tpu.memory_space<vmem_shared>> -> memref<32x128xf32, #tpu.memory_space<vmem_shared>>
      %dma_start3A_404 = arith.constant 0 : i32
      %dma_start3A_405 = tpu.memref_slice %arg5[%add3A_303, %dma_start3A_404] : memref<12544x128xf32, #tpu.memory_space<vmem_shared>> -> memref<32x128xf32, #tpu.memory_space<vmem_shared>>
      tpu.enqueue_dma source(%dma_start3A_405 : memref<32x128xf32, #tpu.memory_space<vmem_shared>>) target(%arg7 : memref<32x128xf32, #tpu.memory_space<vmem>>) target_semaphore(%run_scoped3A : memref<!tpu.dma_semaphore, #tpu.memory_space<semaphore_mem>>)
      %dma_wait3A_406 = arith.constant 0 : i32
      %dma_wait3A_407 = tpu.memref_slice %arg5[%add3A_303, %dma_wait3A_406] : memref<12544x128xf32, #tpu.memory_space<vmem_shared>> -> memref<32x128xf32, #tpu.memory_space<vmem_shared>>
      %dma_wait3A_408 = arith.constant 0 : i32
      %dma_wait3A_409 = tpu.memref_slice %arg5[%add3A_303, %dma_wait3A_408] : memref<12544x128xf32, #tpu.memory_space<vmem_shared>> -> memref<32x128xf32, #tpu.memory_space<vmem_shared>>
      tpu.wait_dma2 semaphore(%run_scoped3A : memref<!tpu.dma_semaphore, #tpu.memory_space<semaphore_mem>>) src(%dma_wait3A_409 : memref<32x128xf32, #tpu.memory_space<vmem_shared>>) dst(%arg7 : memref<32x128xf32, #tpu.memory_space<vmem>>)
      tpu.yield
    }) : () -> ()
    %add3A_304 = arith.constant 0 : i32
    %add3A_305 = arith.addi %mul3A_11, %add3A_304 : i32
    "tpu.region"() ({
      %run_scoped3A = tpu.sem_alloc : memref<!tpu.dma_semaphore, #tpu.memory_space<semaphore_mem>>
      %dma_start3A_402 = arith.constant 0 : i32
      %dma_start3A_403 = tpu.memref_slice %arg4[%arg0, %add3A_305, %dma_start3A_402] : memref<2x12544x128xf32, #tpu.memory_space<hbm>> -> memref<1x32x128xf32, #tpu.memory_space<hbm>>
      %dma_start3A_404 = tpu.memref_squeeze %dma_start3A_403 : memref<1x32x128xf32, #tpu.memory_space<hbm>> -> memref<32x128xf32, #tpu.memory_space<hbm>>
      %dma_start3A_405 = arith.constant 0 : i32
      %dma_start3A_406 = tpu.memref_slice %arg4[%arg0, %add3A_305, %dma_start3A_405] : memref<2x12544x128xf32, #tpu.memory_space<hbm>> -> memref<1x32x128xf32, #tpu.memory_space<hbm>>
      %dma_start3A_407 = tpu.memref_squeeze %dma_start3A_406 : memref<1x32x128xf32, #tpu.memory_space<hbm>> -> memref<32x128xf32, #tpu.memory_space<hbm>>
      tpu.enqueue_dma source(%arg7 : memref<32x128xf32, #tpu.memory_space<vmem>>) target(%dma_start3A_407 : memref<32x128xf32, #tpu.memory_space<hbm>>) target_semaphore(%run_scoped3A : memref<!tpu.dma_semaphore, #tpu.memory_space<semaphore_mem>>)
      %dma_wait3A_408 = arith.constant 0 : i32
      %dma_wait3A_409 = tpu.memref_slice %arg4[%arg0, %add3A_305, %dma_wait3A_408] : memref<2x12544x128xf32, #tpu.memory_space<hbm>> -> memref<1x32x128xf32, #tpu.memory_space<hbm>>
      %dma_wait3A_410 = tpu.memref_squeeze %dma_wait3A_409 : memref<1x32x128xf32, #tpu.memory_space<hbm>> -> memref<32x128xf32, #tpu.memory_space<hbm>>
      %dma_wait3A_411 = arith.constant 0 : i32
      %dma_wait3A_412 = tpu.memref_slice %arg4[%arg0, %add3A_305, %dma_wait3A_411] : memref<2x12544x128xf32, #tpu.memory_space<hbm>> -> memref<1x32x128xf32, #tpu.memory_space<hbm>>
      %dma_wait3A_413 = tpu.memref_squeeze %dma_wait3A_412 : memref<1x32x128xf32, #tpu.memory_space<hbm>> -> memref<32x128xf32, #tpu.memory_space<hbm>>
      tpu.wait_dma2 semaphore(%run_scoped3A : memref<!tpu.dma_semaphore, #tpu.memory_space<semaphore_mem>>) src(%arg7 : memref<32x128xf32, #tpu.memory_space<vmem>>) dst(%dma_wait3A_413 : memref<32x128xf32, #tpu.memory_space<hbm>>)
      tpu.yield
    }) : () -> ()
    %add3A_306 = arith.constant 32 : i32
    %add3A_307 = arith.addi %mul3A_11, %add3A_306 : i32
    "tpu.region"() ({
      %run_scoped3A = tpu.sem_alloc : memref<!tpu.dma_semaphore, #tpu.memory_space<semaphore_mem>>
      %dma_start3A_402 = arith.constant 0 : i32
      %dma_start3A_403 = tpu.memref_slice %arg5[%add3A_307, %dma_start3A_402] : memref<12544x128xf32, #tpu.memory_space<vmem_shared>> -> memref<32x128xf32, #tpu.memory_space<vmem_shared>>
      %dma_start3A_404 = arith.constant 0 : i32
      %dma_start3A_405 = tpu.memref_slice %arg5[%add3A_307, %dma_start3A_404] : memref<12544x128xf32, #tpu.memory_space<vmem_shared>> -> memref<32x128xf32, #tpu.memory_space<vmem_shared>>
      tpu.enqueue_dma source(%dma_start3A_405 : memref<32x128xf32, #tpu.memory_space<vmem_shared>>) target(%arg7 : memref<32x128xf32, #tpu.memory_space<vmem>>) target_semaphore(%run_scoped3A : memref<!tpu.dma_semaphore, #tpu.memory_space<semaphore_mem>>)
      %dma_wait3A_406 = arith.constant 0 : i32
      %dma_wait3A_407 = tpu.memref_slice %arg5[%add3A_307, %dma_wait3A_406] : memref<12544x128xf32, #tpu.memory_space<vmem_shared>> -> memref<32x128xf32, #tpu.memory_space<vmem_shared>>
      %dma_wait3A_408 = arith.constant 0 : i32
      %dma_wait3A_409 = tpu.memref_slice %arg5[%add3A_307, %dma_wait3A_408] : memref<12544x128xf32, #tpu.memory_space<vmem_shared>> -> memref<32x128xf32, #tpu.memory_space<vmem_shared>>
      tpu.wait_dma2 semaphore(%run_scoped3A : memref<!tpu.dma_semaphore, #tpu.memory_space<semaphore_mem>>) src(%dma_wait3A_409 : memref<32x128xf32, #tpu.memory_space<vmem_shared>>) dst(%arg7 : memref<32x128xf32, #tpu.memory_space<vmem>>)
      tpu.yield
    }) : () -> ()
    %add3A_308 = arith.constant 32 : i32
    %add3A_309 = arith.addi %mul3A_11, %add3A_308 : i32
    "tpu.region"() ({
      %run_scoped3A = tpu.sem_alloc : memref<!tpu.dma_semaphore, #tpu.memory_space<semaphore_mem>>
      %dma_start3A_402 = arith.constant 0 : i32
      %dma_start3A_403 = tpu.memref_slice %arg4[%arg0, %add3A_309, %dma_start3A_402] : memref<2x12544x128xf32, #tpu.memory_space<hbm>> -> memref<1x32x128xf32, #tpu.memory_space<hbm>>
      %dma_start3A_404 = tpu.memref_squeeze %dma_start3A_403 : memref<1x32x128xf32, #tpu.memory_space<hbm>> -> memref<32x128xf32, #tpu.memory_space<hbm>>
      %dma_start3A_405 = arith.constant 0 : i32
      %dma_start3A_406 = tpu.memref_slice %arg4[%arg0, %add3A_309, %dma_start3A_405] : memref<2x12544x128xf32, #tpu.memory_space<hbm>> -> memref<1x32x128xf32, #tpu.memory_space<hbm>>
      %dma_start3A_407 = tpu.memref_squeeze %dma_start3A_406 : memref<1x32x128xf32, #tpu.memory_space<hbm>> -> memref<32x128xf32, #tpu.memory_space<hbm>>
      tpu.enqueue_dma source(%arg7 : memref<32x128xf32, #tpu.memory_space<vmem>>) target(%dma_start3A_407 : memref<32x128xf32, #tpu.memory_space<hbm>>) target_semaphore(%run_scoped3A : memref<!tpu.dma_semaphore, #tpu.memory_space<semaphore_mem>>)
      %dma_wait3A_408 = arith.constant 0 : i32
      %dma_wait3A_409 = tpu.memref_slice %arg4[%arg0, %add3A_309, %dma_wait3A_408] : memref<2x12544x128xf32, #tpu.memory_space<hbm>> -> memref<1x32x128xf32, #tpu.memory_space<hbm>>
      %dma_wait3A_410 = tpu.memref_squeeze %dma_wait3A_409 : memref<1x32x128xf32, #tpu.memory_space<hbm>> -> memref<32x128xf32, #tpu.memory_space<hbm>>
      %dma_wait3A_411 = arith.constant 0 : i32
      %dma_wait3A_412 = tpu.memref_slice %arg4[%arg0, %add3A_309, %dma_wait3A_411] : memref<2x12544x128xf32, #tpu.memory_space<hbm>> -> memref<1x32x128xf32, #tpu.memory_space<hbm>>
      %dma_wait3A_413 = tpu.memref_squeeze %dma_wait3A_412 : memref<1x32x128xf32, #tpu.memory_space<hbm>> -> memref<32x128xf32, #tpu.memory_space<hbm>>
      tpu.wait_dma2 semaphore(%run_scoped3A : memref<!tpu.dma_semaphore, #tpu.memory_space<semaphore_mem>>) src(%arg7 : memref<32x128xf32, #tpu.memory_space<vmem>>) dst(%dma_wait3A_413 : memref<32x128xf32, #tpu.memory_space<hbm>>)
      tpu.yield
    }) : () -> ()
    %add3A_310 = arith.constant 64 : i32
    %add3A_311 = arith.addi %mul3A_11, %add3A_310 : i32
    "tpu.region"() ({
      %run_scoped3A = tpu.sem_alloc : memref<!tpu.dma_semaphore, #tpu.memory_space<semaphore_mem>>
      %dma_start3A_402 = arith.constant 0 : i32
      %dma_start3A_403 = tpu.memref_slice %arg5[%add3A_311, %dma_start3A_402] : memref<12544x128xf32, #tpu.memory_space<vmem_shared>> -> memref<32x128xf32, #tpu.memory_space<vmem_shared>>
      %dma_start3A_404 = arith.constant 0 : i32
      %dma_start3A_405 = tpu.memref_slice %arg5[%add3A_311, %dma_start3A_404] : memref<12544x128xf32, #tpu.memory_space<vmem_shared>> -> memref<32x128xf32, #tpu.memory_space<vmem_shared>>
      tpu.enqueue_dma source(%dma_start3A_405 : memref<32x128xf32, #tpu.memory_space<vmem_shared>>) target(%arg7 : memref<32x128xf32, #tpu.memory_space<vmem>>) target_semaphore(%run_scoped3A : memref<!tpu.dma_semaphore, #tpu.memory_space<semaphore_mem>>)
      %dma_wait3A_406 = arith.constant 0 : i32
      %dma_wait3A_407 = tpu.memref_slice %arg5[%add3A_311, %dma_wait3A_406] : memref<12544x128xf32, #tpu.memory_space<vmem_shared>> -> memref<32x128xf32, #tpu.memory_space<vmem_shared>>
      %dma_wait3A_408 = arith.constant 0 : i32
      %dma_wait3A_409 = tpu.memref_slice %arg5[%add3A_311, %dma_wait3A_408] : memref<12544x128xf32, #tpu.memory_space<vmem_shared>> -> memref<32x128xf32, #tpu.memory_space<vmem_shared>>
      tpu.wait_dma2 semaphore(%run_scoped3A : memref<!tpu.dma_semaphore, #tpu.memory_space<semaphore_mem>>) src(%dma_wait3A_409 : memref<32x128xf32, #tpu.memory_space<vmem_shared>>) dst(%arg7 : memref<32x128xf32, #tpu.memory_space<vmem>>)
      tpu.yield
    }) : () -> ()
    %add3A_312 = arith.constant 64 : i32
    %add3A_313 = arith.addi %mul3A_11, %add3A_312 : i32
    "tpu.region"() ({
      %run_scoped3A = tpu.sem_alloc : memref<!tpu.dma_semaphore, #tpu.memory_space<semaphore_mem>>
      %dma_start3A_402 = arith.constant 0 : i32
      %dma_start3A_403 = tpu.memref_slice %arg4[%arg0, %add3A_313, %dma_start3A_402] : memref<2x12544x128xf32, #tpu.memory_space<hbm>> -> memref<1x32x128xf32, #tpu.memory_space<hbm>>
      %dma_start3A_404 = tpu.memref_squeeze %dma_start3A_403 : memref<1x32x128xf32, #tpu.memory_space<hbm>> -> memref<32x128xf32, #tpu.memory_space<hbm>>
      %dma_start3A_405 = arith.constant 0 : i32
      %dma_start3A_406 = tpu.memref_slice %arg4[%arg0, %add3A_313, %dma_start3A_405] : memref<2x12544x128xf32, #tpu.memory_space<hbm>> -> memref<1x32x128xf32, #tpu.memory_space<hbm>>
      %dma_start3A_407 = tpu.memref_squeeze %dma_start3A_406 : memref<1x32x128xf32, #tpu.memory_space<hbm>> -> memref<32x128xf32, #tpu.memory_space<hbm>>
      tpu.enqueue_dma source(%arg7 : memref<32x128xf32, #tpu.memory_space<vmem>>) target(%dma_start3A_407 : memref<32x128xf32, #tpu.memory_space<hbm>>) target_semaphore(%run_scoped3A : memref<!tpu.dma_semaphore, #tpu.memory_space<semaphore_mem>>)
      %dma_wait3A_408 = arith.constant 0 : i32
      %dma_wait3A_409 = tpu.memref_slice %arg4[%arg0, %add3A_313, %dma_wait3A_408] : memref<2x12544x128xf32, #tpu.memory_space<hbm>> -> memref<1x32x128xf32, #tpu.memory_space<hbm>>
      %dma_wait3A_410 = tpu.memref_squeeze %dma_wait3A_409 : memref<1x32x128xf32, #tpu.memory_space<hbm>> -> memref<32x128xf32, #tpu.memory_space<hbm>>
      %dma_wait3A_411 = arith.constant 0 : i32
      %dma_wait3A_412 = tpu.memref_slice %arg4[%arg0, %add3A_313, %dma_wait3A_411] : memref<2x12544x128xf32, #tpu.memory_space<hbm>> -> memref<1x32x128xf32, #tpu.memory_space<hbm>>
      %dma_wait3A_413 = tpu.memref_squeeze %dma_wait3A_412 : memref<1x32x128xf32, #tpu.memory_space<hbm>> -> memref<32x128xf32, #tpu.memory_space<hbm>>
      tpu.wait_dma2 semaphore(%run_scoped3A : memref<!tpu.dma_semaphore, #tpu.memory_space<semaphore_mem>>) src(%arg7 : memref<32x128xf32, #tpu.memory_space<vmem>>) dst(%dma_wait3A_413 : memref<32x128xf32, #tpu.memory_space<hbm>>)
      tpu.yield
    }) : () -> ()
    %add3A_314 = arith.constant 96 : i32
    %add3A_315 = arith.addi %mul3A_11, %add3A_314 : i32
    "tpu.region"() ({
      %run_scoped3A = tpu.sem_alloc : memref<!tpu.dma_semaphore, #tpu.memory_space<semaphore_mem>>
      %dma_start3A_402 = arith.constant 0 : i32
      %dma_start3A_403 = tpu.memref_slice %arg5[%add3A_315, %dma_start3A_402] : memref<12544x128xf32, #tpu.memory_space<vmem_shared>> -> memref<32x128xf32, #tpu.memory_space<vmem_shared>>
      %dma_start3A_404 = arith.constant 0 : i32
      %dma_start3A_405 = tpu.memref_slice %arg5[%add3A_315, %dma_start3A_404] : memref<12544x128xf32, #tpu.memory_space<vmem_shared>> -> memref<32x128xf32, #tpu.memory_space<vmem_shared>>
      tpu.enqueue_dma source(%dma_start3A_405 : memref<32x128xf32, #tpu.memory_space<vmem_shared>>) target(%arg7 : memref<32x128xf32, #tpu.memory_space<vmem>>) target_semaphore(%run_scoped3A : memref<!tpu.dma_semaphore, #tpu.memory_space<semaphore_mem>>)
      %dma_wait3A_406 = arith.constant 0 : i32
      %dma_wait3A_407 = tpu.memref_slice %arg5[%add3A_315, %dma_wait3A_406] : memref<12544x128xf32, #tpu.memory_space<vmem_shared>> -> memref<32x128xf32, #tpu.memory_space<vmem_shared>>
      %dma_wait3A_408 = arith.constant 0 : i32
      %dma_wait3A_409 = tpu.memref_slice %arg5[%add3A_315, %dma_wait3A_408] : memref<12544x128xf32, #tpu.memory_space<vmem_shared>> -> memref<32x128xf32, #tpu.memory_space<vmem_shared>>
      tpu.wait_dma2 semaphore(%run_scoped3A : memref<!tpu.dma_semaphore, #tpu.memory_space<semaphore_mem>>) src(%dma_wait3A_409 : memref<32x128xf32, #tpu.memory_space<vmem_shared>>) dst(%arg7 : memref<32x128xf32, #tpu.memory_space<vmem>>)
      tpu.yield
    }) : () -> ()
    %add3A_316 = arith.constant 96 : i32
    %add3A_317 = arith.addi %mul3A_11, %add3A_316 : i32
    "tpu.region"() ({
      %run_scoped3A = tpu.sem_alloc : memref<!tpu.dma_semaphore, #tpu.memory_space<semaphore_mem>>
      %dma_start3A_402 = arith.constant 0 : i32
      %dma_start3A_403 = tpu.memref_slice %arg4[%arg0, %add3A_317, %dma_start3A_402] : memref<2x12544x128xf32, #tpu.memory_space<hbm>> -> memref<1x32x128xf32, #tpu.memory_space<hbm>>
      %dma_start3A_404 = tpu.memref_squeeze %dma_start3A_403 : memref<1x32x128xf32, #tpu.memory_space<hbm>> -> memref<32x128xf32, #tpu.memory_space<hbm>>
      %dma_start3A_405 = arith.constant 0 : i32
      %dma_start3A_406 = tpu.memref_slice %arg4[%arg0, %add3A_317, %dma_start3A_405] : memref<2x12544x128xf32, #tpu.memory_space<hbm>> -> memref<1x32x128xf32, #tpu.memory_space<hbm>>
      %dma_start3A_407 = tpu.memref_squeeze %dma_start3A_406 : memref<1x32x128xf32, #tpu.memory_space<hbm>> -> memref<32x128xf32, #tpu.memory_space<hbm>>
      tpu.enqueue_dma source(%arg7 : memref<32x128xf32, #tpu.memory_space<vmem>>) target(%dma_start3A_407 : memref<32x128xf32, #tpu.memory_space<hbm>>) target_semaphore(%run_scoped3A : memref<!tpu.dma_semaphore, #tpu.memory_space<semaphore_mem>>)
      %dma_wait3A_408 = arith.constant 0 : i32
      %dma_wait3A_409 = tpu.memref_slice %arg4[%arg0, %add3A_317, %dma_wait3A_408] : memref<2x12544x128xf32, #tpu.memory_space<hbm>> -> memref<1x32x128xf32, #tpu.memory_space<hbm>>
      %dma_wait3A_410 = tpu.memref_squeeze %dma_wait3A_409 : memref<1x32x128xf32, #tpu.memory_space<hbm>> -> memref<32x128xf32, #tpu.memory_space<hbm>>
      %dma_wait3A_411 = arith.constant 0 : i32
      %dma_wait3A_412 = tpu.memref_slice %arg4[%arg0, %add3A_317, %dma_wait3A_411] : memref<2x12544x128xf32, #tpu.memory_space<hbm>> -> memref<1x32x128xf32, #tpu.memory_space<hbm>>
      %dma_wait3A_413 = tpu.memref_squeeze %dma_wait3A_412 : memref<1x32x128xf32, #tpu.memory_space<hbm>> -> memref<32x128xf32, #tpu.memory_space<hbm>>
      tpu.wait_dma2 semaphore(%run_scoped3A : memref<!tpu.dma_semaphore, #tpu.memory_space<semaphore_mem>>) src(%arg7 : memref<32x128xf32, #tpu.memory_space<vmem>>) dst(%dma_wait3A_413 : memref<32x128xf32, #tpu.memory_space<hbm>>)
      tpu.yield
    }) : () -> ()
    %add3A_318 = arith.constant 128 : i32
    %add3A_319 = arith.addi %mul3A_11, %add3A_318 : i32
    "tpu.region"() ({
      %run_scoped3A = tpu.sem_alloc : memref<!tpu.dma_semaphore, #tpu.memory_space<semaphore_mem>>
      %dma_start3A_402 = arith.constant 0 : i32
      %dma_start3A_403 = tpu.memref_slice %arg5[%add3A_319, %dma_start3A_402] : memref<12544x128xf32, #tpu.memory_space<vmem_shared>> -> memref<32x128xf32, #tpu.memory_space<vmem_shared>>
      %dma_start3A_404 = arith.constant 0 : i32
      %dma_start3A_405 = tpu.memref_slice %arg5[%add3A_319, %dma_start3A_404] : memref<12544x128xf32, #tpu.memory_space<vmem_shared>> -> memref<32x128xf32, #tpu.memory_space<vmem_shared>>
      tpu.enqueue_dma source(%dma_start3A_405 : memref<32x128xf32, #tpu.memory_space<vmem_shared>>) target(%arg7 : memref<32x128xf32, #tpu.memory_space<vmem>>) target_semaphore(%run_scoped3A : memref<!tpu.dma_semaphore, #tpu.memory_space<semaphore_mem>>)
      %dma_wait3A_406 = arith.constant 0 : i32
      %dma_wait3A_407 = tpu.memref_slice %arg5[%add3A_319, %dma_wait3A_406] : memref<12544x128xf32, #tpu.memory_space<vmem_shared>> -> memref<32x128xf32, #tpu.memory_space<vmem_shared>>
      %dma_wait3A_408 = arith.constant 0 : i32
      %dma_wait3A_409 = tpu.memref_slice %arg5[%add3A_319, %dma_wait3A_408] : memref<12544x128xf32, #tpu.memory_space<vmem_shared>> -> memref<32x128xf32, #tpu.memory_space<vmem_shared>>
      tpu.wait_dma2 semaphore(%run_scoped3A : memref<!tpu.dma_semaphore, #tpu.memory_space<semaphore_mem>>) src(%dma_wait3A_409 : memref<32x128xf32, #tpu.memory_space<vmem_shared>>) dst(%arg7 : memref<32x128xf32, #tpu.memory_space<vmem>>)
      tpu.yield
    }) : () -> ()
    %add3A_320 = arith.constant 128 : i32
    %add3A_321 = arith.addi %mul3A_11, %add3A_320 : i32
    "tpu.region"() ({
      %run_scoped3A = tpu.sem_alloc : memref<!tpu.dma_semaphore, #tpu.memory_space<semaphore_mem>>
      %dma_start3A_402 = arith.constant 0 : i32
      %dma_start3A_403 = tpu.memref_slice %arg4[%arg0, %add3A_321, %dma_start3A_402] : memref<2x12544x128xf32, #tpu.memory_space<hbm>> -> memref<1x32x128xf32, #tpu.memory_space<hbm>>
      %dma_start3A_404 = tpu.memref_squeeze %dma_start3A_403 : memref<1x32x128xf32, #tpu.memory_space<hbm>> -> memref<32x128xf32, #tpu.memory_space<hbm>>
      %dma_start3A_405 = arith.constant 0 : i32
      %dma_start3A_406 = tpu.memref_slice %arg4[%arg0, %add3A_321, %dma_start3A_405] : memref<2x12544x128xf32, #tpu.memory_space<hbm>> -> memref<1x32x128xf32, #tpu.memory_space<hbm>>
      %dma_start3A_407 = tpu.memref_squeeze %dma_start3A_406 : memref<1x32x128xf32, #tpu.memory_space<hbm>> -> memref<32x128xf32, #tpu.memory_space<hbm>>
      tpu.enqueue_dma source(%arg7 : memref<32x128xf32, #tpu.memory_space<vmem>>) target(%dma_start3A_407 : memref<32x128xf32, #tpu.memory_space<hbm>>) target_semaphore(%run_scoped3A : memref<!tpu.dma_semaphore, #tpu.memory_space<semaphore_mem>>)
      %dma_wait3A_408 = arith.constant 0 : i32
      %dma_wait3A_409 = tpu.memref_slice %arg4[%arg0, %add3A_321, %dma_wait3A_408] : memref<2x12544x128xf32, #tpu.memory_space<hbm>> -> memref<1x32x128xf32, #tpu.memory_space<hbm>>
      %dma_wait3A_410 = tpu.memref_squeeze %dma_wait3A_409 : memref<1x32x128xf32, #tpu.memory_space<hbm>> -> memref<32x128xf32, #tpu.memory_space<hbm>>
      %dma_wait3A_411 = arith.constant 0 : i32
      %dma_wait3A_412 = tpu.memref_slice %arg4[%arg0, %add3A_321, %dma_wait3A_411] : memref<2x12544x128xf32, #tpu.memory_space<hbm>> -> memref<1x32x128xf32, #tpu.memory_space<hbm>>
      %dma_wait3A_413 = tpu.memref_squeeze %dma_wait3A_412 : memref<1x32x128xf32, #tpu.memory_space<hbm>> -> memref<32x128xf32, #tpu.memory_space<hbm>>
      tpu.wait_dma2 semaphore(%run_scoped3A : memref<!tpu.dma_semaphore, #tpu.memory_space<semaphore_mem>>) src(%arg7 : memref<32x128xf32, #tpu.memory_space<vmem>>) dst(%dma_wait3A_413 : memref<32x128xf32, #tpu.memory_space<hbm>>)
      tpu.yield
    }) : () -> ()
    %add3A_322 = arith.constant 160 : i32
    %add3A_323 = arith.addi %mul3A_11, %add3A_322 : i32
    "tpu.region"() ({
      %run_scoped3A = tpu.sem_alloc : memref<!tpu.dma_semaphore, #tpu.memory_space<semaphore_mem>>
      %dma_start3A_402 = arith.constant 0 : i32
      %dma_start3A_403 = tpu.memref_slice %arg5[%add3A_323, %dma_start3A_402] : memref<12544x128xf32, #tpu.memory_space<vmem_shared>> -> memref<32x128xf32, #tpu.memory_space<vmem_shared>>
      %dma_start3A_404 = arith.constant 0 : i32
      %dma_start3A_405 = tpu.memref_slice %arg5[%add3A_323, %dma_start3A_404] : memref<12544x128xf32, #tpu.memory_space<vmem_shared>> -> memref<32x128xf32, #tpu.memory_space<vmem_shared>>
      tpu.enqueue_dma source(%dma_start3A_405 : memref<32x128xf32, #tpu.memory_space<vmem_shared>>) target(%arg7 : memref<32x128xf32, #tpu.memory_space<vmem>>) target_semaphore(%run_scoped3A : memref<!tpu.dma_semaphore, #tpu.memory_space<semaphore_mem>>)
      %dma_wait3A_406 = arith.constant 0 : i32
      %dma_wait3A_407 = tpu.memref_slice %arg5[%add3A_323, %dma_wait3A_406] : memref<12544x128xf32, #tpu.memory_space<vmem_shared>> -> memref<32x128xf32, #tpu.memory_space<vmem_shared>>
      %dma_wait3A_408 = arith.constant 0 : i32
      %dma_wait3A_409 = tpu.memref_slice %arg5[%add3A_323, %dma_wait3A_408] : memref<12544x128xf32, #tpu.memory_space<vmem_shared>> -> memref<32x128xf32, #tpu.memory_space<vmem_shared>>
      tpu.wait_dma2 semaphore(%run_scoped3A : memref<!tpu.dma_semaphore, #tpu.memory_space<semaphore_mem>>) src(%dma_wait3A_409 : memref<32x128xf32, #tpu.memory_space<vmem_shared>>) dst(%arg7 : memref<32x128xf32, #tpu.memory_space<vmem>>)
      tpu.yield
    }) : () -> ()
    %add3A_324 = arith.constant 160 : i32
    %add3A_325 = arith.addi %mul3A_11, %add3A_324 : i32
    "tpu.region"() ({
      %run_scoped3A = tpu.sem_alloc : memref<!tpu.dma_semaphore, #tpu.memory_space<semaphore_mem>>
      %dma_start3A_402 = arith.constant 0 : i32
      %dma_start3A_403 = tpu.memref_slice %arg4[%arg0, %add3A_325, %dma_start3A_402] : memref<2x12544x128xf32, #tpu.memory_space<hbm>> -> memref<1x32x128xf32, #tpu.memory_space<hbm>>
      %dma_start3A_404 = tpu.memref_squeeze %dma_start3A_403 : memref<1x32x128xf32, #tpu.memory_space<hbm>> -> memref<32x128xf32, #tpu.memory_space<hbm>>
      %dma_start3A_405 = arith.constant 0 : i32
      %dma_start3A_406 = tpu.memref_slice %arg4[%arg0, %add3A_325, %dma_start3A_405] : memref<2x12544x128xf32, #tpu.memory_space<hbm>> -> memref<1x32x128xf32, #tpu.memory_space<hbm>>
      %dma_start3A_407 = tpu.memref_squeeze %dma_start3A_406 : memref<1x32x128xf32, #tpu.memory_space<hbm>> -> memref<32x128xf32, #tpu.memory_space<hbm>>
      tpu.enqueue_dma source(%arg7 : memref<32x128xf32, #tpu.memory_space<vmem>>) target(%dma_start3A_407 : memref<32x128xf32, #tpu.memory_space<hbm>>) target_semaphore(%run_scoped3A : memref<!tpu.dma_semaphore, #tpu.memory_space<semaphore_mem>>)
      %dma_wait3A_408 = arith.constant 0 : i32
      %dma_wait3A_409 = tpu.memref_slice %arg4[%arg0, %add3A_325, %dma_wait3A_408] : memref<2x12544x128xf32, #tpu.memory_space<hbm>> -> memref<1x32x128xf32, #tpu.memory_space<hbm>>
      %dma_wait3A_410 = tpu.memref_squeeze %dma_wait3A_409 : memref<1x32x128xf32, #tpu.memory_space<hbm>> -> memref<32x128xf32, #tpu.memory_space<hbm>>
      %dma_wait3A_411 = arith.constant 0 : i32
      %dma_wait3A_412 = tpu.memref_slice %arg4[%arg0, %add3A_325, %dma_wait3A_411] : memref<2x12544x128xf32, #tpu.memory_space<hbm>> -> memref<1x32x128xf32, #tpu.memory_space<hbm>>
      %dma_wait3A_413 = tpu.memref_squeeze %dma_wait3A_412 : memref<1x32x128xf32, #tpu.memory_space<hbm>> -> memref<32x128xf32, #tpu.memory_space<hbm>>
      tpu.wait_dma2 semaphore(%run_scoped3A : memref<!tpu.dma_semaphore, #tpu.memory_space<semaphore_mem>>) src(%arg7 : memref<32x128xf32, #tpu.memory_space<vmem>>) dst(%dma_wait3A_413 : memref<32x128xf32, #tpu.memory_space<hbm>>)
      tpu.yield
    }) : () -> ()
    %add3A_326 = arith.constant 192 : i32
    %add3A_327 = arith.addi %mul3A_11, %add3A_326 : i32
    "tpu.region"() ({
      %run_scoped3A = tpu.sem_alloc : memref<!tpu.dma_semaphore, #tpu.memory_space<semaphore_mem>>
      %dma_start3A_402 = arith.constant 0 : i32
      %dma_start3A_403 = tpu.memref_slice %arg5[%add3A_327, %dma_start3A_402] : memref<12544x128xf32, #tpu.memory_space<vmem_shared>> -> memref<32x128xf32, #tpu.memory_space<vmem_shared>>
      %dma_start3A_404 = arith.constant 0 : i32
      %dma_start3A_405 = tpu.memref_slice %arg5[%add3A_327, %dma_start3A_404] : memref<12544x128xf32, #tpu.memory_space<vmem_shared>> -> memref<32x128xf32, #tpu.memory_space<vmem_shared>>
      tpu.enqueue_dma source(%dma_start3A_405 : memref<32x128xf32, #tpu.memory_space<vmem_shared>>) target(%arg7 : memref<32x128xf32, #tpu.memory_space<vmem>>) target_semaphore(%run_scoped3A : memref<!tpu.dma_semaphore, #tpu.memory_space<semaphore_mem>>)
      %dma_wait3A_406 = arith.constant 0 : i32
      %dma_wait3A_407 = tpu.memref_slice %arg5[%add3A_327, %dma_wait3A_406] : memref<12544x128xf32, #tpu.memory_space<vmem_shared>> -> memref<32x128xf32, #tpu.memory_space<vmem_shared>>
      %dma_wait3A_408 = arith.constant 0 : i32
      %dma_wait3A_409 = tpu.memref_slice %arg5[%add3A_327, %dma_wait3A_408] : memref<12544x128xf32, #tpu.memory_space<vmem_shared>> -> memref<32x128xf32, #tpu.memory_space<vmem_shared>>
      tpu.wait_dma2 semaphore(%run_scoped3A : memref<!tpu.dma_semaphore, #tpu.memory_space<semaphore_mem>>) src(%dma_wait3A_409 : memref<32x128xf32, #tpu.memory_space<vmem_shared>>) dst(%arg7 : memref<32x128xf32, #tpu.memory_space<vmem>>)
      tpu.yield
    }) : () -> ()
    %add3A_328 = arith.constant 192 : i32
    %add3A_329 = arith.addi %mul3A_11, %add3A_328 : i32
    "tpu.region"() ({
      %run_scoped3A = tpu.sem_alloc : memref<!tpu.dma_semaphore, #tpu.memory_space<semaphore_mem>>
      %dma_start3A_402 = arith.constant 0 : i32
      %dma_start3A_403 = tpu.memref_slice %arg4[%arg0, %add3A_329, %dma_start3A_402] : memref<2x12544x128xf32, #tpu.memory_space<hbm>> -> memref<1x32x128xf32, #tpu.memory_space<hbm>>
      %dma_start3A_404 = tpu.memref_squeeze %dma_start3A_403 : memref<1x32x128xf32, #tpu.memory_space<hbm>> -> memref<32x128xf32, #tpu.memory_space<hbm>>
      %dma_start3A_405 = arith.constant 0 : i32
      %dma_start3A_406 = tpu.memref_slice %arg4[%arg0, %add3A_329, %dma_start3A_405] : memref<2x12544x128xf32, #tpu.memory_space<hbm>> -> memref<1x32x128xf32, #tpu.memory_space<hbm>>
      %dma_start3A_407 = tpu.memref_squeeze %dma_start3A_406 : memref<1x32x128xf32, #tpu.memory_space<hbm>> -> memref<32x128xf32, #tpu.memory_space<hbm>>
      tpu.enqueue_dma source(%arg7 : memref<32x128xf32, #tpu.memory_space<vmem>>) target(%dma_start3A_407 : memref<32x128xf32, #tpu.memory_space<hbm>>) target_semaphore(%run_scoped3A : memref<!tpu.dma_semaphore, #tpu.memory_space<semaphore_mem>>)
      %dma_wait3A_408 = arith.constant 0 : i32
      %dma_wait3A_409 = tpu.memref_slice %arg4[%arg0, %add3A_329, %dma_wait3A_408] : memref<2x12544x128xf32, #tpu.memory_space<hbm>> -> memref<1x32x128xf32, #tpu.memory_space<hbm>>
      %dma_wait3A_410 = tpu.memref_squeeze %dma_wait3A_409 : memref<1x32x128xf32, #tpu.memory_space<hbm>> -> memref<32x128xf32, #tpu.memory_space<hbm>>
      %dma_wait3A_411 = arith.constant 0 : i32
      %dma_wait3A_412 = tpu.memref_slice %arg4[%arg0, %add3A_329, %dma_wait3A_411] : memref<2x12544x128xf32, #tpu.memory_space<hbm>> -> memref<1x32x128xf32, #tpu.memory_space<hbm>>
      %dma_wait3A_413 = tpu.memref_squeeze %dma_wait3A_412 : memref<1x32x128xf32, #tpu.memory_space<hbm>> -> memref<32x128xf32, #tpu.memory_space<hbm>>
      tpu.wait_dma2 semaphore(%run_scoped3A : memref<!tpu.dma_semaphore, #tpu.memory_space<semaphore_mem>>) src(%arg7 : memref<32x128xf32, #tpu.memory_space<vmem>>) dst(%dma_wait3A_413 : memref<32x128xf32, #tpu.memory_space<hbm>>)
      tpu.yield
    }) : () -> ()
    %add3A_330 = arith.constant 224 : i32
    %add3A_331 = arith.addi %mul3A_11, %add3A_330 : i32
    "tpu.region"() ({
      %run_scoped3A = tpu.sem_alloc : memref<!tpu.dma_semaphore, #tpu.memory_space<semaphore_mem>>
      %dma_start3A_402 = arith.constant 0 : i32
      %dma_start3A_403 = tpu.memref_slice %arg5[%add3A_331, %dma_start3A_402] : memref<12544x128xf32, #tpu.memory_space<vmem_shared>> -> memref<32x128xf32, #tpu.memory_space<vmem_shared>>
      %dma_start3A_404 = arith.constant 0 : i32
      %dma_start3A_405 = tpu.memref_slice %arg5[%add3A_331, %dma_start3A_404] : memref<12544x128xf32, #tpu.memory_space<vmem_shared>> -> memref<32x128xf32, #tpu.memory_space<vmem_shared>>
      tpu.enqueue_dma source(%dma_start3A_405 : memref<32x128xf32, #tpu.memory_space<vmem_shared>>) target(%arg7 : memref<32x128xf32, #tpu.memory_space<vmem>>) target_semaphore(%run_scoped3A : memref<!tpu.dma_semaphore, #tpu.memory_space<semaphore_mem>>)
      %dma_wait3A_406 = arith.constant 0 : i32
      %dma_wait3A_407 = tpu.memref_slice %arg5[%add3A_331, %dma_wait3A_406] : memref<12544x128xf32, #tpu.memory_space<vmem_shared>> -> memref<32x128xf32, #tpu.memory_space<vmem_shared>>
      %dma_wait3A_408 = arith.constant 0 : i32
      %dma_wait3A_409 = tpu.memref_slice %arg5[%add3A_331, %dma_wait3A_408] : memref<12544x128xf32, #tpu.memory_space<vmem_shared>> -> memref<32x128xf32, #tpu.memory_space<vmem_shared>>
      tpu.wait_dma2 semaphore(%run_scoped3A : memref<!tpu.dma_semaphore, #tpu.memory_space<semaphore_mem>>) src(%dma_wait3A_409 : memref<32x128xf32, #tpu.memory_space<vmem_shared>>) dst(%arg7 : memref<32x128xf32, #tpu.memory_space<vmem>>)
      tpu.yield
    }) : () -> ()
    %add3A_332 = arith.constant 224 : i32
    %add3A_333 = arith.addi %mul3A_11, %add3A_332 : i32
    "tpu.region"() ({
      %run_scoped3A = tpu.sem_alloc : memref<!tpu.dma_semaphore, #tpu.memory_space<semaphore_mem>>
      %dma_start3A_402 = arith.constant 0 : i32
      %dma_start3A_403 = tpu.memref_slice %arg4[%arg0, %add3A_333, %dma_start3A_402] : memref<2x12544x128xf32, #tpu.memory_space<hbm>> -> memref<1x32x128xf32, #tpu.memory_space<hbm>>
      %dma_start3A_404 = tpu.memref_squeeze %dma_start3A_403 : memref<1x32x128xf32, #tpu.memory_space<hbm>> -> memref<32x128xf32, #tpu.memory_space<hbm>>
      %dma_start3A_405 = arith.constant 0 : i32
      %dma_start3A_406 = tpu.memref_slice %arg4[%arg0, %add3A_333, %dma_start3A_405] : memref<2x12544x128xf32, #tpu.memory_space<hbm>> -> memref<1x32x128xf32, #tpu.memory_space<hbm>>
      %dma_start3A_407 = tpu.memref_squeeze %dma_start3A_406 : memref<1x32x128xf32, #tpu.memory_space<hbm>> -> memref<32x128xf32, #tpu.memory_space<hbm>>
      tpu.enqueue_dma source(%arg7 : memref<32x128xf32, #tpu.memory_space<vmem>>) target(%dma_start3A_407 : memref<32x128xf32, #tpu.memory_space<hbm>>) target_semaphore(%run_scoped3A : memref<!tpu.dma_semaphore, #tpu.memory_space<semaphore_mem>>)
      %dma_wait3A_408 = arith.constant 0 : i32
      %dma_wait3A_409 = tpu.memref_slice %arg4[%arg0, %add3A_333, %dma_wait3A_408] : memref<2x12544x128xf32, #tpu.memory_space<hbm>> -> memref<1x32x128xf32, #tpu.memory_space<hbm>>
      %dma_wait3A_410 = tpu.memref_squeeze %dma_wait3A_409 : memref<1x32x128xf32, #tpu.memory_space<hbm>> -> memref<32x128xf32, #tpu.memory_space<hbm>>
      %dma_wait3A_411 = arith.constant 0 : i32
      %dma_wait3A_412 = tpu.memref_slice %arg4[%arg0, %add3A_333, %dma_wait3A_411] : memref<2x12544x128xf32, #tpu.memory_space<hbm>> -> memref<1x32x128xf32, #tpu.memory_space<hbm>>
      %dma_wait3A_413 = tpu.memref_squeeze %dma_wait3A_412 : memref<1x32x128xf32, #tpu.memory_space<hbm>> -> memref<32x128xf32, #tpu.memory_space<hbm>>
      tpu.wait_dma2 semaphore(%run_scoped3A : memref<!tpu.dma_semaphore, #tpu.memory_space<semaphore_mem>>) src(%arg7 : memref<32x128xf32, #tpu.memory_space<vmem>>) dst(%dma_wait3A_413 : memref<32x128xf32, #tpu.memory_space<hbm>>)
      tpu.yield
    }) : () -> ()
    %add3A_334 = arith.constant 256 : i32
    %add3A_335 = arith.addi %mul3A_11, %add3A_334 : i32
    "tpu.region"() ({
      %run_scoped3A = tpu.sem_alloc : memref<!tpu.dma_semaphore, #tpu.memory_space<semaphore_mem>>
      %dma_start3A_402 = arith.constant 0 : i32
      %dma_start3A_403 = tpu.memref_slice %arg5[%add3A_335, %dma_start3A_402] : memref<12544x128xf32, #tpu.memory_space<vmem_shared>> -> memref<32x128xf32, #tpu.memory_space<vmem_shared>>
      %dma_start3A_404 = arith.constant 0 : i32
      %dma_start3A_405 = tpu.memref_slice %arg5[%add3A_335, %dma_start3A_404] : memref<12544x128xf32, #tpu.memory_space<vmem_shared>> -> memref<32x128xf32, #tpu.memory_space<vmem_shared>>
      tpu.enqueue_dma source(%dma_start3A_405 : memref<32x128xf32, #tpu.memory_space<vmem_shared>>) target(%arg7 : memref<32x128xf32, #tpu.memory_space<vmem>>) target_semaphore(%run_scoped3A : memref<!tpu.dma_semaphore, #tpu.memory_space<semaphore_mem>>)
      %dma_wait3A_406 = arith.constant 0 : i32
      %dma_wait3A_407 = tpu.memref_slice %arg5[%add3A_335, %dma_wait3A_406] : memref<12544x128xf32, #tpu.memory_space<vmem_shared>> -> memref<32x128xf32, #tpu.memory_space<vmem_shared>>
      %dma_wait3A_408 = arith.constant 0 : i32
      %dma_wait3A_409 = tpu.memref_slice %arg5[%add3A_335, %dma_wait3A_408] : memref<12544x128xf32, #tpu.memory_space<vmem_shared>> -> memref<32x128xf32, #tpu.memory_space<vmem_shared>>
      tpu.wait_dma2 semaphore(%run_scoped3A : memref<!tpu.dma_semaphore, #tpu.memory_space<semaphore_mem>>) src(%dma_wait3A_409 : memref<32x128xf32, #tpu.memory_space<vmem_shared>>) dst(%arg7 : memref<32x128xf32, #tpu.memory_space<vmem>>)
      tpu.yield
    }) : () -> ()
    %add3A_336 = arith.constant 256 : i32
    %add3A_337 = arith.addi %mul3A_11, %add3A_336 : i32
    "tpu.region"() ({
      %run_scoped3A = tpu.sem_alloc : memref<!tpu.dma_semaphore, #tpu.memory_space<semaphore_mem>>
      %dma_start3A_402 = arith.constant 0 : i32
      %dma_start3A_403 = tpu.memref_slice %arg4[%arg0, %add3A_337, %dma_start3A_402] : memref<2x12544x128xf32, #tpu.memory_space<hbm>> -> memref<1x32x128xf32, #tpu.memory_space<hbm>>
      %dma_start3A_404 = tpu.memref_squeeze %dma_start3A_403 : memref<1x32x128xf32, #tpu.memory_space<hbm>> -> memref<32x128xf32, #tpu.memory_space<hbm>>
      %dma_start3A_405 = arith.constant 0 : i32
      %dma_start3A_406 = tpu.memref_slice %arg4[%arg0, %add3A_337, %dma_start3A_405] : memref<2x12544x128xf32, #tpu.memory_space<hbm>> -> memref<1x32x128xf32, #tpu.memory_space<hbm>>
      %dma_start3A_407 = tpu.memref_squeeze %dma_start3A_406 : memref<1x32x128xf32, #tpu.memory_space<hbm>> -> memref<32x128xf32, #tpu.memory_space<hbm>>
      tpu.enqueue_dma source(%arg7 : memref<32x128xf32, #tpu.memory_space<vmem>>) target(%dma_start3A_407 : memref<32x128xf32, #tpu.memory_space<hbm>>) target_semaphore(%run_scoped3A : memref<!tpu.dma_semaphore, #tpu.memory_space<semaphore_mem>>)
      %dma_wait3A_408 = arith.constant 0 : i32
      %dma_wait3A_409 = tpu.memref_slice %arg4[%arg0, %add3A_337, %dma_wait3A_408] : memref<2x12544x128xf32, #tpu.memory_space<hbm>> -> memref<1x32x128xf32, #tpu.memory_space<hbm>>
      %dma_wait3A_410 = tpu.memref_squeeze %dma_wait3A_409 : memref<1x32x128xf32, #tpu.memory_space<hbm>> -> memref<32x128xf32, #tpu.memory_space<hbm>>
      %dma_wait3A_411 = arith.constant 0 : i32
      %dma_wait3A_412 = tpu.memref_slice %arg4[%arg0, %add3A_337, %dma_wait3A_411] : memref<2x12544x128xf32, #tpu.memory_space<hbm>> -> memref<1x32x128xf32, #tpu.memory_space<hbm>>
      %dma_wait3A_413 = tpu.memref_squeeze %dma_wait3A_412 : memref<1x32x128xf32, #tpu.memory_space<hbm>> -> memref<32x128xf32, #tpu.memory_space<hbm>>
      tpu.wait_dma2 semaphore(%run_scoped3A : memref<!tpu.dma_semaphore, #tpu.memory_space<semaphore_mem>>) src(%arg7 : memref<32x128xf32, #tpu.memory_space<vmem>>) dst(%dma_wait3A_413 : memref<32x128xf32, #tpu.memory_space<hbm>>)
      tpu.yield
    }) : () -> ()
    %add3A_338 = arith.constant 288 : i32
    %add3A_339 = arith.addi %mul3A_11, %add3A_338 : i32
    "tpu.region"() ({
      %run_scoped3A = tpu.sem_alloc : memref<!tpu.dma_semaphore, #tpu.memory_space<semaphore_mem>>
      %dma_start3A_402 = arith.constant 0 : i32
      %dma_start3A_403 = tpu.memref_slice %arg5[%add3A_339, %dma_start3A_402] : memref<12544x128xf32, #tpu.memory_space<vmem_shared>> -> memref<32x128xf32, #tpu.memory_space<vmem_shared>>
      %dma_start3A_404 = arith.constant 0 : i32
      %dma_start3A_405 = tpu.memref_slice %arg5[%add3A_339, %dma_start3A_404] : memref<12544x128xf32, #tpu.memory_space<vmem_shared>> -> memref<32x128xf32, #tpu.memory_space<vmem_shared>>
      tpu.enqueue_dma source(%dma_start3A_405 : memref<32x128xf32, #tpu.memory_space<vmem_shared>>) target(%arg7 : memref<32x128xf32, #tpu.memory_space<vmem>>) target_semaphore(%run_scoped3A : memref<!tpu.dma_semaphore, #tpu.memory_space<semaphore_mem>>)
      %dma_wait3A_406 = arith.constant 0 : i32
      %dma_wait3A_407 = tpu.memref_slice %arg5[%add3A_339, %dma_wait3A_406] : memref<12544x128xf32, #tpu.memory_space<vmem_shared>> -> memref<32x128xf32, #tpu.memory_space<vmem_shared>>
      %dma_wait3A_408 = arith.constant 0 : i32
      %dma_wait3A_409 = tpu.memref_slice %arg5[%add3A_339, %dma_wait3A_408] : memref<12544x128xf32, #tpu.memory_space<vmem_shared>> -> memref<32x128xf32, #tpu.memory_space<vmem_shared>>
      tpu.wait_dma2 semaphore(%run_scoped3A : memref<!tpu.dma_semaphore, #tpu.memory_space<semaphore_mem>>) src(%dma_wait3A_409 : memref<32x128xf32, #tpu.memory_space<vmem_shared>>) dst(%arg7 : memref<32x128xf32, #tpu.memory_space<vmem>>)
      tpu.yield
    }) : () -> ()
    %add3A_340 = arith.constant 288 : i32
    %add3A_341 = arith.addi %mul3A_11, %add3A_340 : i32
    "tpu.region"() ({
      %run_scoped3A = tpu.sem_alloc : memref<!tpu.dma_semaphore, #tpu.memory_space<semaphore_mem>>
      %dma_start3A_402 = arith.constant 0 : i32
      %dma_start3A_403 = tpu.memref_slice %arg4[%arg0, %add3A_341, %dma_start3A_402] : memref<2x12544x128xf32, #tpu.memory_space<hbm>> -> memref<1x32x128xf32, #tpu.memory_space<hbm>>
      %dma_start3A_404 = tpu.memref_squeeze %dma_start3A_403 : memref<1x32x128xf32, #tpu.memory_space<hbm>> -> memref<32x128xf32, #tpu.memory_space<hbm>>
      %dma_start3A_405 = arith.constant 0 : i32
      %dma_start3A_406 = tpu.memref_slice %arg4[%arg0, %add3A_341, %dma_start3A_405] : memref<2x12544x128xf32, #tpu.memory_space<hbm>> -> memref<1x32x128xf32, #tpu.memory_space<hbm>>
      %dma_start3A_407 = tpu.memref_squeeze %dma_start3A_406 : memref<1x32x128xf32, #tpu.memory_space<hbm>> -> memref<32x128xf32, #tpu.memory_space<hbm>>
      tpu.enqueue_dma source(%arg7 : memref<32x128xf32, #tpu.memory_space<vmem>>) target(%dma_start3A_407 : memref<32x128xf32, #tpu.memory_space<hbm>>) target_semaphore(%run_scoped3A : memref<!tpu.dma_semaphore, #tpu.memory_space<semaphore_mem>>)
      %dma_wait3A_408 = arith.constant 0 : i32
      %dma_wait3A_409 = tpu.memref_slice %arg4[%arg0, %add3A_341, %dma_wait3A_408] : memref<2x12544x128xf32, #tpu.memory_space<hbm>> -> memref<1x32x128xf32, #tpu.memory_space<hbm>>
      %dma_wait3A_410 = tpu.memref_squeeze %dma_wait3A_409 : memref<1x32x128xf32, #tpu.memory_space<hbm>> -> memref<32x128xf32, #tpu.memory_space<hbm>>
      %dma_wait3A_411 = arith.constant 0 : i32
      %dma_wait3A_412 = tpu.memref_slice %arg4[%arg0, %add3A_341, %dma_wait3A_411] : memref<2x12544x128xf32, #tpu.memory_space<hbm>> -> memref<1x32x128xf32, #tpu.memory_space<hbm>>
      %dma_wait3A_413 = tpu.memref_squeeze %dma_wait3A_412 : memref<1x32x128xf32, #tpu.memory_space<hbm>> -> memref<32x128xf32, #tpu.memory_space<hbm>>
      tpu.wait_dma2 semaphore(%run_scoped3A : memref<!tpu.dma_semaphore, #tpu.memory_space<semaphore_mem>>) src(%arg7 : memref<32x128xf32, #tpu.memory_space<vmem>>) dst(%dma_wait3A_413 : memref<32x128xf32, #tpu.memory_space<hbm>>)
      tpu.yield
    }) : () -> ()
    %add3A_342 = arith.constant 320 : i32
    %add3A_343 = arith.addi %mul3A_11, %add3A_342 : i32
    "tpu.region"() ({
      %run_scoped3A = tpu.sem_alloc : memref<!tpu.dma_semaphore, #tpu.memory_space<semaphore_mem>>
      %dma_start3A_402 = arith.constant 0 : i32
      %dma_start3A_403 = tpu.memref_slice %arg5[%add3A_343, %dma_start3A_402] : memref<12544x128xf32, #tpu.memory_space<vmem_shared>> -> memref<32x128xf32, #tpu.memory_space<vmem_shared>>
      %dma_start3A_404 = arith.constant 0 : i32
      %dma_start3A_405 = tpu.memref_slice %arg5[%add3A_343, %dma_start3A_404] : memref<12544x128xf32, #tpu.memory_space<vmem_shared>> -> memref<32x128xf32, #tpu.memory_space<vmem_shared>>
      tpu.enqueue_dma source(%dma_start3A_405 : memref<32x128xf32, #tpu.memory_space<vmem_shared>>) target(%arg7 : memref<32x128xf32, #tpu.memory_space<vmem>>) target_semaphore(%run_scoped3A : memref<!tpu.dma_semaphore, #tpu.memory_space<semaphore_mem>>)
      %dma_wait3A_406 = arith.constant 0 : i32
      %dma_wait3A_407 = tpu.memref_slice %arg5[%add3A_343, %dma_wait3A_406] : memref<12544x128xf32, #tpu.memory_space<vmem_shared>> -> memref<32x128xf32, #tpu.memory_space<vmem_shared>>
      %dma_wait3A_408 = arith.constant 0 : i32
      %dma_wait3A_409 = tpu.memref_slice %arg5[%add3A_343, %dma_wait3A_408] : memref<12544x128xf32, #tpu.memory_space<vmem_shared>> -> memref<32x128xf32, #tpu.memory_space<vmem_shared>>
      tpu.wait_dma2 semaphore(%run_scoped3A : memref<!tpu.dma_semaphore, #tpu.memory_space<semaphore_mem>>) src(%dma_wait3A_409 : memref<32x128xf32, #tpu.memory_space<vmem_shared>>) dst(%arg7 : memref<32x128xf32, #tpu.memory_space<vmem>>)
      tpu.yield
    }) : () -> ()
    %add3A_344 = arith.constant 320 : i32
    %add3A_345 = arith.addi %mul3A_11, %add3A_344 : i32
    "tpu.region"() ({
      %run_scoped3A = tpu.sem_alloc : memref<!tpu.dma_semaphore, #tpu.memory_space<semaphore_mem>>
      %dma_start3A_402 = arith.constant 0 : i32
      %dma_start3A_403 = tpu.memref_slice %arg4[%arg0, %add3A_345, %dma_start3A_402] : memref<2x12544x128xf32, #tpu.memory_space<hbm>> -> memref<1x32x128xf32, #tpu.memory_space<hbm>>
      %dma_start3A_404 = tpu.memref_squeeze %dma_start3A_403 : memref<1x32x128xf32, #tpu.memory_space<hbm>> -> memref<32x128xf32, #tpu.memory_space<hbm>>
      %dma_start3A_405 = arith.constant 0 : i32
      %dma_start3A_406 = tpu.memref_slice %arg4[%arg0, %add3A_345, %dma_start3A_405] : memref<2x12544x128xf32, #tpu.memory_space<hbm>> -> memref<1x32x128xf32, #tpu.memory_space<hbm>>
      %dma_start3A_407 = tpu.memref_squeeze %dma_start3A_406 : memref<1x32x128xf32, #tpu.memory_space<hbm>> -> memref<32x128xf32, #tpu.memory_space<hbm>>
      tpu.enqueue_dma source(%arg7 : memref<32x128xf32, #tpu.memory_space<vmem>>) target(%dma_start3A_407 : memref<32x128xf32, #tpu.memory_space<hbm>>) target_semaphore(%run_scoped3A : memref<!tpu.dma_semaphore, #tpu.memory_space<semaphore_mem>>)
      %dma_wait3A_408 = arith.constant 0 : i32
      %dma_wait3A_409 = tpu.memref_slice %arg4[%arg0, %add3A_345, %dma_wait3A_408] : memref<2x12544x128xf32, #tpu.memory_space<hbm>> -> memref<1x32x128xf32, #tpu.memory_space<hbm>>
      %dma_wait3A_410 = tpu.memref_squeeze %dma_wait3A_409 : memref<1x32x128xf32, #tpu.memory_space<hbm>> -> memref<32x128xf32, #tpu.memory_space<hbm>>
      %dma_wait3A_411 = arith.constant 0 : i32
      %dma_wait3A_412 = tpu.memref_slice %arg4[%arg0, %add3A_345, %dma_wait3A_411] : memref<2x12544x128xf32, #tpu.memory_space<hbm>> -> memref<1x32x128xf32, #tpu.memory_space<hbm>>
      %dma_wait3A_413 = tpu.memref_squeeze %dma_wait3A_412 : memref<1x32x128xf32, #tpu.memory_space<hbm>> -> memref<32x128xf32, #tpu.memory_space<hbm>>
      tpu.wait_dma2 semaphore(%run_scoped3A : memref<!tpu.dma_semaphore, #tpu.memory_space<semaphore_mem>>) src(%arg7 : memref<32x128xf32, #tpu.memory_space<vmem>>) dst(%dma_wait3A_413 : memref<32x128xf32, #tpu.memory_space<hbm>>)
      tpu.yield
    }) : () -> ()
    %add3A_346 = arith.constant 352 : i32
    %add3A_347 = arith.addi %mul3A_11, %add3A_346 : i32
    "tpu.region"() ({
      %run_scoped3A = tpu.sem_alloc : memref<!tpu.dma_semaphore, #tpu.memory_space<semaphore_mem>>
      %dma_start3A_402 = arith.constant 0 : i32
      %dma_start3A_403 = tpu.memref_slice %arg5[%add3A_347, %dma_start3A_402] : memref<12544x128xf32, #tpu.memory_space<vmem_shared>> -> memref<32x128xf32, #tpu.memory_space<vmem_shared>>
      %dma_start3A_404 = arith.constant 0 : i32
      %dma_start3A_405 = tpu.memref_slice %arg5[%add3A_347, %dma_start3A_404] : memref<12544x128xf32, #tpu.memory_space<vmem_shared>> -> memref<32x128xf32, #tpu.memory_space<vmem_shared>>
      tpu.enqueue_dma source(%dma_start3A_405 : memref<32x128xf32, #tpu.memory_space<vmem_shared>>) target(%arg7 : memref<32x128xf32, #tpu.memory_space<vmem>>) target_semaphore(%run_scoped3A : memref<!tpu.dma_semaphore, #tpu.memory_space<semaphore_mem>>)
      %dma_wait3A_406 = arith.constant 0 : i32
      %dma_wait3A_407 = tpu.memref_slice %arg5[%add3A_347, %dma_wait3A_406] : memref<12544x128xf32, #tpu.memory_space<vmem_shared>> -> memref<32x128xf32, #tpu.memory_space<vmem_shared>>
      %dma_wait3A_408 = arith.constant 0 : i32
      %dma_wait3A_409 = tpu.memref_slice %arg5[%add3A_347, %dma_wait3A_408] : memref<12544x128xf32, #tpu.memory_space<vmem_shared>> -> memref<32x128xf32, #tpu.memory_space<vmem_shared>>
      tpu.wait_dma2 semaphore(%run_scoped3A : memref<!tpu.dma_semaphore, #tpu.memory_space<semaphore_mem>>) src(%dma_wait3A_409 : memref<32x128xf32, #tpu.memory_space<vmem_shared>>) dst(%arg7 : memref<32x128xf32, #tpu.memory_space<vmem>>)
      tpu.yield
    }) : () -> ()
    %add3A_348 = arith.constant 352 : i32
    %add3A_349 = arith.addi %mul3A_11, %add3A_348 : i32
    "tpu.region"() ({
      %run_scoped3A = tpu.sem_alloc : memref<!tpu.dma_semaphore, #tpu.memory_space<semaphore_mem>>
      %dma_start3A_402 = arith.constant 0 : i32
      %dma_start3A_403 = tpu.memref_slice %arg4[%arg0, %add3A_349, %dma_start3A_402] : memref<2x12544x128xf32, #tpu.memory_space<hbm>> -> memref<1x32x128xf32, #tpu.memory_space<hbm>>
      %dma_start3A_404 = tpu.memref_squeeze %dma_start3A_403 : memref<1x32x128xf32, #tpu.memory_space<hbm>> -> memref<32x128xf32, #tpu.memory_space<hbm>>
      %dma_start3A_405 = arith.constant 0 : i32
      %dma_start3A_406 = tpu.memref_slice %arg4[%arg0, %add3A_349, %dma_start3A_405] : memref<2x12544x128xf32, #tpu.memory_space<hbm>> -> memref<1x32x128xf32, #tpu.memory_space<hbm>>
      %dma_start3A_407 = tpu.memref_squeeze %dma_start3A_406 : memref<1x32x128xf32, #tpu.memory_space<hbm>> -> memref<32x128xf32, #tpu.memory_space<hbm>>
      tpu.enqueue_dma source(%arg7 : memref<32x128xf32, #tpu.memory_space<vmem>>) target(%dma_start3A_407 : memref<32x128xf32, #tpu.memory_space<hbm>>) target_semaphore(%run_scoped3A : memref<!tpu.dma_semaphore, #tpu.memory_space<semaphore_mem>>)
      %dma_wait3A_408 = arith.constant 0 : i32
      %dma_wait3A_409 = tpu.memref_slice %arg4[%arg0, %add3A_349, %dma_wait3A_408] : memref<2x12544x128xf32, #tpu.memory_space<hbm>> -> memref<1x32x128xf32, #tpu.memory_space<hbm>>
      %dma_wait3A_410 = tpu.memref_squeeze %dma_wait3A_409 : memref<1x32x128xf32, #tpu.memory_space<hbm>> -> memref<32x128xf32, #tpu.memory_space<hbm>>
      %dma_wait3A_411 = arith.constant 0 : i32
      %dma_wait3A_412 = tpu.memref_slice %arg4[%arg0, %add3A_349, %dma_wait3A_411] : memref<2x12544x128xf32, #tpu.memory_space<hbm>> -> memref<1x32x128xf32, #tpu.memory_space<hbm>>
      %dma_wait3A_413 = tpu.memref_squeeze %dma_wait3A_412 : memref<1x32x128xf32, #tpu.memory_space<hbm>> -> memref<32x128xf32, #tpu.memory_space<hbm>>
      tpu.wait_dma2 semaphore(%run_scoped3A : memref<!tpu.dma_semaphore, #tpu.memory_space<semaphore_mem>>) src(%arg7 : memref<32x128xf32, #tpu.memory_space<vmem>>) dst(%dma_wait3A_413 : memref<32x128xf32, #tpu.memory_space<hbm>>)
      tpu.yield
    }) : () -> ()
    %add3A_350 = arith.constant 384 : i32
    %add3A_351 = arith.addi %mul3A_11, %add3A_350 : i32
    "tpu.region"() ({
      %run_scoped3A = tpu.sem_alloc : memref<!tpu.dma_semaphore, #tpu.memory_space<semaphore_mem>>
      %dma_start3A_402 = arith.constant 0 : i32
      %dma_start3A_403 = tpu.memref_slice %arg5[%add3A_351, %dma_start3A_402] : memref<12544x128xf32, #tpu.memory_space<vmem_shared>> -> memref<32x128xf32, #tpu.memory_space<vmem_shared>>
      %dma_start3A_404 = arith.constant 0 : i32
      %dma_start3A_405 = tpu.memref_slice %arg5[%add3A_351, %dma_start3A_404] : memref<12544x128xf32, #tpu.memory_space<vmem_shared>> -> memref<32x128xf32, #tpu.memory_space<vmem_shared>>
      tpu.enqueue_dma source(%dma_start3A_405 : memref<32x128xf32, #tpu.memory_space<vmem_shared>>) target(%arg7 : memref<32x128xf32, #tpu.memory_space<vmem>>) target_semaphore(%run_scoped3A : memref<!tpu.dma_semaphore, #tpu.memory_space<semaphore_mem>>)
      %dma_wait3A_406 = arith.constant 0 : i32
      %dma_wait3A_407 = tpu.memref_slice %arg5[%add3A_351, %dma_wait3A_406] : memref<12544x128xf32, #tpu.memory_space<vmem_shared>> -> memref<32x128xf32, #tpu.memory_space<vmem_shared>>
      %dma_wait3A_408 = arith.constant 0 : i32
      %dma_wait3A_409 = tpu.memref_slice %arg5[%add3A_351, %dma_wait3A_408] : memref<12544x128xf32, #tpu.memory_space<vmem_shared>> -> memref<32x128xf32, #tpu.memory_space<vmem_shared>>
      tpu.wait_dma2 semaphore(%run_scoped3A : memref<!tpu.dma_semaphore, #tpu.memory_space<semaphore_mem>>) src(%dma_wait3A_409 : memref<32x128xf32, #tpu.memory_space<vmem_shared>>) dst(%arg7 : memref<32x128xf32, #tpu.memory_space<vmem>>)
      tpu.yield
    }) : () -> ()
    %add3A_352 = arith.constant 384 : i32
    %add3A_353 = arith.addi %mul3A_11, %add3A_352 : i32
    "tpu.region"() ({
      %run_scoped3A = tpu.sem_alloc : memref<!tpu.dma_semaphore, #tpu.memory_space<semaphore_mem>>
      %dma_start3A_402 = arith.constant 0 : i32
      %dma_start3A_403 = tpu.memref_slice %arg4[%arg0, %add3A_353, %dma_start3A_402] : memref<2x12544x128xf32, #tpu.memory_space<hbm>> -> memref<1x32x128xf32, #tpu.memory_space<hbm>>
      %dma_start3A_404 = tpu.memref_squeeze %dma_start3A_403 : memref<1x32x128xf32, #tpu.memory_space<hbm>> -> memref<32x128xf32, #tpu.memory_space<hbm>>
      %dma_start3A_405 = arith.constant 0 : i32
      %dma_start3A_406 = tpu.memref_slice %arg4[%arg0, %add3A_353, %dma_start3A_405] : memref<2x12544x128xf32, #tpu.memory_space<hbm>> -> memref<1x32x128xf32, #tpu.memory_space<hbm>>
      %dma_start3A_407 = tpu.memref_squeeze %dma_start3A_406 : memref<1x32x128xf32, #tpu.memory_space<hbm>> -> memref<32x128xf32, #tpu.memory_space<hbm>>
      tpu.enqueue_dma source(%arg7 : memref<32x128xf32, #tpu.memory_space<vmem>>) target(%dma_start3A_407 : memref<32x128xf32, #tpu.memory_space<hbm>>) target_semaphore(%run_scoped3A : memref<!tpu.dma_semaphore, #tpu.memory_space<semaphore_mem>>)
      %dma_wait3A_408 = arith.constant 0 : i32
      %dma_wait3A_409 = tpu.memref_slice %arg4[%arg0, %add3A_353, %dma_wait3A_408] : memref<2x12544x128xf32, #tpu.memory_space<hbm>> -> memref<1x32x128xf32, #tpu.memory_space<hbm>>
      %dma_wait3A_410 = tpu.memref_squeeze %dma_wait3A_409 : memref<1x32x128xf32, #tpu.memory_space<hbm>> -> memref<32x128xf32, #tpu.memory_space<hbm>>
      %dma_wait3A_411 = arith.constant 0 : i32
      %dma_wait3A_412 = tpu.memref_slice %arg4[%arg0, %add3A_353, %dma_wait3A_411] : memref<2x12544x128xf32, #tpu.memory_space<hbm>> -> memref<1x32x128xf32, #tpu.memory_space<hbm>>
      %dma_wait3A_413 = tpu.memref_squeeze %dma_wait3A_412 : memref<1x32x128xf32, #tpu.memory_space<hbm>> -> memref<32x128xf32, #tpu.memory_space<hbm>>
      tpu.wait_dma2 semaphore(%run_scoped3A : memref<!tpu.dma_semaphore, #tpu.memory_space<semaphore_mem>>) src(%arg7 : memref<32x128xf32, #tpu.memory_space<vmem>>) dst(%dma_wait3A_413 : memref<32x128xf32, #tpu.memory_space<hbm>>)
      tpu.yield
    }) : () -> ()
    %add3A_354 = arith.constant 416 : i32
    %add3A_355 = arith.addi %mul3A_11, %add3A_354 : i32
    "tpu.region"() ({
      %run_scoped3A = tpu.sem_alloc : memref<!tpu.dma_semaphore, #tpu.memory_space<semaphore_mem>>
      %dma_start3A_402 = arith.constant 0 : i32
      %dma_start3A_403 = tpu.memref_slice %arg5[%add3A_355, %dma_start3A_402] : memref<12544x128xf32, #tpu.memory_space<vmem_shared>> -> memref<32x128xf32, #tpu.memory_space<vmem_shared>>
      %dma_start3A_404 = arith.constant 0 : i32
      %dma_start3A_405 = tpu.memref_slice %arg5[%add3A_355, %dma_start3A_404] : memref<12544x128xf32, #tpu.memory_space<vmem_shared>> -> memref<32x128xf32, #tpu.memory_space<vmem_shared>>
      tpu.enqueue_dma source(%dma_start3A_405 : memref<32x128xf32, #tpu.memory_space<vmem_shared>>) target(%arg7 : memref<32x128xf32, #tpu.memory_space<vmem>>) target_semaphore(%run_scoped3A : memref<!tpu.dma_semaphore, #tpu.memory_space<semaphore_mem>>)
      %dma_wait3A_406 = arith.constant 0 : i32
      %dma_wait3A_407 = tpu.memref_slice %arg5[%add3A_355, %dma_wait3A_406] : memref<12544x128xf32, #tpu.memory_space<vmem_shared>> -> memref<32x128xf32, #tpu.memory_space<vmem_shared>>
      %dma_wait3A_408 = arith.constant 0 : i32
      %dma_wait3A_409 = tpu.memref_slice %arg5[%add3A_355, %dma_wait3A_408] : memref<12544x128xf32, #tpu.memory_space<vmem_shared>> -> memref<32x128xf32, #tpu.memory_space<vmem_shared>>
      tpu.wait_dma2 semaphore(%run_scoped3A : memref<!tpu.dma_semaphore, #tpu.memory_space<semaphore_mem>>) src(%dma_wait3A_409 : memref<32x128xf32, #tpu.memory_space<vmem_shared>>) dst(%arg7 : memref<32x128xf32, #tpu.memory_space<vmem>>)
      tpu.yield
    }) : () -> ()
    %add3A_356 = arith.constant 416 : i32
    %add3A_357 = arith.addi %mul3A_11, %add3A_356 : i32
    "tpu.region"() ({
      %run_scoped3A = tpu.sem_alloc : memref<!tpu.dma_semaphore, #tpu.memory_space<semaphore_mem>>
      %dma_start3A_402 = arith.constant 0 : i32
      %dma_start3A_403 = tpu.memref_slice %arg4[%arg0, %add3A_357, %dma_start3A_402] : memref<2x12544x128xf32, #tpu.memory_space<hbm>> -> memref<1x32x128xf32, #tpu.memory_space<hbm>>
      %dma_start3A_404 = tpu.memref_squeeze %dma_start3A_403 : memref<1x32x128xf32, #tpu.memory_space<hbm>> -> memref<32x128xf32, #tpu.memory_space<hbm>>
      %dma_start3A_405 = arith.constant 0 : i32
      %dma_start3A_406 = tpu.memref_slice %arg4[%arg0, %add3A_357, %dma_start3A_405] : memref<2x12544x128xf32, #tpu.memory_space<hbm>> -> memref<1x32x128xf32, #tpu.memory_space<hbm>>
      %dma_start3A_407 = tpu.memref_squeeze %dma_start3A_406 : memref<1x32x128xf32, #tpu.memory_space<hbm>> -> memref<32x128xf32, #tpu.memory_space<hbm>>
      tpu.enqueue_dma source(%arg7 : memref<32x128xf32, #tpu.memory_space<vmem>>) target(%dma_start3A_407 : memref<32x128xf32, #tpu.memory_space<hbm>>) target_semaphore(%run_scoped3A : memref<!tpu.dma_semaphore, #tpu.memory_space<semaphore_mem>>)
      %dma_wait3A_408 = arith.constant 0 : i32
      %dma_wait3A_409 = tpu.memref_slice %arg4[%arg0, %add3A_357, %dma_wait3A_408] : memref<2x12544x128xf32, #tpu.memory_space<hbm>> -> memref<1x32x128xf32, #tpu.memory_space<hbm>>
      %dma_wait3A_410 = tpu.memref_squeeze %dma_wait3A_409 : memref<1x32x128xf32, #tpu.memory_space<hbm>> -> memref<32x128xf32, #tpu.memory_space<hbm>>
      %dma_wait3A_411 = arith.constant 0 : i32
      %dma_wait3A_412 = tpu.memref_slice %arg4[%arg0, %add3A_357, %dma_wait3A_411] : memref<2x12544x128xf32, #tpu.memory_space<hbm>> -> memref<1x32x128xf32, #tpu.memory_space<hbm>>
      %dma_wait3A_413 = tpu.memref_squeeze %dma_wait3A_412 : memref<1x32x128xf32, #tpu.memory_space<hbm>> -> memref<32x128xf32, #tpu.memory_space<hbm>>
      tpu.wait_dma2 semaphore(%run_scoped3A : memref<!tpu.dma_semaphore, #tpu.memory_space<semaphore_mem>>) src(%arg7 : memref<32x128xf32, #tpu.memory_space<vmem>>) dst(%dma_wait3A_413 : memref<32x128xf32, #tpu.memory_space<hbm>>)
      tpu.yield
    }) : () -> ()
    %add3A_358 = arith.constant 448 : i32
    %add3A_359 = arith.addi %mul3A_11, %add3A_358 : i32
    "tpu.region"() ({
      %run_scoped3A = tpu.sem_alloc : memref<!tpu.dma_semaphore, #tpu.memory_space<semaphore_mem>>
      %dma_start3A_402 = arith.constant 0 : i32
      %dma_start3A_403 = tpu.memref_slice %arg5[%add3A_359, %dma_start3A_402] : memref<12544x128xf32, #tpu.memory_space<vmem_shared>> -> memref<32x128xf32, #tpu.memory_space<vmem_shared>>
      %dma_start3A_404 = arith.constant 0 : i32
      %dma_start3A_405 = tpu.memref_slice %arg5[%add3A_359, %dma_start3A_404] : memref<12544x128xf32, #tpu.memory_space<vmem_shared>> -> memref<32x128xf32, #tpu.memory_space<vmem_shared>>
      tpu.enqueue_dma source(%dma_start3A_405 : memref<32x128xf32, #tpu.memory_space<vmem_shared>>) target(%arg7 : memref<32x128xf32, #tpu.memory_space<vmem>>) target_semaphore(%run_scoped3A : memref<!tpu.dma_semaphore, #tpu.memory_space<semaphore_mem>>)
      %dma_wait3A_406 = arith.constant 0 : i32
      %dma_wait3A_407 = tpu.memref_slice %arg5[%add3A_359, %dma_wait3A_406] : memref<12544x128xf32, #tpu.memory_space<vmem_shared>> -> memref<32x128xf32, #tpu.memory_space<vmem_shared>>
      %dma_wait3A_408 = arith.constant 0 : i32
      %dma_wait3A_409 = tpu.memref_slice %arg5[%add3A_359, %dma_wait3A_408] : memref<12544x128xf32, #tpu.memory_space<vmem_shared>> -> memref<32x128xf32, #tpu.memory_space<vmem_shared>>
      tpu.wait_dma2 semaphore(%run_scoped3A : memref<!tpu.dma_semaphore, #tpu.memory_space<semaphore_mem>>) src(%dma_wait3A_409 : memref<32x128xf32, #tpu.memory_space<vmem_shared>>) dst(%arg7 : memref<32x128xf32, #tpu.memory_space<vmem>>)
      tpu.yield
    }) : () -> ()
    %add3A_360 = arith.constant 448 : i32
    %add3A_361 = arith.addi %mul3A_11, %add3A_360 : i32
    "tpu.region"() ({
      %run_scoped3A = tpu.sem_alloc : memref<!tpu.dma_semaphore, #tpu.memory_space<semaphore_mem>>
      %dma_start3A_402 = arith.constant 0 : i32
      %dma_start3A_403 = tpu.memref_slice %arg4[%arg0, %add3A_361, %dma_start3A_402] : memref<2x12544x128xf32, #tpu.memory_space<hbm>> -> memref<1x32x128xf32, #tpu.memory_space<hbm>>
      %dma_start3A_404 = tpu.memref_squeeze %dma_start3A_403 : memref<1x32x128xf32, #tpu.memory_space<hbm>> -> memref<32x128xf32, #tpu.memory_space<hbm>>
      %dma_start3A_405 = arith.constant 0 : i32
      %dma_start3A_406 = tpu.memref_slice %arg4[%arg0, %add3A_361, %dma_start3A_405] : memref<2x12544x128xf32, #tpu.memory_space<hbm>> -> memref<1x32x128xf32, #tpu.memory_space<hbm>>
      %dma_start3A_407 = tpu.memref_squeeze %dma_start3A_406 : memref<1x32x128xf32, #tpu.memory_space<hbm>> -> memref<32x128xf32, #tpu.memory_space<hbm>>
      tpu.enqueue_dma source(%arg7 : memref<32x128xf32, #tpu.memory_space<vmem>>) target(%dma_start3A_407 : memref<32x128xf32, #tpu.memory_space<hbm>>) target_semaphore(%run_scoped3A : memref<!tpu.dma_semaphore, #tpu.memory_space<semaphore_mem>>)
      %dma_wait3A_408 = arith.constant 0 : i32
      %dma_wait3A_409 = tpu.memref_slice %arg4[%arg0, %add3A_361, %dma_wait3A_408] : memref<2x12544x128xf32, #tpu.memory_space<hbm>> -> memref<1x32x128xf32, #tpu.memory_space<hbm>>
      %dma_wait3A_410 = tpu.memref_squeeze %dma_wait3A_409 : memref<1x32x128xf32, #tpu.memory_space<hbm>> -> memref<32x128xf32, #tpu.memory_space<hbm>>
      %dma_wait3A_411 = arith.constant 0 : i32
      %dma_wait3A_412 = tpu.memref_slice %arg4[%arg0, %add3A_361, %dma_wait3A_411] : memref<2x12544x128xf32, #tpu.memory_space<hbm>> -> memref<1x32x128xf32, #tpu.memory_space<hbm>>
      %dma_wait3A_413 = tpu.memref_squeeze %dma_wait3A_412 : memref<1x32x128xf32, #tpu.memory_space<hbm>> -> memref<32x128xf32, #tpu.memory_space<hbm>>
      tpu.wait_dma2 semaphore(%run_scoped3A : memref<!tpu.dma_semaphore, #tpu.memory_space<semaphore_mem>>) src(%arg7 : memref<32x128xf32, #tpu.memory_space<vmem>>) dst(%dma_wait3A_413 : memref<32x128xf32, #tpu.memory_space<hbm>>)
      tpu.yield
    }) : () -> ()
    %add3A_362 = arith.constant 480 : i32
    %add3A_363 = arith.addi %mul3A_11, %add3A_362 : i32
    "tpu.region"() ({
      %run_scoped3A = tpu.sem_alloc : memref<!tpu.dma_semaphore, #tpu.memory_space<semaphore_mem>>
      %dma_start3A_402 = arith.constant 0 : i32
      %dma_start3A_403 = tpu.memref_slice %arg5[%add3A_363, %dma_start3A_402] : memref<12544x128xf32, #tpu.memory_space<vmem_shared>> -> memref<32x128xf32, #tpu.memory_space<vmem_shared>>
      %dma_start3A_404 = arith.constant 0 : i32
      %dma_start3A_405 = tpu.memref_slice %arg5[%add3A_363, %dma_start3A_404] : memref<12544x128xf32, #tpu.memory_space<vmem_shared>> -> memref<32x128xf32, #tpu.memory_space<vmem_shared>>
      tpu.enqueue_dma source(%dma_start3A_405 : memref<32x128xf32, #tpu.memory_space<vmem_shared>>) target(%arg7 : memref<32x128xf32, #tpu.memory_space<vmem>>) target_semaphore(%run_scoped3A : memref<!tpu.dma_semaphore, #tpu.memory_space<semaphore_mem>>)
      %dma_wait3A_406 = arith.constant 0 : i32
      %dma_wait3A_407 = tpu.memref_slice %arg5[%add3A_363, %dma_wait3A_406] : memref<12544x128xf32, #tpu.memory_space<vmem_shared>> -> memref<32x128xf32, #tpu.memory_space<vmem_shared>>
      %dma_wait3A_408 = arith.constant 0 : i32
      %dma_wait3A_409 = tpu.memref_slice %arg5[%add3A_363, %dma_wait3A_408] : memref<12544x128xf32, #tpu.memory_space<vmem_shared>> -> memref<32x128xf32, #tpu.memory_space<vmem_shared>>
      tpu.wait_dma2 semaphore(%run_scoped3A : memref<!tpu.dma_semaphore, #tpu.memory_space<semaphore_mem>>) src(%dma_wait3A_409 : memref<32x128xf32, #tpu.memory_space<vmem_shared>>) dst(%arg7 : memref<32x128xf32, #tpu.memory_space<vmem>>)
      tpu.yield
    }) : () -> ()
    %add3A_364 = arith.constant 480 : i32
    %add3A_365 = arith.addi %mul3A_11, %add3A_364 : i32
    "tpu.region"() ({
      %run_scoped3A = tpu.sem_alloc : memref<!tpu.dma_semaphore, #tpu.memory_space<semaphore_mem>>
      %dma_start3A_402 = arith.constant 0 : i32
      %dma_start3A_403 = tpu.memref_slice %arg4[%arg0, %add3A_365, %dma_start3A_402] : memref<2x12544x128xf32, #tpu.memory_space<hbm>> -> memref<1x32x128xf32, #tpu.memory_space<hbm>>
      %dma_start3A_404 = tpu.memref_squeeze %dma_start3A_403 : memref<1x32x128xf32, #tpu.memory_space<hbm>> -> memref<32x128xf32, #tpu.memory_space<hbm>>
      %dma_start3A_405 = arith.constant 0 : i32
      %dma_start3A_406 = tpu.memref_slice %arg4[%arg0, %add3A_365, %dma_start3A_405] : memref<2x12544x128xf32, #tpu.memory_space<hbm>> -> memref<1x32x128xf32, #tpu.memory_space<hbm>>
      %dma_start3A_407 = tpu.memref_squeeze %dma_start3A_406 : memref<1x32x128xf32, #tpu.memory_space<hbm>> -> memref<32x128xf32, #tpu.memory_space<hbm>>
      tpu.enqueue_dma source(%arg7 : memref<32x128xf32, #tpu.memory_space<vmem>>) target(%dma_start3A_407 : memref<32x128xf32, #tpu.memory_space<hbm>>) target_semaphore(%run_scoped3A : memref<!tpu.dma_semaphore, #tpu.memory_space<semaphore_mem>>)
      %dma_wait3A_408 = arith.constant 0 : i32
      %dma_wait3A_409 = tpu.memref_slice %arg4[%arg0, %add3A_365, %dma_wait3A_408] : memref<2x12544x128xf32, #tpu.memory_space<hbm>> -> memref<1x32x128xf32, #tpu.memory_space<hbm>>
      %dma_wait3A_410 = tpu.memref_squeeze %dma_wait3A_409 : memref<1x32x128xf32, #tpu.memory_space<hbm>> -> memref<32x128xf32, #tpu.memory_space<hbm>>
      %dma_wait3A_411 = arith.constant 0 : i32
      %dma_wait3A_412 = tpu.memref_slice %arg4[%arg0, %add3A_365, %dma_wait3A_411] : memref<2x12544x128xf32, #tpu.memory_space<hbm>> -> memref<1x32x128xf32, #tpu.memory_space<hbm>>
      %dma_wait3A_413 = tpu.memref_squeeze %dma_wait3A_412 : memref<1x32x128xf32, #tpu.memory_space<hbm>> -> memref<32x128xf32, #tpu.memory_space<hbm>>
      tpu.wait_dma2 semaphore(%run_scoped3A : memref<!tpu.dma_semaphore, #tpu.memory_space<semaphore_mem>>) src(%arg7 : memref<32x128xf32, #tpu.memory_space<vmem>>) dst(%dma_wait3A_413 : memref<32x128xf32, #tpu.memory_space<hbm>>)
      tpu.yield
    }) : () -> ()
    %add3A_366 = arith.constant 512 : i32
    %add3A_367 = arith.addi %mul3A_11, %add3A_366 : i32
    "tpu.region"() ({
      %run_scoped3A = tpu.sem_alloc : memref<!tpu.dma_semaphore, #tpu.memory_space<semaphore_mem>>
      %dma_start3A_402 = arith.constant 0 : i32
      %dma_start3A_403 = tpu.memref_slice %arg5[%add3A_367, %dma_start3A_402] : memref<12544x128xf32, #tpu.memory_space<vmem_shared>> -> memref<32x128xf32, #tpu.memory_space<vmem_shared>>
      %dma_start3A_404 = arith.constant 0 : i32
      %dma_start3A_405 = tpu.memref_slice %arg5[%add3A_367, %dma_start3A_404] : memref<12544x128xf32, #tpu.memory_space<vmem_shared>> -> memref<32x128xf32, #tpu.memory_space<vmem_shared>>
      tpu.enqueue_dma source(%dma_start3A_405 : memref<32x128xf32, #tpu.memory_space<vmem_shared>>) target(%arg7 : memref<32x128xf32, #tpu.memory_space<vmem>>) target_semaphore(%run_scoped3A : memref<!tpu.dma_semaphore, #tpu.memory_space<semaphore_mem>>)
      %dma_wait3A_406 = arith.constant 0 : i32
      %dma_wait3A_407 = tpu.memref_slice %arg5[%add3A_367, %dma_wait3A_406] : memref<12544x128xf32, #tpu.memory_space<vmem_shared>> -> memref<32x128xf32, #tpu.memory_space<vmem_shared>>
      %dma_wait3A_408 = arith.constant 0 : i32
      %dma_wait3A_409 = tpu.memref_slice %arg5[%add3A_367, %dma_wait3A_408] : memref<12544x128xf32, #tpu.memory_space<vmem_shared>> -> memref<32x128xf32, #tpu.memory_space<vmem_shared>>
      tpu.wait_dma2 semaphore(%run_scoped3A : memref<!tpu.dma_semaphore, #tpu.memory_space<semaphore_mem>>) src(%dma_wait3A_409 : memref<32x128xf32, #tpu.memory_space<vmem_shared>>) dst(%arg7 : memref<32x128xf32, #tpu.memory_space<vmem>>)
      tpu.yield
    }) : () -> ()
    %add3A_368 = arith.constant 512 : i32
    %add3A_369 = arith.addi %mul3A_11, %add3A_368 : i32
    "tpu.region"() ({
      %run_scoped3A = tpu.sem_alloc : memref<!tpu.dma_semaphore, #tpu.memory_space<semaphore_mem>>
      %dma_start3A_402 = arith.constant 0 : i32
      %dma_start3A_403 = tpu.memref_slice %arg4[%arg0, %add3A_369, %dma_start3A_402] : memref<2x12544x128xf32, #tpu.memory_space<hbm>> -> memref<1x32x128xf32, #tpu.memory_space<hbm>>
      %dma_start3A_404 = tpu.memref_squeeze %dma_start3A_403 : memref<1x32x128xf32, #tpu.memory_space<hbm>> -> memref<32x128xf32, #tpu.memory_space<hbm>>
      %dma_start3A_405 = arith.constant 0 : i32
      %dma_start3A_406 = tpu.memref_slice %arg4[%arg0, %add3A_369, %dma_start3A_405] : memref<2x12544x128xf32, #tpu.memory_space<hbm>> -> memref<1x32x128xf32, #tpu.memory_space<hbm>>
      %dma_start3A_407 = tpu.memref_squeeze %dma_start3A_406 : memref<1x32x128xf32, #tpu.memory_space<hbm>> -> memref<32x128xf32, #tpu.memory_space<hbm>>
      tpu.enqueue_dma source(%arg7 : memref<32x128xf32, #tpu.memory_space<vmem>>) target(%dma_start3A_407 : memref<32x128xf32, #tpu.memory_space<hbm>>) target_semaphore(%run_scoped3A : memref<!tpu.dma_semaphore, #tpu.memory_space<semaphore_mem>>)
      %dma_wait3A_408 = arith.constant 0 : i32
      %dma_wait3A_409 = tpu.memref_slice %arg4[%arg0, %add3A_369, %dma_wait3A_408] : memref<2x12544x128xf32, #tpu.memory_space<hbm>> -> memref<1x32x128xf32, #tpu.memory_space<hbm>>
      %dma_wait3A_410 = tpu.memref_squeeze %dma_wait3A_409 : memref<1x32x128xf32, #tpu.memory_space<hbm>> -> memref<32x128xf32, #tpu.memory_space<hbm>>
      %dma_wait3A_411 = arith.constant 0 : i32
      %dma_wait3A_412 = tpu.memref_slice %arg4[%arg0, %add3A_369, %dma_wait3A_411] : memref<2x12544x128xf32, #tpu.memory_space<hbm>> -> memref<1x32x128xf32, #tpu.memory_space<hbm>>
      %dma_wait3A_413 = tpu.memref_squeeze %dma_wait3A_412 : memref<1x32x128xf32, #tpu.memory_space<hbm>> -> memref<32x128xf32, #tpu.memory_space<hbm>>
      tpu.wait_dma2 semaphore(%run_scoped3A : memref<!tpu.dma_semaphore, #tpu.memory_space<semaphore_mem>>) src(%arg7 : memref<32x128xf32, #tpu.memory_space<vmem>>) dst(%dma_wait3A_413 : memref<32x128xf32, #tpu.memory_space<hbm>>)
      tpu.yield
    }) : () -> ()
    %add3A_370 = arith.constant 544 : i32
    %add3A_371 = arith.addi %mul3A_11, %add3A_370 : i32
    "tpu.region"() ({
      %run_scoped3A = tpu.sem_alloc : memref<!tpu.dma_semaphore, #tpu.memory_space<semaphore_mem>>
      %dma_start3A_402 = arith.constant 0 : i32
      %dma_start3A_403 = tpu.memref_slice %arg5[%add3A_371, %dma_start3A_402] : memref<12544x128xf32, #tpu.memory_space<vmem_shared>> -> memref<32x128xf32, #tpu.memory_space<vmem_shared>>
      %dma_start3A_404 = arith.constant 0 : i32
      %dma_start3A_405 = tpu.memref_slice %arg5[%add3A_371, %dma_start3A_404] : memref<12544x128xf32, #tpu.memory_space<vmem_shared>> -> memref<32x128xf32, #tpu.memory_space<vmem_shared>>
      tpu.enqueue_dma source(%dma_start3A_405 : memref<32x128xf32, #tpu.memory_space<vmem_shared>>) target(%arg7 : memref<32x128xf32, #tpu.memory_space<vmem>>) target_semaphore(%run_scoped3A : memref<!tpu.dma_semaphore, #tpu.memory_space<semaphore_mem>>)
      %dma_wait3A_406 = arith.constant 0 : i32
      %dma_wait3A_407 = tpu.memref_slice %arg5[%add3A_371, %dma_wait3A_406] : memref<12544x128xf32, #tpu.memory_space<vmem_shared>> -> memref<32x128xf32, #tpu.memory_space<vmem_shared>>
      %dma_wait3A_408 = arith.constant 0 : i32
      %dma_wait3A_409 = tpu.memref_slice %arg5[%add3A_371, %dma_wait3A_408] : memref<12544x128xf32, #tpu.memory_space<vmem_shared>> -> memref<32x128xf32, #tpu.memory_space<vmem_shared>>
      tpu.wait_dma2 semaphore(%run_scoped3A : memref<!tpu.dma_semaphore, #tpu.memory_space<semaphore_mem>>) src(%dma_wait3A_409 : memref<32x128xf32, #tpu.memory_space<vmem_shared>>) dst(%arg7 : memref<32x128xf32, #tpu.memory_space<vmem>>)
      tpu.yield
    }) : () -> ()
    %add3A_372 = arith.constant 544 : i32
    %add3A_373 = arith.addi %mul3A_11, %add3A_372 : i32
    "tpu.region"() ({
      %run_scoped3A = tpu.sem_alloc : memref<!tpu.dma_semaphore, #tpu.memory_space<semaphore_mem>>
      %dma_start3A_402 = arith.constant 0 : i32
      %dma_start3A_403 = tpu.memref_slice %arg4[%arg0, %add3A_373, %dma_start3A_402] : memref<2x12544x128xf32, #tpu.memory_space<hbm>> -> memref<1x32x128xf32, #tpu.memory_space<hbm>>
      %dma_start3A_404 = tpu.memref_squeeze %dma_start3A_403 : memref<1x32x128xf32, #tpu.memory_space<hbm>> -> memref<32x128xf32, #tpu.memory_space<hbm>>
      %dma_start3A_405 = arith.constant 0 : i32
      %dma_start3A_406 = tpu.memref_slice %arg4[%arg0, %add3A_373, %dma_start3A_405] : memref<2x12544x128xf32, #tpu.memory_space<hbm>> -> memref<1x32x128xf32, #tpu.memory_space<hbm>>
      %dma_start3A_407 = tpu.memref_squeeze %dma_start3A_406 : memref<1x32x128xf32, #tpu.memory_space<hbm>> -> memref<32x128xf32, #tpu.memory_space<hbm>>
      tpu.enqueue_dma source(%arg7 : memref<32x128xf32, #tpu.memory_space<vmem>>) target(%dma_start3A_407 : memref<32x128xf32, #tpu.memory_space<hbm>>) target_semaphore(%run_scoped3A : memref<!tpu.dma_semaphore, #tpu.memory_space<semaphore_mem>>)
      %dma_wait3A_408 = arith.constant 0 : i32
      %dma_wait3A_409 = tpu.memref_slice %arg4[%arg0, %add3A_373, %dma_wait3A_408] : memref<2x12544x128xf32, #tpu.memory_space<hbm>> -> memref<1x32x128xf32, #tpu.memory_space<hbm>>
      %dma_wait3A_410 = tpu.memref_squeeze %dma_wait3A_409 : memref<1x32x128xf32, #tpu.memory_space<hbm>> -> memref<32x128xf32, #tpu.memory_space<hbm>>
      %dma_wait3A_411 = arith.constant 0 : i32
      %dma_wait3A_412 = tpu.memref_slice %arg4[%arg0, %add3A_373, %dma_wait3A_411] : memref<2x12544x128xf32, #tpu.memory_space<hbm>> -> memref<1x32x128xf32, #tpu.memory_space<hbm>>
      %dma_wait3A_413 = tpu.memref_squeeze %dma_wait3A_412 : memref<1x32x128xf32, #tpu.memory_space<hbm>> -> memref<32x128xf32, #tpu.memory_space<hbm>>
      tpu.wait_dma2 semaphore(%run_scoped3A : memref<!tpu.dma_semaphore, #tpu.memory_space<semaphore_mem>>) src(%arg7 : memref<32x128xf32, #tpu.memory_space<vmem>>) dst(%dma_wait3A_413 : memref<32x128xf32, #tpu.memory_space<hbm>>)
      tpu.yield
    }) : () -> ()
    %add3A_374 = arith.constant 576 : i32
    %add3A_375 = arith.addi %mul3A_11, %add3A_374 : i32
    "tpu.region"() ({
      %run_scoped3A = tpu.sem_alloc : memref<!tpu.dma_semaphore, #tpu.memory_space<semaphore_mem>>
      %dma_start3A_402 = arith.constant 0 : i32
      %dma_start3A_403 = tpu.memref_slice %arg5[%add3A_375, %dma_start3A_402] : memref<12544x128xf32, #tpu.memory_space<vmem_shared>> -> memref<32x128xf32, #tpu.memory_space<vmem_shared>>
      %dma_start3A_404 = arith.constant 0 : i32
      %dma_start3A_405 = tpu.memref_slice %arg5[%add3A_375, %dma_start3A_404] : memref<12544x128xf32, #tpu.memory_space<vmem_shared>> -> memref<32x128xf32, #tpu.memory_space<vmem_shared>>
      tpu.enqueue_dma source(%dma_start3A_405 : memref<32x128xf32, #tpu.memory_space<vmem_shared>>) target(%arg7 : memref<32x128xf32, #tpu.memory_space<vmem>>) target_semaphore(%run_scoped3A : memref<!tpu.dma_semaphore, #tpu.memory_space<semaphore_mem>>)
      %dma_wait3A_406 = arith.constant 0 : i32
      %dma_wait3A_407 = tpu.memref_slice %arg5[%add3A_375, %dma_wait3A_406] : memref<12544x128xf32, #tpu.memory_space<vmem_shared>> -> memref<32x128xf32, #tpu.memory_space<vmem_shared>>
      %dma_wait3A_408 = arith.constant 0 : i32
      %dma_wait3A_409 = tpu.memref_slice %arg5[%add3A_375, %dma_wait3A_408] : memref<12544x128xf32, #tpu.memory_space<vmem_shared>> -> memref<32x128xf32, #tpu.memory_space<vmem_shared>>
      tpu.wait_dma2 semaphore(%run_scoped3A : memref<!tpu.dma_semaphore, #tpu.memory_space<semaphore_mem>>) src(%dma_wait3A_409 : memref<32x128xf32, #tpu.memory_space<vmem_shared>>) dst(%arg7 : memref<32x128xf32, #tpu.memory_space<vmem>>)
      tpu.yield
    }) : () -> ()
    %add3A_376 = arith.constant 576 : i32
    %add3A_377 = arith.addi %mul3A_11, %add3A_376 : i32
    "tpu.region"() ({
      %run_scoped3A = tpu.sem_alloc : memref<!tpu.dma_semaphore, #tpu.memory_space<semaphore_mem>>
      %dma_start3A_402 = arith.constant 0 : i32
      %dma_start3A_403 = tpu.memref_slice %arg4[%arg0, %add3A_377, %dma_start3A_402] : memref<2x12544x128xf32, #tpu.memory_space<hbm>> -> memref<1x32x128xf32, #tpu.memory_space<hbm>>
      %dma_start3A_404 = tpu.memref_squeeze %dma_start3A_403 : memref<1x32x128xf32, #tpu.memory_space<hbm>> -> memref<32x128xf32, #tpu.memory_space<hbm>>
      %dma_start3A_405 = arith.constant 0 : i32
      %dma_start3A_406 = tpu.memref_slice %arg4[%arg0, %add3A_377, %dma_start3A_405] : memref<2x12544x128xf32, #tpu.memory_space<hbm>> -> memref<1x32x128xf32, #tpu.memory_space<hbm>>
      %dma_start3A_407 = tpu.memref_squeeze %dma_start3A_406 : memref<1x32x128xf32, #tpu.memory_space<hbm>> -> memref<32x128xf32, #tpu.memory_space<hbm>>
      tpu.enqueue_dma source(%arg7 : memref<32x128xf32, #tpu.memory_space<vmem>>) target(%dma_start3A_407 : memref<32x128xf32, #tpu.memory_space<hbm>>) target_semaphore(%run_scoped3A : memref<!tpu.dma_semaphore, #tpu.memory_space<semaphore_mem>>)
      %dma_wait3A_408 = arith.constant 0 : i32
      %dma_wait3A_409 = tpu.memref_slice %arg4[%arg0, %add3A_377, %dma_wait3A_408] : memref<2x12544x128xf32, #tpu.memory_space<hbm>> -> memref<1x32x128xf32, #tpu.memory_space<hbm>>
      %dma_wait3A_410 = tpu.memref_squeeze %dma_wait3A_409 : memref<1x32x128xf32, #tpu.memory_space<hbm>> -> memref<32x128xf32, #tpu.memory_space<hbm>>
      %dma_wait3A_411 = arith.constant 0 : i32
      %dma_wait3A_412 = tpu.memref_slice %arg4[%arg0, %add3A_377, %dma_wait3A_411] : memref<2x12544x128xf32, #tpu.memory_space<hbm>> -> memref<1x32x128xf32, #tpu.memory_space<hbm>>
      %dma_wait3A_413 = tpu.memref_squeeze %dma_wait3A_412 : memref<1x32x128xf32, #tpu.memory_space<hbm>> -> memref<32x128xf32, #tpu.memory_space<hbm>>
      tpu.wait_dma2 semaphore(%run_scoped3A : memref<!tpu.dma_semaphore, #tpu.memory_space<semaphore_mem>>) src(%arg7 : memref<32x128xf32, #tpu.memory_space<vmem>>) dst(%dma_wait3A_413 : memref<32x128xf32, #tpu.memory_space<hbm>>)
      tpu.yield
    }) : () -> ()
    %add3A_378 = arith.constant 608 : i32
    %add3A_379 = arith.addi %mul3A_11, %add3A_378 : i32
    "tpu.region"() ({
      %run_scoped3A = tpu.sem_alloc : memref<!tpu.dma_semaphore, #tpu.memory_space<semaphore_mem>>
      %dma_start3A_402 = arith.constant 0 : i32
      %dma_start3A_403 = tpu.memref_slice %arg5[%add3A_379, %dma_start3A_402] : memref<12544x128xf32, #tpu.memory_space<vmem_shared>> -> memref<32x128xf32, #tpu.memory_space<vmem_shared>>
      %dma_start3A_404 = arith.constant 0 : i32
      %dma_start3A_405 = tpu.memref_slice %arg5[%add3A_379, %dma_start3A_404] : memref<12544x128xf32, #tpu.memory_space<vmem_shared>> -> memref<32x128xf32, #tpu.memory_space<vmem_shared>>
      tpu.enqueue_dma source(%dma_start3A_405 : memref<32x128xf32, #tpu.memory_space<vmem_shared>>) target(%arg7 : memref<32x128xf32, #tpu.memory_space<vmem>>) target_semaphore(%run_scoped3A : memref<!tpu.dma_semaphore, #tpu.memory_space<semaphore_mem>>)
      %dma_wait3A_406 = arith.constant 0 : i32
      %dma_wait3A_407 = tpu.memref_slice %arg5[%add3A_379, %dma_wait3A_406] : memref<12544x128xf32, #tpu.memory_space<vmem_shared>> -> memref<32x128xf32, #tpu.memory_space<vmem_shared>>
      %dma_wait3A_408 = arith.constant 0 : i32
      %dma_wait3A_409 = tpu.memref_slice %arg5[%add3A_379, %dma_wait3A_408] : memref<12544x128xf32, #tpu.memory_space<vmem_shared>> -> memref<32x128xf32, #tpu.memory_space<vmem_shared>>
      tpu.wait_dma2 semaphore(%run_scoped3A : memref<!tpu.dma_semaphore, #tpu.memory_space<semaphore_mem>>) src(%dma_wait3A_409 : memref<32x128xf32, #tpu.memory_space<vmem_shared>>) dst(%arg7 : memref<32x128xf32, #tpu.memory_space<vmem>>)
      tpu.yield
    }) : () -> ()
    %add3A_380 = arith.constant 608 : i32
    %add3A_381 = arith.addi %mul3A_11, %add3A_380 : i32
    "tpu.region"() ({
      %run_scoped3A = tpu.sem_alloc : memref<!tpu.dma_semaphore, #tpu.memory_space<semaphore_mem>>
      %dma_start3A_402 = arith.constant 0 : i32
      %dma_start3A_403 = tpu.memref_slice %arg4[%arg0, %add3A_381, %dma_start3A_402] : memref<2x12544x128xf32, #tpu.memory_space<hbm>> -> memref<1x32x128xf32, #tpu.memory_space<hbm>>
      %dma_start3A_404 = tpu.memref_squeeze %dma_start3A_403 : memref<1x32x128xf32, #tpu.memory_space<hbm>> -> memref<32x128xf32, #tpu.memory_space<hbm>>
      %dma_start3A_405 = arith.constant 0 : i32
      %dma_start3A_406 = tpu.memref_slice %arg4[%arg0, %add3A_381, %dma_start3A_405] : memref<2x12544x128xf32, #tpu.memory_space<hbm>> -> memref<1x32x128xf32, #tpu.memory_space<hbm>>
      %dma_start3A_407 = tpu.memref_squeeze %dma_start3A_406 : memref<1x32x128xf32, #tpu.memory_space<hbm>> -> memref<32x128xf32, #tpu.memory_space<hbm>>
      tpu.enqueue_dma source(%arg7 : memref<32x128xf32, #tpu.memory_space<vmem>>) target(%dma_start3A_407 : memref<32x128xf32, #tpu.memory_space<hbm>>) target_semaphore(%run_scoped3A : memref<!tpu.dma_semaphore, #tpu.memory_space<semaphore_mem>>)
      %dma_wait3A_408 = arith.constant 0 : i32
      %dma_wait3A_409 = tpu.memref_slice %arg4[%arg0, %add3A_381, %dma_wait3A_408] : memref<2x12544x128xf32, #tpu.memory_space<hbm>> -> memref<1x32x128xf32, #tpu.memory_space<hbm>>
      %dma_wait3A_410 = tpu.memref_squeeze %dma_wait3A_409 : memref<1x32x128xf32, #tpu.memory_space<hbm>> -> memref<32x128xf32, #tpu.memory_space<hbm>>
      %dma_wait3A_411 = arith.constant 0 : i32
      %dma_wait3A_412 = tpu.memref_slice %arg4[%arg0, %add3A_381, %dma_wait3A_411] : memref<2x12544x128xf32, #tpu.memory_space<hbm>> -> memref<1x32x128xf32, #tpu.memory_space<hbm>>
      %dma_wait3A_413 = tpu.memref_squeeze %dma_wait3A_412 : memref<1x32x128xf32, #tpu.memory_space<hbm>> -> memref<32x128xf32, #tpu.memory_space<hbm>>
      tpu.wait_dma2 semaphore(%run_scoped3A : memref<!tpu.dma_semaphore, #tpu.memory_space<semaphore_mem>>) src(%arg7 : memref<32x128xf32, #tpu.memory_space<vmem>>) dst(%dma_wait3A_413 : memref<32x128xf32, #tpu.memory_space<hbm>>)
      tpu.yield
    }) : () -> ()
    %add3A_382 = arith.constant 640 : i32
    %add3A_383 = arith.addi %mul3A_11, %add3A_382 : i32
    "tpu.region"() ({
      %run_scoped3A = tpu.sem_alloc : memref<!tpu.dma_semaphore, #tpu.memory_space<semaphore_mem>>
      %dma_start3A_402 = arith.constant 0 : i32
      %dma_start3A_403 = tpu.memref_slice %arg5[%add3A_383, %dma_start3A_402] : memref<12544x128xf32, #tpu.memory_space<vmem_shared>> -> memref<32x128xf32, #tpu.memory_space<vmem_shared>>
      %dma_start3A_404 = arith.constant 0 : i32
      %dma_start3A_405 = tpu.memref_slice %arg5[%add3A_383, %dma_start3A_404] : memref<12544x128xf32, #tpu.memory_space<vmem_shared>> -> memref<32x128xf32, #tpu.memory_space<vmem_shared>>
      tpu.enqueue_dma source(%dma_start3A_405 : memref<32x128xf32, #tpu.memory_space<vmem_shared>>) target(%arg7 : memref<32x128xf32, #tpu.memory_space<vmem>>) target_semaphore(%run_scoped3A : memref<!tpu.dma_semaphore, #tpu.memory_space<semaphore_mem>>)
      %dma_wait3A_406 = arith.constant 0 : i32
      %dma_wait3A_407 = tpu.memref_slice %arg5[%add3A_383, %dma_wait3A_406] : memref<12544x128xf32, #tpu.memory_space<vmem_shared>> -> memref<32x128xf32, #tpu.memory_space<vmem_shared>>
      %dma_wait3A_408 = arith.constant 0 : i32
      %dma_wait3A_409 = tpu.memref_slice %arg5[%add3A_383, %dma_wait3A_408] : memref<12544x128xf32, #tpu.memory_space<vmem_shared>> -> memref<32x128xf32, #tpu.memory_space<vmem_shared>>
      tpu.wait_dma2 semaphore(%run_scoped3A : memref<!tpu.dma_semaphore, #tpu.memory_space<semaphore_mem>>) src(%dma_wait3A_409 : memref<32x128xf32, #tpu.memory_space<vmem_shared>>) dst(%arg7 : memref<32x128xf32, #tpu.memory_space<vmem>>)
      tpu.yield
    }) : () -> ()
    %add3A_384 = arith.constant 640 : i32
    %add3A_385 = arith.addi %mul3A_11, %add3A_384 : i32
    "tpu.region"() ({
      %run_scoped3A = tpu.sem_alloc : memref<!tpu.dma_semaphore, #tpu.memory_space<semaphore_mem>>
      %dma_start3A_402 = arith.constant 0 : i32
      %dma_start3A_403 = tpu.memref_slice %arg4[%arg0, %add3A_385, %dma_start3A_402] : memref<2x12544x128xf32, #tpu.memory_space<hbm>> -> memref<1x32x128xf32, #tpu.memory_space<hbm>>
      %dma_start3A_404 = tpu.memref_squeeze %dma_start3A_403 : memref<1x32x128xf32, #tpu.memory_space<hbm>> -> memref<32x128xf32, #tpu.memory_space<hbm>>
      %dma_start3A_405 = arith.constant 0 : i32
      %dma_start3A_406 = tpu.memref_slice %arg4[%arg0, %add3A_385, %dma_start3A_405] : memref<2x12544x128xf32, #tpu.memory_space<hbm>> -> memref<1x32x128xf32, #tpu.memory_space<hbm>>
      %dma_start3A_407 = tpu.memref_squeeze %dma_start3A_406 : memref<1x32x128xf32, #tpu.memory_space<hbm>> -> memref<32x128xf32, #tpu.memory_space<hbm>>
      tpu.enqueue_dma source(%arg7 : memref<32x128xf32, #tpu.memory_space<vmem>>) target(%dma_start3A_407 : memref<32x128xf32, #tpu.memory_space<hbm>>) target_semaphore(%run_scoped3A : memref<!tpu.dma_semaphore, #tpu.memory_space<semaphore_mem>>)
      %dma_wait3A_408 = arith.constant 0 : i32
      %dma_wait3A_409 = tpu.memref_slice %arg4[%arg0, %add3A_385, %dma_wait3A_408] : memref<2x12544x128xf32, #tpu.memory_space<hbm>> -> memref<1x32x128xf32, #tpu.memory_space<hbm>>
      %dma_wait3A_410 = tpu.memref_squeeze %dma_wait3A_409 : memref<1x32x128xf32, #tpu.memory_space<hbm>> -> memref<32x128xf32, #tpu.memory_space<hbm>>
      %dma_wait3A_411 = arith.constant 0 : i32
      %dma_wait3A_412 = tpu.memref_slice %arg4[%arg0, %add3A_385, %dma_wait3A_411] : memref<2x12544x128xf32, #tpu.memory_space<hbm>> -> memref<1x32x128xf32, #tpu.memory_space<hbm>>
      %dma_wait3A_413 = tpu.memref_squeeze %dma_wait3A_412 : memref<1x32x128xf32, #tpu.memory_space<hbm>> -> memref<32x128xf32, #tpu.memory_space<hbm>>
      tpu.wait_dma2 semaphore(%run_scoped3A : memref<!tpu.dma_semaphore, #tpu.memory_space<semaphore_mem>>) src(%arg7 : memref<32x128xf32, #tpu.memory_space<vmem>>) dst(%dma_wait3A_413 : memref<32x128xf32, #tpu.memory_space<hbm>>)
      tpu.yield
    }) : () -> ()
    %add3A_386 = arith.constant 672 : i32
    %add3A_387 = arith.addi %mul3A_11, %add3A_386 : i32
    "tpu.region"() ({
      %run_scoped3A = tpu.sem_alloc : memref<!tpu.dma_semaphore, #tpu.memory_space<semaphore_mem>>
      %dma_start3A_402 = arith.constant 0 : i32
      %dma_start3A_403 = tpu.memref_slice %arg5[%add3A_387, %dma_start3A_402] : memref<12544x128xf32, #tpu.memory_space<vmem_shared>> -> memref<32x128xf32, #tpu.memory_space<vmem_shared>>
      %dma_start3A_404 = arith.constant 0 : i32
      %dma_start3A_405 = tpu.memref_slice %arg5[%add3A_387, %dma_start3A_404] : memref<12544x128xf32, #tpu.memory_space<vmem_shared>> -> memref<32x128xf32, #tpu.memory_space<vmem_shared>>
      tpu.enqueue_dma source(%dma_start3A_405 : memref<32x128xf32, #tpu.memory_space<vmem_shared>>) target(%arg7 : memref<32x128xf32, #tpu.memory_space<vmem>>) target_semaphore(%run_scoped3A : memref<!tpu.dma_semaphore, #tpu.memory_space<semaphore_mem>>)
      %dma_wait3A_406 = arith.constant 0 : i32
      %dma_wait3A_407 = tpu.memref_slice %arg5[%add3A_387, %dma_wait3A_406] : memref<12544x128xf32, #tpu.memory_space<vmem_shared>> -> memref<32x128xf32, #tpu.memory_space<vmem_shared>>
      %dma_wait3A_408 = arith.constant 0 : i32
      %dma_wait3A_409 = tpu.memref_slice %arg5[%add3A_387, %dma_wait3A_408] : memref<12544x128xf32, #tpu.memory_space<vmem_shared>> -> memref<32x128xf32, #tpu.memory_space<vmem_shared>>
      tpu.wait_dma2 semaphore(%run_scoped3A : memref<!tpu.dma_semaphore, #tpu.memory_space<semaphore_mem>>) src(%dma_wait3A_409 : memref<32x128xf32, #tpu.memory_space<vmem_shared>>) dst(%arg7 : memref<32x128xf32, #tpu.memory_space<vmem>>)
      tpu.yield
    }) : () -> ()
    %add3A_388 = arith.constant 672 : i32
    %add3A_389 = arith.addi %mul3A_11, %add3A_388 : i32
    "tpu.region"() ({
      %run_scoped3A = tpu.sem_alloc : memref<!tpu.dma_semaphore, #tpu.memory_space<semaphore_mem>>
      %dma_start3A_402 = arith.constant 0 : i32
      %dma_start3A_403 = tpu.memref_slice %arg4[%arg0, %add3A_389, %dma_start3A_402] : memref<2x12544x128xf32, #tpu.memory_space<hbm>> -> memref<1x32x128xf32, #tpu.memory_space<hbm>>
      %dma_start3A_404 = tpu.memref_squeeze %dma_start3A_403 : memref<1x32x128xf32, #tpu.memory_space<hbm>> -> memref<32x128xf32, #tpu.memory_space<hbm>>
      %dma_start3A_405 = arith.constant 0 : i32
      %dma_start3A_406 = tpu.memref_slice %arg4[%arg0, %add3A_389, %dma_start3A_405] : memref<2x12544x128xf32, #tpu.memory_space<hbm>> -> memref<1x32x128xf32, #tpu.memory_space<hbm>>
      %dma_start3A_407 = tpu.memref_squeeze %dma_start3A_406 : memref<1x32x128xf32, #tpu.memory_space<hbm>> -> memref<32x128xf32, #tpu.memory_space<hbm>>
      tpu.enqueue_dma source(%arg7 : memref<32x128xf32, #tpu.memory_space<vmem>>) target(%dma_start3A_407 : memref<32x128xf32, #tpu.memory_space<hbm>>) target_semaphore(%run_scoped3A : memref<!tpu.dma_semaphore, #tpu.memory_space<semaphore_mem>>)
      %dma_wait3A_408 = arith.constant 0 : i32
      %dma_wait3A_409 = tpu.memref_slice %arg4[%arg0, %add3A_389, %dma_wait3A_408] : memref<2x12544x128xf32, #tpu.memory_space<hbm>> -> memref<1x32x128xf32, #tpu.memory_space<hbm>>
      %dma_wait3A_410 = tpu.memref_squeeze %dma_wait3A_409 : memref<1x32x128xf32, #tpu.memory_space<hbm>> -> memref<32x128xf32, #tpu.memory_space<hbm>>
      %dma_wait3A_411 = arith.constant 0 : i32
      %dma_wait3A_412 = tpu.memref_slice %arg4[%arg0, %add3A_389, %dma_wait3A_411] : memref<2x12544x128xf32, #tpu.memory_space<hbm>> -> memref<1x32x128xf32, #tpu.memory_space<hbm>>
      %dma_wait3A_413 = tpu.memref_squeeze %dma_wait3A_412 : memref<1x32x128xf32, #tpu.memory_space<hbm>> -> memref<32x128xf32, #tpu.memory_space<hbm>>
      tpu.wait_dma2 semaphore(%run_scoped3A : memref<!tpu.dma_semaphore, #tpu.memory_space<semaphore_mem>>) src(%arg7 : memref<32x128xf32, #tpu.memory_space<vmem>>) dst(%dma_wait3A_413 : memref<32x128xf32, #tpu.memory_space<hbm>>)
      tpu.yield
    }) : () -> ()
    %add3A_390 = arith.constant 704 : i32
    %add3A_391 = arith.addi %mul3A_11, %add3A_390 : i32
    "tpu.region"() ({
      %run_scoped3A = tpu.sem_alloc : memref<!tpu.dma_semaphore, #tpu.memory_space<semaphore_mem>>
      %dma_start3A_402 = arith.constant 0 : i32
      %dma_start3A_403 = tpu.memref_slice %arg5[%add3A_391, %dma_start3A_402] : memref<12544x128xf32, #tpu.memory_space<vmem_shared>> -> memref<32x128xf32, #tpu.memory_space<vmem_shared>>
      %dma_start3A_404 = arith.constant 0 : i32
      %dma_start3A_405 = tpu.memref_slice %arg5[%add3A_391, %dma_start3A_404] : memref<12544x128xf32, #tpu.memory_space<vmem_shared>> -> memref<32x128xf32, #tpu.memory_space<vmem_shared>>
      tpu.enqueue_dma source(%dma_start3A_405 : memref<32x128xf32, #tpu.memory_space<vmem_shared>>) target(%arg7 : memref<32x128xf32, #tpu.memory_space<vmem>>) target_semaphore(%run_scoped3A : memref<!tpu.dma_semaphore, #tpu.memory_space<semaphore_mem>>)
      %dma_wait3A_406 = arith.constant 0 : i32
      %dma_wait3A_407 = tpu.memref_slice %arg5[%add3A_391, %dma_wait3A_406] : memref<12544x128xf32, #tpu.memory_space<vmem_shared>> -> memref<32x128xf32, #tpu.memory_space<vmem_shared>>
      %dma_wait3A_408 = arith.constant 0 : i32
      %dma_wait3A_409 = tpu.memref_slice %arg5[%add3A_391, %dma_wait3A_408] : memref<12544x128xf32, #tpu.memory_space<vmem_shared>> -> memref<32x128xf32, #tpu.memory_space<vmem_shared>>
      tpu.wait_dma2 semaphore(%run_scoped3A : memref<!tpu.dma_semaphore, #tpu.memory_space<semaphore_mem>>) src(%dma_wait3A_409 : memref<32x128xf32, #tpu.memory_space<vmem_shared>>) dst(%arg7 : memref<32x128xf32, #tpu.memory_space<vmem>>)
      tpu.yield
    }) : () -> ()
    %add3A_392 = arith.constant 704 : i32
    %add3A_393 = arith.addi %mul3A_11, %add3A_392 : i32
    "tpu.region"() ({
      %run_scoped3A = tpu.sem_alloc : memref<!tpu.dma_semaphore, #tpu.memory_space<semaphore_mem>>
      %dma_start3A_402 = arith.constant 0 : i32
      %dma_start3A_403 = tpu.memref_slice %arg4[%arg0, %add3A_393, %dma_start3A_402] : memref<2x12544x128xf32, #tpu.memory_space<hbm>> -> memref<1x32x128xf32, #tpu.memory_space<hbm>>
      %dma_start3A_404 = tpu.memref_squeeze %dma_start3A_403 : memref<1x32x128xf32, #tpu.memory_space<hbm>> -> memref<32x128xf32, #tpu.memory_space<hbm>>
      %dma_start3A_405 = arith.constant 0 : i32
      %dma_start3A_406 = tpu.memref_slice %arg4[%arg0, %add3A_393, %dma_start3A_405] : memref<2x12544x128xf32, #tpu.memory_space<hbm>> -> memref<1x32x128xf32, #tpu.memory_space<hbm>>
      %dma_start3A_407 = tpu.memref_squeeze %dma_start3A_406 : memref<1x32x128xf32, #tpu.memory_space<hbm>> -> memref<32x128xf32, #tpu.memory_space<hbm>>
      tpu.enqueue_dma source(%arg7 : memref<32x128xf32, #tpu.memory_space<vmem>>) target(%dma_start3A_407 : memref<32x128xf32, #tpu.memory_space<hbm>>) target_semaphore(%run_scoped3A : memref<!tpu.dma_semaphore, #tpu.memory_space<semaphore_mem>>)
      %dma_wait3A_408 = arith.constant 0 : i32
      %dma_wait3A_409 = tpu.memref_slice %arg4[%arg0, %add3A_393, %dma_wait3A_408] : memref<2x12544x128xf32, #tpu.memory_space<hbm>> -> memref<1x32x128xf32, #tpu.memory_space<hbm>>
      %dma_wait3A_410 = tpu.memref_squeeze %dma_wait3A_409 : memref<1x32x128xf32, #tpu.memory_space<hbm>> -> memref<32x128xf32, #tpu.memory_space<hbm>>
      %dma_wait3A_411 = arith.constant 0 : i32
      %dma_wait3A_412 = tpu.memref_slice %arg4[%arg0, %add3A_393, %dma_wait3A_411] : memref<2x12544x128xf32, #tpu.memory_space<hbm>> -> memref<1x32x128xf32, #tpu.memory_space<hbm>>
      %dma_wait3A_413 = tpu.memref_squeeze %dma_wait3A_412 : memref<1x32x128xf32, #tpu.memory_space<hbm>> -> memref<32x128xf32, #tpu.memory_space<hbm>>
      tpu.wait_dma2 semaphore(%run_scoped3A : memref<!tpu.dma_semaphore, #tpu.memory_space<semaphore_mem>>) src(%arg7 : memref<32x128xf32, #tpu.memory_space<vmem>>) dst(%dma_wait3A_413 : memref<32x128xf32, #tpu.memory_space<hbm>>)
      tpu.yield
    }) : () -> ()
    %add3A_394 = arith.constant 736 : i32
    %add3A_395 = arith.addi %mul3A_11, %add3A_394 : i32
    "tpu.region"() ({
      %run_scoped3A = tpu.sem_alloc : memref<!tpu.dma_semaphore, #tpu.memory_space<semaphore_mem>>
      %dma_start3A_402 = arith.constant 0 : i32
      %dma_start3A_403 = tpu.memref_slice %arg5[%add3A_395, %dma_start3A_402] : memref<12544x128xf32, #tpu.memory_space<vmem_shared>> -> memref<32x128xf32, #tpu.memory_space<vmem_shared>>
      %dma_start3A_404 = arith.constant 0 : i32
      %dma_start3A_405 = tpu.memref_slice %arg5[%add3A_395, %dma_start3A_404] : memref<12544x128xf32, #tpu.memory_space<vmem_shared>> -> memref<32x128xf32, #tpu.memory_space<vmem_shared>>
      tpu.enqueue_dma source(%dma_start3A_405 : memref<32x128xf32, #tpu.memory_space<vmem_shared>>) target(%arg7 : memref<32x128xf32, #tpu.memory_space<vmem>>) target_semaphore(%run_scoped3A : memref<!tpu.dma_semaphore, #tpu.memory_space<semaphore_mem>>)
      %dma_wait3A_406 = arith.constant 0 : i32
      %dma_wait3A_407 = tpu.memref_slice %arg5[%add3A_395, %dma_wait3A_406] : memref<12544x128xf32, #tpu.memory_space<vmem_shared>> -> memref<32x128xf32, #tpu.memory_space<vmem_shared>>
      %dma_wait3A_408 = arith.constant 0 : i32
      %dma_wait3A_409 = tpu.memref_slice %arg5[%add3A_395, %dma_wait3A_408] : memref<12544x128xf32, #tpu.memory_space<vmem_shared>> -> memref<32x128xf32, #tpu.memory_space<vmem_shared>>
      tpu.wait_dma2 semaphore(%run_scoped3A : memref<!tpu.dma_semaphore, #tpu.memory_space<semaphore_mem>>) src(%dma_wait3A_409 : memref<32x128xf32, #tpu.memory_space<vmem_shared>>) dst(%arg7 : memref<32x128xf32, #tpu.memory_space<vmem>>)
      tpu.yield
    }) : () -> ()
    %add3A_396 = arith.constant 736 : i32
    %add3A_397 = arith.addi %mul3A_11, %add3A_396 : i32
    "tpu.region"() ({
      %run_scoped3A = tpu.sem_alloc : memref<!tpu.dma_semaphore, #tpu.memory_space<semaphore_mem>>
      %dma_start3A_402 = arith.constant 0 : i32
      %dma_start3A_403 = tpu.memref_slice %arg4[%arg0, %add3A_397, %dma_start3A_402] : memref<2x12544x128xf32, #tpu.memory_space<hbm>> -> memref<1x32x128xf32, #tpu.memory_space<hbm>>
      %dma_start3A_404 = tpu.memref_squeeze %dma_start3A_403 : memref<1x32x128xf32, #tpu.memory_space<hbm>> -> memref<32x128xf32, #tpu.memory_space<hbm>>
      %dma_start3A_405 = arith.constant 0 : i32
      %dma_start3A_406 = tpu.memref_slice %arg4[%arg0, %add3A_397, %dma_start3A_405] : memref<2x12544x128xf32, #tpu.memory_space<hbm>> -> memref<1x32x128xf32, #tpu.memory_space<hbm>>
      %dma_start3A_407 = tpu.memref_squeeze %dma_start3A_406 : memref<1x32x128xf32, #tpu.memory_space<hbm>> -> memref<32x128xf32, #tpu.memory_space<hbm>>
      tpu.enqueue_dma source(%arg7 : memref<32x128xf32, #tpu.memory_space<vmem>>) target(%dma_start3A_407 : memref<32x128xf32, #tpu.memory_space<hbm>>) target_semaphore(%run_scoped3A : memref<!tpu.dma_semaphore, #tpu.memory_space<semaphore_mem>>)
      %dma_wait3A_408 = arith.constant 0 : i32
      %dma_wait3A_409 = tpu.memref_slice %arg4[%arg0, %add3A_397, %dma_wait3A_408] : memref<2x12544x128xf32, #tpu.memory_space<hbm>> -> memref<1x32x128xf32, #tpu.memory_space<hbm>>
      %dma_wait3A_410 = tpu.memref_squeeze %dma_wait3A_409 : memref<1x32x128xf32, #tpu.memory_space<hbm>> -> memref<32x128xf32, #tpu.memory_space<hbm>>
      %dma_wait3A_411 = arith.constant 0 : i32
      %dma_wait3A_412 = tpu.memref_slice %arg4[%arg0, %add3A_397, %dma_wait3A_411] : memref<2x12544x128xf32, #tpu.memory_space<hbm>> -> memref<1x32x128xf32, #tpu.memory_space<hbm>>
      %dma_wait3A_413 = tpu.memref_squeeze %dma_wait3A_412 : memref<1x32x128xf32, #tpu.memory_space<hbm>> -> memref<32x128xf32, #tpu.memory_space<hbm>>
      tpu.wait_dma2 semaphore(%run_scoped3A : memref<!tpu.dma_semaphore, #tpu.memory_space<semaphore_mem>>) src(%arg7 : memref<32x128xf32, #tpu.memory_space<vmem>>) dst(%dma_wait3A_413 : memref<32x128xf32, #tpu.memory_space<hbm>>)
      tpu.yield
    }) : () -> ()
    %add3A_398 = arith.constant 768 : i32
    %add3A_399 = arith.addi %mul3A_11, %add3A_398 : i32
    "tpu.region"() ({
      %run_scoped3A = tpu.sem_alloc : memref<!tpu.dma_semaphore, #tpu.memory_space<semaphore_mem>>
      %dma_start3A_402 = arith.constant 0 : i32
      %dma_start3A_403 = arith.constant 0 : i32
      %dma_start3A_404 = tpu.memref_slice %arg7[%dma_start3A_402, %dma_start3A_403] : memref<32x128xf32, #tpu.memory_space<vmem>> -> memref<16x128xf32, #tpu.memory_space<vmem>>
      %dma_start3A_405 = arith.constant 0 : i32
      %dma_start3A_406 = tpu.memref_slice %arg5[%add3A_399, %dma_start3A_405] : memref<12544x128xf32, #tpu.memory_space<vmem_shared>> -> memref<16x128xf32, #tpu.memory_space<vmem_shared>>
      %dma_start3A_407 = arith.constant 0 : i32
      %dma_start3A_408 = arith.constant 0 : i32
      %dma_start3A_409 = tpu.memref_slice %arg7[%dma_start3A_407, %dma_start3A_408] : memref<32x128xf32, #tpu.memory_space<vmem>> -> memref<16x128xf32, #tpu.memory_space<vmem>>
      %dma_start3A_410 = arith.constant 0 : i32
      %dma_start3A_411 = tpu.memref_slice %arg5[%add3A_399, %dma_start3A_410] : memref<12544x128xf32, #tpu.memory_space<vmem_shared>> -> memref<16x128xf32, #tpu.memory_space<vmem_shared>>
      tpu.enqueue_dma source(%dma_start3A_411 : memref<16x128xf32, #tpu.memory_space<vmem_shared>>) target(%dma_start3A_409 : memref<16x128xf32, #tpu.memory_space<vmem>>) target_semaphore(%run_scoped3A : memref<!tpu.dma_semaphore, #tpu.memory_space<semaphore_mem>>)
      %dma_wait3A_412 = arith.constant 0 : i32
      %dma_wait3A_413 = arith.constant 0 : i32
      %dma_wait3A_414 = tpu.memref_slice %arg7[%dma_wait3A_412, %dma_wait3A_413] : memref<32x128xf32, #tpu.memory_space<vmem>> -> memref<16x128xf32, #tpu.memory_space<vmem>>
      %dma_wait3A_415 = arith.constant 0 : i32
      %dma_wait3A_416 = tpu.memref_slice %arg5[%add3A_399, %dma_wait3A_415] : memref<12544x128xf32, #tpu.memory_space<vmem_shared>> -> memref<16x128xf32, #tpu.memory_space<vmem_shared>>
      %dma_wait3A_417 = arith.constant 0 : i32
      %dma_wait3A_418 = arith.constant 0 : i32
      %dma_wait3A_419 = tpu.memref_slice %arg7[%dma_wait3A_417, %dma_wait3A_418] : memref<32x128xf32, #tpu.memory_space<vmem>> -> memref<16x128xf32, #tpu.memory_space<vmem>>
      %dma_wait3A_420 = arith.constant 0 : i32
      %dma_wait3A_421 = tpu.memref_slice %arg5[%add3A_399, %dma_wait3A_420] : memref<12544x128xf32, #tpu.memory_space<vmem_shared>> -> memref<16x128xf32, #tpu.memory_space<vmem_shared>>
      tpu.wait_dma2 semaphore(%run_scoped3A : memref<!tpu.dma_semaphore, #tpu.memory_space<semaphore_mem>>) src(%dma_wait3A_421 : memref<16x128xf32, #tpu.memory_space<vmem_shared>>) dst(%dma_wait3A_419 : memref<16x128xf32, #tpu.memory_space<vmem>>)
      tpu.yield
    }) : () -> ()
    %add3A_400 = arith.constant 768 : i32
    %add3A_401 = arith.addi %mul3A_11, %add3A_400 : i32
    "tpu.region"() ({
      %run_scoped3A = tpu.sem_alloc : memref<!tpu.dma_semaphore, #tpu.memory_space<semaphore_mem>>
      %dma_start3A_402 = arith.constant 0 : i32
      %dma_start3A_403 = arith.constant 0 : i32
      %dma_start3A_404 = tpu.memref_slice %arg7[%dma_start3A_402, %dma_start3A_403] : memref<32x128xf32, #tpu.memory_space<vmem>> -> memref<16x128xf32, #tpu.memory_space<vmem>>
      %dma_start3A_405 = arith.constant 0 : i32
      %dma_start3A_406 = tpu.memref_slice %arg4[%arg0, %add3A_401, %dma_start3A_405] : memref<2x12544x128xf32, #tpu.memory_space<hbm>> -> memref<1x16x128xf32, #tpu.memory_space<hbm>>
      %dma_start3A_407 = tpu.memref_squeeze %dma_start3A_406 : memref<1x16x128xf32, #tpu.memory_space<hbm>> -> memref<16x128xf32, #tpu.memory_space<hbm>>
      %dma_start3A_408 = arith.constant 0 : i32
      %dma_start3A_409 = tpu.memref_slice %arg4[%arg0, %add3A_401, %dma_start3A_408] : memref<2x12544x128xf32, #tpu.memory_space<hbm>> -> memref<1x16x128xf32, #tpu.memory_space<hbm>>
      %dma_start3A_410 = tpu.memref_squeeze %dma_start3A_409 : memref<1x16x128xf32, #tpu.memory_space<hbm>> -> memref<16x128xf32, #tpu.memory_space<hbm>>
      %dma_start3A_411 = arith.constant 0 : i32
      %dma_start3A_412 = arith.constant 0 : i32
      %dma_start3A_413 = tpu.memref_slice %arg7[%dma_start3A_411, %dma_start3A_412] : memref<32x128xf32, #tpu.memory_space<vmem>> -> memref<16x128xf32, #tpu.memory_space<vmem>>
      tpu.enqueue_dma source(%dma_start3A_413 : memref<16x128xf32, #tpu.memory_space<vmem>>) target(%dma_start3A_410 : memref<16x128xf32, #tpu.memory_space<hbm>>) target_semaphore(%run_scoped3A : memref<!tpu.dma_semaphore, #tpu.memory_space<semaphore_mem>>)
      %dma_wait3A_414 = arith.constant 0 : i32
      %dma_wait3A_415 = arith.constant 0 : i32
      %dma_wait3A_416 = tpu.memref_slice %arg7[%dma_wait3A_414, %dma_wait3A_415] : memref<32x128xf32, #tpu.memory_space<vmem>> -> memref<16x128xf32, #tpu.memory_space<vmem>>
      %dma_wait3A_417 = arith.constant 0 : i32
      %dma_wait3A_418 = tpu.memref_slice %arg4[%arg0, %add3A_401, %dma_wait3A_417] : memref<2x12544x128xf32, #tpu.memory_space<hbm>> -> memref<1x16x128xf32, #tpu.memory_space<hbm>>
      %dma_wait3A_419 = tpu.memref_squeeze %dma_wait3A_418 : memref<1x16x128xf32, #tpu.memory_space<hbm>> -> memref<16x128xf32, #tpu.memory_space<hbm>>
      %dma_wait3A_420 = arith.constant 0 : i32
      %dma_wait3A_421 = tpu.memref_slice %arg4[%arg0, %add3A_401, %dma_wait3A_420] : memref<2x12544x128xf32, #tpu.memory_space<hbm>> -> memref<1x16x128xf32, #tpu.memory_space<hbm>>
      %dma_wait3A_422 = tpu.memref_squeeze %dma_wait3A_421 : memref<1x16x128xf32, #tpu.memory_space<hbm>> -> memref<16x128xf32, #tpu.memory_space<hbm>>
      %dma_wait3A_423 = arith.constant 0 : i32
      %dma_wait3A_424 = arith.constant 0 : i32
      %dma_wait3A_425 = tpu.memref_slice %arg7[%dma_wait3A_423, %dma_wait3A_424] : memref<32x128xf32, #tpu.memory_space<vmem>> -> memref<16x128xf32, #tpu.memory_space<vmem>>
      tpu.wait_dma2 semaphore(%run_scoped3A : memref<!tpu.dma_semaphore, #tpu.memory_space<semaphore_mem>>) src(%dma_wait3A_425 : memref<16x128xf32, #tpu.memory_space<vmem>>) dst(%dma_wait3A_422 : memref<16x128xf32, #tpu.memory_space<hbm>>)
      tpu.yield
    }) : () -> ()
    return
  }
}

#map = affine_map<(d0, d1) -> (0, 0)>
#map1 = affine_map<(d0, d1) -> (0)>
module attributes {stable_mosaic.version = 14 : i64} {
  func.func @_gather_combine_body(%arg0: i32, %arg1: i32, %arg2: memref<50000x128xf32, #tpu.memory_space<hbm>>, %arg3: memref<800000xi32, #tpu.memory_space<hbm>>, %arg4: memref<800000xi32, #tpu.memory_space<hbm>>, %arg5: memref<800000x128xf32, #tpu.memory_space<hbm>>, %arg6: memref<64xi32, #tpu.memory_space<vmem>>, %arg7: memref<64xi32, #tpu.memory_space<vmem>>, %arg8: memref<64x128xf32, #tpu.memory_space<vmem>>, %arg9: memref<64x128xf32, #tpu.memory_space<vmem>>, %arg10: memref<64x128xf32, #tpu.memory_space<vmem>>, %arg11: memref<64xi32, #tpu.memory_space<vmem>>, %arg12: memref<64xi32, #tpu.memory_space<vmem>>, %arg13: memref<64x128xf32, #tpu.memory_space<vmem>>, %arg14: memref<64x128xf32, #tpu.memory_space<vmem>>, %arg15: memref<64x128xf32, #tpu.memory_space<vmem>>, %arg16: memref<64xi32, #tpu.memory_space<vmem>>, %arg17: memref<64xi32, #tpu.memory_space<vmem>>, %arg18: memref<64x128xf32, #tpu.memory_space<vmem>>, %arg19: memref<64x128xf32, #tpu.memory_space<vmem>>, %arg20: memref<64x128xf32, #tpu.memory_space<vmem>>, %arg21: memref<!tpu.dma_semaphore, #tpu.memory_space<semaphore_mem>>, %arg22: memref<!tpu.dma_semaphore, #tpu.memory_space<semaphore_mem>>, %arg23: memref<!tpu.dma_semaphore, #tpu.memory_space<semaphore_mem>>, %arg24: memref<!tpu.dma_semaphore, #tpu.memory_space<semaphore_mem>>, %arg25: memref<!tpu.dma_semaphore, #tpu.memory_space<semaphore_mem>>, %arg26: memref<!tpu.dma_semaphore, #tpu.memory_space<semaphore_mem>>, %arg27: memref<!tpu.dma_semaphore, #tpu.memory_space<semaphore_mem>>, %arg28: memref<!tpu.dma_semaphore, #tpu.memory_space<semaphore_mem>>, %arg29: memref<!tpu.dma_semaphore, #tpu.memory_space<semaphore_mem>>) attributes {dimension_semantics = [#tpu.dimension_semantics<core_parallel>, #tpu.dimension_semantics<subcore_parallel>], iteration_bounds = array<i64: 2, 16>, scalar_prefetch = 0 : i64, scratch_operands = 24 : i64, tpu.core_type = #tpu.core_type<sc_vector_subcore>, window_params = [{transform_indices = #map}, {transform_indices = #map1}, {transform_indices = #map1}, {transform_indices = #map}]} {
    %mul3A = arith.constant 16 : i32
    %mul3A_0 = arith.muli %arg0, %mul3A : i32
    %add3A = arith.addi %mul3A_0, %arg1 : i32
    %mul3A_1 = arith.constant 391 : i32
    %mul3A_2 = arith.muli %add3A, %mul3A_1 : i32
    %broadcast_in_dim3A = arith.constant 0.000000e+00 : f32
    %broadcast_in_dim3A_3 = vector.broadcast %broadcast_in_dim3A : f32 to vector<16xf32>
    %scan3A = arith.constant 0 : i32
    %scan3A_4 = arith.constant 64 : i32
    %scan3A_5 = arith.addi %scan3A, %scan3A_4 : i32
    %scan3A_6 = arith.constant 1 : i32
    scf.for %scan3A_89 = %scan3A to %scan3A_5 step %scan3A_6  : i32 {
      %swap3A = arith.index_cast %scan3A_89 : i32 to index
      %swap3A_90 = arith.constant 64 : index
      %swap3A_91 = tpu.vector_load %arg10[%swap3A, %swap3A_90] {strides = array<i32>} : memref<64x128xf32, #tpu.memory_space<vmem>>, vector<1x16xf32>,
      %swap3A_92 = vector.shape_cast %swap3A_91 : vector<1x16xf32> to vector<16xf32>
      %swap3A_93 = vector.shape_cast %broadcast_in_dim3A_3 : vector<16xf32> to vector<1x16xf32>
      tpu.vector_store %arg10[%swap3A, %swap3A_90], %swap3A_93 {strides = array<i32>} : memref<64x128xf32, #tpu.memory_space<vmem>>, vector<1x16xf32>,
      %swap3A_94 = arith.index_cast %scan3A_89 : i32 to index
      %swap3A_95 = arith.constant 80 : index
      %swap3A_96 = tpu.vector_load %arg10[%swap3A_94, %swap3A_95] {strides = array<i32>} : memref<64x128xf32, #tpu.memory_space<vmem>>, vector<1x16xf32>,
      %swap3A_97 = vector.shape_cast %swap3A_96 : vector<1x16xf32> to vector<16xf32>
      %swap3A_98 = vector.shape_cast %broadcast_in_dim3A_3 : vector<16xf32> to vector<1x16xf32>
      tpu.vector_store %arg10[%swap3A_94, %swap3A_95], %swap3A_98 {strides = array<i32>} : memref<64x128xf32, #tpu.memory_space<vmem>>, vector<1x16xf32>,
      %swap3A_99 = arith.index_cast %scan3A_89 : i32 to index
      %swap3A_100 = arith.constant 96 : index
      %swap3A_101 = tpu.vector_load %arg10[%swap3A_99, %swap3A_100] {strides = array<i32>} : memref<64x128xf32, #tpu.memory_space<vmem>>, vector<1x16xf32>,
      %swap3A_102 = vector.shape_cast %swap3A_101 : vector<1x16xf32> to vector<16xf32>
      %swap3A_103 = vector.shape_cast %broadcast_in_dim3A_3 : vector<16xf32> to vector<1x16xf32>
      tpu.vector_store %arg10[%swap3A_99, %swap3A_100], %swap3A_103 {strides = array<i32>} : memref<64x128xf32, #tpu.memory_space<vmem>>, vector<1x16xf32>,
      %swap3A_104 = arith.index_cast %scan3A_89 : i32 to index
      %swap3A_105 = arith.constant 112 : index
      %swap3A_106 = tpu.vector_load %arg10[%swap3A_104, %swap3A_105] {strides = array<i32>} : memref<64x128xf32, #tpu.memory_space<vmem>>, vector<1x16xf32>,
      %swap3A_107 = vector.shape_cast %swap3A_106 : vector<1x16xf32> to vector<16xf32>
      %swap3A_108 = vector.shape_cast %broadcast_in_dim3A_3 : vector<16xf32> to vector<1x16xf32>
      tpu.vector_store %arg10[%swap3A_104, %swap3A_105], %swap3A_108 {strides = array<i32>} : memref<64x128xf32, #tpu.memory_space<vmem>>, vector<1x16xf32>,
      %swap3A_109 = arith.index_cast %scan3A_89 : i32 to index
      %swap3A_110 = arith.constant 64 : index
      %swap3A_111 = tpu.vector_load %arg15[%swap3A_109, %swap3A_110] {strides = array<i32>} : memref<64x128xf32, #tpu.memory_space<vmem>>, vector<1x16xf32>,
      %swap3A_112 = vector.shape_cast %swap3A_111 : vector<1x16xf32> to vector<16xf32>
      %swap3A_113 = vector.shape_cast %broadcast_in_dim3A_3 : vector<16xf32> to vector<1x16xf32>
      tpu.vector_store %arg15[%swap3A_109, %swap3A_110], %swap3A_113 {strides = array<i32>} : memref<64x128xf32, #tpu.memory_space<vmem>>, vector<1x16xf32>,
      %swap3A_114 = arith.index_cast %scan3A_89 : i32 to index
      %swap3A_115 = arith.constant 80 : index
      %swap3A_116 = tpu.vector_load %arg15[%swap3A_114, %swap3A_115] {strides = array<i32>} : memref<64x128xf32, #tpu.memory_space<vmem>>, vector<1x16xf32>,
      %swap3A_117 = vector.shape_cast %swap3A_116 : vector<1x16xf32> to vector<16xf32>
      %swap3A_118 = vector.shape_cast %broadcast_in_dim3A_3 : vector<16xf32> to vector<1x16xf32>
      tpu.vector_store %arg15[%swap3A_114, %swap3A_115], %swap3A_118 {strides = array<i32>} : memref<64x128xf32, #tpu.memory_space<vmem>>, vector<1x16xf32>,
      %swap3A_119 = arith.index_cast %scan3A_89 : i32 to index
      %swap3A_120 = arith.constant 96 : index
      %swap3A_121 = tpu.vector_load %arg15[%swap3A_119, %swap3A_120] {strides = array<i32>} : memref<64x128xf32, #tpu.memory_space<vmem>>, vector<1x16xf32>,
      %swap3A_122 = vector.shape_cast %swap3A_121 : vector<1x16xf32> to vector<16xf32>
      %swap3A_123 = vector.shape_cast %broadcast_in_dim3A_3 : vector<16xf32> to vector<1x16xf32>
      tpu.vector_store %arg15[%swap3A_119, %swap3A_120], %swap3A_123 {strides = array<i32>} : memref<64x128xf32, #tpu.memory_space<vmem>>, vector<1x16xf32>,
      %swap3A_124 = arith.index_cast %scan3A_89 : i32 to index
      %swap3A_125 = arith.constant 112 : index
      %swap3A_126 = tpu.vector_load %arg15[%swap3A_124, %swap3A_125] {strides = array<i32>} : memref<64x128xf32, #tpu.memory_space<vmem>>, vector<1x16xf32>,
      %swap3A_127 = vector.shape_cast %swap3A_126 : vector<1x16xf32> to vector<16xf32>
      %swap3A_128 = vector.shape_cast %broadcast_in_dim3A_3 : vector<16xf32> to vector<1x16xf32>
      tpu.vector_store %arg15[%swap3A_124, %swap3A_125], %swap3A_128 {strides = array<i32>} : memref<64x128xf32, #tpu.memory_space<vmem>>, vector<1x16xf32>,
      %swap3A_129 = arith.index_cast %scan3A_89 : i32 to index
      %swap3A_130 = arith.constant 64 : index
      %swap3A_131 = tpu.vector_load %arg20[%swap3A_129, %swap3A_130] {strides = array<i32>} : memref<64x128xf32, #tpu.memory_space<vmem>>, vector<1x16xf32>,
      %swap3A_132 = vector.shape_cast %swap3A_131 : vector<1x16xf32> to vector<16xf32>
      %swap3A_133 = vector.shape_cast %broadcast_in_dim3A_3 : vector<16xf32> to vector<1x16xf32>
      tpu.vector_store %arg20[%swap3A_129, %swap3A_130], %swap3A_133 {strides = array<i32>} : memref<64x128xf32, #tpu.memory_space<vmem>>, vector<1x16xf32>,
      %swap3A_134 = arith.index_cast %scan3A_89 : i32 to index
      %swap3A_135 = arith.constant 80 : index
      %swap3A_136 = tpu.vector_load %arg20[%swap3A_134, %swap3A_135] {strides = array<i32>} : memref<64x128xf32, #tpu.memory_space<vmem>>, vector<1x16xf32>,
      %swap3A_137 = vector.shape_cast %swap3A_136 : vector<1x16xf32> to vector<16xf32>
      %swap3A_138 = vector.shape_cast %broadcast_in_dim3A_3 : vector<16xf32> to vector<1x16xf32>
      tpu.vector_store %arg20[%swap3A_134, %swap3A_135], %swap3A_138 {strides = array<i32>} : memref<64x128xf32, #tpu.memory_space<vmem>>, vector<1x16xf32>,
      %swap3A_139 = arith.index_cast %scan3A_89 : i32 to index
      %swap3A_140 = arith.constant 96 : index
      %swap3A_141 = tpu.vector_load %arg20[%swap3A_139, %swap3A_140] {strides = array<i32>} : memref<64x128xf32, #tpu.memory_space<vmem>>, vector<1x16xf32>,
      %swap3A_142 = vector.shape_cast %swap3A_141 : vector<1x16xf32> to vector<16xf32>
      %swap3A_143 = vector.shape_cast %broadcast_in_dim3A_3 : vector<16xf32> to vector<1x16xf32>
      tpu.vector_store %arg20[%swap3A_139, %swap3A_140], %swap3A_143 {strides = array<i32>} : memref<64x128xf32, #tpu.memory_space<vmem>>, vector<1x16xf32>,
      %swap3A_144 = arith.index_cast %scan3A_89 : i32 to index
      %swap3A_145 = arith.constant 112 : index
      %swap3A_146 = tpu.vector_load %arg20[%swap3A_144, %swap3A_145] {strides = array<i32>} : memref<64x128xf32, #tpu.memory_space<vmem>>, vector<1x16xf32>,
      %swap3A_147 = vector.shape_cast %swap3A_146 : vector<1x16xf32> to vector<16xf32>
      %swap3A_148 = vector.shape_cast %broadcast_in_dim3A_3 : vector<16xf32> to vector<1x16xf32>
      tpu.vector_store %arg20[%swap3A_144, %swap3A_145], %swap3A_148 {strides = array<i32>} : memref<64x128xf32, #tpu.memory_space<vmem>>, vector<1x16xf32>,
    }
    %scan3A_7 = arith.constant 64 : i32
    %add3A_8 = arith.constant 0 : i32
    %add3A_9 = arith.addi %mul3A_2, %add3A_8 : i32
    %min3A = arith.constant 12499 : i32
    %min3A_10 = arith.minsi %add3A_9, %min3A : i32
    %mul3A_11 = arith.constant 64 : i32
    %mul3A_12 = arith.muli %min3A_10, %mul3A_11 : i32
    %dma_start3A = tpu.memref_slice %arg3[%mul3A_12] : memref<800000xi32, #tpu.memory_space<hbm>> -> memref<64xi32, #tpu.memory_space<hbm>>
    %dma_start3A_13 = tpu.memref_slice %arg3[%mul3A_12] : memref<800000xi32, #tpu.memory_space<hbm>> -> memref<64xi32, #tpu.memory_space<hbm>>
    tpu.enqueue_dma source(%dma_start3A_13 : memref<64xi32, #tpu.memory_space<hbm>>) target(%arg6 : memref<64xi32, #tpu.memory_space<vmem>>) target_semaphore(%arg21 : memref<!tpu.dma_semaphore, #tpu.memory_space<semaphore_mem>>)
    %dma_start3A_14 = tpu.memref_slice %arg4[%mul3A_12] : memref<800000xi32, #tpu.memory_space<hbm>> -> memref<64xi32, #tpu.memory_space<hbm>>
    %dma_start3A_15 = tpu.memref_slice %arg4[%mul3A_12] : memref<800000xi32, #tpu.memory_space<hbm>> -> memref<64xi32, #tpu.memory_space<hbm>>
    tpu.enqueue_dma source(%dma_start3A_15 : memref<64xi32, #tpu.memory_space<hbm>>) target(%arg7 : memref<64xi32, #tpu.memory_space<vmem>>) target_semaphore(%arg21 : memref<!tpu.dma_semaphore, #tpu.memory_space<semaphore_mem>>)
    %add3A_16 = arith.constant 1 : i32
    %add3A_17 = arith.addi %mul3A_2, %add3A_16 : i32
    %min3A_18 = arith.constant 12499 : i32
    %min3A_19 = arith.minsi %add3A_17, %min3A_18 : i32
    %mul3A_20 = arith.constant 64 : i32
    %mul3A_21 = arith.muli %min3A_19, %mul3A_20 : i32
    %dma_start3A_22 = tpu.memref_slice %arg3[%mul3A_21] : memref<800000xi32, #tpu.memory_space<hbm>> -> memref<64xi32, #tpu.memory_space<hbm>>
    %dma_start3A_23 = tpu.memref_slice %arg3[%mul3A_21] : memref<800000xi32, #tpu.memory_space<hbm>> -> memref<64xi32, #tpu.memory_space<hbm>>
    tpu.enqueue_dma source(%dma_start3A_23 : memref<64xi32, #tpu.memory_space<hbm>>) target(%arg11 : memref<64xi32, #tpu.memory_space<vmem>>) target_semaphore(%arg24 : memref<!tpu.dma_semaphore, #tpu.memory_space<semaphore_mem>>)
    %dma_start3A_24 = tpu.memref_slice %arg4[%mul3A_21] : memref<800000xi32, #tpu.memory_space<hbm>> -> memref<64xi32, #tpu.memory_space<hbm>>
    %dma_start3A_25 = tpu.memref_slice %arg4[%mul3A_21] : memref<800000xi32, #tpu.memory_space<hbm>> -> memref<64xi32, #tpu.memory_space<hbm>>
    tpu.enqueue_dma source(%dma_start3A_25 : memref<64xi32, #tpu.memory_space<hbm>>) target(%arg12 : memref<64xi32, #tpu.memory_space<vmem>>) target_semaphore(%arg24 : memref<!tpu.dma_semaphore, #tpu.memory_space<semaphore_mem>>)
    %dma_wait3A = arith.constant 0 : i32
    %dma_wait3A_26 = tpu.memref_slice %arg3[%dma_wait3A] : memref<800000xi32, #tpu.memory_space<hbm>> -> memref<64xi32, #tpu.memory_space<hbm>>
    %dma_wait3A_27 = arith.constant 0 : i32
    %dma_wait3A_28 = tpu.memref_slice %arg3[%dma_wait3A_27] : memref<800000xi32, #tpu.memory_space<hbm>> -> memref<64xi32, #tpu.memory_space<hbm>>
    tpu.wait_dma2 semaphore(%arg21 : memref<!tpu.dma_semaphore, #tpu.memory_space<semaphore_mem>>) src(%dma_wait3A_28 : memref<64xi32, #tpu.memory_space<hbm>>) dst(%arg6 : memref<64xi32, #tpu.memory_space<vmem>>)
    %dma_wait3A_29 = arith.constant 0 : i32
    %dma_wait3A_30 = tpu.memref_slice %arg4[%dma_wait3A_29] : memref<800000xi32, #tpu.memory_space<hbm>> -> memref<64xi32, #tpu.memory_space<hbm>>
    %dma_wait3A_31 = arith.constant 0 : i32
    %dma_wait3A_32 = tpu.memref_slice %arg4[%dma_wait3A_31] : memref<800000xi32, #tpu.memory_space<hbm>> -> memref<64xi32, #tpu.memory_space<hbm>>
    tpu.wait_dma2 semaphore(%arg21 : memref<!tpu.dma_semaphore, #tpu.memory_space<semaphore_mem>>) src(%dma_wait3A_32 : memref<64xi32, #tpu.memory_space<hbm>>) dst(%arg7 : memref<64xi32, #tpu.memory_space<vmem>>)
    %dma_start3A_33 = arith.constant 0 : i32
    %dma_start3A_34 = arith.constant 0 : i32
    %dma_start3A_35 = tpu.memref_slice %arg2[%dma_start3A_33, %dma_start3A_34] : memref<50000x128xf32, #tpu.memory_space<hbm>> -> memref<50000x128xf32, #tpu.memory_space<hbm>>
    tpu.enqueue_indirect_dma source(%dma_start3A_35 : memref<50000x128xf32, #tpu.memory_space<hbm>>) target(%arg8 : memref<64x128xf32, #tpu.memory_space<vmem>>) offsets(%arg6 : memref<64xi32, #tpu.memory_space<vmem>>) semaphore(%arg22 : memref<!tpu.dma_semaphore, #tpu.memory_space<semaphore_mem>>)
    %dma_start3A_36 = arith.constant 0 : i32
    %dma_start3A_37 = arith.constant 0 : i32
    %dma_start3A_38 = tpu.memref_slice %arg2[%dma_start3A_36, %dma_start3A_37] : memref<50000x128xf32, #tpu.memory_space<hbm>> -> memref<50000x128xf32, #tpu.memory_space<hbm>>
    tpu.enqueue_indirect_dma source(%dma_start3A_38 : memref<50000x128xf32, #tpu.memory_space<hbm>>) target(%arg9 : memref<64x128xf32, #tpu.memory_space<vmem>>) offsets(%arg7 : memref<64xi32, #tpu.memory_space<vmem>>) semaphore(%arg22 : memref<!tpu.dma_semaphore, #tpu.memory_space<semaphore_mem>>)
    %scan3A_39 = arith.constant 0 : i32
    %scan3A_40 = arith.constant 130 : i32
    %scan3A_41 = arith.addi %scan3A_39, %scan3A_40 : i32
    %scan3A_42 = arith.constant 1 : i32
    scf.for %scan3A_89 = %scan3A_39 to %scan3A_41 step %scan3A_42  : i32 {
      %mul3A_90 = arith.constant 3 : i32
      %mul3A_91 = arith.muli %scan3A_89, %mul3A_90 : i32
      %add3A_92 = arith.constant 0 : i32
      %add3A_93 = arith.addi %mul3A_91, %add3A_92 : i32
      %add3A_94 = arith.constant 2 : i32
      %add3A_95 = arith.addi %add3A_93, %add3A_94 : i32
      %le3A = arith.constant 390 : i32
      %le3A_96 = arith.cmpi sle, %add3A_95, %le3A : i32
      %convert_element_type3A = arith.extui %le3A_96 : i1 to i32
      %cond3A = arith.constant 0 : i32
      %cond3A_97 = arith.cmpi ne, %convert_element_type3A, %cond3A : i32
      scf.if %cond3A_97 {
        %add3A_215 = arith.constant 2 : i32
        %add3A_216 = arith.addi %add3A_93, %add3A_215 : i32
        %add3A_217 = arith.addi %mul3A_2, %add3A_216 : i32
        %min3A_218 = arith.constant 12499 : i32
        %min3A_219 = arith.minsi %add3A_217, %min3A_218 : i32
        %mul3A_220 = arith.constant 64 : i32
        %mul3A_221 = arith.muli %min3A_219, %mul3A_220 : i32
        %dma_start3A_222 = tpu.memref_slice %arg3[%mul3A_221] : memref<800000xi32, #tpu.memory_space<hbm>> -> memref<64xi32, #tpu.memory_space<hbm>>
        %dma_start3A_223 = tpu.memref_slice %arg3[%mul3A_221] : memref<800000xi32, #tpu.memory_space<hbm>> -> memref<64xi32, #tpu.memory_space<hbm>>
        tpu.enqueue_dma source(%dma_start3A_223 : memref<64xi32, #tpu.memory_space<hbm>>) target(%arg16 : memref<64xi32, #tpu.memory_space<vmem>>) target_semaphore(%arg27 : memref<!tpu.dma_semaphore, #tpu.memory_space<semaphore_mem>>)
        %dma_start3A_224 = tpu.memref_slice %arg4[%mul3A_221] : memref<800000xi32, #tpu.memory_space<hbm>> -> memref<64xi32, #tpu.memory_space<hbm>>
        %dma_start3A_225 = tpu.memref_slice %arg4[%mul3A_221] : memref<800000xi32, #tpu.memory_space<hbm>> -> memref<64xi32, #tpu.memory_space<hbm>>
        tpu.enqueue_dma source(%dma_start3A_225 : memref<64xi32, #tpu.memory_space<hbm>>) target(%arg17 : memref<64xi32, #tpu.memory_space<vmem>>) target_semaphore(%arg27 : memref<!tpu.dma_semaphore, #tpu.memory_space<semaphore_mem>>)
      } else {
      }
      %add3A_98 = arith.constant 1 : i32
      %add3A_99 = arith.addi %add3A_93, %add3A_98 : i32
      %le3A_100 = arith.constant 390 : i32
      %le3A_101 = arith.cmpi sle, %add3A_99, %le3A_100 : i32
      %convert_element_type3A_102 = arith.extui %le3A_101 : i1 to i32
      %cond3A_103 = arith.constant 0 : i32
      %cond3A_104 = arith.cmpi ne, %convert_element_type3A_102, %cond3A_103 : i32
      scf.if %cond3A_104 {
        %dma_wait3A_215 = arith.constant 0 : i32
        %dma_wait3A_216 = tpu.memref_slice %arg3[%dma_wait3A_215] : memref<800000xi32, #tpu.memory_space<hbm>> -> memref<64xi32, #tpu.memory_space<hbm>>
        %dma_wait3A_217 = arith.constant 0 : i32
        %dma_wait3A_218 = tpu.memref_slice %arg3[%dma_wait3A_217] : memref<800000xi32, #tpu.memory_space<hbm>> -> memref<64xi32, #tpu.memory_space<hbm>>
        tpu.wait_dma2 semaphore(%arg24 : memref<!tpu.dma_semaphore, #tpu.memory_space<semaphore_mem>>) src(%dma_wait3A_218 : memref<64xi32, #tpu.memory_space<hbm>>) dst(%arg11 : memref<64xi32, #tpu.memory_space<vmem>>)
        %dma_wait3A_219 = arith.constant 0 : i32
        %dma_wait3A_220 = tpu.memref_slice %arg4[%dma_wait3A_219] : memref<800000xi32, #tpu.memory_space<hbm>> -> memref<64xi32, #tpu.memory_space<hbm>>
        %dma_wait3A_221 = arith.constant 0 : i32
        %dma_wait3A_222 = tpu.memref_slice %arg4[%dma_wait3A_221] : memref<800000xi32, #tpu.memory_space<hbm>> -> memref<64xi32, #tpu.memory_space<hbm>>
        tpu.wait_dma2 semaphore(%arg24 : memref<!tpu.dma_semaphore, #tpu.memory_space<semaphore_mem>>) src(%dma_wait3A_222 : memref<64xi32, #tpu.memory_space<hbm>>) dst(%arg12 : memref<64xi32, #tpu.memory_space<vmem>>)
        %dma_start3A_223 = arith.constant 0 : i32
        %dma_start3A_224 = arith.constant 0 : i32
        %dma_start3A_225 = tpu.memref_slice %arg2[%dma_start3A_223, %dma_start3A_224] : memref<50000x128xf32, #tpu.memory_space<hbm>> -> memref<50000x128xf32, #tpu.memory_space<hbm>>
        tpu.enqueue_indirect_dma source(%dma_start3A_225 : memref<50000x128xf32, #tpu.memory_space<hbm>>) target(%arg13 : memref<64x128xf32, #tpu.memory_space<vmem>>) offsets(%arg11 : memref<64xi32, #tpu.memory_space<vmem>>) semaphore(%arg25 : memref<!tpu.dma_semaphore, #tpu.memory_space<semaphore_mem>>)
        %dma_start3A_226 = arith.constant 0 : i32
        %dma_start3A_227 = arith.constant 0 : i32
        %dma_start3A_228 = tpu.memref_slice %arg2[%dma_start3A_226, %dma_start3A_227] : memref<50000x128xf32, #tpu.memory_space<hbm>> -> memref<50000x128xf32, #tpu.memory_space<hbm>>
        tpu.enqueue_indirect_dma source(%dma_start3A_228 : memref<50000x128xf32, #tpu.memory_space<hbm>>) target(%arg14 : memref<64x128xf32, #tpu.memory_space<vmem>>) offsets(%arg12 : memref<64xi32, #tpu.memory_space<vmem>>) semaphore(%arg25 : memref<!tpu.dma_semaphore, #tpu.memory_space<semaphore_mem>>)
      } else {
      }
      %dma_wait3A_105 = arith.constant 0 : i32
      %dma_wait3A_106 = arith.constant 0 : i32
      %dma_wait3A_107 = tpu.memref_slice %arg2[%dma_wait3A_105, %dma_wait3A_106] : memref<50000x128xf32, #tpu.memory_space<hbm>> -> memref<50000x128xf32, #tpu.memory_space<hbm>>
      tpu.wait_indirect_dma semaphore(%arg22 : memref<!tpu.dma_semaphore, #tpu.memory_space<semaphore_mem>>) src(%dma_wait3A_107 : memref<50000x128xf32, #tpu.memory_space<hbm>>) dst(%arg8 : memref<64x128xf32, #tpu.memory_space<vmem>>)
      %dma_wait3A_108 = arith.constant 0 : i32
      %dma_wait3A_109 = arith.constant 0 : i32
      %dma_wait3A_110 = tpu.memref_slice %arg2[%dma_wait3A_108, %dma_wait3A_109] : memref<50000x128xf32, #tpu.memory_space<hbm>> -> memref<50000x128xf32, #tpu.memory_space<hbm>>
      tpu.wait_indirect_dma semaphore(%arg22 : memref<!tpu.dma_semaphore, #tpu.memory_space<semaphore_mem>>) src(%dma_wait3A_110 : memref<50000x128xf32, #tpu.memory_space<hbm>>) dst(%arg9 : memref<64x128xf32, #tpu.memory_space<vmem>>)
      %ge3A = arith.constant 3 : i32
      %ge3A_111 = arith.cmpi sge, %add3A_93, %ge3A : i32
      %convert_element_type3A_112 = arith.extui %ge3A_111 : i1 to i32
      %cond3A_113 = arith.constant 0 : i32
      %cond3A_114 = arith.cmpi ne, %convert_element_type3A_112, %cond3A_113 : i32
      scf.if %cond3A_114 {
        %dma_wait3A_215 = arith.constant 0 : i32
        %dma_wait3A_216 = arith.constant 0 : i32
        %dma_wait3A_217 = tpu.memref_slice %arg5[%dma_wait3A_215, %dma_wait3A_216] : memref<800000x128xf32, #tpu.memory_space<hbm>> -> memref<64x128xf32, #tpu.memory_space<hbm>>
        %dma_wait3A_218 = arith.constant 0 : i32
        %dma_wait3A_219 = arith.constant 0 : i32
        %dma_wait3A_220 = tpu.memref_slice %arg5[%dma_wait3A_218, %dma_wait3A_219] : memref<800000x128xf32, #tpu.memory_space<hbm>> -> memref<64x128xf32, #tpu.memory_space<hbm>>
        tpu.wait_dma2 semaphore(%arg23 : memref<!tpu.dma_semaphore, #tpu.memory_space<semaphore_mem>>) src(%arg10 : memref<64x128xf32, #tpu.memory_space<vmem>>) dst(%dma_wait3A_220 : memref<64x128xf32, #tpu.memory_space<hbm>>)
      } else {
      }
      %scan3A_115 = arith.constant 0 : i32
      %scan3A_116 = arith.constant 64 : i32
      %scan3A_117 = arith.addi %scan3A_115, %scan3A_116 : i32
      %scan3A_118 = arith.constant 1 : i32
      scf.for %scan3A_215 = %scan3A_115 to %scan3A_117 step %scan3A_118  : i32 {
        %get3A = arith.index_cast %scan3A_215 : i32 to index
        %get3A_216 = arith.constant 0 : index
        %get3A_217 = tpu.vector_load %arg8[%get3A, %get3A_216] {strides = array<i32>} : memref<64x128xf32, #tpu.memory_space<vmem>>, vector<1x16xf32>,
        %get3A_218 = vector.shape_cast %get3A_217 : vector<1x16xf32> to vector<16xf32>
        %get3A_219 = arith.index_cast %scan3A_215 : i32 to index
        %get3A_220 = arith.constant 64 : index
        %get3A_221 = tpu.vector_load %arg8[%get3A_219, %get3A_220] {strides = array<i32>} : memref<64x128xf32, #tpu.memory_space<vmem>>, vector<1x16xf32>,
        %get3A_222 = vector.shape_cast %get3A_221 : vector<1x16xf32> to vector<16xf32>
        %get3A_223 = arith.index_cast %scan3A_215 : i32 to index
        %get3A_224 = arith.constant 0 : index
        %get3A_225 = tpu.vector_load %arg9[%get3A_223, %get3A_224] {strides = array<i32>} : memref<64x128xf32, #tpu.memory_space<vmem>>, vector<1x16xf32>,
        %get3A_226 = vector.shape_cast %get3A_225 : vector<1x16xf32> to vector<16xf32>
        %get3A_227 = arith.index_cast %scan3A_215 : i32 to index
        %get3A_228 = arith.constant 64 : index
        %get3A_229 = tpu.vector_load %arg9[%get3A_227, %get3A_228] {strides = array<i32>} : memref<64x128xf32, #tpu.memory_space<vmem>>, vector<1x16xf32>,
        %get3A_230 = vector.shape_cast %get3A_229 : vector<1x16xf32> to vector<16xf32>
        %add3A_231 = arith.addf %get3A_218, %get3A_230 : vector<16xf32>
        %max3A = arith.constant 0.000000e+00 : f32
        %max3A_232 = vector.broadcast %max3A : f32 to vector<16xf32>
        %max3A_233 = arith.maximumf %add3A_231, %max3A_232 : vector<16xf32>
        %add3A_234 = arith.addf %get3A_226, %get3A_222 : vector<16xf32>
        %max3A_235 = arith.constant 0.000000e+00 : f32
        %max3A_236 = vector.broadcast %max3A_235 : f32 to vector<16xf32>
        %max3A_237 = arith.maximumf %add3A_234, %max3A_236 : vector<16xf32>
        %add3A_238 = arith.addf %max3A_233, %max3A_237 : vector<16xf32>
        %swap3A = arith.index_cast %scan3A_215 : i32 to index
        %swap3A_239 = arith.constant 0 : index
        %swap3A_240 = tpu.vector_load %arg10[%swap3A, %swap3A_239] {strides = array<i32>} : memref<64x128xf32, #tpu.memory_space<vmem>>, vector<1x16xf32>,
        %swap3A_241 = vector.shape_cast %swap3A_240 : vector<1x16xf32> to vector<16xf32>
        %swap3A_242 = vector.shape_cast %add3A_238 : vector<16xf32> to vector<1x16xf32>
        tpu.vector_store %arg10[%swap3A, %swap3A_239], %swap3A_242 {strides = array<i32>} : memref<64x128xf32, #tpu.memory_space<vmem>>, vector<1x16xf32>,
        %get3A_243 = arith.index_cast %scan3A_215 : i32 to index
        %get3A_244 = arith.constant 16 : index
        %get3A_245 = tpu.vector_load %arg8[%get3A_243, %get3A_244] {strides = array<i32>} : memref<64x128xf32, #tpu.memory_space<vmem>>, vector<1x16xf32>,
        %get3A_246 = vector.shape_cast %get3A_245 : vector<1x16xf32> to vector<16xf32>
        %get3A_247 = arith.index_cast %scan3A_215 : i32 to index
        %get3A_248 = arith.constant 80 : index
        %get3A_249 = tpu.vector_load %arg8[%get3A_247, %get3A_248] {strides = array<i32>} : memref<64x128xf32, #tpu.memory_space<vmem>>, vector<1x16xf32>,
        %get3A_250 = vector.shape_cast %get3A_249 : vector<1x16xf32> to vector<16xf32>
        %get3A_251 = arith.index_cast %scan3A_215 : i32 to index
        %get3A_252 = arith.constant 16 : index
        %get3A_253 = tpu.vector_load %arg9[%get3A_251, %get3A_252] {strides = array<i32>} : memref<64x128xf32, #tpu.memory_space<vmem>>, vector<1x16xf32>,
        %get3A_254 = vector.shape_cast %get3A_253 : vector<1x16xf32> to vector<16xf32>
        %get3A_255 = arith.index_cast %scan3A_215 : i32 to index
        %get3A_256 = arith.constant 80 : index
        %get3A_257 = tpu.vector_load %arg9[%get3A_255, %get3A_256] {strides = array<i32>} : memref<64x128xf32, #tpu.memory_space<vmem>>, vector<1x16xf32>,
        %get3A_258 = vector.shape_cast %get3A_257 : vector<1x16xf32> to vector<16xf32>
        %add3A_259 = arith.addf %get3A_246, %get3A_258 : vector<16xf32>
        %max3A_260 = arith.constant 0.000000e+00 : f32
        %max3A_261 = vector.broadcast %max3A_260 : f32 to vector<16xf32>
        %max3A_262 = arith.maximumf %add3A_259, %max3A_261 : vector<16xf32>
        %add3A_263 = arith.addf %get3A_254, %get3A_250 : vector<16xf32>
        %max3A_264 = arith.constant 0.000000e+00 : f32
        %max3A_265 = vector.broadcast %max3A_264 : f32 to vector<16xf32>
        %max3A_266 = arith.maximumf %add3A_263, %max3A_265 : vector<16xf32>
        %add3A_267 = arith.addf %max3A_262, %max3A_266 : vector<16xf32>
        %swap3A_268 = arith.index_cast %scan3A_215 : i32 to index
        %swap3A_269 = arith.constant 16 : index
        %swap3A_270 = tpu.vector_load %arg10[%swap3A_268, %swap3A_269] {strides = array<i32>} : memref<64x128xf32, #tpu.memory_space<vmem>>, vector<1x16xf32>,
        %swap3A_271 = vector.shape_cast %swap3A_270 : vector<1x16xf32> to vector<16xf32>
        %swap3A_272 = vector.shape_cast %add3A_267 : vector<16xf32> to vector<1x16xf32>
        tpu.vector_store %arg10[%swap3A_268, %swap3A_269], %swap3A_272 {strides = array<i32>} : memref<64x128xf32, #tpu.memory_space<vmem>>, vector<1x16xf32>,
        %get3A_273 = arith.index_cast %scan3A_215 : i32 to index
        %get3A_274 = arith.constant 32 : index
        %get3A_275 = tpu.vector_load %arg8[%get3A_273, %get3A_274] {strides = array<i32>} : memref<64x128xf32, #tpu.memory_space<vmem>>, vector<1x16xf32>,
        %get3A_276 = vector.shape_cast %get3A_275 : vector<1x16xf32> to vector<16xf32>
        %get3A_277 = arith.index_cast %scan3A_215 : i32 to index
        %get3A_278 = arith.constant 96 : index
        %get3A_279 = tpu.vector_load %arg8[%get3A_277, %get3A_278] {strides = array<i32>} : memref<64x128xf32, #tpu.memory_space<vmem>>, vector<1x16xf32>,
        %get3A_280 = vector.shape_cast %get3A_279 : vector<1x16xf32> to vector<16xf32>
        %get3A_281 = arith.index_cast %scan3A_215 : i32 to index
        %get3A_282 = arith.constant 32 : index
        %get3A_283 = tpu.vector_load %arg9[%get3A_281, %get3A_282] {strides = array<i32>} : memref<64x128xf32, #tpu.memory_space<vmem>>, vector<1x16xf32>,
        %get3A_284 = vector.shape_cast %get3A_283 : vector<1x16xf32> to vector<16xf32>
        %get3A_285 = arith.index_cast %scan3A_215 : i32 to index
        %get3A_286 = arith.constant 96 : index
        %get3A_287 = tpu.vector_load %arg9[%get3A_285, %get3A_286] {strides = array<i32>} : memref<64x128xf32, #tpu.memory_space<vmem>>, vector<1x16xf32>,
        %get3A_288 = vector.shape_cast %get3A_287 : vector<1x16xf32> to vector<16xf32>
        %add3A_289 = arith.addf %get3A_276, %get3A_288 : vector<16xf32>
        %max3A_290 = arith.constant 0.000000e+00 : f32
        %max3A_291 = vector.broadcast %max3A_290 : f32 to vector<16xf32>
        %max3A_292 = arith.maximumf %add3A_289, %max3A_291 : vector<16xf32>
        %add3A_293 = arith.addf %get3A_284, %get3A_280 : vector<16xf32>
        %max3A_294 = arith.constant 0.000000e+00 : f32
        %max3A_295 = vector.broadcast %max3A_294 : f32 to vector<16xf32>
        %max3A_296 = arith.maximumf %add3A_293, %max3A_295 : vector<16xf32>
        %add3A_297 = arith.addf %max3A_292, %max3A_296 : vector<16xf32>
        %swap3A_298 = arith.index_cast %scan3A_215 : i32 to index
        %swap3A_299 = arith.constant 32 : index
        %swap3A_300 = tpu.vector_load %arg10[%swap3A_298, %swap3A_299] {strides = array<i32>} : memref<64x128xf32, #tpu.memory_space<vmem>>, vector<1x16xf32>,
        %swap3A_301 = vector.shape_cast %swap3A_300 : vector<1x16xf32> to vector<16xf32>
        %swap3A_302 = vector.shape_cast %add3A_297 : vector<16xf32> to vector<1x16xf32>
        tpu.vector_store %arg10[%swap3A_298, %swap3A_299], %swap3A_302 {strides = array<i32>} : memref<64x128xf32, #tpu.memory_space<vmem>>, vector<1x16xf32>,
        %get3A_303 = arith.index_cast %scan3A_215 : i32 to index
        %get3A_304 = arith.constant 48 : index
        %get3A_305 = tpu.vector_load %arg8[%get3A_303, %get3A_304] {strides = array<i32>} : memref<64x128xf32, #tpu.memory_space<vmem>>, vector<1x16xf32>,
        %get3A_306 = vector.shape_cast %get3A_305 : vector<1x16xf32> to vector<16xf32>
        %get3A_307 = arith.index_cast %scan3A_215 : i32 to index
        %get3A_308 = arith.constant 112 : index
        %get3A_309 = tpu.vector_load %arg8[%get3A_307, %get3A_308] {strides = array<i32>} : memref<64x128xf32, #tpu.memory_space<vmem>>, vector<1x16xf32>,
        %get3A_310 = vector.shape_cast %get3A_309 : vector<1x16xf32> to vector<16xf32>
        %get3A_311 = arith.index_cast %scan3A_215 : i32 to index
        %get3A_312 = arith.constant 48 : index
        %get3A_313 = tpu.vector_load %arg9[%get3A_311, %get3A_312] {strides = array<i32>} : memref<64x128xf32, #tpu.memory_space<vmem>>, vector<1x16xf32>,
        %get3A_314 = vector.shape_cast %get3A_313 : vector<1x16xf32> to vector<16xf32>
        %get3A_315 = arith.index_cast %scan3A_215 : i32 to index
        %get3A_316 = arith.constant 112 : index
        %get3A_317 = tpu.vector_load %arg9[%get3A_315, %get3A_316] {strides = array<i32>} : memref<64x128xf32, #tpu.memory_space<vmem>>, vector<1x16xf32>,
        %get3A_318 = vector.shape_cast %get3A_317 : vector<1x16xf32> to vector<16xf32>
        %add3A_319 = arith.addf %get3A_306, %get3A_318 : vector<16xf32>
        %max3A_320 = arith.constant 0.000000e+00 : f32
        %max3A_321 = vector.broadcast %max3A_320 : f32 to vector<16xf32>
        %max3A_322 = arith.maximumf %add3A_319, %max3A_321 : vector<16xf32>
        %add3A_323 = arith.addf %get3A_314, %get3A_310 : vector<16xf32>
        %max3A_324 = arith.constant 0.000000e+00 : f32
        %max3A_325 = vector.broadcast %max3A_324 : f32 to vector<16xf32>
        %max3A_326 = arith.maximumf %add3A_323, %max3A_325 : vector<16xf32>
        %add3A_327 = arith.addf %max3A_322, %max3A_326 : vector<16xf32>
        %swap3A_328 = arith.index_cast %scan3A_215 : i32 to index
        %swap3A_329 = arith.constant 48 : index
        %swap3A_330 = tpu.vector_load %arg10[%swap3A_328, %swap3A_329] {strides = array<i32>} : memref<64x128xf32, #tpu.memory_space<vmem>>, vector<1x16xf32>,
        %swap3A_331 = vector.shape_cast %swap3A_330 : vector<1x16xf32> to vector<16xf32>
        %swap3A_332 = vector.shape_cast %add3A_327 : vector<16xf32> to vector<1x16xf32>
        tpu.vector_store %arg10[%swap3A_328, %swap3A_329], %swap3A_332 {strides = array<i32>} : memref<64x128xf32, #tpu.memory_space<vmem>>, vector<1x16xf32>,
      }
      %scan3A_119 = arith.constant 64 : i32
      %add3A_120 = arith.addi %mul3A_2, %add3A_93 : i32
      %min3A_121 = arith.constant 12499 : i32
      %min3A_122 = arith.minsi %add3A_120, %min3A_121 : i32
      %mul3A_123 = arith.constant 64 : i32
      %mul3A_124 = arith.muli %min3A_122, %mul3A_123 : i32
      %dma_start3A_125 = arith.constant 0 : i32
      %dma_start3A_126 = tpu.memref_slice %arg5[%mul3A_124, %dma_start3A_125] : memref<800000x128xf32, #tpu.memory_space<hbm>> -> memref<64x128xf32, #tpu.memory_space<hbm>>
      %dma_start3A_127 = arith.constant 0 : i32
      %dma_start3A_128 = tpu.memref_slice %arg5[%mul3A_124, %dma_start3A_127] : memref<800000x128xf32, #tpu.memory_space<hbm>> -> memref<64x128xf32, #tpu.memory_space<hbm>>
      tpu.enqueue_dma source(%arg10 : memref<64x128xf32, #tpu.memory_space<vmem>>) target(%dma_start3A_128 : memref<64x128xf32, #tpu.memory_space<hbm>>) target_semaphore(%arg23 : memref<!tpu.dma_semaphore, #tpu.memory_space<semaphore_mem>>)
      %mul3A_129 = arith.constant 3 : i32
      %mul3A_130 = arith.muli %scan3A_89, %mul3A_129 : i32
      %add3A_131 = arith.constant 1 : i32
      %add3A_132 = arith.addi %mul3A_130, %add3A_131 : i32
      %add3A_133 = arith.constant 2 : i32
      %add3A_134 = arith.addi %add3A_132, %add3A_133 : i32
      %le3A_135 = arith.constant 390 : i32
      %le3A_136 = arith.cmpi sle, %add3A_134, %le3A_135 : i32
      %convert_element_type3A_137 = arith.extui %le3A_136 : i1 to i32
      %cond3A_138 = arith.constant 0 : i32
      %cond3A_139 = arith.cmpi ne, %convert_element_type3A_137, %cond3A_138 : i32
      scf.if %cond3A_139 {
        %add3A_215 = arith.constant 2 : i32
        %add3A_216 = arith.addi %add3A_132, %add3A_215 : i32
        %add3A_217 = arith.addi %mul3A_2, %add3A_216 : i32
        %min3A_218 = arith.constant 12499 : i32
        %min3A_219 = arith.minsi %add3A_217, %min3A_218 : i32
        %mul3A_220 = arith.constant 64 : i32
        %mul3A_221 = arith.muli %min3A_219, %mul3A_220 : i32
        %dma_start3A_222 = tpu.memref_slice %arg3[%mul3A_221] : memref<800000xi32, #tpu.memory_space<hbm>> -> memref<64xi32, #tpu.memory_space<hbm>>
        %dma_start3A_223 = tpu.memref_slice %arg3[%mul3A_221] : memref<800000xi32, #tpu.memory_space<hbm>> -> memref<64xi32, #tpu.memory_space<hbm>>
        tpu.enqueue_dma source(%dma_start3A_223 : memref<64xi32, #tpu.memory_space<hbm>>) target(%arg6 : memref<64xi32, #tpu.memory_space<vmem>>) target_semaphore(%arg21 : memref<!tpu.dma_semaphore, #tpu.memory_space<semaphore_mem>>)
        %dma_start3A_224 = tpu.memref_slice %arg4[%mul3A_221] : memref<800000xi32, #tpu.memory_space<hbm>> -> memref<64xi32, #tpu.memory_space<hbm>>
        %dma_start3A_225 = tpu.memref_slice %arg4[%mul3A_221] : memref<800000xi32, #tpu.memory_space<hbm>> -> memref<64xi32, #tpu.memory_space<hbm>>
        tpu.enqueue_dma source(%dma_start3A_225 : memref<64xi32, #tpu.memory_space<hbm>>) target(%arg7 : memref<64xi32, #tpu.memory_space<vmem>>) target_semaphore(%arg21 : memref<!tpu.dma_semaphore, #tpu.memory_space<semaphore_mem>>)
      } else {
      }
      %add3A_140 = arith.constant 1 : i32
      %add3A_141 = arith.addi %add3A_132, %add3A_140 : i32
      %le3A_142 = arith.constant 390 : i32
      %le3A_143 = arith.cmpi sle, %add3A_141, %le3A_142 : i32
      %convert_element_type3A_144 = arith.extui %le3A_143 : i1 to i32
      %cond3A_145 = arith.constant 0 : i32
      %cond3A_146 = arith.cmpi ne, %convert_element_type3A_144, %cond3A_145 : i32
      scf.if %cond3A_146 {
        %dma_wait3A_215 = arith.constant 0 : i32
        %dma_wait3A_216 = tpu.memref_slice %arg3[%dma_wait3A_215] : memref<800000xi32, #tpu.memory_space<hbm>> -> memref<64xi32, #tpu.memory_space<hbm>>
        %dma_wait3A_217 = arith.constant 0 : i32
        %dma_wait3A_218 = tpu.memref_slice %arg3[%dma_wait3A_217] : memref<800000xi32, #tpu.memory_space<hbm>> -> memref<64xi32, #tpu.memory_space<hbm>>
        tpu.wait_dma2 semaphore(%arg27 : memref<!tpu.dma_semaphore, #tpu.memory_space<semaphore_mem>>) src(%dma_wait3A_218 : memref<64xi32, #tpu.memory_space<hbm>>) dst(%arg16 : memref<64xi32, #tpu.memory_space<vmem>>)
        %dma_wait3A_219 = arith.constant 0 : i32
        %dma_wait3A_220 = tpu.memref_slice %arg4[%dma_wait3A_219] : memref<800000xi32, #tpu.memory_space<hbm>> -> memref<64xi32, #tpu.memory_space<hbm>>
        %dma_wait3A_221 = arith.constant 0 : i32
        %dma_wait3A_222 = tpu.memref_slice %arg4[%dma_wait3A_221] : memref<800000xi32, #tpu.memory_space<hbm>> -> memref<64xi32, #tpu.memory_space<hbm>>
        tpu.wait_dma2 semaphore(%arg27 : memref<!tpu.dma_semaphore, #tpu.memory_space<semaphore_mem>>) src(%dma_wait3A_222 : memref<64xi32, #tpu.memory_space<hbm>>) dst(%arg17 : memref<64xi32, #tpu.memory_space<vmem>>)
        %dma_start3A_223 = arith.constant 0 : i32
        %dma_start3A_224 = arith.constant 0 : i32
        %dma_start3A_225 = tpu.memref_slice %arg2[%dma_start3A_223, %dma_start3A_224] : memref<50000x128xf32, #tpu.memory_space<hbm>> -> memref<50000x128xf32, #tpu.memory_space<hbm>>
        tpu.enqueue_indirect_dma source(%dma_start3A_225 : memref<50000x128xf32, #tpu.memory_space<hbm>>) target(%arg18 : memref<64x128xf32, #tpu.memory_space<vmem>>) offsets(%arg16 : memref<64xi32, #tpu.memory_space<vmem>>) semaphore(%arg28 : memref<!tpu.dma_semaphore, #tpu.memory_space<semaphore_mem>>)
        %dma_start3A_226 = arith.constant 0 : i32
        %dma_start3A_227 = arith.constant 0 : i32
        %dma_start3A_228 = tpu.memref_slice %arg2[%dma_start3A_226, %dma_start3A_227] : memref<50000x128xf32, #tpu.memory_space<hbm>> -> memref<50000x128xf32, #tpu.memory_space<hbm>>
        tpu.enqueue_indirect_dma source(%dma_start3A_228 : memref<50000x128xf32, #tpu.memory_space<hbm>>) target(%arg19 : memref<64x128xf32, #tpu.memory_space<vmem>>) offsets(%arg17 : memref<64xi32, #tpu.memory_space<vmem>>) semaphore(%arg28 : memref<!tpu.dma_semaphore, #tpu.memory_space<semaphore_mem>>)
      } else {
      }
      %dma_wait3A_147 = arith.constant 0 : i32
      %dma_wait3A_148 = arith.constant 0 : i32
      %dma_wait3A_149 = tpu.memref_slice %arg2[%dma_wait3A_147, %dma_wait3A_148] : memref<50000x128xf32, #tpu.memory_space<hbm>> -> memref<50000x128xf32, #tpu.memory_space<hbm>>
      tpu.wait_indirect_dma semaphore(%arg25 : memref<!tpu.dma_semaphore, #tpu.memory_space<semaphore_mem>>) src(%dma_wait3A_149 : memref<50000x128xf32, #tpu.memory_space<hbm>>) dst(%arg13 : memref<64x128xf32, #tpu.memory_space<vmem>>)
      %dma_wait3A_150 = arith.constant 0 : i32
      %dma_wait3A_151 = arith.constant 0 : i32
      %dma_wait3A_152 = tpu.memref_slice %arg2[%dma_wait3A_150, %dma_wait3A_151] : memref<50000x128xf32, #tpu.memory_space<hbm>> -> memref<50000x128xf32, #tpu.memory_space<hbm>>
      tpu.wait_indirect_dma semaphore(%arg25 : memref<!tpu.dma_semaphore, #tpu.memory_space<semaphore_mem>>) src(%dma_wait3A_152 : memref<50000x128xf32, #tpu.memory_space<hbm>>) dst(%arg14 : memref<64x128xf32, #tpu.memory_space<vmem>>)
      %ge3A_153 = arith.constant 3 : i32
      %ge3A_154 = arith.cmpi sge, %add3A_132, %ge3A_153 : i32
      %convert_element_type3A_155 = arith.extui %ge3A_154 : i1 to i32
      %cond3A_156 = arith.constant 0 : i32
      %cond3A_157 = arith.cmpi ne, %convert_element_type3A_155, %cond3A_156 : i32
      scf.if %cond3A_157 {
        %dma_wait3A_215 = arith.constant 0 : i32
        %dma_wait3A_216 = arith.constant 0 : i32
        %dma_wait3A_217 = tpu.memref_slice %arg5[%dma_wait3A_215, %dma_wait3A_216] : memref<800000x128xf32, #tpu.memory_space<hbm>> -> memref<64x128xf32, #tpu.memory_space<hbm>>
        %dma_wait3A_218 = arith.constant 0 : i32
        %dma_wait3A_219 = arith.constant 0 : i32
        %dma_wait3A_220 = tpu.memref_slice %arg5[%dma_wait3A_218, %dma_wait3A_219] : memref<800000x128xf32, #tpu.memory_space<hbm>> -> memref<64x128xf32, #tpu.memory_space<hbm>>
        tpu.wait_dma2 semaphore(%arg26 : memref<!tpu.dma_semaphore, #tpu.memory_space<semaphore_mem>>) src(%arg15 : memref<64x128xf32, #tpu.memory_space<vmem>>) dst(%dma_wait3A_220 : memref<64x128xf32, #tpu.memory_space<hbm>>)
      } else {
      }
      %scan3A_158 = arith.constant 0 : i32
      %scan3A_159 = arith.constant 64 : i32
      %scan3A_160 = arith.addi %scan3A_158, %scan3A_159 : i32
      %scan3A_161 = arith.constant 1 : i32
      scf.for %scan3A_215 = %scan3A_158 to %scan3A_160 step %scan3A_161  : i32 {
        %get3A = arith.index_cast %scan3A_215 : i32 to index
        %get3A_216 = arith.constant 0 : index
        %get3A_217 = tpu.vector_load %arg13[%get3A, %get3A_216] {strides = array<i32>} : memref<64x128xf32, #tpu.memory_space<vmem>>, vector<1x16xf32>,
        %get3A_218 = vector.shape_cast %get3A_217 : vector<1x16xf32> to vector<16xf32>
        %get3A_219 = arith.index_cast %scan3A_215 : i32 to index
        %get3A_220 = arith.constant 64 : index
        %get3A_221 = tpu.vector_load %arg13[%get3A_219, %get3A_220] {strides = array<i32>} : memref<64x128xf32, #tpu.memory_space<vmem>>, vector<1x16xf32>,
        %get3A_222 = vector.shape_cast %get3A_221 : vector<1x16xf32> to vector<16xf32>
        %get3A_223 = arith.index_cast %scan3A_215 : i32 to index
        %get3A_224 = arith.constant 0 : index
        %get3A_225 = tpu.vector_load %arg14[%get3A_223, %get3A_224] {strides = array<i32>} : memref<64x128xf32, #tpu.memory_space<vmem>>, vector<1x16xf32>,
        %get3A_226 = vector.shape_cast %get3A_225 : vector<1x16xf32> to vector<16xf32>
        %get3A_227 = arith.index_cast %scan3A_215 : i32 to index
        %get3A_228 = arith.constant 64 : index
        %get3A_229 = tpu.vector_load %arg14[%get3A_227, %get3A_228] {strides = array<i32>} : memref<64x128xf32, #tpu.memory_space<vmem>>, vector<1x16xf32>,
        %get3A_230 = vector.shape_cast %get3A_229 : vector<1x16xf32> to vector<16xf32>
        %add3A_231 = arith.addf %get3A_218, %get3A_230 : vector<16xf32>
        %max3A = arith.constant 0.000000e+00 : f32
        %max3A_232 = vector.broadcast %max3A : f32 to vector<16xf32>
        %max3A_233 = arith.maximumf %add3A_231, %max3A_232 : vector<16xf32>
        %add3A_234 = arith.addf %get3A_226, %get3A_222 : vector<16xf32>
        %max3A_235 = arith.constant 0.000000e+00 : f32
        %max3A_236 = vector.broadcast %max3A_235 : f32 to vector<16xf32>
        %max3A_237 = arith.maximumf %add3A_234, %max3A_236 : vector<16xf32>
        %add3A_238 = arith.addf %max3A_233, %max3A_237 : vector<16xf32>
        %swap3A = arith.index_cast %scan3A_215 : i32 to index
        %swap3A_239 = arith.constant 0 : index
        %swap3A_240 = tpu.vector_load %arg15[%swap3A, %swap3A_239] {strides = array<i32>} : memref<64x128xf32, #tpu.memory_space<vmem>>, vector<1x16xf32>,
        %swap3A_241 = vector.shape_cast %swap3A_240 : vector<1x16xf32> to vector<16xf32>
        %swap3A_242 = vector.shape_cast %add3A_238 : vector<16xf32> to vector<1x16xf32>
        tpu.vector_store %arg15[%swap3A, %swap3A_239], %swap3A_242 {strides = array<i32>} : memref<64x128xf32, #tpu.memory_space<vmem>>, vector<1x16xf32>,
        %get3A_243 = arith.index_cast %scan3A_215 : i32 to index
        %get3A_244 = arith.constant 16 : index
        %get3A_245 = tpu.vector_load %arg13[%get3A_243, %get3A_244] {strides = array<i32>} : memref<64x128xf32, #tpu.memory_space<vmem>>, vector<1x16xf32>,
        %get3A_246 = vector.shape_cast %get3A_245 : vector<1x16xf32> to vector<16xf32>
        %get3A_247 = arith.index_cast %scan3A_215 : i32 to index
        %get3A_248 = arith.constant 80 : index
        %get3A_249 = tpu.vector_load %arg13[%get3A_247, %get3A_248] {strides = array<i32>} : memref<64x128xf32, #tpu.memory_space<vmem>>, vector<1x16xf32>,
        %get3A_250 = vector.shape_cast %get3A_249 : vector<1x16xf32> to vector<16xf32>
        %get3A_251 = arith.index_cast %scan3A_215 : i32 to index
        %get3A_252 = arith.constant 16 : index
        %get3A_253 = tpu.vector_load %arg14[%get3A_251, %get3A_252] {strides = array<i32>} : memref<64x128xf32, #tpu.memory_space<vmem>>, vector<1x16xf32>,
        %get3A_254 = vector.shape_cast %get3A_253 : vector<1x16xf32> to vector<16xf32>
        %get3A_255 = arith.index_cast %scan3A_215 : i32 to index
        %get3A_256 = arith.constant 80 : index
        %get3A_257 = tpu.vector_load %arg14[%get3A_255, %get3A_256] {strides = array<i32>} : memref<64x128xf32, #tpu.memory_space<vmem>>, vector<1x16xf32>,
        %get3A_258 = vector.shape_cast %get3A_257 : vector<1x16xf32> to vector<16xf32>
        %add3A_259 = arith.addf %get3A_246, %get3A_258 : vector<16xf32>
        %max3A_260 = arith.constant 0.000000e+00 : f32
        %max3A_261 = vector.broadcast %max3A_260 : f32 to vector<16xf32>
        %max3A_262 = arith.maximumf %add3A_259, %max3A_261 : vector<16xf32>
        %add3A_263 = arith.addf %get3A_254, %get3A_250 : vector<16xf32>
        %max3A_264 = arith.constant 0.000000e+00 : f32
        %max3A_265 = vector.broadcast %max3A_264 : f32 to vector<16xf32>
        %max3A_266 = arith.maximumf %add3A_263, %max3A_265 : vector<16xf32>
        %add3A_267 = arith.addf %max3A_262, %max3A_266 : vector<16xf32>
        %swap3A_268 = arith.index_cast %scan3A_215 : i32 to index
        %swap3A_269 = arith.constant 16 : index
        %swap3A_270 = tpu.vector_load %arg15[%swap3A_268, %swap3A_269] {strides = array<i32>} : memref<64x128xf32, #tpu.memory_space<vmem>>, vector<1x16xf32>,
        %swap3A_271 = vector.shape_cast %swap3A_270 : vector<1x16xf32> to vector<16xf32>
        %swap3A_272 = vector.shape_cast %add3A_267 : vector<16xf32> to vector<1x16xf32>
        tpu.vector_store %arg15[%swap3A_268, %swap3A_269], %swap3A_272 {strides = array<i32>} : memref<64x128xf32, #tpu.memory_space<vmem>>, vector<1x16xf32>,
        %get3A_273 = arith.index_cast %scan3A_215 : i32 to index
        %get3A_274 = arith.constant 32 : index
        %get3A_275 = tpu.vector_load %arg13[%get3A_273, %get3A_274] {strides = array<i32>} : memref<64x128xf32, #tpu.memory_space<vmem>>, vector<1x16xf32>,
        %get3A_276 = vector.shape_cast %get3A_275 : vector<1x16xf32> to vector<16xf32>
        %get3A_277 = arith.index_cast %scan3A_215 : i32 to index
        %get3A_278 = arith.constant 96 : index
        %get3A_279 = tpu.vector_load %arg13[%get3A_277, %get3A_278] {strides = array<i32>} : memref<64x128xf32, #tpu.memory_space<vmem>>, vector<1x16xf32>,
        %get3A_280 = vector.shape_cast %get3A_279 : vector<1x16xf32> to vector<16xf32>
        %get3A_281 = arith.index_cast %scan3A_215 : i32 to index
        %get3A_282 = arith.constant 32 : index
        %get3A_283 = tpu.vector_load %arg14[%get3A_281, %get3A_282] {strides = array<i32>} : memref<64x128xf32, #tpu.memory_space<vmem>>, vector<1x16xf32>,
        %get3A_284 = vector.shape_cast %get3A_283 : vector<1x16xf32> to vector<16xf32>
        %get3A_285 = arith.index_cast %scan3A_215 : i32 to index
        %get3A_286 = arith.constant 96 : index
        %get3A_287 = tpu.vector_load %arg14[%get3A_285, %get3A_286] {strides = array<i32>} : memref<64x128xf32, #tpu.memory_space<vmem>>, vector<1x16xf32>,
        %get3A_288 = vector.shape_cast %get3A_287 : vector<1x16xf32> to vector<16xf32>
        %add3A_289 = arith.addf %get3A_276, %get3A_288 : vector<16xf32>
        %max3A_290 = arith.constant 0.000000e+00 : f32
        %max3A_291 = vector.broadcast %max3A_290 : f32 to vector<16xf32>
        %max3A_292 = arith.maximumf %add3A_289, %max3A_291 : vector<16xf32>
        %add3A_293 = arith.addf %get3A_284, %get3A_280 : vector<16xf32>
        %max3A_294 = arith.constant 0.000000e+00 : f32
        %max3A_295 = vector.broadcast %max3A_294 : f32 to vector<16xf32>
        %max3A_296 = arith.maximumf %add3A_293, %max3A_295 : vector<16xf32>
        %add3A_297 = arith.addf %max3A_292, %max3A_296 : vector<16xf32>
        %swap3A_298 = arith.index_cast %scan3A_215 : i32 to index
        %swap3A_299 = arith.constant 32 : index
        %swap3A_300 = tpu.vector_load %arg15[%swap3A_298, %swap3A_299] {strides = array<i32>} : memref<64x128xf32, #tpu.memory_space<vmem>>, vector<1x16xf32>,
        %swap3A_301 = vector.shape_cast %swap3A_300 : vector<1x16xf32> to vector<16xf32>
        %swap3A_302 = vector.shape_cast %add3A_297 : vector<16xf32> to vector<1x16xf32>
        tpu.vector_store %arg15[%swap3A_298, %swap3A_299], %swap3A_302 {strides = array<i32>} : memref<64x128xf32, #tpu.memory_space<vmem>>, vector<1x16xf32>,
        %get3A_303 = arith.index_cast %scan3A_215 : i32 to index
        %get3A_304 = arith.constant 48 : index
        %get3A_305 = tpu.vector_load %arg13[%get3A_303, %get3A_304] {strides = array<i32>} : memref<64x128xf32, #tpu.memory_space<vmem>>, vector<1x16xf32>,
        %get3A_306 = vector.shape_cast %get3A_305 : vector<1x16xf32> to vector<16xf32>
        %get3A_307 = arith.index_cast %scan3A_215 : i32 to index
        %get3A_308 = arith.constant 112 : index
        %get3A_309 = tpu.vector_load %arg13[%get3A_307, %get3A_308] {strides = array<i32>} : memref<64x128xf32, #tpu.memory_space<vmem>>, vector<1x16xf32>,
        %get3A_310 = vector.shape_cast %get3A_309 : vector<1x16xf32> to vector<16xf32>
        %get3A_311 = arith.index_cast %scan3A_215 : i32 to index
        %get3A_312 = arith.constant 48 : index
        %get3A_313 = tpu.vector_load %arg14[%get3A_311, %get3A_312] {strides = array<i32>} : memref<64x128xf32, #tpu.memory_space<vmem>>, vector<1x16xf32>,
        %get3A_314 = vector.shape_cast %get3A_313 : vector<1x16xf32> to vector<16xf32>
        %get3A_315 = arith.index_cast %scan3A_215 : i32 to index
        %get3A_316 = arith.constant 112 : index
        %get3A_317 = tpu.vector_load %arg14[%get3A_315, %get3A_316] {strides = array<i32>} : memref<64x128xf32, #tpu.memory_space<vmem>>, vector<1x16xf32>,
        %get3A_318 = vector.shape_cast %get3A_317 : vector<1x16xf32> to vector<16xf32>
        %add3A_319 = arith.addf %get3A_306, %get3A_318 : vector<16xf32>
        %max3A_320 = arith.constant 0.000000e+00 : f32
        %max3A_321 = vector.broadcast %max3A_320 : f32 to vector<16xf32>
        %max3A_322 = arith.maximumf %add3A_319, %max3A_321 : vector<16xf32>
        %add3A_323 = arith.addf %get3A_314, %get3A_310 : vector<16xf32>
        %max3A_324 = arith.constant 0.000000e+00 : f32
        %max3A_325 = vector.broadcast %max3A_324 : f32 to vector<16xf32>
        %max3A_326 = arith.maximumf %add3A_323, %max3A_325 : vector<16xf32>
        %add3A_327 = arith.addf %max3A_322, %max3A_326 : vector<16xf32>
        %swap3A_328 = arith.index_cast %scan3A_215 : i32 to index
        %swap3A_329 = arith.constant 48 : index
        %swap3A_330 = tpu.vector_load %arg15[%swap3A_328, %swap3A_329] {strides = array<i32>} : memref<64x128xf32, #tpu.memory_space<vmem>>, vector<1x16xf32>,
        %swap3A_331 = vector.shape_cast %swap3A_330 : vector<1x16xf32> to vector<16xf32>
        %swap3A_332 = vector.shape_cast %add3A_327 : vector<16xf32> to vector<1x16xf32>
        tpu.vector_store %arg15[%swap3A_328, %swap3A_329], %swap3A_332 {strides = array<i32>} : memref<64x128xf32, #tpu.memory_space<vmem>>, vector<1x16xf32>,
      }
      %scan3A_162 = arith.constant 64 : i32
      %add3A_163 = arith.addi %mul3A_2, %add3A_132 : i32
      %min3A_164 = arith.constant 12499 : i32
      %min3A_165 = arith.minsi %add3A_163, %min3A_164 : i32
      %mul3A_166 = arith.constant 64 : i32
      %mul3A_167 = arith.muli %min3A_165, %mul3A_166 : i32
      %dma_start3A_168 = arith.constant 0 : i32
      %dma_start3A_169 = tpu.memref_slice %arg5[%mul3A_167, %dma_start3A_168] : memref<800000x128xf32, #tpu.memory_space<hbm>> -> memref<64x128xf32, #tpu.memory_space<hbm>>
      %dma_start3A_170 = arith.constant 0 : i32
      %dma_start3A_171 = tpu.memref_slice %arg5[%mul3A_167, %dma_start3A_170] : memref<800000x128xf32, #tpu.memory_space<hbm>> -> memref<64x128xf32, #tpu.memory_space<hbm>>
      tpu.enqueue_dma source(%arg15 : memref<64x128xf32, #tpu.memory_space<vmem>>) target(%dma_start3A_171 : memref<64x128xf32, #tpu.memory_space<hbm>>) target_semaphore(%arg26 : memref<!tpu.dma_semaphore, #tpu.memory_space<semaphore_mem>>)
      %mul3A_172 = arith.constant 3 : i32
      %mul3A_173 = arith.muli %scan3A_89, %mul3A_172 : i32
      %add3A_174 = arith.constant 2 : i32
      %add3A_175 = arith.addi %mul3A_173, %add3A_174 : i32
      %add3A_176 = arith.constant 2 : i32
      %add3A_177 = arith.addi %add3A_175, %add3A_176 : i32
      %le3A_178 = arith.constant 390 : i32
      %le3A_179 = arith.cmpi sle, %add3A_177, %le3A_178 : i32
      %convert_element_type3A_180 = arith.extui %le3A_179 : i1 to i32
      %cond3A_181 = arith.constant 0 : i32
      %cond3A_182 = arith.cmpi ne, %convert_element_type3A_180, %cond3A_181 : i32
      scf.if %cond3A_182 {
        %add3A_215 = arith.constant 2 : i32
        %add3A_216 = arith.addi %add3A_175, %add3A_215 : i32
        %add3A_217 = arith.addi %mul3A_2, %add3A_216 : i32
        %min3A_218 = arith.constant 12499 : i32
        %min3A_219 = arith.minsi %add3A_217, %min3A_218 : i32
        %mul3A_220 = arith.constant 64 : i32
        %mul3A_221 = arith.muli %min3A_219, %mul3A_220 : i32
        %dma_start3A_222 = tpu.memref_slice %arg3[%mul3A_221] : memref<800000xi32, #tpu.memory_space<hbm>> -> memref<64xi32, #tpu.memory_space<hbm>>
        %dma_start3A_223 = tpu.memref_slice %arg3[%mul3A_221] : memref<800000xi32, #tpu.memory_space<hbm>> -> memref<64xi32, #tpu.memory_space<hbm>>
        tpu.enqueue_dma source(%dma_start3A_223 : memref<64xi32, #tpu.memory_space<hbm>>) target(%arg11 : memref<64xi32, #tpu.memory_space<vmem>>) target_semaphore(%arg24 : memref<!tpu.dma_semaphore, #tpu.memory_space<semaphore_mem>>)
        %dma_start3A_224 = tpu.memref_slice %arg4[%mul3A_221] : memref<800000xi32, #tpu.memory_space<hbm>> -> memref<64xi32, #tpu.memory_space<hbm>>
        %dma_start3A_225 = tpu.memref_slice %arg4[%mul3A_221] : memref<800000xi32, #tpu.memory_space<hbm>> -> memref<64xi32, #tpu.memory_space<hbm>>
        tpu.enqueue_dma source(%dma_start3A_225 : memref<64xi32, #tpu.memory_space<hbm>>) target(%arg12 : memref<64xi32, #tpu.memory_space<vmem>>) target_semaphore(%arg24 : memref<!tpu.dma_semaphore, #tpu.memory_space<semaphore_mem>>)
      } else {
      }
      %add3A_183 = arith.constant 1 : i32
      %add3A_184 = arith.addi %add3A_175, %add3A_183 : i32
      %le3A_185 = arith.constant 390 : i32
      %le3A_186 = arith.cmpi sle, %add3A_184, %le3A_185 : i32
      %convert_element_type3A_187 = arith.extui %le3A_186 : i1 to i32
      %cond3A_188 = arith.constant 0 : i32
      %cond3A_189 = arith.cmpi ne, %convert_element_type3A_187, %cond3A_188 : i32
      scf.if %cond3A_189 {
        %dma_wait3A_215 = arith.constant 0 : i32
        %dma_wait3A_216 = tpu.memref_slice %arg3[%dma_wait3A_215] : memref<800000xi32, #tpu.memory_space<hbm>> -> memref<64xi32, #tpu.memory_space<hbm>>
        %dma_wait3A_217 = arith.constant 0 : i32
        %dma_wait3A_218 = tpu.memref_slice %arg3[%dma_wait3A_217] : memref<800000xi32, #tpu.memory_space<hbm>> -> memref<64xi32, #tpu.memory_space<hbm>>
        tpu.wait_dma2 semaphore(%arg21 : memref<!tpu.dma_semaphore, #tpu.memory_space<semaphore_mem>>) src(%dma_wait3A_218 : memref<64xi32, #tpu.memory_space<hbm>>) dst(%arg6 : memref<64xi32, #tpu.memory_space<vmem>>)
        %dma_wait3A_219 = arith.constant 0 : i32
        %dma_wait3A_220 = tpu.memref_slice %arg4[%dma_wait3A_219] : memref<800000xi32, #tpu.memory_space<hbm>> -> memref<64xi32, #tpu.memory_space<hbm>>
        %dma_wait3A_221 = arith.constant 0 : i32
        %dma_wait3A_222 = tpu.memref_slice %arg4[%dma_wait3A_221] : memref<800000xi32, #tpu.memory_space<hbm>> -> memref<64xi32, #tpu.memory_space<hbm>>
        tpu.wait_dma2 semaphore(%arg21 : memref<!tpu.dma_semaphore, #tpu.memory_space<semaphore_mem>>) src(%dma_wait3A_222 : memref<64xi32, #tpu.memory_space<hbm>>) dst(%arg7 : memref<64xi32, #tpu.memory_space<vmem>>)
        %dma_start3A_223 = arith.constant 0 : i32
        %dma_start3A_224 = arith.constant 0 : i32
        %dma_start3A_225 = tpu.memref_slice %arg2[%dma_start3A_223, %dma_start3A_224] : memref<50000x128xf32, #tpu.memory_space<hbm>> -> memref<50000x128xf32, #tpu.memory_space<hbm>>
        tpu.enqueue_indirect_dma source(%dma_start3A_225 : memref<50000x128xf32, #tpu.memory_space<hbm>>) target(%arg8 : memref<64x128xf32, #tpu.memory_space<vmem>>) offsets(%arg6 : memref<64xi32, #tpu.memory_space<vmem>>) semaphore(%arg22 : memref<!tpu.dma_semaphore, #tpu.memory_space<semaphore_mem>>)
        %dma_start3A_226 = arith.constant 0 : i32
        %dma_start3A_227 = arith.constant 0 : i32
        %dma_start3A_228 = tpu.memref_slice %arg2[%dma_start3A_226, %dma_start3A_227] : memref<50000x128xf32, #tpu.memory_space<hbm>> -> memref<50000x128xf32, #tpu.memory_space<hbm>>
        tpu.enqueue_indirect_dma source(%dma_start3A_228 : memref<50000x128xf32, #tpu.memory_space<hbm>>) target(%arg9 : memref<64x128xf32, #tpu.memory_space<vmem>>) offsets(%arg7 : memref<64xi32, #tpu.memory_space<vmem>>) semaphore(%arg22 : memref<!tpu.dma_semaphore, #tpu.memory_space<semaphore_mem>>)
      } else {
      }
      %dma_wait3A_190 = arith.constant 0 : i32
      %dma_wait3A_191 = arith.constant 0 : i32
      %dma_wait3A_192 = tpu.memref_slice %arg2[%dma_wait3A_190, %dma_wait3A_191] : memref<50000x128xf32, #tpu.memory_space<hbm>> -> memref<50000x128xf32, #tpu.memory_space<hbm>>
      tpu.wait_indirect_dma semaphore(%arg28 : memref<!tpu.dma_semaphore, #tpu.memory_space<semaphore_mem>>) src(%dma_wait3A_192 : memref<50000x128xf32, #tpu.memory_space<hbm>>) dst(%arg18 : memref<64x128xf32, #tpu.memory_space<vmem>>)
      %dma_wait3A_193 = arith.constant 0 : i32
      %dma_wait3A_194 = arith.constant 0 : i32
      %dma_wait3A_195 = tpu.memref_slice %arg2[%dma_wait3A_193, %dma_wait3A_194] : memref<50000x128xf32, #tpu.memory_space<hbm>> -> memref<50000x128xf32, #tpu.memory_space<hbm>>
      tpu.wait_indirect_dma semaphore(%arg28 : memref<!tpu.dma_semaphore, #tpu.memory_space<semaphore_mem>>) src(%dma_wait3A_195 : memref<50000x128xf32, #tpu.memory_space<hbm>>) dst(%arg19 : memref<64x128xf32, #tpu.memory_space<vmem>>)
      %ge3A_196 = arith.constant 3 : i32
      %ge3A_197 = arith.cmpi sge, %add3A_175, %ge3A_196 : i32
      %convert_element_type3A_198 = arith.extui %ge3A_197 : i1 to i32
      %cond3A_199 = arith.constant 0 : i32
      %cond3A_200 = arith.cmpi ne, %convert_element_type3A_198, %cond3A_199 : i32
      scf.if %cond3A_200 {
        %dma_wait3A_215 = arith.constant 0 : i32
        %dma_wait3A_216 = arith.constant 0 : i32
        %dma_wait3A_217 = tpu.memref_slice %arg5[%dma_wait3A_215, %dma_wait3A_216] : memref<800000x128xf32, #tpu.memory_space<hbm>> -> memref<64x128xf32, #tpu.memory_space<hbm>>
        %dma_wait3A_218 = arith.constant 0 : i32
        %dma_wait3A_219 = arith.constant 0 : i32
        %dma_wait3A_220 = tpu.memref_slice %arg5[%dma_wait3A_218, %dma_wait3A_219] : memref<800000x128xf32, #tpu.memory_space<hbm>> -> memref<64x128xf32, #tpu.memory_space<hbm>>
        tpu.wait_dma2 semaphore(%arg29 : memref<!tpu.dma_semaphore, #tpu.memory_space<semaphore_mem>>) src(%arg20 : memref<64x128xf32, #tpu.memory_space<vmem>>) dst(%dma_wait3A_220 : memref<64x128xf32, #tpu.memory_space<hbm>>)
      } else {
      }
      %scan3A_201 = arith.constant 0 : i32
      %scan3A_202 = arith.constant 64 : i32
      %scan3A_203 = arith.addi %scan3A_201, %scan3A_202 : i32
      %scan3A_204 = arith.constant 1 : i32
      scf.for %scan3A_215 = %scan3A_201 to %scan3A_203 step %scan3A_204  : i32 {
        %get3A = arith.index_cast %scan3A_215 : i32 to index
        %get3A_216 = arith.constant 0 : index
        %get3A_217 = tpu.vector_load %arg18[%get3A, %get3A_216] {strides = array<i32>} : memref<64x128xf32, #tpu.memory_space<vmem>>, vector<1x16xf32>,
        %get3A_218 = vector.shape_cast %get3A_217 : vector<1x16xf32> to vector<16xf32>
        %get3A_219 = arith.index_cast %scan3A_215 : i32 to index
        %get3A_220 = arith.constant 64 : index
        %get3A_221 = tpu.vector_load %arg18[%get3A_219, %get3A_220] {strides = array<i32>} : memref<64x128xf32, #tpu.memory_space<vmem>>, vector<1x16xf32>,
        %get3A_222 = vector.shape_cast %get3A_221 : vector<1x16xf32> to vector<16xf32>
        %get3A_223 = arith.index_cast %scan3A_215 : i32 to index
        %get3A_224 = arith.constant 0 : index
        %get3A_225 = tpu.vector_load %arg19[%get3A_223, %get3A_224] {strides = array<i32>} : memref<64x128xf32, #tpu.memory_space<vmem>>, vector<1x16xf32>,
        %get3A_226 = vector.shape_cast %get3A_225 : vector<1x16xf32> to vector<16xf32>
        %get3A_227 = arith.index_cast %scan3A_215 : i32 to index
        %get3A_228 = arith.constant 64 : index
        %get3A_229 = tpu.vector_load %arg19[%get3A_227, %get3A_228] {strides = array<i32>} : memref<64x128xf32, #tpu.memory_space<vmem>>, vector<1x16xf32>,
        %get3A_230 = vector.shape_cast %get3A_229 : vector<1x16xf32> to vector<16xf32>
        %add3A_231 = arith.addf %get3A_218, %get3A_230 : vector<16xf32>
        %max3A = arith.constant 0.000000e+00 : f32
        %max3A_232 = vector.broadcast %max3A : f32 to vector<16xf32>
        %max3A_233 = arith.maximumf %add3A_231, %max3A_232 : vector<16xf32>
        %add3A_234 = arith.addf %get3A_226, %get3A_222 : vector<16xf32>
        %max3A_235 = arith.constant 0.000000e+00 : f32
        %max3A_236 = vector.broadcast %max3A_235 : f32 to vector<16xf32>
        %max3A_237 = arith.maximumf %add3A_234, %max3A_236 : vector<16xf32>
        %add3A_238 = arith.addf %max3A_233, %max3A_237 : vector<16xf32>
        %swap3A = arith.index_cast %scan3A_215 : i32 to index
        %swap3A_239 = arith.constant 0 : index
        %swap3A_240 = tpu.vector_load %arg20[%swap3A, %swap3A_239] {strides = array<i32>} : memref<64x128xf32, #tpu.memory_space<vmem>>, vector<1x16xf32>,
        %swap3A_241 = vector.shape_cast %swap3A_240 : vector<1x16xf32> to vector<16xf32>
        %swap3A_242 = vector.shape_cast %add3A_238 : vector<16xf32> to vector<1x16xf32>
        tpu.vector_store %arg20[%swap3A, %swap3A_239], %swap3A_242 {strides = array<i32>} : memref<64x128xf32, #tpu.memory_space<vmem>>, vector<1x16xf32>,
        %get3A_243 = arith.index_cast %scan3A_215 : i32 to index
        %get3A_244 = arith.constant 16 : index
        %get3A_245 = tpu.vector_load %arg18[%get3A_243, %get3A_244] {strides = array<i32>} : memref<64x128xf32, #tpu.memory_space<vmem>>, vector<1x16xf32>,
        %get3A_246 = vector.shape_cast %get3A_245 : vector<1x16xf32> to vector<16xf32>
        %get3A_247 = arith.index_cast %scan3A_215 : i32 to index
        %get3A_248 = arith.constant 80 : index
        %get3A_249 = tpu.vector_load %arg18[%get3A_247, %get3A_248] {strides = array<i32>} : memref<64x128xf32, #tpu.memory_space<vmem>>, vector<1x16xf32>,
        %get3A_250 = vector.shape_cast %get3A_249 : vector<1x16xf32> to vector<16xf32>
        %get3A_251 = arith.index_cast %scan3A_215 : i32 to index
        %get3A_252 = arith.constant 16 : index
        %get3A_253 = tpu.vector_load %arg19[%get3A_251, %get3A_252] {strides = array<i32>} : memref<64x128xf32, #tpu.memory_space<vmem>>, vector<1x16xf32>,
        %get3A_254 = vector.shape_cast %get3A_253 : vector<1x16xf32> to vector<16xf32>
        %get3A_255 = arith.index_cast %scan3A_215 : i32 to index
        %get3A_256 = arith.constant 80 : index
        %get3A_257 = tpu.vector_load %arg19[%get3A_255, %get3A_256] {strides = array<i32>} : memref<64x128xf32, #tpu.memory_space<vmem>>, vector<1x16xf32>,
        %get3A_258 = vector.shape_cast %get3A_257 : vector<1x16xf32> to vector<16xf32>
        %add3A_259 = arith.addf %get3A_246, %get3A_258 : vector<16xf32>
        %max3A_260 = arith.constant 0.000000e+00 : f32
        %max3A_261 = vector.broadcast %max3A_260 : f32 to vector<16xf32>
        %max3A_262 = arith.maximumf %add3A_259, %max3A_261 : vector<16xf32>
        %add3A_263 = arith.addf %get3A_254, %get3A_250 : vector<16xf32>
        %max3A_264 = arith.constant 0.000000e+00 : f32
        %max3A_265 = vector.broadcast %max3A_264 : f32 to vector<16xf32>
        %max3A_266 = arith.maximumf %add3A_263, %max3A_265 : vector<16xf32>
        %add3A_267 = arith.addf %max3A_262, %max3A_266 : vector<16xf32>
        %swap3A_268 = arith.index_cast %scan3A_215 : i32 to index
        %swap3A_269 = arith.constant 16 : index
        %swap3A_270 = tpu.vector_load %arg20[%swap3A_268, %swap3A_269] {strides = array<i32>} : memref<64x128xf32, #tpu.memory_space<vmem>>, vector<1x16xf32>,
        %swap3A_271 = vector.shape_cast %swap3A_270 : vector<1x16xf32> to vector<16xf32>
        %swap3A_272 = vector.shape_cast %add3A_267 : vector<16xf32> to vector<1x16xf32>
        tpu.vector_store %arg20[%swap3A_268, %swap3A_269], %swap3A_272 {strides = array<i32>} : memref<64x128xf32, #tpu.memory_space<vmem>>, vector<1x16xf32>,
        %get3A_273 = arith.index_cast %scan3A_215 : i32 to index
        %get3A_274 = arith.constant 32 : index
        %get3A_275 = tpu.vector_load %arg18[%get3A_273, %get3A_274] {strides = array<i32>} : memref<64x128xf32, #tpu.memory_space<vmem>>, vector<1x16xf32>,
        %get3A_276 = vector.shape_cast %get3A_275 : vector<1x16xf32> to vector<16xf32>
        %get3A_277 = arith.index_cast %scan3A_215 : i32 to index
        %get3A_278 = arith.constant 96 : index
        %get3A_279 = tpu.vector_load %arg18[%get3A_277, %get3A_278] {strides = array<i32>} : memref<64x128xf32, #tpu.memory_space<vmem>>, vector<1x16xf32>,
        %get3A_280 = vector.shape_cast %get3A_279 : vector<1x16xf32> to vector<16xf32>
        %get3A_281 = arith.index_cast %scan3A_215 : i32 to index
        %get3A_282 = arith.constant 32 : index
        %get3A_283 = tpu.vector_load %arg19[%get3A_281, %get3A_282] {strides = array<i32>} : memref<64x128xf32, #tpu.memory_space<vmem>>, vector<1x16xf32>,
        %get3A_284 = vector.shape_cast %get3A_283 : vector<1x16xf32> to vector<16xf32>
        %get3A_285 = arith.index_cast %scan3A_215 : i32 to index
        %get3A_286 = arith.constant 96 : index
        %get3A_287 = tpu.vector_load %arg19[%get3A_285, %get3A_286] {strides = array<i32>} : memref<64x128xf32, #tpu.memory_space<vmem>>, vector<1x16xf32>,
        %get3A_288 = vector.shape_cast %get3A_287 : vector<1x16xf32> to vector<16xf32>
        %add3A_289 = arith.addf %get3A_276, %get3A_288 : vector<16xf32>
        %max3A_290 = arith.constant 0.000000e+00 : f32
        %max3A_291 = vector.broadcast %max3A_290 : f32 to vector<16xf32>
        %max3A_292 = arith.maximumf %add3A_289, %max3A_291 : vector<16xf32>
        %add3A_293 = arith.addf %get3A_284, %get3A_280 : vector<16xf32>
        %max3A_294 = arith.constant 0.000000e+00 : f32
        %max3A_295 = vector.broadcast %max3A_294 : f32 to vector<16xf32>
        %max3A_296 = arith.maximumf %add3A_293, %max3A_295 : vector<16xf32>
        %add3A_297 = arith.addf %max3A_292, %max3A_296 : vector<16xf32>
        %swap3A_298 = arith.index_cast %scan3A_215 : i32 to index
        %swap3A_299 = arith.constant 32 : index
        %swap3A_300 = tpu.vector_load %arg20[%swap3A_298, %swap3A_299] {strides = array<i32>} : memref<64x128xf32, #tpu.memory_space<vmem>>, vector<1x16xf32>,
        %swap3A_301 = vector.shape_cast %swap3A_300 : vector<1x16xf32> to vector<16xf32>
        %swap3A_302 = vector.shape_cast %add3A_297 : vector<16xf32> to vector<1x16xf32>
        tpu.vector_store %arg20[%swap3A_298, %swap3A_299], %swap3A_302 {strides = array<i32>} : memref<64x128xf32, #tpu.memory_space<vmem>>, vector<1x16xf32>,
        %get3A_303 = arith.index_cast %scan3A_215 : i32 to index
        %get3A_304 = arith.constant 48 : index
        %get3A_305 = tpu.vector_load %arg18[%get3A_303, %get3A_304] {strides = array<i32>} : memref<64x128xf32, #tpu.memory_space<vmem>>, vector<1x16xf32>,
        %get3A_306 = vector.shape_cast %get3A_305 : vector<1x16xf32> to vector<16xf32>
        %get3A_307 = arith.index_cast %scan3A_215 : i32 to index
        %get3A_308 = arith.constant 112 : index
        %get3A_309 = tpu.vector_load %arg18[%get3A_307, %get3A_308] {strides = array<i32>} : memref<64x128xf32, #tpu.memory_space<vmem>>, vector<1x16xf32>,
        %get3A_310 = vector.shape_cast %get3A_309 : vector<1x16xf32> to vector<16xf32>
        %get3A_311 = arith.index_cast %scan3A_215 : i32 to index
        %get3A_312 = arith.constant 48 : index
        %get3A_313 = tpu.vector_load %arg19[%get3A_311, %get3A_312] {strides = array<i32>} : memref<64x128xf32, #tpu.memory_space<vmem>>, vector<1x16xf32>,
        %get3A_314 = vector.shape_cast %get3A_313 : vector<1x16xf32> to vector<16xf32>
        %get3A_315 = arith.index_cast %scan3A_215 : i32 to index
        %get3A_316 = arith.constant 112 : index
        %get3A_317 = tpu.vector_load %arg19[%get3A_315, %get3A_316] {strides = array<i32>} : memref<64x128xf32, #tpu.memory_space<vmem>>, vector<1x16xf32>,
        %get3A_318 = vector.shape_cast %get3A_317 : vector<1x16xf32> to vector<16xf32>
        %add3A_319 = arith.addf %get3A_306, %get3A_318 : vector<16xf32>
        %max3A_320 = arith.constant 0.000000e+00 : f32
        %max3A_321 = vector.broadcast %max3A_320 : f32 to vector<16xf32>
        %max3A_322 = arith.maximumf %add3A_319, %max3A_321 : vector<16xf32>
        %add3A_323 = arith.addf %get3A_314, %get3A_310 : vector<16xf32>
        %max3A_324 = arith.constant 0.000000e+00 : f32
        %max3A_325 = vector.broadcast %max3A_324 : f32 to vector<16xf32>
        %max3A_326 = arith.maximumf %add3A_323, %max3A_325 : vector<16xf32>
        %add3A_327 = arith.addf %max3A_322, %max3A_326 : vector<16xf32>
        %swap3A_328 = arith.index_cast %scan3A_215 : i32 to index
        %swap3A_329 = arith.constant 48 : index
        %swap3A_330 = tpu.vector_load %arg20[%swap3A_328, %swap3A_329] {strides = array<i32>} : memref<64x128xf32, #tpu.memory_space<vmem>>, vector<1x16xf32>,
        %swap3A_331 = vector.shape_cast %swap3A_330 : vector<1x16xf32> to vector<16xf32>
        %swap3A_332 = vector.shape_cast %add3A_327 : vector<16xf32> to vector<1x16xf32>
        tpu.vector_store %arg20[%swap3A_328, %swap3A_329], %swap3A_332 {strides = array<i32>} : memref<64x128xf32, #tpu.memory_space<vmem>>, vector<1x16xf32>,
      }
      %scan3A_205 = arith.constant 64 : i32
      %add3A_206 = arith.addi %mul3A_2, %add3A_175 : i32
      %min3A_207 = arith.constant 12499 : i32
      %min3A_208 = arith.minsi %add3A_206, %min3A_207 : i32
      %mul3A_209 = arith.constant 64 : i32
      %mul3A_210 = arith.muli %min3A_208, %mul3A_209 : i32
      %dma_start3A_211 = arith.constant 0 : i32
      %dma_start3A_212 = tpu.memref_slice %arg5[%mul3A_210, %dma_start3A_211] : memref<800000x128xf32, #tpu.memory_space<hbm>> -> memref<64x128xf32, #tpu.memory_space<hbm>>
      %dma_start3A_213 = arith.constant 0 : i32
      %dma_start3A_214 = tpu.memref_slice %arg5[%mul3A_210, %dma_start3A_213] : memref<800000x128xf32, #tpu.memory_space<hbm>> -> memref<64x128xf32, #tpu.memory_space<hbm>>
      tpu.enqueue_dma source(%arg20 : memref<64x128xf32, #tpu.memory_space<vmem>>) target(%dma_start3A_214 : memref<64x128xf32, #tpu.memory_space<hbm>>) target_semaphore(%arg29 : memref<!tpu.dma_semaphore, #tpu.memory_space<semaphore_mem>>)
    }
    %scan3A_43 = arith.constant 130 : i32
    %dma_wait3A_44 = arith.constant 0 : i32
    %dma_wait3A_45 = arith.constant 0 : i32
    %dma_wait3A_46 = tpu.memref_slice %arg2[%dma_wait3A_44, %dma_wait3A_45] : memref<50000x128xf32, #tpu.memory_space<hbm>> -> memref<50000x128xf32, #tpu.memory_space<hbm>>
    tpu.wait_indirect_dma semaphore(%arg22 : memref<!tpu.dma_semaphore, #tpu.memory_space<semaphore_mem>>) src(%dma_wait3A_46 : memref<50000x128xf32, #tpu.memory_space<hbm>>) dst(%arg8 : memref<64x128xf32, #tpu.memory_space<vmem>>)
    %dma_wait3A_47 = arith.constant 0 : i32
    %dma_wait3A_48 = arith.constant 0 : i32
    %dma_wait3A_49 = tpu.memref_slice %arg2[%dma_wait3A_47, %dma_wait3A_48] : memref<50000x128xf32, #tpu.memory_space<hbm>> -> memref<50000x128xf32, #tpu.memory_space<hbm>>
    tpu.wait_indirect_dma semaphore(%arg22 : memref<!tpu.dma_semaphore, #tpu.memory_space<semaphore_mem>>) src(%dma_wait3A_49 : memref<50000x128xf32, #tpu.memory_space<hbm>>) dst(%arg9 : memref<64x128xf32, #tpu.memory_space<vmem>>)
    %dma_wait3A_50 = arith.constant 0 : i32
    %dma_wait3A_51 = arith.constant 0 : i32
    %dma_wait3A_52 = tpu.memref_slice %arg5[%dma_wait3A_50, %dma_wait3A_51] : memref<800000x128xf32, #tpu.memory_space<hbm>> -> memref<64x128xf32, #tpu.memory_space<hbm>>
    %dma_wait3A_53 = arith.constant 0 : i32
    %dma_wait3A_54 = arith.constant 0 : i32
    %dma_wait3A_55 = tpu.memref_slice %arg5[%dma_wait3A_53, %dma_wait3A_54] : memref<800000x128xf32, #tpu.memory_space<hbm>> -> memref<64x128xf32, #tpu.memory_space<hbm>>
    tpu.wait_dma2 semaphore(%arg23 : memref<!tpu.dma_semaphore, #tpu.memory_space<semaphore_mem>>) src(%arg10 : memref<64x128xf32, #tpu.memory_space<vmem>>) dst(%dma_wait3A_55 : memref<64x128xf32, #tpu.memory_space<hbm>>)
    %scan3A_56 = arith.constant 0 : i32
    %scan3A_57 = arith.constant 64 : i32
    %scan3A_58 = arith.addi %scan3A_56, %scan3A_57 : i32
    %scan3A_59 = arith.constant 1 : i32
    scf.for %scan3A_89 = %scan3A_56 to %scan3A_58 step %scan3A_59  : i32 {
      %get3A = arith.index_cast %scan3A_89 : i32 to index
      %get3A_90 = arith.constant 0 : index
      %get3A_91 = tpu.vector_load %arg8[%get3A, %get3A_90] {strides = array<i32>} : memref<64x128xf32, #tpu.memory_space<vmem>>, vector<1x16xf32>,
      %get3A_92 = vector.shape_cast %get3A_91 : vector<1x16xf32> to vector<16xf32>
      %get3A_93 = arith.index_cast %scan3A_89 : i32 to index
      %get3A_94 = arith.constant 64 : index
      %get3A_95 = tpu.vector_load %arg8[%get3A_93, %get3A_94] {strides = array<i32>} : memref<64x128xf32, #tpu.memory_space<vmem>>, vector<1x16xf32>,
      %get3A_96 = vector.shape_cast %get3A_95 : vector<1x16xf32> to vector<16xf32>
      %get3A_97 = arith.index_cast %scan3A_89 : i32 to index
      %get3A_98 = arith.constant 0 : index
      %get3A_99 = tpu.vector_load %arg9[%get3A_97, %get3A_98] {strides = array<i32>} : memref<64x128xf32, #tpu.memory_space<vmem>>, vector<1x16xf32>,
      %get3A_100 = vector.shape_cast %get3A_99 : vector<1x16xf32> to vector<16xf32>
      %get3A_101 = arith.index_cast %scan3A_89 : i32 to index
      %get3A_102 = arith.constant 64 : index
      %get3A_103 = tpu.vector_load %arg9[%get3A_101, %get3A_102] {strides = array<i32>} : memref<64x128xf32, #tpu.memory_space<vmem>>, vector<1x16xf32>,
      %get3A_104 = vector.shape_cast %get3A_103 : vector<1x16xf32> to vector<16xf32>
      %add3A_105 = arith.addf %get3A_92, %get3A_104 : vector<16xf32>
      %max3A = arith.constant 0.000000e+00 : f32
      %max3A_106 = vector.broadcast %max3A : f32 to vector<16xf32>
      %max3A_107 = arith.maximumf %add3A_105, %max3A_106 : vector<16xf32>
      %add3A_108 = arith.addf %get3A_100, %get3A_96 : vector<16xf32>
      %max3A_109 = arith.constant 0.000000e+00 : f32
      %max3A_110 = vector.broadcast %max3A_109 : f32 to vector<16xf32>
      %max3A_111 = arith.maximumf %add3A_108, %max3A_110 : vector<16xf32>
      %add3A_112 = arith.addf %max3A_107, %max3A_111 : vector<16xf32>
      %swap3A = arith.index_cast %scan3A_89 : i32 to index
      %swap3A_113 = arith.constant 0 : index
      %swap3A_114 = tpu.vector_load %arg10[%swap3A, %swap3A_113] {strides = array<i32>} : memref<64x128xf32, #tpu.memory_space<vmem>>, vector<1x16xf32>,
      %swap3A_115 = vector.shape_cast %swap3A_114 : vector<1x16xf32> to vector<16xf32>
      %swap3A_116 = vector.shape_cast %add3A_112 : vector<16xf32> to vector<1x16xf32>
      tpu.vector_store %arg10[%swap3A, %swap3A_113], %swap3A_116 {strides = array<i32>} : memref<64x128xf32, #tpu.memory_space<vmem>>, vector<1x16xf32>,
      %get3A_117 = arith.index_cast %scan3A_89 : i32 to index
      %get3A_118 = arith.constant 16 : index
      %get3A_119 = tpu.vector_load %arg8[%get3A_117, %get3A_118] {strides = array<i32>} : memref<64x128xf32, #tpu.memory_space<vmem>>, vector<1x16xf32>,
      %get3A_120 = vector.shape_cast %get3A_119 : vector<1x16xf32> to vector<16xf32>
      %get3A_121 = arith.index_cast %scan3A_89 : i32 to index
      %get3A_122 = arith.constant 80 : index
      %get3A_123 = tpu.vector_load %arg8[%get3A_121, %get3A_122] {strides = array<i32>} : memref<64x128xf32, #tpu.memory_space<vmem>>, vector<1x16xf32>,
      %get3A_124 = vector.shape_cast %get3A_123 : vector<1x16xf32> to vector<16xf32>
      %get3A_125 = arith.index_cast %scan3A_89 : i32 to index
      %get3A_126 = arith.constant 16 : index
      %get3A_127 = tpu.vector_load %arg9[%get3A_125, %get3A_126] {strides = array<i32>} : memref<64x128xf32, #tpu.memory_space<vmem>>, vector<1x16xf32>,
      %get3A_128 = vector.shape_cast %get3A_127 : vector<1x16xf32> to vector<16xf32>
      %get3A_129 = arith.index_cast %scan3A_89 : i32 to index
      %get3A_130 = arith.constant 80 : index
      %get3A_131 = tpu.vector_load %arg9[%get3A_129, %get3A_130] {strides = array<i32>} : memref<64x128xf32, #tpu.memory_space<vmem>>, vector<1x16xf32>,
      %get3A_132 = vector.shape_cast %get3A_131 : vector<1x16xf32> to vector<16xf32>
      %add3A_133 = arith.addf %get3A_120, %get3A_132 : vector<16xf32>
      %max3A_134 = arith.constant 0.000000e+00 : f32
      %max3A_135 = vector.broadcast %max3A_134 : f32 to vector<16xf32>
      %max3A_136 = arith.maximumf %add3A_133, %max3A_135 : vector<16xf32>
      %add3A_137 = arith.addf %get3A_128, %get3A_124 : vector<16xf32>
      %max3A_138 = arith.constant 0.000000e+00 : f32
      %max3A_139 = vector.broadcast %max3A_138 : f32 to vector<16xf32>
      %max3A_140 = arith.maximumf %add3A_137, %max3A_139 : vector<16xf32>
      %add3A_141 = arith.addf %max3A_136, %max3A_140 : vector<16xf32>
      %swap3A_142 = arith.index_cast %scan3A_89 : i32 to index
      %swap3A_143 = arith.constant 16 : index
      %swap3A_144 = tpu.vector_load %arg10[%swap3A_142, %swap3A_143] {strides = array<i32>} : memref<64x128xf32, #tpu.memory_space<vmem>>, vector<1x16xf32>,
      %swap3A_145 = vector.shape_cast %swap3A_144 : vector<1x16xf32> to vector<16xf32>
      %swap3A_146 = vector.shape_cast %add3A_141 : vector<16xf32> to vector<1x16xf32>
      tpu.vector_store %arg10[%swap3A_142, %swap3A_143], %swap3A_146 {strides = array<i32>} : memref<64x128xf32, #tpu.memory_space<vmem>>, vector<1x16xf32>,
      %get3A_147 = arith.index_cast %scan3A_89 : i32 to index
      %get3A_148 = arith.constant 32 : index
      %get3A_149 = tpu.vector_load %arg8[%get3A_147, %get3A_148] {strides = array<i32>} : memref<64x128xf32, #tpu.memory_space<vmem>>, vector<1x16xf32>,
      %get3A_150 = vector.shape_cast %get3A_149 : vector<1x16xf32> to vector<16xf32>
      %get3A_151 = arith.index_cast %scan3A_89 : i32 to index
      %get3A_152 = arith.constant 96 : index
      %get3A_153 = tpu.vector_load %arg8[%get3A_151, %get3A_152] {strides = array<i32>} : memref<64x128xf32, #tpu.memory_space<vmem>>, vector<1x16xf32>,
      %get3A_154 = vector.shape_cast %get3A_153 : vector<1x16xf32> to vector<16xf32>
      %get3A_155 = arith.index_cast %scan3A_89 : i32 to index
      %get3A_156 = arith.constant 32 : index
      %get3A_157 = tpu.vector_load %arg9[%get3A_155, %get3A_156] {strides = array<i32>} : memref<64x128xf32, #tpu.memory_space<vmem>>, vector<1x16xf32>,
      %get3A_158 = vector.shape_cast %get3A_157 : vector<1x16xf32> to vector<16xf32>
      %get3A_159 = arith.index_cast %scan3A_89 : i32 to index
      %get3A_160 = arith.constant 96 : index
      %get3A_161 = tpu.vector_load %arg9[%get3A_159, %get3A_160] {strides = array<i32>} : memref<64x128xf32, #tpu.memory_space<vmem>>, vector<1x16xf32>,
      %get3A_162 = vector.shape_cast %get3A_161 : vector<1x16xf32> to vector<16xf32>
      %add3A_163 = arith.addf %get3A_150, %get3A_162 : vector<16xf32>
      %max3A_164 = arith.constant 0.000000e+00 : f32
      %max3A_165 = vector.broadcast %max3A_164 : f32 to vector<16xf32>
      %max3A_166 = arith.maximumf %add3A_163, %max3A_165 : vector<16xf32>
      %add3A_167 = arith.addf %get3A_158, %get3A_154 : vector<16xf32>
      %max3A_168 = arith.constant 0.000000e+00 : f32
      %max3A_169 = vector.broadcast %max3A_168 : f32 to vector<16xf32>
      %max3A_170 = arith.maximumf %add3A_167, %max3A_169 : vector<16xf32>
      %add3A_171 = arith.addf %max3A_166, %max3A_170 : vector<16xf32>
      %swap3A_172 = arith.index_cast %scan3A_89 : i32 to index
      %swap3A_173 = arith.constant 32 : index
      %swap3A_174 = tpu.vector_load %arg10[%swap3A_172, %swap3A_173] {strides = array<i32>} : memref<64x128xf32, #tpu.memory_space<vmem>>, vector<1x16xf32>,
      %swap3A_175 = vector.shape_cast %swap3A_174 : vector<1x16xf32> to vector<16xf32>
      %swap3A_176 = vector.shape_cast %add3A_171 : vector<16xf32> to vector<1x16xf32>
      tpu.vector_store %arg10[%swap3A_172, %swap3A_173], %swap3A_176 {strides = array<i32>} : memref<64x128xf32, #tpu.memory_space<vmem>>, vector<1x16xf32>,
      %get3A_177 = arith.index_cast %scan3A_89 : i32 to index
      %get3A_178 = arith.constant 48 : index
      %get3A_179 = tpu.vector_load %arg8[%get3A_177, %get3A_178] {strides = array<i32>} : memref<64x128xf32, #tpu.memory_space<vmem>>, vector<1x16xf32>,
      %get3A_180 = vector.shape_cast %get3A_179 : vector<1x16xf32> to vector<16xf32>
      %get3A_181 = arith.index_cast %scan3A_89 : i32 to index
      %get3A_182 = arith.constant 112 : index
      %get3A_183 = tpu.vector_load %arg8[%get3A_181, %get3A_182] {strides = array<i32>} : memref<64x128xf32, #tpu.memory_space<vmem>>, vector<1x16xf32>,
      %get3A_184 = vector.shape_cast %get3A_183 : vector<1x16xf32> to vector<16xf32>
      %get3A_185 = arith.index_cast %scan3A_89 : i32 to index
      %get3A_186 = arith.constant 48 : index
      %get3A_187 = tpu.vector_load %arg9[%get3A_185, %get3A_186] {strides = array<i32>} : memref<64x128xf32, #tpu.memory_space<vmem>>, vector<1x16xf32>,
      %get3A_188 = vector.shape_cast %get3A_187 : vector<1x16xf32> to vector<16xf32>
      %get3A_189 = arith.index_cast %scan3A_89 : i32 to index
      %get3A_190 = arith.constant 112 : index
      %get3A_191 = tpu.vector_load %arg9[%get3A_189, %get3A_190] {strides = array<i32>} : memref<64x128xf32, #tpu.memory_space<vmem>>, vector<1x16xf32>,
      %get3A_192 = vector.shape_cast %get3A_191 : vector<1x16xf32> to vector<16xf32>
      %add3A_193 = arith.addf %get3A_180, %get3A_192 : vector<16xf32>
      %max3A_194 = arith.constant 0.000000e+00 : f32
      %max3A_195 = vector.broadcast %max3A_194 : f32 to vector<16xf32>
      %max3A_196 = arith.maximumf %add3A_193, %max3A_195 : vector<16xf32>
      %add3A_197 = arith.addf %get3A_188, %get3A_184 : vector<16xf32>
      %max3A_198 = arith.constant 0.000000e+00 : f32
      %max3A_199 = vector.broadcast %max3A_198 : f32 to vector<16xf32>
      %max3A_200 = arith.maximumf %add3A_197, %max3A_199 : vector<16xf32>
      %add3A_201 = arith.addf %max3A_196, %max3A_200 : vector<16xf32>
      %swap3A_202 = arith.index_cast %scan3A_89 : i32 to index
      %swap3A_203 = arith.constant 48 : index
      %swap3A_204 = tpu.vector_load %arg10[%swap3A_202, %swap3A_203] {strides = array<i32>} : memref<64x128xf32, #tpu.memory_space<vmem>>, vector<1x16xf32>,
      %swap3A_205 = vector.shape_cast %swap3A_204 : vector<1x16xf32> to vector<16xf32>
      %swap3A_206 = vector.shape_cast %add3A_201 : vector<16xf32> to vector<1x16xf32>
      tpu.vector_store %arg10[%swap3A_202, %swap3A_203], %swap3A_206 {strides = array<i32>} : memref<64x128xf32, #tpu.memory_space<vmem>>, vector<1x16xf32>,
    }
    %scan3A_60 = arith.constant 64 : i32
    %add3A_61 = arith.constant 390 : i32
    %add3A_62 = arith.addi %mul3A_2, %add3A_61 : i32
    %min3A_63 = arith.constant 12499 : i32
    %min3A_64 = arith.minsi %add3A_62, %min3A_63 : i32
    %mul3A_65 = arith.constant 64 : i32
    %mul3A_66 = arith.muli %min3A_64, %mul3A_65 : i32
    %dma_start3A_67 = arith.constant 0 : i32
    %dma_start3A_68 = tpu.memref_slice %arg5[%mul3A_66, %dma_start3A_67] : memref<800000x128xf32, #tpu.memory_space<hbm>> -> memref<64x128xf32, #tpu.memory_space<hbm>>
    %dma_start3A_69 = arith.constant 0 : i32
    %dma_start3A_70 = tpu.memref_slice %arg5[%mul3A_66, %dma_start3A_69] : memref<800000x128xf32, #tpu.memory_space<hbm>> -> memref<64x128xf32, #tpu.memory_space<hbm>>
    tpu.enqueue_dma source(%arg10 : memref<64x128xf32, #tpu.memory_space<vmem>>) target(%dma_start3A_70 : memref<64x128xf32, #tpu.memory_space<hbm>>) target_semaphore(%arg23 : memref<!tpu.dma_semaphore, #tpu.memory_space<semaphore_mem>>)
    %dma_wait3A_71 = arith.constant 0 : i32
    %dma_wait3A_72 = arith.constant 0 : i32
    %dma_wait3A_73 = tpu.memref_slice %arg5[%dma_wait3A_71, %dma_wait3A_72] : memref<800000x128xf32, #tpu.memory_space<hbm>> -> memref<64x128xf32, #tpu.memory_space<hbm>>
    %dma_wait3A_74 = arith.constant 0 : i32
    %dma_wait3A_75 = arith.constant 0 : i32
    %dma_wait3A_76 = tpu.memref_slice %arg5[%dma_wait3A_74, %dma_wait3A_75] : memref<800000x128xf32, #tpu.memory_space<hbm>> -> memref<64x128xf32, #tpu.memory_space<hbm>>
    tpu.wait_dma2 semaphore(%arg23 : memref<!tpu.dma_semaphore, #tpu.memory_space<semaphore_mem>>) src(%arg10 : memref<64x128xf32, #tpu.memory_space<vmem>>) dst(%dma_wait3A_76 : memref<64x128xf32, #tpu.memory_space<hbm>>)
    %dma_wait3A_77 = arith.constant 0 : i32
    %dma_wait3A_78 = arith.constant 0 : i32
    %dma_wait3A_79 = tpu.memref_slice %arg5[%dma_wait3A_77, %dma_wait3A_78] : memref<800000x128xf32, #tpu.memory_space<hbm>> -> memref<64x128xf32, #tpu.memory_space<hbm>>
    %dma_wait3A_80 = arith.constant 0 : i32
    %dma_wait3A_81 = arith.constant 0 : i32
    %dma_wait3A_82 = tpu.memref_slice %arg5[%dma_wait3A_80, %dma_wait3A_81] : memref<800000x128xf32, #tpu.memory_space<hbm>> -> memref<64x128xf32, #tpu.memory_space<hbm>>
    tpu.wait_dma2 semaphore(%arg26 : memref<!tpu.dma_semaphore, #tpu.memory_space<semaphore_mem>>) src(%arg15 : memref<64x128xf32, #tpu.memory_space<vmem>>) dst(%dma_wait3A_82 : memref<64x128xf32, #tpu.memory_space<hbm>>)
    %dma_wait3A_83 = arith.constant 0 : i32
    %dma_wait3A_84 = arith.constant 0 : i32
    %dma_wait3A_85 = tpu.memref_slice %arg5[%dma_wait3A_83, %dma_wait3A_84] : memref<800000x128xf32, #tpu.memory_space<hbm>> -> memref<64x128xf32, #tpu.memory_space<hbm>>
    %dma_wait3A_86 = arith.constant 0 : i32
    %dma_wait3A_87 = arith.constant 0 : i32
    %dma_wait3A_88 = tpu.memref_slice %arg5[%dma_wait3A_86, %dma_wait3A_87] : memref<800000x128xf32, #tpu.memory_space<hbm>> -> memref<64x128xf32, #tpu.memory_space<hbm>>
    tpu.wait_dma2 semaphore(%arg29 : memref<!tpu.dma_semaphore, #tpu.memory_space<semaphore_mem>>) src(%arg20 : memref<64x128xf32, #tpu.memory_space<vmem>>) dst(%dma_wait3A_88 : memref<64x128xf32, #tpu.memory_space<hbm>>)
    return
  }
}

module attributes {stable_mosaic.version = 14 : i64} {
  func.func @_prep_pairs_body(%arg0: i32, %arg1: memref<4000x14xf32, #tpu.memory_space<vmem>>, %arg2: memref<4000x1xi32, #tpu.memory_space<vmem>>, %arg3: memref<14x64xf32, #tpu.memory_space<vmem>>, %arg4: memref<64xf32, #tpu.memory_space<vmem>>, %arg5: memref<4000x128xf32, #tpu.memory_space<vmem>>) attributes {dimension_semantics = [#tpu.dimension_semantics<arbitrary>], iteration_bounds = array<i64: 200>, scalar_prefetch = 0 : i64, scratch_operands = 0 : i64, tpu.core_type = #tpu.core_type<tc>, window_params = [{transform_indices = @transform_0, window_bounds = array<i64: 4000, 14>}, {transform_indices = @transform_1, window_bounds = array<i64: 4000, 1>}, {pipeline_mode = #tpu.pipeline_mode<synchronous>, transform_indices = @transform_2, window_bounds = array<i64: 14, 64>}, {pipeline_mode = #tpu.pipeline_mode<synchronous>, transform_indices = @transform_3, window_bounds = array<i64: 64>}, {transform_indices = @transform_4, window_bounds = array<i64: 4000, 128>}]} {
    %get3A = arith.constant 0 : index
    %get3A_0 = arith.constant 0 : index
    %get3A_1 = vector.load %arg1[%get3A, %get3A_0] : memref<4000x14xf32, #tpu.memory_space<vmem>>, vector<4000x14xf32>
    %get3A_2 = arith.constant 0 : index
    %get3A_3 = arith.constant 0 : index
    %get3A_4 = vector.load %arg3[%get3A_2, %get3A_3] : memref<14x64xf32, #tpu.memory_space<vmem>>, vector<14x64xf32>
    %dot_general3A = arith.constant dense<0.000000e+00> : vector<4000x64xf32>
    %dot_general3A_5 = tpu.matmul %get3A_1, %get3A_4, %dot_general3A {dimension_numbers = #tpu.dot_dimension_numbers<[1], [0], [0], [1], [0, 0, 1, 1], [], []>, transpose_lhs_hint = false} : vector<4000x14xf32>, vector<14x64xf32>, vector<4000x64xf32> -> vector<4000x64xf32>
    %get3A_6 = arith.constant 0 : index
    %get3A_7 = vector.load %arg4[%get3A_6] : memref<64xf32, #tpu.memory_space<vmem>>, vector<64xf32>
    %broadcast_in_dim3A = vector.shape_cast %get3A_7 : vector<64xf32> to vector<1x64xf32>
    %add3A = vector.broadcast %broadcast_in_dim3A : vector<1x64xf32> to vector<4000x64xf32>
    %add3A_8 = arith.addf %dot_general3A_5, %add3A : vector<4000x64xf32>
    %max3A = arith.constant 0.000000e+00 : f32
    %max3A_9 = vector.broadcast %max3A : f32 to vector<4000x64xf32>
    %max3A_10 = arith.maximumf %add3A_8, %max3A_9 : vector<4000x64xf32>
    %get3A_11 = arith.constant 0 : index
    %get3A_12 = arith.constant 0 : index
    %get3A_13 = vector.load %arg2[%get3A_11, %get3A_12] : memref<4000x1xi32, #tpu.memory_space<vmem>>, vector<4000x1xi32>
    %jit3A = arith.constant 2 : i32
    %eq3A = arith.constant 0 : i32
    %eq3A_14 = arith.cmpi eq, %jit3A, %eq3A : i32
    %jit3A_15 = arith.constant 1 : i32
    %select_n3A = arith.select %eq3A_14, %jit3A_15, %jit3A : i32
    %rem3A = vector.broadcast %select_n3A : i32 to vector<4000x1xi32>
    %rem3A_16 = arith.remsi %get3A_13, %rem3A : vector<4000x1xi32>
    %ne3A = arith.constant 0 : i32
    %ne3A_17 = vector.broadcast %ne3A : i32 to vector<4000x1xi32>
    %ne3A_18 = arith.cmpi ne, %rem3A_16, %ne3A_17 : vector<4000x1xi32>
    %lt3A = arith.constant 0 : i32
    %lt3A_19 = vector.broadcast %lt3A : i32 to vector<4000x1xi32>
    %lt3A_20 = arith.cmpi slt, %rem3A_16, %lt3A_19 : vector<4000x1xi32>
    %lt3A_21 = arith.constant 0 : i32
    %lt3A_22 = arith.cmpi slt, %select_n3A, %lt3A_21 : i32
    %ne3A_23 = vector.broadcast %lt3A_22 : i1 to vector<4000x1xi1>
    %ne3A_24 = vector.broadcast %ne3A_23 : vector<4000x1xi1> to vector<4000x1xi1>
    %ne3A_25 = arith.xori %lt3A_20, %ne3A_24 : vector<4000x1xi1>
    %and3A = arith.andi %ne3A_25, %ne3A_18 : vector<4000x1xi1>
    %add3A_26 = vector.broadcast %select_n3A : i32 to vector<4000x1xi32>
    %add3A_27 = arith.addi %rem3A_16, %add3A_26 : vector<4000x1xi32>
    %select_n3A_28 = arith.select %and3A, %add3A_27, %rem3A_16 : vector<4000x1xi1>, vector<4000x1xi32>
    %eq3A_29 = arith.constant 0 : i32
    %eq3A_30 = vector.broadcast %eq3A_29 : i32 to vector<4000x1xi32>
    %eq3A_31 = arith.cmpi eq, %select_n3A_28, %eq3A_30 : vector<4000x1xi32>
    %jit3A_32 = arith.constant 0.000000e+00 : f32
    %broadcast_in_dim3A_33 = vector.shape_cast %eq3A_31 : vector<4000x1xi1> to vector<4000x1xi1>
    %broadcast_in_dim3A_34 = vector.broadcast %broadcast_in_dim3A_33 : vector<4000x1xi1> to vector<4000x64xi1>
    %broadcast_in_dim3A_35 = vector.broadcast %jit3A_32 : f32 to vector<4000x64xf32>
    %select_n3A_36 = arith.select %broadcast_in_dim3A_34, %max3A_10, %broadcast_in_dim3A_35 : vector<4000x64xi1>, vector<4000x64xf32>
    %jit3A_37 = arith.constant 0.000000e+00 : f32
    %broadcast_in_dim3A_38 = vector.shape_cast %eq3A_31 : vector<4000x1xi1> to vector<4000x1xi1>
    %broadcast_in_dim3A_39 = vector.broadcast %broadcast_in_dim3A_38 : vector<4000x1xi1> to vector<4000x64xi1>
    %broadcast_in_dim3A_40 = vector.broadcast %jit3A_37 : f32 to vector<4000x64xf32>
    %select_n3A_41 = arith.select %broadcast_in_dim3A_39, %broadcast_in_dim3A_40, %max3A_10 : vector<4000x64xi1>, vector<4000x64xf32>
    %concatenate3A = tpu.concatenate %select_n3A_36, %select_n3A_41 in 1 : vector<4000x64xf32>, vector<4000x64xf32> -> vector<4000x128xf32>
    %swap3A = arith.constant 0 : index
    %swap3A_42 = arith.constant 0 : index
    %swap3A_43 = vector.load %arg5[%swap3A, %swap3A_42] : memref<4000x128xf32, #tpu.memory_space<vmem>>, vector<4000x128xf32>
    tpu.vector_store %arg5[%swap3A, %swap3A_42], %concatenate3A {strides = array<i32>} : memref<4000x128xf32, #tpu.memory_space<vmem>>, vector<4000x128xf32>,
    return
  }
  func.func @transform_0(%arg0: i32) -> (i32, i32) {
    %c0_i32 = arith.constant 0 : i32
    %c0_i32_0 = arith.constant 0 : i32
    return %arg0, %c0_i32 : i32, i32
  }
  func.func @transform_1(%arg0: i32) -> (i32, i32) {
    %c0_i32 = arith.constant 0 : i32
    %c0_i32_0 = arith.constant 0 : i32
    return %arg0, %c0_i32 : i32, i32
  }
  func.func @transform_2(%arg0: i32) -> (i32, i32) {
    %c0_i32 = arith.constant 0 : i32
    %c0_i32_0 = arith.constant 0 : i32
    %c0_i32_1 = arith.constant 0 : i32
    return %c0_i32, %c0_i32_0 : i32, i32
  }
  func.func @transform_3(%arg0: i32) -> i32 {
    %c0_i32 = arith.constant 0 : i32
    %c0_i32_0 = arith.constant 0 : i32
    return %c0_i32 : i32
  }
  func.func @transform_4(%arg0: i32) -> (i32, i32) {
    %c0_i32 = arith.constant 0 : i32
    %c0_i32_0 = arith.constant 0 : i32
    return %arg0, %c0_i32 : i32, i32
  }
}

module attributes {stable_mosaic.version = 14 : i64} {
  func.func @_prep_atoms_body(%arg0: i32, %arg1: memref<1000x75xf32, #tpu.memory_space<vmem>>, %arg2: memref<75x100xf32, #tpu.memory_space<vmem>>, %arg3: memref<100xf32, #tpu.memory_space<vmem>>, %arg4: memref<75x128xf32, #tpu.memory_space<vmem>>, %arg5: memref<128xf32, #tpu.memory_space<vmem>>, %arg6: memref<1000x100xf32, #tpu.memory_space<vmem>>, %arg7: memref<1000x128xf32, #tpu.memory_space<vmem>>) attributes {dimension_semantics = [#tpu.dimension_semantics<arbitrary>], iteration_bounds = array<i64: 50>, scalar_prefetch = 0 : i64, scratch_operands = 0 : i64, tpu.core_type = #tpu.core_type<tc>, window_params = [{transform_indices = @transform_0, window_bounds = array<i64: 1000, 75>}, {pipeline_mode = #tpu.pipeline_mode<synchronous>, transform_indices = @transform_1, window_bounds = array<i64: 75, 100>}, {pipeline_mode = #tpu.pipeline_mode<synchronous>, transform_indices = @transform_2, window_bounds = array<i64: 100>}, {pipeline_mode = #tpu.pipeline_mode<synchronous>, transform_indices = @transform_3, window_bounds = array<i64: 75, 128>}, {pipeline_mode = #tpu.pipeline_mode<synchronous>, transform_indices = @transform_4, window_bounds = array<i64: 128>}, {transform_indices = @transform_5, window_bounds = array<i64: 1000, 100>}, {transform_indices = @transform_6, window_bounds = array<i64: 1000, 128>}]} {
    %get3A = arith.constant 0 : index
    %get3A_0 = arith.constant 0 : index
    %get3A_1 = vector.load %arg1[%get3A, %get3A_0] : memref<1000x75xf32, #tpu.memory_space<vmem>>, vector<1000x75xf32>
    %get3A_2 = arith.constant 0 : index
    %get3A_3 = arith.constant 0 : index
    %get3A_4 = vector.load %arg2[%get3A_2, %get3A_3] : memref<75x100xf32, #tpu.memory_space<vmem>>, vector<75x100xf32>
    %dot_general3A = arith.constant dense<0.000000e+00> : vector<1000x100xf32>
    %dot_general3A_5 = tpu.matmul %get3A_1, %get3A_4, %dot_general3A {dimension_numbers = #tpu.dot_dimension_numbers<[1], [0], [0], [1], [0, 0, 1, 1], [], []>, transpose_lhs_hint = false} : vector<1000x75xf32>, vector<75x100xf32>, vector<1000x100xf32> -> vector<1000x100xf32>
    %get3A_6 = arith.constant 0 : index
    %get3A_7 = vector.load %arg3[%get3A_6] : memref<100xf32, #tpu.memory_space<vmem>>, vector<100xf32>
    %broadcast_in_dim3A = vector.shape_cast %get3A_7 : vector<100xf32> to vector<1x100xf32>
    %add3A = vector.broadcast %broadcast_in_dim3A : vector<1x100xf32> to vector<1000x100xf32>
    %add3A_8 = arith.addf %dot_general3A_5, %add3A : vector<1000x100xf32>
    %max3A = arith.constant 0.000000e+00 : f32
    %max3A_9 = vector.broadcast %max3A : f32 to vector<1000x100xf32>
    %max3A_10 = arith.maximumf %add3A_8, %max3A_9 : vector<1000x100xf32>
    %swap3A = arith.constant 0 : index
    %swap3A_11 = arith.constant 0 : index
    %swap3A_12 = vector.load %arg6[%swap3A, %swap3A_11] : memref<1000x100xf32, #tpu.memory_space<vmem>>, vector<1000x100xf32>
    tpu.vector_store %arg6[%swap3A, %swap3A_11], %max3A_10 {strides = array<i32>} : memref<1000x100xf32, #tpu.memory_space<vmem>>, vector<1000x100xf32>,
    %get3A_13 = arith.constant 0 : index
    %get3A_14 = arith.constant 0 : index
    %get3A_15 = vector.load %arg4[%get3A_13, %get3A_14] : memref<75x128xf32, #tpu.memory_space<vmem>>, vector<75x128xf32>
    %dot_general3A_16 = arith.constant dense<0.000000e+00> : vector<1000x128xf32>
    %dot_general3A_17 = tpu.matmul %get3A_1, %get3A_15, %dot_general3A_16 {dimension_numbers = #tpu.dot_dimension_numbers<[1], [0], [0], [1], [0, 0, 1, 1], [], []>, transpose_lhs_hint = false} : vector<1000x75xf32>, vector<75x128xf32>, vector<1000x128xf32> -> vector<1000x128xf32>
    %get3A_18 = arith.constant 0 : index
    %get3A_19 = vector.load %arg5[%get3A_18] : memref<128xf32, #tpu.memory_space<vmem>>, vector<128xf32>
    %broadcast_in_dim3A_20 = vector.shape_cast %get3A_19 : vector<128xf32> to vector<1x128xf32>
    %add3A_21 = vector.broadcast %broadcast_in_dim3A_20 : vector<1x128xf32> to vector<1000x128xf32>
    %add3A_22 = arith.addf %dot_general3A_17, %add3A_21 : vector<1000x128xf32>
    %swap3A_23 = arith.constant 0 : index
    %swap3A_24 = arith.constant 0 : index
    %swap3A_25 = vector.load %arg7[%swap3A_23, %swap3A_24] : memref<1000x128xf32, #tpu.memory_space<vmem>>, vector<1000x128xf32>
    tpu.vector_store %arg7[%swap3A_23, %swap3A_24], %add3A_22 {strides = array<i32>} : memref<1000x128xf32, #tpu.memory_space<vmem>>, vector<1000x128xf32>,
    return
  }
  func.func @transform_0(%arg0: i32) -> (i32, i32) {
    %c0_i32 = arith.constant 0 : i32
    %c0_i32_0 = arith.constant 0 : i32
    return %arg0, %c0_i32 : i32, i32
  }
  func.func @transform_1(%arg0: i32) -> (i32, i32) {
    %c0_i32 = arith.constant 0 : i32
    %c0_i32_0 = arith.constant 0 : i32
    %c0_i32_1 = arith.constant 0 : i32
    return %c0_i32, %c0_i32_0 : i32, i32
  }
  func.func @transform_2(%arg0: i32) -> i32 {
    %c0_i32 = arith.constant 0 : i32
    %c0_i32_0 = arith.constant 0 : i32
    return %c0_i32 : i32
  }
  func.func @transform_3(%arg0: i32) -> (i32, i32) {
    %c0_i32 = arith.constant 0 : i32
    %c0_i32_0 = arith.constant 0 : i32
    %c0_i32_1 = arith.constant 0 : i32
    return %c0_i32, %c0_i32_0 : i32, i32
  }
  func.func @transform_4(%arg0: i32) -> i32 {
    %c0_i32 = arith.constant 0 : i32
    %c0_i32_0 = arith.constant 0 : i32
    return %c0_i32 : i32
  }
  func.func @transform_5(%arg0: i32) -> (i32, i32) {
    %c0_i32 = arith.constant 0 : i32
    %c0_i32_0 = arith.constant 0 : i32
    return %arg0, %c0_i32 : i32, i32
  }
  func.func @transform_6(%arg0: i32) -> (i32, i32) {
    %c0_i32 = arith.constant 0 : i32
    %c0_i32_0 = arith.constant 0 : i32
    return %arg0, %c0_i32 : i32, i32
  }
}

module attributes {stable_mosaic.version = 14 : i64} {
  func.func @_final_a_body(%arg0: i32, %arg1: memref<1000x100xf32, #tpu.memory_space<vmem>>, %arg2: memref<1000x64xf32, #tpu.memory_space<vmem>>, %arg3: memref<100x50xf32, #tpu.memory_space<vmem>>, %arg4: memref<64x50xf32, #tpu.memory_space<vmem>>, %arg5: memref<50xf32, #tpu.memory_space<vmem>>, %arg6: memref<1000x50xf32, #tpu.memory_space<vmem>>) attributes {dimension_semantics = [#tpu.dimension_semantics<arbitrary>], iteration_bounds = array<i64: 50>, scalar_prefetch = 0 : i64, scratch_operands = 0 : i64, tpu.core_type = #tpu.core_type<tc>, window_params = [{transform_indices = @transform_0, window_bounds = array<i64: 1000, 100>}, {transform_indices = @transform_1, window_bounds = array<i64: 1000, 64>}, {pipeline_mode = #tpu.pipeline_mode<synchronous>, transform_indices = @transform_2, window_bounds = array<i64: 100, 50>}, {pipeline_mode = #tpu.pipeline_mode<synchronous>, transform_indices = @transform_3, window_bounds = array<i64: 64, 50>}, {pipeline_mode = #tpu.pipeline_mode<synchronous>, transform_indices = @transform_4, window_bounds = array<i64: 50>}, {transform_indices = @transform_5, window_bounds = array<i64: 1000, 50>}]} {
    %get3A = arith.constant 0 : index
    %get3A_0 = arith.constant 0 : index
    %get3A_1 = vector.load %arg1[%get3A, %get3A_0] : memref<1000x100xf32, #tpu.memory_space<vmem>>, vector<1000x100xf32>
    %get3A_2 = arith.constant 0 : index
    %get3A_3 = arith.constant 0 : index
    %get3A_4 = vector.load %arg3[%get3A_2, %get3A_3] : memref<100x50xf32, #tpu.memory_space<vmem>>, vector<100x50xf32>
    %dot_general3A = arith.constant dense<0.000000e+00> : vector<1000x50xf32>
    %dot_general3A_5 = tpu.matmul %get3A_1, %get3A_4, %dot_general3A {dimension_numbers = #tpu.dot_dimension_numbers<[1], [0], [0], [1], [0, 0, 1, 1], [], []>, transpose_lhs_hint = false} : vector<1000x100xf32>, vector<100x50xf32>, vector<1000x50xf32> -> vector<1000x50xf32>
    %get3A_6 = arith.constant 0 : index
    %get3A_7 = arith.constant 0 : index
    %get3A_8 = vector.load %arg2[%get3A_6, %get3A_7] : memref<1000x64xf32, #tpu.memory_space<vmem>>, vector<1000x64xf32>
    %get3A_9 = arith.constant 0 : index
    %get3A_10 = arith.constant 0 : index
    %get3A_11 = vector.load %arg4[%get3A_9, %get3A_10] : memref<64x50xf32, #tpu.memory_space<vmem>>, vector<64x50xf32>
    %dot_general3A_12 = arith.constant dense<0.000000e+00> : vector<1000x50xf32>
    %dot_general3A_13 = tpu.matmul %get3A_8, %get3A_11, %dot_general3A_12 {dimension_numbers = #tpu.dot_dimension_numbers<[1], [0], [0], [1], [0, 0, 1, 1], [], []>, transpose_lhs_hint = false} : vector<1000x64xf32>, vector<64x50xf32>, vector<1000x50xf32> -> vector<1000x50xf32>
    %add3A = arith.addf %dot_general3A_5, %dot_general3A_13 : vector<1000x50xf32>
    %get3A_14 = arith.constant 0 : index
    %get3A_15 = vector.load %arg5[%get3A_14] : memref<50xf32, #tpu.memory_space<vmem>>, vector<50xf32>
    %broadcast_in_dim3A = vector.shape_cast %get3A_15 : vector<50xf32> to vector<1x50xf32>
    %add3A_16 = vector.broadcast %broadcast_in_dim3A : vector<1x50xf32> to vector<1000x50xf32>
    %add3A_17 = arith.addf %add3A, %add3A_16 : vector<1000x50xf32>
    %max3A = arith.constant 0.000000e+00 : f32
    %max3A_18 = vector.broadcast %max3A : f32 to vector<1000x50xf32>
    %max3A_19 = arith.maximumf %add3A_17, %max3A_18 : vector<1000x50xf32>
    %swap3A = arith.constant 0 : index
    %swap3A_20 = arith.constant 0 : index
    %swap3A_21 = vector.load %arg6[%swap3A, %swap3A_20] : memref<1000x50xf32, #tpu.memory_space<vmem>>, vector<1000x50xf32>
    tpu.vector_store %arg6[%swap3A, %swap3A_20], %max3A_19 {strides = array<i32>} : memref<1000x50xf32, #tpu.memory_space<vmem>>, vector<1000x50xf32>,
    return
  }
  func.func @transform_0(%arg0: i32) -> (i32, i32) {
    %c0_i32 = arith.constant 0 : i32
    %c0_i32_0 = arith.constant 0 : i32
    return %arg0, %c0_i32 : i32, i32
  }
  func.func @transform_1(%arg0: i32) -> (i32, i32) {
    %c0_i32 = arith.constant 0 : i32
    %c0_i32_0 = arith.constant 0 : i32
    return %arg0, %c0_i32 : i32, i32
  }
  func.func @transform_2(%arg0: i32) -> (i32, i32) {
    %c0_i32 = arith.constant 0 : i32
    %c0_i32_0 = arith.constant 0 : i32
    %c0_i32_1 = arith.constant 0 : i32
    return %c0_i32, %c0_i32_0 : i32, i32
  }
  func.func @transform_3(%arg0: i32) -> (i32, i32) {
    %c0_i32 = arith.constant 0 : i32
    %c0_i32_0 = arith.constant 0 : i32
    %c0_i32_1 = arith.constant 0 : i32
    return %c0_i32, %c0_i32_0 : i32, i32
  }
  func.func @transform_4(%arg0: i32) -> i32 {
    %c0_i32 = arith.constant 0 : i32
    %c0_i32_0 = arith.constant 0 : i32
    return %c0_i32 : i32
  }
  func.func @transform_5(%arg0: i32) -> (i32, i32) {
    %c0_i32 = arith.constant 0 : i32
    %c0_i32_0 = arith.constant 0 : i32
    return %arg0, %c0_i32 : i32, i32
  }
}

module attributes {stable_mosaic.version = 14 : i64} {
  func.func @_final_p_body(%arg0: i32, %arg1: memref<4000x128xf32, #tpu.memory_space<vmem>>, %arg2: memref<4000x14xf32, #tpu.memory_space<vmem>>, %arg3: memref<14x50xf32, #tpu.memory_space<vmem>>, %arg4: memref<50xf32, #tpu.memory_space<vmem>>, %arg5: memref<128x50xf32, #tpu.memory_space<vmem>>, %arg6: memref<50x50xf32, #tpu.memory_space<vmem>>, %arg7: memref<50xf32, #tpu.memory_space<vmem>>, %arg8: memref<4000x50xf32, #tpu.memory_space<vmem>>) attributes {dimension_semantics = [#tpu.dimension_semantics<arbitrary>], iteration_bounds = array<i64: 200>, scalar_prefetch = 0 : i64, scratch_operands = 0 : i64, tpu.core_type = #tpu.core_type<tc>, window_params = [{transform_indices = @transform_0, window_bounds = array<i64: 4000, 128>}, {transform_indices = @transform_1, window_bounds = array<i64: 4000, 14>}, {pipeline_mode = #tpu.pipeline_mode<synchronous>, transform_indices = @transform_2, window_bounds = array<i64: 14, 50>}, {pipeline_mode = #tpu.pipeline_mode<synchronous>, transform_indices = @transform_3, window_bounds = array<i64: 50>}, {pipeline_mode = #tpu.pipeline_mode<synchronous>, transform_indices = @transform_4, window_bounds = array<i64: 128, 50>}, {pipeline_mode = #tpu.pipeline_mode<synchronous>, transform_indices = @transform_5, window_bounds = array<i64: 50, 50>}, {pipeline_mode = #tpu.pipeline_mode<synchronous>, transform_indices = @transform_6, window_bounds = array<i64: 50>}, {transform_indices = @transform_7, window_bounds = array<i64: 4000, 50>}]} {
    %get3A = arith.constant 0 : index
    %get3A_0 = arith.constant 0 : index
    %get3A_1 = vector.load %arg2[%get3A, %get3A_0] : memref<4000x14xf32, #tpu.memory_space<vmem>>, vector<4000x14xf32>
    %get3A_2 = arith.constant 0 : index
    %get3A_3 = arith.constant 0 : index
    %get3A_4 = vector.load %arg3[%get3A_2, %get3A_3] : memref<14x50xf32, #tpu.memory_space<vmem>>, vector<14x50xf32>
    %dot_general3A = arith.constant dense<0.000000e+00> : vector<4000x50xf32>
    %dot_general3A_5 = tpu.matmul %get3A_1, %get3A_4, %dot_general3A {dimension_numbers = #tpu.dot_dimension_numbers<[1], [0], [0], [1], [0, 0, 1, 1], [], []>, transpose_lhs_hint = false} : vector<4000x14xf32>, vector<14x50xf32>, vector<4000x50xf32> -> vector<4000x50xf32>
    %get3A_6 = arith.constant 0 : index
    %get3A_7 = vector.load %arg4[%get3A_6] : memref<50xf32, #tpu.memory_space<vmem>>, vector<50xf32>
    %broadcast_in_dim3A = vector.shape_cast %get3A_7 : vector<50xf32> to vector<1x50xf32>
    %add3A = vector.broadcast %broadcast_in_dim3A : vector<1x50xf32> to vector<4000x50xf32>
    %add3A_8 = arith.addf %dot_general3A_5, %add3A : vector<4000x50xf32>
    %max3A = arith.constant 0.000000e+00 : f32
    %max3A_9 = vector.broadcast %max3A : f32 to vector<4000x50xf32>
    %max3A_10 = arith.maximumf %add3A_8, %max3A_9 : vector<4000x50xf32>
    %get3A_11 = arith.constant 0 : index
    %get3A_12 = arith.constant 0 : index
    %get3A_13 = vector.load %arg1[%get3A_11, %get3A_12] : memref<4000x128xf32, #tpu.memory_space<vmem>>, vector<4000x128xf32>
    %get3A_14 = arith.constant 0 : index
    %get3A_15 = arith.constant 0 : index
    %get3A_16 = vector.load %arg5[%get3A_14, %get3A_15] : memref<128x50xf32, #tpu.memory_space<vmem>>, vector<128x50xf32>
    %dot_general3A_17 = arith.constant dense<0.000000e+00> : vector<4000x50xf32>
    %dot_general3A_18 = tpu.matmul %get3A_13, %get3A_16, %dot_general3A_17 {dimension_numbers = #tpu.dot_dimension_numbers<[1], [0], [0], [1], [0, 0, 1, 1], [], []>, transpose_lhs_hint = false} : vector<4000x128xf32>, vector<128x50xf32>, vector<4000x50xf32> -> vector<4000x50xf32>
    %get3A_19 = arith.constant 0 : index
    %get3A_20 = arith.constant 0 : index
    %get3A_21 = vector.load %arg6[%get3A_19, %get3A_20] : memref<50x50xf32, #tpu.memory_space<vmem>>, vector<50x50xf32>
    %dot_general3A_22 = arith.constant dense<0.000000e+00> : vector<4000x50xf32>
    %dot_general3A_23 = tpu.matmul %max3A_10, %get3A_21, %dot_general3A_22 {dimension_numbers = #tpu.dot_dimension_numbers<[1], [0], [0], [1], [0, 0, 1, 1], [], []>, transpose_lhs_hint = false} : vector<4000x50xf32>, vector<50x50xf32>, vector<4000x50xf32> -> vector<4000x50xf32>
    %add3A_24 = arith.addf %dot_general3A_18, %dot_general3A_23 : vector<4000x50xf32>
    %get3A_25 = arith.constant 0 : index
    %get3A_26 = vector.load %arg7[%get3A_25] : memref<50xf32, #tpu.memory_space<vmem>>, vector<50xf32>
    %broadcast_in_dim3A_27 = vector.shape_cast %get3A_26 : vector<50xf32> to vector<1x50xf32>
    %add3A_28 = vector.broadcast %broadcast_in_dim3A_27 : vector<1x50xf32> to vector<4000x50xf32>
    %add3A_29 = arith.addf %add3A_24, %add3A_28 : vector<4000x50xf32>
    %max3A_30 = arith.constant 0.000000e+00 : f32
    %max3A_31 = vector.broadcast %max3A_30 : f32 to vector<4000x50xf32>
    %max3A_32 = arith.maximumf %add3A_29, %max3A_31 : vector<4000x50xf32>
    %swap3A = arith.constant 0 : index
    %swap3A_33 = arith.constant 0 : index
    %swap3A_34 = vector.load %arg8[%swap3A, %swap3A_33] : memref<4000x50xf32, #tpu.memory_space<vmem>>, vector<4000x50xf32>
    tpu.vector_store %arg8[%swap3A, %swap3A_33], %max3A_32 {strides = array<i32>} : memref<4000x50xf32, #tpu.memory_space<vmem>>, vector<4000x50xf32>,
    return
  }
  func.func @transform_0(%arg0: i32) -> (i32, i32) {
    %c0_i32 = arith.constant 0 : i32
    %c0_i32_0 = arith.constant 0 : i32
    return %arg0, %c0_i32 : i32, i32
  }
  func.func @transform_1(%arg0: i32) -> (i32, i32) {
    %c0_i32 = arith.constant 0 : i32
    %c0_i32_0 = arith.constant 0 : i32
    return %arg0, %c0_i32 : i32, i32
  }
  func.func @transform_2(%arg0: i32) -> (i32, i32) {
    %c0_i32 = arith.constant 0 : i32
    %c0_i32_0 = arith.constant 0 : i32
    %c0_i32_1 = arith.constant 0 : i32
    return %c0_i32, %c0_i32_0 : i32, i32
  }
  func.func @transform_3(%arg0: i32) -> i32 {
    %c0_i32 = arith.constant 0 : i32
    %c0_i32_0 = arith.constant 0 : i32
    return %c0_i32 : i32
  }
  func.func @transform_4(%arg0: i32) -> (i32, i32) {
    %c0_i32 = arith.constant 0 : i32
    %c0_i32_0 = arith.constant 0 : i32
    %c0_i32_1 = arith.constant 0 : i32
    return %c0_i32, %c0_i32_0 : i32, i32
  }
  func.func @transform_5(%arg0: i32) -> (i32, i32) {
    %c0_i32 = arith.constant 0 : i32
    %c0_i32_0 = arith.constant 0 : i32
    %c0_i32_1 = arith.constant 0 : i32
    return %c0_i32, %c0_i32_0 : i32, i32
  }
  func.func @transform_6(%arg0: i32) -> i32 {
    %c0_i32 = arith.constant 0 : i32
    %c0_i32_0 = arith.constant 0 : i32
    return %c0_i32 : i32
  }
  func.func @transform_7(%arg0: i32) -> (i32, i32) {
    %c0_i32 = arith.constant 0 : i32
    %c0_i32_0 = arith.constant 0 : i32
    return %arg0, %c0_i32 : i32, i32
  }
}

</mosaic_0001>

<sc_bundles>
// kernel: kernel.11.cloned.1.call-start
scs
__scs_entry_jumppad:
0x0: {  	(pc) =	sbr.rel $0x88, $3  }
0x1: {  	(tag) =	ssettag $0x0;
	lr =	simm.s32 $0x1  }
0x2: {  	[smem:$0x3F91] =	sst lr;
	_ =	strace $0xD0000000  }
0x3: {  	_ = 	snop  }
0x4: {  	_ = 	snop  }
0x5: {  	_ = 	snop  }
0x6: {  	_ = 	snop  }
0x7: {  	_ = 	snop  }
__scs_overlays_trampoline_lowered:
0x8: {  	[smem:$0x3FA0] =	sst s0  }
0x9: {  	[smem:$0x3FA1] =	sst s1  }
0xa: {  	[smem:$0x3FA2] =	sst s2  }
0xb: {  	[smem:$0x3FA3] =	sst s3  }
0xc: {  	[smem:$0x3FA4] =	sst s4  }
0xd: {  	[smem:$0x3FA5] =	sst s5  }
0xe: {  	[smem:$0x3FA6] =	sst s6  }
0xf: {  	[smem:$0x3FA7] =	sst s7  }
0x10: {  	[smem:$0x3FA8] =	sst s8  }
0x11: {  	[smem:$0x3FA9] =	sst s9;
	s0 =	simm.s32 @!p0 $0x0  }
0x12: {  	s1 =	sld [smem:$0x3F8F];
	s0 =	simm.s32 @p0 $0x1  }
0x13: {  	[smem:$0x3FAA] =	sst s0;
	s0 =	simm.s32 @!p1 $0x0  }
0x14: {  	s2 =	sld [smem:$0x3F8E];
	s0 =	simm.s32 @p1 $0x1  }
0x15: {  	[smem:$0x3FAB] =	sst s0;
	s0 =	simm.s32 @!p2 $0x0  }
0x16: {  	s3 =	sld [smem:$0x3FDB];
	s0 =	simm.s32 @p2 $0x1  }
0x17: {  	s4 =	simm.s32 $0x1BF5;
	[smem:$0x3FAD] =	sst s0  }
0x18: {  	s0 =	sld [smem:$0x3F90];
	_ =	swait.ge [sflag:s4], $0x0  }
0x19: {  	s7 =	sld [smem:$0x3F91]  }
0x1a: {  	s8 =	sadd.s32 $0xFFFFE003, lr  }
0x1b: {  	s9 =	sadd.s32 $0xFFFFFEF7, lr;
	s5 =	simm.s32 $0xFFFFFFFF;
	p2 =	slt.u32 s8, $0xFFFFF086  }
0x1c: {  	p1 =	slt.u32 s9, $0xF7A;
	s5 =	simm.s32 @!p2 $0x0  }
0x1d: {  	s5 =	simm.s32 @p1 $0x1;
	p0 =	seq.s32 s7, s2  }
0x1e: {  	s7 =	smul.u32 @!p0 $0xF7A, s2;
	p2 =	seq.s32 @!p0 s5, $0x0  }
0x1f: {  	s9 =	smul.u32 $0xF7A, s1;
	s8 =	simm.s32 @!p0 $0x1BF5;
	p2 =	por !p2, p0  }
0x20: {  	[sflag:s8] =	ssyncset.s32 @!p0 $0xFFFFF086;
	s6 =	sadd.s32 @!p0 s3, s7;
	s7 =	simm.s32 @!p0 $0x108  }
0x21: {  	s3 =	sadd.s32 s3, s9;
	s6 =	sadd.s32 @!p0 $0x88, s6;
	s7 =	simm.s32 @p2 $0x1082  }
0x22: {  	[simem:s7], [sflag:s8] =	dma.local @!p0 [hbm:s6], $0xF7A  }
0x23: {  	s9 =	sor.u32 $0xD0000000, s2;
	s6 =	simm.s32 $0x108;
	_ =	swait.ge @!p0 [sflag:s8], $0x0  }
0x24: {  	s3 =	sadd.s32 $0x88, s3;
	s6 =	simm.s32 @!p1 $0x1082;
	[sflag:s4] =	ssyncset.s32 $0xFFFFF086  }
0x25: {  	[simem:s6], [sflag:s4] =	dma.local [hbm:s3], $0xF7A  }
0x26: {  	[smem:$0x3F91] =	sst s1;
	(tag) =	ssettag s2;
	_ =	strace s9  }
0x27: {  	s1 =	sld [smem:$0x3FA1]  }
0x28: {  	s2 =	sld [smem:$0x3FA2]  }
0x29: {  	s4 =	sld [smem:$0x3FA4]  }
0x2a: {  	p0 =	seq.s32 s5, $0x0;
	s5 =	sld [smem:$0x3FA5]  }
0x2b: {  	s6 =	sld [smem:$0x3FA6]  }
0x2c: {  	s7 =	sld [smem:$0x3FA7]  }
0x2d: {  	s3 =	simm.s32 $0x108;
	s8 =	sld [smem:$0x3FA8]  }
0x2e: {  	s3 =	simm.s32 @!p0 $0x1082;
	s9 =	sld [smem:$0x3FA9]  }
0x2f: {  	lr =	sadd.s32 s0, s3;
	s0 =	sld [smem:$0x3FA0]  }
0x30: {  	s3 =	sld [smem:$0x3FA3]  }
0x31: {  	[smem:$0x3FAC] =	sst s10  }
0x32: {  	s10 =	sld [smem:$0x3FAA];
	_ =	sdelay $0x3  }
0x33: {  	p0 =	seq.s32 s10, $0x1;
	s10 =	sld [smem:$0x3FAC];
	_ =	sdelay $0x3  }
0x34: {  	[smem:$0x3FAC] =	sst s10  }
0x35: {  	s10 =	sld [smem:$0x3FAB];
	_ =	sdelay $0x3  }
0x36: {  	p1 =	seq.s32 s10, $0x1;
	s10 =	sld [smem:$0x3FAC];
	_ =	sdelay $0x3  }
0x37: {  	[smem:$0x3FAC] =	sst s10  }
0x38: {  	s10 =	sld [smem:$0x3FAD]  }
0x39: {  	_ = 	snop;
	(pc) =	sbr.ind lr, $3  }
0x3a: {  	_ = 	snop  }
0x3b: {  	_ = 	snop  }
0x3c: {  	p2 =	seq.s32 s10, $0x1;
	s10 =	sld [smem:$0x3FAC]  }
0x3d: {  	_ =	shalt  }
0x3e: {  	_ =	shalt  }
0x3f: {  	_ =	shalt  }
0x40: {  	_ =	shalt  }
0x41: {  	_ =	shalt  }
0x42: {  	_ =	shalt  }
0x43: {  	_ =	shalt  }
0x44: {  	_ =	shalt  }
0x45: {  	_ =	shalt  }
0x46: {  	_ =	shalt  }
0x47: {  	_ =	shalt  }
0x48: {  	_ =	shalt  }
0x49: {  	_ =	shalt  }
0x4a: {  	_ =	shalt  }
0x4b: {  	_ =	shalt  }
0x4c: {  	_ =	shalt  }
0x4d: {  	_ =	shalt  }
0x4e: {  	_ =	shalt  }
0x4f: {  	_ =	shalt  }
0x50: {  	_ =	shalt  }
0x51: {  	_ =	shalt  }
0x52: {  	_ =	shalt  }
0x53: {  	_ =	shalt  }
0x54: {  	_ =	shalt  }
0x55: {  	_ =	shalt  }
0x56: {  	_ =	shalt  }
0x57: {  	_ =	shalt  }
0x58: {  	_ =	shalt  }
0x59: {  	_ =	shalt  }
0x5a: {  	_ =	shalt  }
0x5b: {  	_ =	shalt  }
0x5c: {  	_ =	shalt  }
0x5d: {  	_ =	shalt  }
0x5e: {  	_ =	shalt  }
0x5f: {  	_ =	shalt  }
0x60: {  	_ =	shalt  }
0x61: {  	_ =	shalt  }
0x62: {  	_ =	shalt  }
0x63: {  	_ =	shalt  }
0x64: {  	_ =	shalt  }
0x65: {  	_ =	shalt  }
0x66: {  	_ =	shalt  }
0x67: {  	_ =	shalt  }
0x68: {  	_ =	shalt  }
0x69: {  	_ =	shalt  }
0x6a: {  	_ =	shalt  }
0x6b: {  	_ =	shalt  }
0x6c: {  	_ =	shalt  }
0x6d: {  	_ =	shalt  }
0x6e: {  	_ =	shalt  }
0x6f: {  	_ =	shalt  }
0x70: {  	_ =	shalt  }
0x71: {  	_ =	shalt  }
0x72: {  	_ =	shalt  }
0x73: {  	_ =	shalt  }
0x74: {  	_ =	shalt  }
0x75: {  	_ =	shalt  }
0x76: {  	_ =	shalt  }
0x77: {  	_ =	shalt  }
0x78: {  	_ =	shalt  }
0x79: {  	_ =	shalt  }
0x7a: {  	_ =	shalt  }
0x7b: {  	_ =	shalt  }
0x7c: {  	_ =	shalt  }
0x7d: {  	_ =	shalt  }
0x7e: {  	_ =	shalt  }
0x7f: {  	_ =	shalt  }
0x80: {  	_ =	shalt  }
0x81: {  	_ =	shalt  }
0x82: {  	_ =	shalt  }
0x83: {  	_ =	shalt  }
0x84: {  	_ =	shalt  }
0x85: {  	_ =	shalt  }
0x86: {  	_ =	shalt  }
0x87: {  	_ =	shalt  }
.Lfunc_end0:
.L_simem_size_0:
called_computation.1_lowered:
.L_overlay_start_0:
0x88: {  	s2 =	sld [smem:$0x3FD9]  }
0x89: {  	s3 =	sld [smem:$0x3FFE];
	_ =	sdelay $0x1  }
0x8a: {  	s1 =	srdreg.scid  }
0x8b: {  	s0 =	sand.u32 $0x1, s1  }
0x8c: {  	s17 =	sshll.u32 s0, $0xA;
	s2 =	sadd.s32 s3, s2  }
0x8d: {  	s2 =	sadd.s32 s2, s17  }
0x8e: {  	[smem:$0x3FB8] =	sst s2  }
0x8f: {  	_ = 	snop  }
0x90: {  	(tm) =	ssettm $0x1  }
0x91: {  	s18 =	sld [smem:$0x3FFB];
	_ =	sdelay $0x3  }
0x92: {  	_ =	strace s18  }
0x93: {  	s2 =	sld [smem:$0x3FFC];
	_ =	sdelay $0x3  }
0x94: {  	_ =	strace s2  }
0x95: {  	s2 =	sld [smem:$0x3FFD];
	_ =	sdelay $0x3  }
0x96: {  	_ =	strace s2  }
0x97: {  	_ =	strace $0x8FFFFFFF  }
0x98: {  	s19 =	sld [smem:$0x3FDB];
	_ =	sdelay $0x1  }
0x99: {  	s20 =	simm.s32 $_scs_section_size  }
0x9a: {  	s4 =	simm.s32 $_size__tile_overlayer_lowered;
	s5 =	simm.s32 $_tile_overlayer_lowered  }
0x9b: {  	s6 =	simm.s32 $0x1BFF;
	s21 =	sshll.u32 s5, $0x1;
	s3 =	sadd.s32 s20, s19  }
0x9c: {  	s22 =	simm.s32 $0x0;
	s4 =	sshll.u32 s4, $0x1;
	s5 =	sadd.s32 s21, s3  }
0x9d: {  	[timem:s22], [sflag:s6] =	dma.local [hbm:s5], s4  }
0x9e: {  	_ =	swait.ge [sflag:s6], s4  }
0x9f: {  	s4 =	ssub.s32 $0x0, s4;
	[sflag:s6] =	ssyncset.done $0x0  }
0xa0: {  	[sflag:s6] =	ssyncadd.s32 s4;
	_ =	sdelay $0x1  }
0xa1: {  	s23 =	simm.s32 $0x1B8B  }
0xa2: {  	_ =	swait.ge [sflag:s23], $0x1  }
0xa3: {  	[sflag:s23] =	ssyncset.done $0x0  }
0xa4: {  	[sflag:s23] =	ssyncadd.s32 $0xFFFFFFFF  }
0xa5: {  	s4 =	sld [smem:$0x0]  }
0xa6: {  	s5 =	sand.u32 $0xFFFFFFFE, s1  }
0xa7: {  	p0 =	sne.s32 s1, s5  }
0xa8: {  	s5 =	sshll.u32 @p0 s5, $0xE  }
0xa9: {  	s5 =	sadd.s32 @p0 $0x11B8D, s5;
	s6 =	sshll.u32 @p0 s4, $0x11  }
0xaa: {  	s5 =	sor.u32 @p0 s6, s5  }
0xab: {  	[sflag:s5] =	ssyncadd.remote.s32 @p0 $0x1;
	_ =	sdelay $0x1  }
0xac: {  	s5 =	simm.s32 @p0 $0x1B8D  }
0xad: {  	_ =	swait.eq @p0 [sflag:s5], $0x1  }
0xae: {  	[sflag:s5] =	ssyncadd.s32 @p0 $0xFFFFFFFF  }
0xaf: {  	s6 =	sshll.u32 @!p0 s1, $0xE  }
0xb0: {  	s6 =	sor.u32 @!p0 $0x4000, s6;
	s5 =	simm.s32 @!p0 $0x1B8D  }
0xb1: {  	s4 =	sshll.u32 @!p0 s4, $0x11;
	s6 =	sadd.s32 @!p0 $0x11B8D, s6;
	_ =	swait.eq @!p0 [sflag:s5], $0x1  }
0xb2: {  	s4 =	sor.u32 @!p0 s4, s6;
	[sflag:s5] =	ssyncadd.s32 @!p0 $0xFFFFFFFF  }
0xb3: {  	s25 =	simm.s32 $0x1B8E;
	s24 =	sld [smem:$0x3FFE];
	[sflag:s4] =	ssyncadd.remote.s32 @!p0 $0x1  }
0xb4: {  	s26 =	simm.s32 $execute0_lowered;
	[smem:$0x3FD2] =	sst s25  }
0xb5: {  	s5 =	sshll.u32 s26, $0x1;
	_ =	strace $0x80000049;
	[dreg:$0x1] =	wrdreg $0xFFFFFFFF  }
0xb6: {  	s28 =	simm.s32 $_size_execute0_lowered;
	s3 =	sadd.s32 s3, s5;
	[dreg:$0x0] =	wrdreg $0x0  }
0xb7: {  	s5 =	sshll.u32 s28, $0x1;
	[dreg:$0x2] =	wrdreg s3  }
0xb8: {  	[dreg:$0x3] =	wrdreg s5  }
0xb9: {  	[dreg:$0x4] =	wrdreg $0xC0  }
0xba: {  	_ =	task [dreg:s22], $0x5FFFF  }
0xbb: {  	[dreg:$0x1] =	wrdreg $0xFFFFFFFF  }
0xbc: {  	[dreg:$0x0] =	wrdreg $0x60  }
0xbd: {  	[dreg:$0x2] =	wrdreg s24  }
0xbe: {  	[dreg:$0x3] =	wrdreg $0xA  }
0xbf: {  	_ =	task.clear_ibuf [dreg:s22], $0x4FFFF;
	_ =	strace $0x90000049  }
0xc0: {  	s29 =	simm.s32 $0xA;
	_ =	strace $0x8000004B  }
0xc1: {  	_ =	swait.ge [sflag:s29], $0x1  }
0xc2: {  	[sflag:s29] =	ssyncadd.s32 $0xFFFFFFFF  }
0xc3: {  	_ =	strace $0x9000004B  }
0xc4: {  	_ =	sfence  }
0xc5: {  	s30 =	sld [smem:$0x0];
	_ =	sdelay $0x2  }
0xc6: {  	s31 =	sshll.u32 s1, $0xD;
	s1 =	sshrl.u32 s1, $0x2  }
0xc7: {  	s4 =	sand.u32 $0x4000, s31;
	s1 =	sadd.s32 s1, s30  }
0xc8: {  	s0 =	sor.u32 s4, s0;
	s1 =	sshll.u32 s1, $0x11  }
0xc9: {  	s0 =	sor.u32 s1, s0  }
0xca: {  	s0 =	sadd.s32 $0x8F2B, s0  }
0xcb: {  	[sflag:s0] =	ssyncadd.remote.s32 $0x1  }
0xcc: {  	_ =	sfence.sel $0xFFFF  }
0xcd: {  	[dreg:$0x0] =	wrdreg $0xFFFFFFFF;
	(pc) =	sbr.abs _section_cstart, $3  }
0xce: {  	[dreg:$0x1] =	wrdreg $0xFFFFFFFF  }
0xcf: {  	_ =	task.clear_ibuf [dreg:s22], $0x2FFFF;
	_ =	strace $0x9FFFFFFF  }
0xd0: {  	(tm) =	ssettm $0x7FFFFFFF  }
0xd1: {  	_ =	shalt  }
tec
execute0_lowered:
.L_overlay_start_1:
0x0: {  	(tag) =	ssettag $0x1  }
0x1: {  	s0 =	rddreg [dreg:$0x0];
	s1 =	simm.s32 $0x0;
	s2 =	srdreg.scid  }
0x2: {  	s6 =	stileid.u32;
	s18 =	simm.s32 $0x80;
	s19 =	simm.s32 $0x6100  }
0x3: {  	s20 =	simm.s32 $0x6180;
	s21 =	simm.s32 $0x1;
	s22 =	simm.s32 $0x40  }
0x4: {  	s28 =	simm.s32 $0x4;
	s31 =	simm.s32 $0x2;
	s10 =	simm.s32 $0x5  }
0x5: {  	s16 =	simm.s32 $0x8;
	s11 =	simm.s32 $0x0;
	[smem:$0x7FF] =	sst s1  }
0x6: {  	s2 =	sand.u32 $0x1, s2;
	s3 =	sadd.s32 $0xD5BE00, s0;
	s4 =	sadd.s32 $0xE37C00, s0  }
0x7: {  	_ =	strace $0x8000004A;
	s5 =	sshll.u32 s2, $0x4;
	s2 =	ssub.s32 $0x2, s2  }
0x8: {  	s7 =	sor.u32 s6, s5;
	s5 =	sadd.s32 $0xE1F400, s0;
	s8 =	sshrl.u32 s2, $0x1  }
0x9: {  	s6 =	sadd.s32 $0x24A0800, s0;
	s9 =	smul.u32 $0xC38, s7;
	s23 =	ssub.s32 s2, s8  }
0xa: {  	s7 =	smul.u32 $0x187, s7;
	s0 =	smax.u32 s23, $0x1;
	s23 =	simm.s32 $0x100  }
0xb: {  	s24 =	sadd.s32 s4, s9;
	s25 =	sadd.s32 s5, s9;
	s26 =	sadd.s32 $0x8, s9  }
0xc: {  	s30 =	smin.u32 s7, $0x2F4D;
	s12 =	sadd.s32 $0x2, s7;
	[dreg:$0x7] =	wrdreg s0  }
0xd: {  	s13 =	sadd.s32 $0x3, s7;
	s14 =	sadd.s32 $0x1, s7;
	[dreg:$0x2] =	wrdreg s24  }
0xe: {  	s15 =	sadd.s32 $0x4, s7;
	[dreg:$0x3] =	wrdreg s25;
	s2 =	sadd.s32 s5, s26  }
0xf: {  	s0 =	simm.s32 $0x4100;
	[dreg:$0x5] =	wrdreg s2;
	s2 =	sshll.u32 s30, $0xA  }
0x10: {  	s29 =	sadd.s32 s4, s26;
	s24 =	simm.s32 $0x2100;
	s2 =	sadd.s32 s2, s6  }
0x11: {  	s25 =	simm.s32 $0xC200;
	[dreg:$0x4] =	wrdreg s29;
	s2 =	sadd.s32 $0x61800, s2  }
0x12: {  	v0 =	vimm.f32 $0.0e+00;
	s26 =	simm.s32 $0xC280;
	[dreg:$0x6] =	wrdreg s2;
	s2 =	simm.s32 $0x7  }
.LBB2_1:
0x13: {  	s8 =	simm.s32 $0x0;
	s9 =	simm.s32 $0x200  }
.LBB2_2:
0x14: {  	p0 =	sne.s32 s9, $0x7E00;
	[tilespmem:s8+$0x10370] =	vst v0  }
0x15: {  	[tilespmem:s8+$0x4140] =	vst v0  }
0x16: {  	[tilespmem:s8+$0x4150] =	vst v0  }
0x17: {  	[tilespmem:s8+$0x4160] =	vst v0  }
0x18: {  	[tilespmem:s8+$0x4170] =	vst v0  }
0x19: {  	[tilespmem:s8+$0xA240] =	vst v0  }
0x1a: {  	[tilespmem:s8+$0xA250] =	vst v0  }
.Ltmp0:
0x1b: {  	[tilespmem:s8+$0xA260] =	vst v0;
	(pc) =	sbr.rel @p0 .LBB2_2-.Ltmp0, $4  }
0x1c: {  	[tilespmem:s8+$0xA270] =	vst v0  }
0x1d: {  	[tilespmem:s8+$0x10340] =	vst v0  }
0x1e: {  	[tilespmem:s8+$0x10350] =	vst v0  }
0x1f: {  	[tilespmem:s8+$0x10360] =	vst v0;
	s8 =	sshra.s32 s9, $0x2;
	s9 =	sadd.s32 $0x200, s9  }
0x20: {  	[tilespmem:s8+$0x10370] =	vst v0  }
0x21: {  	[tilespmem:s8+$0x4140] =	vst v0  }
0x22: {  	[tilespmem:s8+$0x4150] =	vst v0  }
0x23: {  	[tilespmem:s8+$0x4160] =	vst v0  }
0x24: {  	[tilespmem:s8+$0x4170] =	vst v0  }
0x25: {  	[tilespmem:s8+$0xA240] =	vst v0  }
0x26: {  	[tilespmem:s8+$0xA250] =	vst v0  }
0x27: {  	[tilespmem:s8+$0xA260] =	vst v0  }
0x28: {  	[tilespmem:s8+$0xA270] =	vst v0  }
0x29: {  	[tilespmem:s8+$0x10340] =	vst v0  }
0x2a: {  	[dreg:$0x8] =	wrdreg s11;
	[tilespmem:s8+$0x10350] =	vst v0  }
0x2b: {  	[tilespmem:s8+$0x10360] =	vst v0;
	s29 =	simm.s32 $0x0;
	s9 =	rddreg [dreg:$0x2]  }
0x2c: {  	[tilespmem:s29], [sflag:$0x1] =	stream.linear.gather [hbm4b:s9+s29], $0x40, $0x38;
	[tilespmem:$0x12300] =	vst v63  }
0x2d: {  	s11 =	rddreg [dreg:$0x3]  }
0x2e: {  	[tilespmem:s18], [sflag:$0x1] =	stream.linear.gather [hbm4b:s11+s29], $0x40, $0x38;
	[tilespmem:$0x12300] =	vst v63  }
0x2f: {  	s17 =	rddreg [dreg:$0x4]  }
0x30: {  	[tilespmem:s19], [sflag:$0x4] =	stream.linear.gather [hbm4b:s17+s29], $0x40, $0x38;
	[tilespmem:$0x12300] =	vst v63  }
0x31: {  	s30 =	rddreg [dreg:$0x5]  }
0x32: {  	[tilespmem:s20], [sflag:$0x4] =	stream.linear.gather [hbm4b:s30+s29], $0x40, $0x38;
	[tilespmem:$0x12300] =	vst v63  }
0x33: {  	_ =	swait.ge [sflag:s21], $0x40  }
0x34: {  	[sflag:s21] =	ssyncset.done $0x0  }
0x35: {  	[sflag:s21] =	ssyncadd.s32 $0xFFFFFFC0  }
0x36: {  	_ =	swait.ge [sflag:s21], $0x40  }
0x37: {  	[sflag:s21] =	ssyncset.done $0x0  }
0x38: {  	[sflag:s21] =	ssyncadd.s32 $0xFFFFFFC0  }
0x39: {  	[tilespmem:s23], [sflag:$0x2] =	stream.indirect.gather [hbm4b:s3+s22], $0x80, s29, s22, $0xb8;
	[tilespmem:$0x12300] =	vst v63  }
0x3a: {  	_ = 	snop  }
0x3b: {  	[tilespmem:s24], [sflag:$0x2] =	stream.indirect.gather [hbm4b:s3+s22], $0x80, s18, s22, $0xb8;
	[tilespmem:$0x12300] =	vst v63  }
.LBB2_4:
0x3c: {  	s8 =	smul.u32 $0x3, s29;
	_ =	sdelay $0x1  }
0x3d: {  	s30 =	sadd.s32 s8, s12  }
0x3e: {  	p0 =	slt.s32 s30, $0x30D3  }
0x3f: {  	s30 =	simm.s32 @!p0 $0x30D3  }
0x40: {  	s9 =	sshll.u32 s30, $0x3  }
0x41: {  	s11 =	sadd.s32 s4, s9  }
0x42: {  	[tilespmem:s25], [sflag:$0x7] =	stream.linear.gather [hbm4b:s11+s1], $0x40, $0x38;
	[tilespmem:$0x12300] =	vst v63  }
0x43: {  	s9 =	sadd.s32 s5, s9  }
0x44: {  	[tilespmem:s26], [sflag:$0x7] =	stream.linear.gather [hbm4b:s9+s1], $0x40, $0x38;
	[tilespmem:$0x12300] =	vst v63  }
0x45: {  	_ =	swait.ge [sflag:s28], $0x40  }
0x46: {  	[sflag:s28] =	ssyncset.done $0x0  }
0x47: {  	[sflag:s28] =	ssyncadd.s32 $0xFFFFFFC0  }
0x48: {  	_ =	swait.ge [sflag:s28], $0x40  }
0x49: {  	[sflag:s28] =	ssyncset.done $0x0  }
0x4a: {  	s11 =	simm.s32 $0x6200;
	[sflag:s28] =	ssyncadd.s32 $0xFFFFFFC0  }
0x4b: {  	[tilespmem:s11], [sflag:$0x5] =	stream.indirect.gather [hbm4b:s3+s22], $0x80, s19, s22, $0xb8;
	[tilespmem:$0x12300] =	vst v63  }
0x4c: {  	s17 =	simm.s32 $0x8200  }
0x4d: {  	[tilespmem:s17], [sflag:$0x5] =	stream.indirect.gather [hbm4b:s3+s22], $0x80, s20, s22, $0xb8;
	[tilespmem:$0x12300] =	vst v63  }
0x4e: {  	_ =	swait.ge [sflag:s31], $0x2000  }
0x4f: {  	[sflag:s31] =	ssyncset.done $0x0  }
0x50: {  	[sflag:s31] =	ssyncadd.s32 $0xFFFFE000  }
0x51: {  	_ =	swait.ge [sflag:s31], $0x2000  }
0x52: {  	p0 =	seq.s32 s29, $0x0;
	[sflag:s31] =	ssyncset.done $0x0  }
0x53: {  	s9 =	simm.s32 @!p0 $0x3;
	[sflag:s31] =	ssyncadd.s32 $0xFFFFE000  }
0x54: {  	_ =	swait.ge @!p0 [sflag:s9], $0x2000  }
0x55: {  	[sflag:s9] =	ssyncset.done @!p0 $0x0  }
0x56: {  	[sflag:s9] =	ssyncadd.s32 @!p0 $0xFFFFE000;
	s9 =	simm.s32 $0x0  }
0x57: {  	v1 =	vld [tilespmem:s9+$0x130]  }
0x58: {  	v2 =	vld [tilespmem:s9+$0x170]  }
0x59: {  	v3 =	vld [tilespmem:s9+$0x2130]  }
0x5a: {  	v4 =	vld [tilespmem:s9+$0x2170]  }
0x5b: {  	v5 =	vld [tilespmem:s9+$0x100]  }
0x5c: {  	v6 =	vld [tilespmem:s9+$0x140]  }
0x5d: {  	v7 =	vld [tilespmem:s9+$0x2100]  }
0x5e: {  	v8 =	vld [tilespmem:s9+$0x2140]  }
0x5f: {  	v9 =	vld [tilespmem:s9+$0x110]  }
0x60: {  	v10 =	vld [tilespmem:s9+$0x2110];
	v1 =	vadd.f32 v4, v1;
	v2 =	vadd.f32 v3, v2  }
0x61: {  	v11 =	vld [tilespmem:s9+$0x2150]  }
0x62: {  	v3 =	vld [tilespmem:s9+$0x150];
	v7 =	vadd.f32 v7, v6;
	v1 =	vmax.f32 v1, $0.0e+00;
	v2 =	vmax.f32 v2, $0.0e+00  }
0x63: {  	v4 =	vld [tilespmem:s9+$0x160];
	v5 =	vadd.f32 v8, v5;
	v2 =	vadd.f32 v1, v2  }
0x64: {  	v6 =	vld [tilespmem:s9+$0x2120]  }
0x65: {  	v5 =	vmax.f32 v5, $0.0e+00;
	v1 =	vld [tilespmem:s9+$0x120];
	[tilespmem:s9+$0x4130] =	vst v2;
	v2 =	vmax.f32 v7, $0.0e+00  }
0x66: {  	s11 =	simm.s32 $0x80;
	v7 =	vld [tilespmem:s9+$0x2160];
	v5 =	vadd.f32 v5, v2  }
0x67: {  	v9 =	vadd.f32 v11, v9;
	v8 =	vadd.f32 v10, v3;
	v2 =	vld [tilespmem:s11+$0x130]  }
0x68: {  	v3 =	vld [tilespmem:s11+$0x170];
	[tilespmem:s9+$0x4100] =	vst v5  }
0x69: {  	s17 =	simm.s32 $0x400;
	v9 =	vmax.f32 v9, $0.0e+00;
	v8 =	vmax.f32 v8, $0.0e+00;
	v5 =	vld [tilespmem:s11+$0x2130]  }
.LBB2_5:
0x6a: {  	p1 =	sne.s32 s17, $0x7E00;
	v10 =	vld [tilespmem:s11+$0x2170];
	v8 =	vadd.f32 v9, v8;
	v4 =	vadd.f32 v6, v4  }
0x6b: {  	v6 =	vld [tilespmem:s11+$0x100];
	v1 =	vadd.f32 v7, v1  }
0x6c: {  	v7 =	vld [tilespmem:s11+$0x140];
	[tilespmem:s9+$0x4110] =	vst v8;
	v4 =	vmax.f32 v4, $0.0e+00  }
0x6d: {  	v8 =	vld [tilespmem:s11+$0x2100];
	v1 =	vmax.f32 v1, $0.0e+00  }
0x6e: {  	v9 =	vld [tilespmem:s11+$0x2140];
	v1 =	vadd.f32 v1, v4  }
0x6f: {  	v3 =	vadd.f32 v5, v3;
	v11 =	vld [tilespmem:s11+$0x110];
	v2 =	vadd.f32 v10, v2  }
0x70: {  	v5 =	vld [tilespmem:s11+$0x150];
	[tilespmem:s9+$0x4120] =	vst v1;
	s9 =	smov.u32 s11  }
0x71: {  	v10 =	vld [tilespmem:s9+$0x2110];
	v1 =	vmax.f32 v2, $0.0e+00;
	v2 =	vmax.f32 v3, $0.0e+00  }
0x72: {  	v3 =	vadd.f32 v8, v7;
	v8 =	vld [tilespmem:s9+$0x2150];
	v2 =	vadd.f32 v1, v2  }
0x73: {  	v6 =	vadd.f32 v9, v6;
	v1 =	vld [tilespmem:s9+$0x120]  }
0x74: {  	v3 =	vmax.f32 v3, $0.0e+00;
	v4 =	vld [tilespmem:s9+$0x160];
	[tilespmem:s9+$0x4130] =	vst v2  }
.Ltmp1:
0x75: {  	v2 =	vmax.f32 v6, $0.0e+00;
	v6 =	vld [tilespmem:s9+$0x2120];
	(pc) =	sbr.rel @p1 .LBB2_5-.Ltmp1, $4  }
0x76: {  	s11 =	sshra.s32 s17, $0x2;
	v9 =	vadd.f32 v2, v3;
	v5 =	vadd.f32 v10, v5;
	v7 =	vld [tilespmem:s9+$0x2160]  }
0x77: {  	v2 =	vld [tilespmem:s11+$0x130];
	v10 =	vadd.f32 v8, v11  }
0x78: {  	v3 =	vld [tilespmem:s11+$0x170];
	[tilespmem:s9+$0x4100] =	vst v9;
	v8 =	vmax.f32 v5, $0.0e+00  }
0x79: {  	s17 =	sadd.s32 $0x200, s17;
	v5 =	vld [tilespmem:s11+$0x2130];
	v9 =	vmax.f32 v10, $0.0e+00  }
0x7a: {  	v10 =	vld [tilespmem:s11+$0x2170];
	v8 =	vadd.f32 v9, v8  }
0x7b: {  	v9 =	vld [tilespmem:s11+$0x100];
	v4 =	vadd.f32 v6, v4;
	v1 =	vadd.f32 v7, v1  }
0x7c: {  	v11 =	vld [tilespmem:s11+$0x140];
	[tilespmem:s9+$0x4110] =	vst v8  }
0x7d: {  	v4 =	vmax.f32 v4, $0.0e+00;
	v6 =	vld [tilespmem:s11+$0x2100];
	v1 =	vmax.f32 v1, $0.0e+00  }
0x7e: {  	v7 =	vld [tilespmem:s11+$0x2140];
	v1 =	vadd.f32 v1, v4  }
0x7f: {  	v8 =	vld [tilespmem:s11+$0x150]  }
0x80: {  	v4 =	vld [tilespmem:s11+$0x110];
	[tilespmem:s9+$0x4120] =	vst v1  }
0x81: {  	v3 =	vadd.f32 v5, v3;
	v2 =	vadd.f32 v10, v2;
	v1 =	vld [tilespmem:s11+$0x2110]  }
0x82: {  	v5 =	vld [tilespmem:s11+$0x2150]  }
0x83: {  	v3 =	vmax.f32 v3, $0.0e+00;
	v2 =	vmax.f32 v2, $0.0e+00;
	v10 =	vld [tilespmem:s11+$0x160]  }
0x84: {  	v12 =	vld [tilespmem:s11+$0x2160];
	v2 =	vadd.f32 v2, v3  }
0x85: {  	v3 =	vld [tilespmem:s11+$0x120]  }
0x86: {  	[tilespmem:s11+$0x4130] =	vst v2;
	v2 =	vld [tilespmem:s11+$0x2120];
	_ =	sdelay $0x1  }
0x87: {  	v6 =	vadd.f32 v6, v11  }
0x88: {  	v7 =	vadd.f32 v7, v9  }
0x89: {  	v6 =	vmax.f32 v6, $0.0e+00;
	v1 =	vadd.f32 v1, v8;
	v4 =	vadd.f32 v5, v4  }
0x8a: {  	v5 =	vmax.f32 v7, $0.0e+00;
	v3 =	vadd.f32 v12, v3;
	v2 =	vadd.f32 v2, v10  }
0x8b: {  	s9 =	sadd.s32 s7, s8;
	v5 =	vadd.f32 v5, v6;
	v1 =	vmax.f32 v1, $0.0e+00;
	v4 =	vmax.f32 v4, $0.0e+00  }
0x8c: {  	p1 =	slt.s32 s9, $0x30D3;
	v1 =	vadd.f32 v4, v1;
	v3 =	vmax.f32 v3, $0.0e+00;
	v2 =	vmax.f32 v2, $0.0e+00  }
0x8d: {  	s9 =	simm.s32 @!p1 $0x30D3;
	[tilespmem:s11+$0x4100] =	vst v5;
	v2 =	vadd.f32 v3, v2  }
0x8e: {  	s9 =	sshll.u32 s9, $0xA;
	[tilespmem:s11+$0x4110] =	vst v1  }
0x8f: {  	s9 =	sadd.s32 s6, s9;
	[tilespmem:s11+$0x4120] =	vst v2  }
0x90: {  	[hbm4b:s9+s1] =	stream.linear.scatter [tilespmem:s0], [sflag:$0x3], $0x2000, $0x38;
	[tilespmem:$0x12300] =	vst v63  }
0x91: {  	s9 =	sadd.s32 s8, s13  }
0x92: {  	p1 =	slt.s32 s9, $0x30D3  }
0x93: {  	s9 =	simm.s32 @!p1 $0x30D3  }
0x94: {  	s9 =	sshll.u32 s9, $0x3  }
0x95: {  	s17 =	sadd.s32 s4, s9  }
0x96: {  	[tilespmem:s1], [sflag:$0x1] =	stream.linear.gather [hbm4b:s17+s1], $0x40, $0x38;
	[tilespmem:$0x12300] =	vst v63  }
0x97: {  	s9 =	sadd.s32 s5, s9  }
0x98: {  	[tilespmem:s18], [sflag:$0x1] =	stream.linear.gather [hbm4b:s9+s1], $0x40, $0x38;
	[tilespmem:$0x12300] =	vst v63  }
0x99: {  	_ =	swait.ge [sflag:s2], $0x40  }
0x9a: {  	[sflag:s2] =	ssyncset.done $0x0  }
0x9b: {  	[sflag:s2] =	ssyncadd.s32 $0xFFFFFFC0  }
0x9c: {  	_ =	swait.ge [sflag:s2], $0x40  }
0x9d: {  	[sflag:s2] =	ssyncset.done $0x0  }
0x9e: {  	s11 =	simm.s32 $0xC300;
	[sflag:s2] =	ssyncadd.s32 $0xFFFFFFC0  }
0x9f: {  	[tilespmem:s11], [sflag:$0x8] =	stream.indirect.gather [hbm4b:s3+s22], $0x80, s25, s22, $0xb8;
	[tilespmem:$0x12300] =	vst v63  }
0xa0: {  	s17 =	simm.s32 $0xE300  }
0xa1: {  	[tilespmem:s17], [sflag:$0x8] =	stream.indirect.gather [hbm4b:s3+s22], $0x80, s26, s22, $0xb8;
	[tilespmem:$0x12300] =	vst v63  }
0xa2: {  	_ =	swait.ge [sflag:s10], $0x2000  }
0xa3: {  	[sflag:s10] =	ssyncset.done $0x0  }
0xa4: {  	[sflag:s10] =	ssyncadd.s32 $0xFFFFE000  }
0xa5: {  	_ =	swait.ge [sflag:s10], $0x2000  }
0xa6: {  	[sflag:s10] =	ssyncset.done $0x0  }
0xa7: {  	s9 =	simm.s32 @!p0 $0x6;
	[sflag:s10] =	ssyncadd.s32 $0xFFFFE000  }
0xa8: {  	_ =	swait.ge @!p0 [sflag:s9], $0x2000  }
0xa9: {  	[sflag:s9] =	ssyncset.done @!p0 $0x0  }
0xaa: {  	[sflag:s9] =	ssyncadd.s32 @!p0 $0xFFFFE000;
	s9 =	simm.s32 $0x0  }
0xab: {  	v1 =	vld [tilespmem:s9+$0x6230]  }
0xac: {  	v2 =	vld [tilespmem:s9+$0x6270]  }
0xad: {  	v3 =	vld [tilespmem:s9+$0x8230]  }
0xae: {  	v4 =	vld [tilespmem:s9+$0x8270]  }
0xaf: {  	v5 =	vld [tilespmem:s9+$0x6200]  }
0xb0: {  	v6 =	vld [tilespmem:s9+$0x6240]  }
0xb1: {  	v7 =	vld [tilespmem:s9+$0x8200]  }
0xb2: {  	v8 =	vld [tilespmem:s9+$0x8240]  }
0xb3: {  	v9 =	vld [tilespmem:s9+$0x6210]  }
0xb4: {  	v10 =	vld [tilespmem:s9+$0x8210];
	v1 =	vadd.f32 v4, v1;
	v2 =	vadd.f32 v3, v2  }
0xb5: {  	v11 =	vld [tilespmem:s9+$0x8250]  }
0xb6: {  	v3 =	vld [tilespmem:s9+$0x6250];
	v7 =	vadd.f32 v7, v6;
	v1 =	vmax.f32 v1, $0.0e+00;
	v2 =	vmax.f32 v2, $0.0e+00  }
0xb7: {  	v4 =	vld [tilespmem:s9+$0x6260];
	v5 =	vadd.f32 v8, v5;
	v2 =	vadd.f32 v1, v2  }
0xb8: {  	v6 =	vld [tilespmem:s9+$0x8220]  }
0xb9: {  	v5 =	vmax.f32 v5, $0.0e+00;
	v1 =	vld [tilespmem:s9+$0x6220];
	[tilespmem:s9+$0xA230] =	vst v2;
	v2 =	vmax.f32 v7, $0.0e+00  }
0xba: {  	s11 =	simm.s32 $0x80;
	v7 =	vld [tilespmem:s9+$0x8260];
	v5 =	vadd.f32 v5, v2  }
0xbb: {  	v9 =	vadd.f32 v11, v9;
	v8 =	vadd.f32 v10, v3;
	v2 =	vld [tilespmem:s11+$0x6230]  }
0xbc: {  	v3 =	vld [tilespmem:s11+$0x6270];
	[tilespmem:s9+$0xA200] =	vst v5  }
0xbd: {  	s17 =	simm.s32 $0x400;
	v9 =	vmax.f32 v9, $0.0e+00;
	v8 =	vmax.f32 v8, $0.0e+00;
	v5 =	vld [tilespmem:s11+$0x8230]  }
.LBB2_7:
0xbe: {  	p1 =	sne.s32 s17, $0x7E00;
	v10 =	vld [tilespmem:s11+$0x8270];
	v8 =	vadd.f32 v9, v8;
	v4 =	vadd.f32 v6, v4  }
0xbf: {  	v6 =	vld [tilespmem:s11+$0x6200];
	v1 =	vadd.f32 v7, v1  }
0xc0: {  	v7 =	vld [tilespmem:s11+$0x6240];
	[tilespmem:s9+$0xA210] =	vst v8;
	v4 =	vmax.f32 v4, $0.0e+00  }
0xc1: {  	v8 =	vld [tilespmem:s11+$0x8200];
	v1 =	vmax.f32 v1, $0.0e+00  }
0xc2: {  	v9 =	vld [tilespmem:s11+$0x8240];
	v1 =	vadd.f32 v1, v4  }
0xc3: {  	v3 =	vadd.f32 v5, v3;
	v11 =	vld [tilespmem:s11+$0x6210];
	v2 =	vadd.f32 v10, v2  }
0xc4: {  	v5 =	vld [tilespmem:s11+$0x6250];
	[tilespmem:s9+$0xA220] =	vst v1;
	s9 =	smov.u32 s11  }
0xc5: {  	v10 =	vld [tilespmem:s9+$0x8210];
	v1 =	vmax.f32 v2, $0.0e+00;
	v2 =	vmax.f32 v3, $0.0e+00  }
0xc6: {  	v3 =	vadd.f32 v8, v7;
	v8 =	vld [tilespmem:s9+$0x8250];
	v2 =	vadd.f32 v1, v2  }
0xc7: {  	v6 =	vadd.f32 v9, v6;
	v1 =	vld [tilespmem:s9+$0x6220]  }
0xc8: {  	v3 =	vmax.f32 v3, $0.0e+00;
	v4 =	vld [tilespmem:s9+$0x6260];
	[tilespmem:s9+$0xA230] =	vst v2  }
.Ltmp2:
0xc9: {  	v2 =	vmax.f32 v6, $0.0e+00;
	v6 =	vld [tilespmem:s9+$0x8220];
	(pc) =	sbr.rel @p1 .LBB2_7-.Ltmp2, $4  }
0xca: {  	s11 =	sshra.s32 s17, $0x2;
	v9 =	vadd.f32 v2, v3;
	v5 =	vadd.f32 v10, v5;
	v7 =	vld [tilespmem:s9+$0x8260]  }
0xcb: {  	v2 =	vld [tilespmem:s11+$0x6230];
	v10 =	vadd.f32 v8, v11  }
0xcc: {  	v3 =	vld [tilespmem:s11+$0x6270];
	[tilespmem:s9+$0xA200] =	vst v9;
	v8 =	vmax.f32 v5, $0.0e+00  }
0xcd: {  	s17 =	sadd.s32 $0x200, s17;
	v5 =	vld [tilespmem:s11+$0x8230];
	v9 =	vmax.f32 v10, $0.0e+00  }
0xce: {  	v10 =	vld [tilespmem:s11+$0x8270];
	v8 =	vadd.f32 v9, v8  }
0xcf: {  	v9 =	vld [tilespmem:s11+$0x6200];
	v4 =	vadd.f32 v6, v4;
	v1 =	vadd.f32 v7, v1  }
0xd0: {  	v11 =	vld [tilespmem:s11+$0x6240];
	[tilespmem:s9+$0xA210] =	vst v8  }
0xd1: {  	v4 =	vmax.f32 v4, $0.0e+00;
	v6 =	vld [tilespmem:s11+$0x8200];
	v1 =	vmax.f32 v1, $0.0e+00  }
0xd2: {  	v7 =	vld [tilespmem:s11+$0x8240];
	v1 =	vadd.f32 v1, v4  }
0xd3: {  	v8 =	vld [tilespmem:s11+$0x6250]  }
0xd4: {  	v4 =	vld [tilespmem:s11+$0x6210];
	[tilespmem:s9+$0xA220] =	vst v1  }
0xd5: {  	v3 =	vadd.f32 v5, v3;
	v2 =	vadd.f32 v10, v2;
	v1 =	vld [tilespmem:s11+$0x8210]  }
0xd6: {  	v5 =	vld [tilespmem:s11+$0x8250]  }
0xd7: {  	v3 =	vmax.f32 v3, $0.0e+00;
	v2 =	vmax.f32 v2, $0.0e+00;
	v10 =	vld [tilespmem:s11+$0x6260]  }
0xd8: {  	v12 =	vld [tilespmem:s11+$0x8260];
	v2 =	vadd.f32 v2, v3  }
0xd9: {  	v3 =	vld [tilespmem:s11+$0x6220]  }
0xda: {  	[tilespmem:s11+$0xA230] =	vst v2;
	v2 =	vld [tilespmem:s11+$0x8220];
	_ =	sdelay $0x1  }
0xdb: {  	v6 =	vadd.f32 v6, v11  }
0xdc: {  	s9 =	sadd.s32 s8, s14;
	v7 =	vadd.f32 v7, v9  }
0xdd: {  	p1 =	slt.s32 s9, $0x30D3;
	v6 =	vmax.f32 v6, $0.0e+00;
	v1 =	vadd.f32 v1, v8;
	v4 =	vadd.f32 v5, v4  }
0xde: {  	s9 =	simm.s32 @!p1 $0x30D3;
	p1 =	seq.s32 s29, $0x81;
	v5 =	vmax.f32 v7, $0.0e+00;
	v3 =	vadd.f32 v12, v3;
	v2 =	vadd.f32 v2, v10  }
0xdf: {  	s8 =	sadd.s32 @!p1 s8, s15;
	v5 =	vadd.f32 v5, v6;
	v1 =	vmax.f32 v1, $0.0e+00;
	v4 =	vmax.f32 v4, $0.0e+00  }
0xe0: {  	p2 =	slt.s32 @!p1 s8, $0x30D3;
	v1 =	vadd.f32 v4, v1;
	v3 =	vmax.f32 v3, $0.0e+00;
	v2 =	vmax.f32 v2, $0.0e+00  }
0xe1: {  	p2 =	por !p2, p1;
	[tilespmem:s11+$0xA200] =	vst v5;
	v2 =	vadd.f32 v3, v2  }
0xe2: {  	s9 =	sshll.u32 s9, $0xA;
	s8 =	simm.s32 @p2 $0x30D3;
	[tilespmem:s11+$0xA210] =	vst v1  }
0xe3: {  	s17 =	simm.s32 $0xA200;
	s9 =	sadd.s32 s6, s9;
	s8 =	sshll.u32 @!p1 s8, $0x3;
	[tilespmem:s11+$0xA220] =	vst v2  }
0xe4: {  	[hbm4b:s9+s1] =	stream.linear.scatter [tilespmem:s17], [sflag:$0x6], $0x2000, $0x38;
	[tilespmem:$0x12300] =	vst v63  }
0xe5: {  	s11 =	simm.s32 @!p1 $0x0;
	s9 =	sadd.s32 @!p1 s4, s8;
	s17 =	simm.s32 @!p1 $0x6100  }
0xe6: {  	[tilespmem:s17], [sflag:$0x4] =	stream.linear.gather @!p1 [hbm4b:s9+s11], $0x40, $0x38;
	[tilespmem:$0x12300] =	vst v63  }
0xe7: {  	s8 =	sadd.s32 @!p1 s5, s8;
	s9 =	simm.s32 @!p1 $0x6180  }
0xe8: {  	[tilespmem:s9], [sflag:$0x4] =	stream.linear.gather @!p1 [hbm4b:s8+s11], $0x40, $0x38;
	[tilespmem:$0x12300] =	vst v63  }
0xe9: {  	_ =	swait.ge [sflag:s21], $0x40  }
0xea: {  	[sflag:s21] =	ssyncset.done $0x0  }
0xeb: {  	[sflag:s21] =	ssyncadd.s32 $0xFFFFFFC0  }
0xec: {  	_ =	swait.ge [sflag:s21], $0x40  }
0xed: {  	[sflag:s21] =	ssyncset.done $0x0  }
0xee: {  	[sflag:s21] =	ssyncadd.s32 $0xFFFFFFC0  }
0xef: {  	[tilespmem:s23], [sflag:$0x2] =	stream.indirect.gather [hbm4b:s3+s22], $0x80, s1, s22, $0xb8;
	[tilespmem:$0x12300] =	vst v63  }
0xf0: {  	_ = 	snop  }
0xf1: {  	[tilespmem:s24], [sflag:$0x2] =	stream.indirect.gather [hbm4b:s3+s22], $0x80, s18, s22, $0xb8;
	[tilespmem:$0x12300] =	vst v63  }
0xf2: {  	_ =	swait.ge [sflag:s16], $0x2000  }
0xf3: {  	[sflag:s16] =	ssyncset.done $0x0  }
0xf4: {  	[sflag:s16] =	ssyncadd.s32 $0xFFFFE000  }
0xf5: {  	_ =	swait.ge [sflag:s16], $0x2000  }
0xf6: {  	[sflag:s16] =	ssyncset.done $0x0  }
0xf7: {  	s8 =	simm.s32 @!p0 $0x9;
	[sflag:s16] =	ssyncadd.s32 $0xFFFFE000  }
0xf8: {  	_ =	swait.ge @!p0 [sflag:s8], $0x2000  }
0xf9: {  	[sflag:s8] =	ssyncset.done @!p0 $0x0  }
0xfa: {  	[sflag:s8] =	ssyncadd.s32 @!p0 $0xFFFFE000;
	s8 =	simm.s32 $0x0  }
0xfb: {  	v1 =	vld [tilespmem:s8+$0xC330]  }
0xfc: {  	v2 =	vld [tilespmem:s8+$0xC370]  }
0xfd: {  	v3 =	vld [tilespmem:s8+$0xE330]  }
0xfe: {  	v4 =	vld [tilespmem:s8+$0xE370]  }
0xff: {  	v5 =	vld [tilespmem:s8+$0xC300]  }
0x100: {  	v6 =	vld [tilespmem:s8+$0xC340]  }
0x101: {  	v7 =	vld [tilespmem:s8+$0xE300]  }
0x102: {  	v8 =	vld [tilespmem:s8+$0xE340]  }
0x103: {  	v9 =	vld [tilespmem:s8+$0xC310]  }
0x104: {  	v10 =	vld [tilespmem:s8+$0xE310];
	v1 =	vadd.f32 v4, v1;
	v2 =	vadd.f32 v3, v2  }
0x105: {  	v11 =	vld [tilespmem:s8+$0xE350]  }
0x106: {  	v3 =	vld [tilespmem:s8+$0xC350];
	v7 =	vadd.f32 v7, v6;
	v1 =	vmax.f32 v1, $0.0e+00;
	v2 =	vmax.f32 v2, $0.0e+00  }
0x107: {  	v4 =	vld [tilespmem:s8+$0xC360];
	v5 =	vadd.f32 v8, v5;
	v2 =	vadd.f32 v1, v2  }
0x108: {  	v6 =	vld [tilespmem:s8+$0xE320]  }
0x109: {  	v5 =	vmax.f32 v5, $0.0e+00;
	v1 =	vld [tilespmem:s8+$0xC320];
	[tilespmem:s8+$0x10330] =	vst v2;
	v2 =	vmax.f32 v7, $0.0e+00  }
0x10a: {  	s9 =	simm.s32 $0x80;
	v7 =	vld [tilespmem:s8+$0xE360];
	v5 =	vadd.f32 v5, v2  }
0x10b: {  	v9 =	vadd.f32 v11, v9;
	v8 =	vadd.f32 v10, v3;
	v2 =	vld [tilespmem:s9+$0xC330]  }
0x10c: {  	v3 =	vld [tilespmem:s9+$0xC370];
	[tilespmem:s8+$0x10300] =	vst v5  }
0x10d: {  	s11 =	simm.s32 $0x400;
	v9 =	vmax.f32 v9, $0.0e+00;
	v8 =	vmax.f32 v8, $0.0e+00;
	v5 =	vld [tilespmem:s9+$0xE330]  }
.LBB2_9:
0x10e: {  	p0 =	sne.s32 s11, $0x7E00;
	v10 =	vld [tilespmem:s9+$0xE370];
	v8 =	vadd.f32 v9, v8;
	v4 =	vadd.f32 v6, v4  }
0x10f: {  	v6 =	vld [tilespmem:s9+$0xC300];
	v1 =	vadd.f32 v7, v1  }
0x110: {  	v7 =	vld [tilespmem:s9+$0xC340];
	[tilespmem:s8+$0x10310] =	vst v8;
	v4 =	vmax.f32 v4, $0.0e+00  }
0x111: {  	v8 =	vld [tilespmem:s9+$0xE300];
	v1 =	vmax.f32 v1, $0.0e+00  }
0x112: {  	v9 =	vld [tilespmem:s9+$0xE340];
	v1 =	vadd.f32 v1, v4  }
0x113: {  	v3 =	vadd.f32 v5, v3;
	v11 =	vld [tilespmem:s9+$0xC310];
	v2 =	vadd.f32 v10, v2  }
0x114: {  	v5 =	vld [tilespmem:s9+$0xC350];
	[tilespmem:s8+$0x10320] =	vst v1;
	s8 =	smov.u32 s9  }
0x115: {  	v10 =	vld [tilespmem:s8+$0xE310];
	v1 =	vmax.f32 v2, $0.0e+00;
	v2 =	vmax.f32 v3, $0.0e+00  }
0x116: {  	v3 =	vadd.f32 v8, v7;
	v8 =	vld [tilespmem:s8+$0xE350];
	v2 =	vadd.f32 v1, v2  }
0x117: {  	v6 =	vadd.f32 v9, v6;
	v1 =	vld [tilespmem:s8+$0xC320]  }
0x118: {  	v3 =	vmax.f32 v3, $0.0e+00;
	v4 =	vld [tilespmem:s8+$0xC360];
	[tilespmem:s8+$0x10330] =	vst v2  }
.Ltmp3:
0x119: {  	v2 =	vmax.f32 v6, $0.0e+00;
	v6 =	vld [tilespmem:s8+$0xE320];
	(pc) =	sbr.rel @p0 .LBB2_9-.Ltmp3, $4  }
0x11a: {  	s9 =	sshra.s32 s11, $0x2;
	v9 =	vadd.f32 v2, v3;
	v5 =	vadd.f32 v10, v5;
	v7 =	vld [tilespmem:s8+$0xE360]  }
0x11b: {  	v2 =	vld [tilespmem:s9+$0xC330];
	v10 =	vadd.f32 v8, v11  }
0x11c: {  	v3 =	vld [tilespmem:s9+$0xC370];
	[tilespmem:s8+$0x10300] =	vst v9;
	v8 =	vmax.f32 v5, $0.0e+00  }
0x11d: {  	s11 =	sadd.s32 $0x200, s11;
	v5 =	vld [tilespmem:s9+$0xE330];
	v9 =	vmax.f32 v10, $0.0e+00  }
0x11e: {  	v10 =	vld [tilespmem:s9+$0xE370];
	v8 =	vadd.f32 v9, v8  }
0x11f: {  	v57 =	vld [tilespmem:s9+$0xC300];
	v4 =	vadd.f32 v6, v4;
	v1 =	vadd.f32 v7, v1  }
0x120: {  	v11 =	vld [tilespmem:s9+$0xC340];
	[tilespmem:s8+$0x10310] =	vst v8  }
0x121: {  	v4 =	vmax.f32 v4, $0.0e+00;
	v58 =	vld [tilespmem:s9+$0xE300];
	v1 =	vmax.f32 v1, $0.0e+00  }
0x122: {  	v59 =	vld [tilespmem:s9+$0xE340];
	v1 =	vadd.f32 v1, v4  }
0x123: {  	v60 =	vld [tilespmem:s9+$0xC310]  }
0x124: {  	v8 =	vld [tilespmem:s9+$0xC350];
	[tilespmem:s8+$0x10320] =	vst v1  }
0x125: {  	v3 =	vadd.f32 v5, v3;
	v2 =	vadd.f32 v10, v2;
	v1 =	vld [tilespmem:s9+$0xE310]  }
0x126: {  	v61 =	vld [tilespmem:s9+$0xE350]  }
0x127: {  	v3 =	vmax.f32 v3, $0.0e+00;
	v2 =	vmax.f32 v2, $0.0e+00;
	v62 =	vld [tilespmem:s9+$0xC360]  }
0x128: {  	v12 =	vld [tilespmem:s9+$0xE360];
	v2 =	vadd.f32 v2, v3  }
0x129: {  	v3 =	vld [tilespmem:s9+$0xC320]  }
0x12a: {  	[tilespmem:s9+$0x10330] =	vst v2;
	v2 =	vld [tilespmem:s9+$0xE320];
	_ =	sdelay $0x1  }
0x12b: {  	v6 =	vadd.f32 v58, v11  }
0x12c: {  	v7 =	vadd.f32 v59, v57  }
0x12d: {  	v6 =	vmax.f32 v6, $0.0e+00;
	v1 =	vadd.f32 v1, v8;
	v4 =	vadd.f32 v61, v60  }
0x12e: {  	s29 =	sadd.s32 $0x1, s29;
	v63 =	vmax.f32 v7, $0.0e+00;
	v3 =	vadd.f32 v12, v3;
	v2 =	vadd.f32 v2, v62  }
0x12f: {  	p0 =	sne.s32 s29, $0x82;
	v5 =	vadd.f32 v63, v6;
	v1 =	vmax.f32 v1, $0.0e+00;
	v4 =	vmax.f32 v4, $0.0e+00  }
.Ltmp4:
0x130: {  	v1 =	vadd.f32 v4, v1;
	v3 =	vmax.f32 v3, $0.0e+00;
	v2 =	vmax.f32 v2, $0.0e+00;
	(pc) =	sbr.rel @p0 .LBB2_4-.Ltmp4, $4  }
0x131: {  	[tilespmem:s9+$0x10300] =	vst v5;
	v2 =	vadd.f32 v3, v2  }
0x132: {  	s17 =	sshll.u32 s30, $0xA;
	[tilespmem:s9+$0x10310] =	vst v1  }
0x133: {  	s30 =	simm.s32 $0x10300;
	s8 =	sadd.s32 s6, s17;
	[tilespmem:s9+$0x10320] =	vst v2  }
0x134: {  	[hbm4b:s8+s1] =	stream.linear.scatter [tilespmem:s30], [sflag:$0x9], $0x2000, $0x38;
	[tilespmem:$0x12300] =	vst v63  }
0x135: {  	_ =	swait.ge [sflag:s31], $0x2000  }
0x136: {  	[sflag:s31] =	ssyncset.done $0x0  }
0x137: {  	[sflag:s31] =	ssyncadd.s32 $0xFFFFE000  }
0x138: {  	_ =	swait.ge [sflag:s31], $0x2000  }
0x139: {  	[sflag:s31] =	ssyncset.done $0x0  }
0x13a: {  	s17 =	simm.s32 $0x3;
	[sflag:s31] =	ssyncadd.s32 $0xFFFFE000  }
0x13b: {  	_ =	swait.ge [sflag:s17], $0x2000  }
0x13c: {  	[sflag:s17] =	ssyncset.done $0x0  }
0x13d: {  	s8 =	simm.s32 $0x0;
	[sflag:s17] =	ssyncadd.s32 $0xFFFFE000  }
0x13e: {  	v1 =	vld [tilespmem:s8+$0x130]  }
0x13f: {  	v2 =	vld [tilespmem:s8+$0x170]  }
0x140: {  	v3 =	vld [tilespmem:s8+$0x2130]  }
0x141: {  	v4 =	vld [tilespmem:s8+$0x2170]  }
0x142: {  	v5 =	vld [tilespmem:s8+$0x100]  }
0x143: {  	v6 =	vld [tilespmem:s8+$0x140]  }
0x144: {  	v7 =	vld [tilespmem:s8+$0x2100]  }
0x145: {  	v8 =	vld [tilespmem:s8+$0x2140]  }
0x146: {  	v9 =	vld [tilespmem:s8+$0x110]  }
0x147: {  	v10 =	vld [tilespmem:s8+$0x2110];
	v1 =	vadd.f32 v4, v1;
	v2 =	vadd.f32 v3, v2  }
0x148: {  	v11 =	vld [tilespmem:s8+$0x2150]  }
0x149: {  	v3 =	vld [tilespmem:s8+$0x150];
	v7 =	vadd.f32 v7, v6;
	v1 =	vmax.f32 v1, $0.0e+00;
	v2 =	vmax.f32 v2, $0.0e+00  }
0x14a: {  	v4 =	vld [tilespmem:s8+$0x160];
	v5 =	vadd.f32 v8, v5;
	v2 =	vadd.f32 v1, v2  }
0x14b: {  	v6 =	vld [tilespmem:s8+$0x2120]  }
0x14c: {  	v5 =	vmax.f32 v5, $0.0e+00;
	v1 =	vld [tilespmem:s8+$0x120];
	[tilespmem:s8+$0x4130] =	vst v2;
	v2 =	vmax.f32 v7, $0.0e+00  }
0x14d: {  	s9 =	simm.s32 $0x80;
	v7 =	vld [tilespmem:s8+$0x2160];
	v5 =	vadd.f32 v5, v2  }
0x14e: {  	v9 =	vadd.f32 v11, v9;
	v8 =	vadd.f32 v10, v3;
	v2 =	vld [tilespmem:s9+$0x130]  }
0x14f: {  	v3 =	vld [tilespmem:s9+$0x170];
	[tilespmem:s8+$0x4100] =	vst v5  }
0x150: {  	s11 =	simm.s32 $0x400;
	v9 =	vmax.f32 v9, $0.0e+00;
	v8 =	vmax.f32 v8, $0.0e+00;
	v5 =	vld [tilespmem:s9+$0x2130]  }
.LBB2_12:
0x151: {  	p0 =	sne.s32 s11, $0x7E00;
	v10 =	vld [tilespmem:s9+$0x2170];
	v8 =	vadd.f32 v9, v8;
	v4 =	vadd.f32 v6, v4  }
0x152: {  	v6 =	vld [tilespmem:s9+$0x100];
	v1 =	vadd.f32 v7, v1  }
0x153: {  	v7 =	vld [tilespmem:s9+$0x140];
	[tilespmem:s8+$0x4110] =	vst v8;
	v4 =	vmax.f32 v4, $0.0e+00  }
0x154: {  	v8 =	vld [tilespmem:s9+$0x2100];
	v1 =	vmax.f32 v1, $0.0e+00  }
0x155: {  	v9 =	vld [tilespmem:s9+$0x2140];
	v1 =	vadd.f32 v1, v4  }
0x156: {  	v3 =	vadd.f32 v5, v3;
	v11 =	vld [tilespmem:s9+$0x110];
	v2 =	vadd.f32 v10, v2  }
0x157: {  	v5 =	vld [tilespmem:s9+$0x150];
	[tilespmem:s8+$0x4120] =	vst v1;
	s8 =	smov.u32 s9  }
0x158: {  	v10 =	vld [tilespmem:s8+$0x2110];
	v1 =	vmax.f32 v2, $0.0e+00;
	v2 =	vmax.f32 v3, $0.0e+00  }
0x159: {  	v3 =	vadd.f32 v8, v7;
	v8 =	vld [tilespmem:s8+$0x2150];
	v2 =	vadd.f32 v1, v2  }
0x15a: {  	v6 =	vadd.f32 v9, v6;
	v1 =	vld [tilespmem:s8+$0x120]  }
0x15b: {  	v3 =	vmax.f32 v3, $0.0e+00;
	v4 =	vld [tilespmem:s8+$0x160];
	[tilespmem:s8+$0x4130] =	vst v2  }
.Ltmp5:
0x15c: {  	v2 =	vmax.f32 v6, $0.0e+00;
	v6 =	vld [tilespmem:s8+$0x2120];
	(pc) =	sbr.rel @p0 .LBB2_12-.Ltmp5, $4  }
0x15d: {  	s9 =	sshra.s32 s11, $0x2;
	v9 =	vadd.f32 v2, v3;
	v5 =	vadd.f32 v10, v5;
	v7 =	vld [tilespmem:s8+$0x2160]  }
0x15e: {  	v2 =	vld [tilespmem:s9+$0x130];
	v10 =	vadd.f32 v8, v11  }
0x15f: {  	v3 =	vld [tilespmem:s9+$0x170];
	[tilespmem:s8+$0x4100] =	vst v9;
	v8 =	vmax.f32 v5, $0.0e+00  }
0x160: {  	s11 =	sadd.s32 $0x200, s11;
	v5 =	vld [tilespmem:s9+$0x2130];
	v9 =	vmax.f32 v10, $0.0e+00  }
0x161: {  	v10 =	vld [tilespmem:s9+$0x2170];
	v8 =	vadd.f32 v9, v8  }
0x162: {  	v57 =	vld [tilespmem:s9+$0x100];
	v4 =	vadd.f32 v6, v4;
	v1 =	vadd.f32 v7, v1  }
0x163: {  	v11 =	vld [tilespmem:s9+$0x140];
	[tilespmem:s8+$0x4110] =	vst v8  }
0x164: {  	v4 =	vmax.f32 v4, $0.0e+00;
	v58 =	vld [tilespmem:s9+$0x2100];
	v1 =	vmax.f32 v1, $0.0e+00  }
0x165: {  	v59 =	vld [tilespmem:s9+$0x2140];
	v1 =	vadd.f32 v1, v4  }
0x166: {  	v60 =	vld [tilespmem:s9+$0x110]  }
0x167: {  	v8 =	vld [tilespmem:s9+$0x150];
	[tilespmem:s8+$0x4120] =	vst v1  }
0x168: {  	v3 =	vadd.f32 v5, v3;
	v2 =	vadd.f32 v10, v2;
	v1 =	vld [tilespmem:s9+$0x2110]  }
0x169: {  	v61 =	vld [tilespmem:s9+$0x2150]  }
0x16a: {  	v3 =	vmax.f32 v3, $0.0e+00;
	v2 =	vmax.f32 v2, $0.0e+00;
	v62 =	vld [tilespmem:s9+$0x160]  }
0x16b: {  	v12 =	vld [tilespmem:s9+$0x2160];
	v2 =	vadd.f32 v2, v3  }
0x16c: {  	v3 =	vld [tilespmem:s9+$0x120]  }
0x16d: {  	[tilespmem:s9+$0x4130] =	vst v2;
	v2 =	vld [tilespmem:s9+$0x2120];
	_ =	sdelay $0x1  }
0x16e: {  	v6 =	vadd.f32 v58, v11  }
0x16f: {  	v7 =	vadd.f32 v59, v57  }
0x170: {  	v6 =	vmax.f32 v6, $0.0e+00;
	v1 =	vadd.f32 v1, v8;
	v4 =	vadd.f32 v61, v60  }
0x171: {  	v63 =	vmax.f32 v7, $0.0e+00;
	v3 =	vadd.f32 v12, v3;
	v2 =	vadd.f32 v2, v62  }
0x172: {  	v5 =	vadd.f32 v63, v6;
	v1 =	vmax.f32 v1, $0.0e+00;
	v4 =	vmax.f32 v4, $0.0e+00  }
0x173: {  	v1 =	vadd.f32 v4, v1;
	v3 =	vmax.f32 v3, $0.0e+00;
	v2 =	vmax.f32 v2, $0.0e+00  }
0x174: {  	[tilespmem:s9+$0x4100] =	vst v5;
	v2 =	vadd.f32 v3, v2  }
0x175: {  	[tilespmem:s9+$0x4110] =	vst v1  }
0x176: {  	s11 =	rddreg [dreg:$0x6];
	[tilespmem:s9+$0x4120] =	vst v2  }
0x177: {  	[hbm4b:s11+s1] =	stream.linear.scatter [tilespmem:s0], [sflag:$0x3], $0x2000, $0x38;
	[tilespmem:$0x12300] =	vst v63  }
0x178: {  	_ =	swait.ge [sflag:s17], $0x2000  }
0x179: {  	[sflag:s17] =	ssyncset.done $0x0  }
0x17a: {  	[sflag:s17] =	ssyncadd.s32 $0xFFFFE000;
	s17 =	simm.s32 $0x6  }
0x17b: {  	_ =	swait.ge [sflag:s17], $0x2000  }
0x17c: {  	[sflag:s17] =	ssyncset.done $0x0  }
0x17d: {  	s29 =	simm.s32 $0x9;
	[sflag:s17] =	ssyncadd.s32 $0xFFFFE000  }
0x17e: {  	_ =	swait.ge [sflag:s29], $0x2000  }
0x17f: {  	s11 =	rddreg [dreg:$0x8]  }
0x180: {  	s30 =	rddreg [dreg:$0x7];
	s11 =	sadd.s32 $0x1, s11  }
0x181: {  	p0 =	sne.s32 s11, s30  }
.Ltmp6:
0x182: {  	_ = 	snop;
	(pc) =	sbr.rel @p0 .LBB2_1-.Ltmp6, $3  }
0x183: {  	_ =	sdelay $0x1  }
0x184: {  	[sflag:s29] =	ssyncset.done $0x0  }
0x185: {  	[sflag:s29] =	ssyncadd.s32 $0xFFFFE000  }
0x186: {  	_ =	sfence.sel $0x180000  }
0x187: {  	[bflag:$0x0] =	sbarrier.arrive $0xFFFF  }
0x188: {  	_ =	strace $0x9000004A  }
0x189: {  	s0 =	stileid.u32;
	[bflag:$0x2] =	sbarrier.arrive $0xFFFF  }
0x18a: {  	p0 =	sne.s32 s0, $0x0;
	s0 =	rddreg [dreg:$0x1]  }
0x18b: {  	s0 =	sadd.s32 @!p0 $0x100000, s0  }
0x18c: {  	[sflag:s0] =	ssyncadd.tile.s32 @!p0 $0x1;
	_ =	shalt  }
.Lfunc_end2:
_tile_overlayer_lowered:
.L_overlay_start_2:
0x18d: {  	(tag) =	ssettag $0x2  }
0x18e: {  	s0 =	rddreg [dreg:$0x0];
	s2 =	stileid.u32  }
0x18f: {  	s1 =	rddreg [dreg:$0x1];
	p0 =	sne.s32 s2, $0x0  }
0x190: {  	s3 =	rddreg [dreg:$0x2];
	[bflag:$0x3] =	sbarrier.arrive $0xFFFF;
	s2 =	simm.s32 @!p0 $0x1C0A  }
0x191: {  	[timem:s3], [sflag:s2] =	dma.local @!p0 [hbm:s0], s1  }
0x192: {  	s0 =	simm.s32 @!p0 $0xA  }
0x193: {  	_ =	swait.ge @!p0 [sflag:s0], s1  }
0x194: {  	s1 =	ssub.s32 @!p0 $0x0, s1;
	[sflag:s0] =	ssyncset.done @!p0 $0x0  }
0x195: {  	[sflag:s0] =	ssyncadd.s32 @!p0 s1  }
0x196: {  	[bflag:$0x3] =	sbarrier.arrive $0xFFFF  }
0x197: {  	_ =	shalt  }

// kernel: kernel.8.cloned.1.call-start
scs
__scs_entry_jumppad:
0x0: {  	(pc) =	sbr.rel $0x88, $3  }
0x1: {  	(tag) =	ssettag $0x0;
	lr =	simm.s32 $0x1  }
0x2: {  	[smem:$0x3F91] =	sst lr;
	_ =	strace $0xD0000000  }
0x3: {  	_ = 	snop  }
0x4: {  	_ = 	snop  }
0x5: {  	_ = 	snop  }
0x6: {  	_ = 	snop  }
0x7: {  	_ = 	snop  }
__scs_overlays_trampoline_lowered:
0x8: {  	[smem:$0x3FA0] =	sst s0  }
0x9: {  	[smem:$0x3FA1] =	sst s1  }
0xa: {  	[smem:$0x3FA2] =	sst s2  }
0xb: {  	[smem:$0x3FA3] =	sst s3  }
0xc: {  	[smem:$0x3FA4] =	sst s4  }
0xd: {  	[smem:$0x3FA5] =	sst s5  }
0xe: {  	[smem:$0x3FA6] =	sst s6  }
0xf: {  	[smem:$0x3FA7] =	sst s7  }
0x10: {  	[smem:$0x3FA8] =	sst s8  }
0x11: {  	[smem:$0x3FA9] =	sst s9;
	s0 =	simm.s32 @!p0 $0x0  }
0x12: {  	s1 =	sld [smem:$0x3F8F];
	s0 =	simm.s32 @p0 $0x1  }
0x13: {  	[smem:$0x3FAA] =	sst s0;
	s0 =	simm.s32 @!p1 $0x0  }
0x14: {  	s2 =	sld [smem:$0x3F8E];
	s0 =	simm.s32 @p1 $0x1  }
0x15: {  	[smem:$0x3FAB] =	sst s0;
	s0 =	simm.s32 @!p2 $0x0  }
0x16: {  	s3 =	sld [smem:$0x3FDB];
	s0 =	simm.s32 @p2 $0x1  }
0x17: {  	s4 =	simm.s32 $0x1BF5;
	[smem:$0x3FAD] =	sst s0  }
0x18: {  	s0 =	sld [smem:$0x3F90];
	_ =	swait.ge [sflag:s4], $0x0  }
0x19: {  	s7 =	sld [smem:$0x3F91]  }
0x1a: {  	s8 =	sadd.s32 $0xFFFFE003, lr  }
0x1b: {  	s9 =	sadd.s32 $0xFFFFFEF7, lr;
	s5 =	simm.s32 $0xFFFFFFFF;
	p2 =	slt.u32 s8, $0xFFFFF086  }
0x1c: {  	p1 =	slt.u32 s9, $0xF7A;
	s5 =	simm.s32 @!p2 $0x0  }
0x1d: {  	s5 =	simm.s32 @p1 $0x1;
	p0 =	seq.s32 s7, s2  }
0x1e: {  	s7 =	smul.u32 @!p0 $0xF7A, s2;
	p2 =	seq.s32 @!p0 s5, $0x0  }
0x1f: {  	s9 =	smul.u32 $0xF7A, s1;
	s8 =	simm.s32 @!p0 $0x1BF5;
	p2 =	por !p2, p0  }
0x20: {  	[sflag:s8] =	ssyncset.s32 @!p0 $0xFFFFF086;
	s6 =	sadd.s32 @!p0 s3, s7;
	s7 =	simm.s32 @!p0 $0x108  }
0x21: {  	s3 =	sadd.s32 s3, s9;
	s6 =	sadd.s32 @!p0 $0x88, s6;
	s7 =	simm.s32 @p2 $0x1082  }
0x22: {  	[simem:s7], [sflag:s8] =	dma.local @!p0 [hbm:s6], $0xF7A  }
0x23: {  	s9 =	sor.u32 $0xD0000000, s2;
	s6 =	simm.s32 $0x108;
	_ =	swait.ge @!p0 [sflag:s8], $0x0  }
0x24: {  	s3 =	sadd.s32 $0x88, s3;
	s6 =	simm.s32 @!p1 $0x1082;
	[sflag:s4] =	ssyncset.s32 $0xFFFFF086  }
0x25: {  	[simem:s6], [sflag:s4] =	dma.local [hbm:s3], $0xF7A  }
0x26: {  	[smem:$0x3F91] =	sst s1;
	(tag) =	ssettag s2;
	_ =	strace s9  }
0x27: {  	s1 =	sld [smem:$0x3FA1]  }
0x28: {  	s2 =	sld [smem:$0x3FA2]  }
0x29: {  	s4 =	sld [smem:$0x3FA4]  }
0x2a: {  	p0 =	seq.s32 s5, $0x0;
	s5 =	sld [smem:$0x3FA5]  }
0x2b: {  	s6 =	sld [smem:$0x3FA6]  }
0x2c: {  	s7 =	sld [smem:$0x3FA7]  }
0x2d: {  	s3 =	simm.s32 $0x108;
	s8 =	sld [smem:$0x3FA8]  }
0x2e: {  	s3 =	simm.s32 @!p0 $0x1082;
	s9 =	sld [smem:$0x3FA9]  }
0x2f: {  	lr =	sadd.s32 s0, s3;
	s0 =	sld [smem:$0x3FA0]  }
0x30: {  	s3 =	sld [smem:$0x3FA3]  }
0x31: {  	[smem:$0x3FAC] =	sst s10  }
0x32: {  	s10 =	sld [smem:$0x3FAA];
	_ =	sdelay $0x3  }
0x33: {  	p0 =	seq.s32 s10, $0x1;
	s10 =	sld [smem:$0x3FAC];
	_ =	sdelay $0x3  }
0x34: {  	[smem:$0x3FAC] =	sst s10  }
0x35: {  	s10 =	sld [smem:$0x3FAB];
	_ =	sdelay $0x3  }
0x36: {  	p1 =	seq.s32 s10, $0x1;
	s10 =	sld [smem:$0x3FAC];
	_ =	sdelay $0x3  }
0x37: {  	[smem:$0x3FAC] =	sst s10  }
0x38: {  	s10 =	sld [smem:$0x3FAD]  }
0x39: {  	_ = 	snop;
	(pc) =	sbr.ind lr, $3  }
0x3a: {  	_ = 	snop  }
0x3b: {  	_ = 	snop  }
0x3c: {  	p2 =	seq.s32 s10, $0x1;
	s10 =	sld [smem:$0x3FAC]  }
0x3d: {  	_ =	shalt  }
0x3e: {  	_ =	shalt  }
0x3f: {  	_ =	shalt  }
0x40: {  	_ =	shalt  }
0x41: {  	_ =	shalt  }
0x42: {  	_ =	shalt  }
0x43: {  	_ =	shalt  }
0x44: {  	_ =	shalt  }
0x45: {  	_ =	shalt  }
0x46: {  	_ =	shalt  }
0x47: {  	_ =	shalt  }
0x48: {  	_ =	shalt  }
0x49: {  	_ =	shalt  }
0x4a: {  	_ =	shalt  }
0x4b: {  	_ =	shalt  }
0x4c: {  	_ =	shalt  }
0x4d: {  	_ =	shalt  }
0x4e: {  	_ =	shalt  }
0x4f: {  	_ =	shalt  }
0x50: {  	_ =	shalt  }
0x51: {  	_ =	shalt  }
0x52: {  	_ =	shalt  }
0x53: {  	_ =	shalt  }
0x54: {  	_ =	shalt  }
0x55: {  	_ =	shalt  }
0x56: {  	_ =	shalt  }
0x57: {  	_ =	shalt  }
0x58: {  	_ =	shalt  }
0x59: {  	_ =	shalt  }
0x5a: {  	_ =	shalt  }
0x5b: {  	_ =	shalt  }
0x5c: {  	_ =	shalt  }
0x5d: {  	_ =	shalt  }
0x5e: {  	_ =	shalt  }
0x5f: {  	_ =	shalt  }
0x60: {  	_ =	shalt  }
0x61: {  	_ =	shalt  }
0x62: {  	_ =	shalt  }
0x63: {  	_ =	shalt  }
0x64: {  	_ =	shalt  }
0x65: {  	_ =	shalt  }
0x66: {  	_ =	shalt  }
0x67: {  	_ =	shalt  }
0x68: {  	_ =	shalt  }
0x69: {  	_ =	shalt  }
0x6a: {  	_ =	shalt  }
0x6b: {  	_ =	shalt  }
0x6c: {  	_ =	shalt  }
0x6d: {  	_ =	shalt  }
0x6e: {  	_ =	shalt  }
0x6f: {  	_ =	shalt  }
0x70: {  	_ =	shalt  }
0x71: {  	_ =	shalt  }
0x72: {  	_ =	shalt  }
0x73: {  	_ =	shalt  }
0x74: {  	_ =	shalt  }
0x75: {  	_ =	shalt  }
0x76: {  	_ =	shalt  }
0x77: {  	_ =	shalt  }
0x78: {  	_ =	shalt  }
0x79: {  	_ =	shalt  }
0x7a: {  	_ =	shalt  }
0x7b: {  	_ =	shalt  }
0x7c: {  	_ =	shalt  }
0x7d: {  	_ =	shalt  }
0x7e: {  	_ =	shalt  }
0x7f: {  	_ =	shalt  }
0x80: {  	_ =	shalt  }
0x81: {  	_ =	shalt  }
0x82: {  	_ =	shalt  }
0x83: {  	_ =	shalt  }
0x84: {  	_ =	shalt  }
0x85: {  	_ =	shalt  }
0x86: {  	_ =	shalt  }
0x87: {  	_ =	shalt  }
.Lfunc_end0:
.L_simem_size_0:
called_computation_lowered:
.L_overlay_start_0:
0x88: {  	s2 =	sld [smem:$0x3FD9]  }
0x89: {  	s3 =	sld [smem:$0x3FFE];
	_ =	sdelay $0x1  }
0x8a: {  	s1 =	srdreg.scid  }
0x8b: {  	s0 =	sand.u32 $0x1, s1  }
0x8c: {  	s17 =	sshll.u32 s0, $0xA;
	s2 =	sadd.s32 s3, s2  }
0x8d: {  	s2 =	sadd.s32 s2, s17  }
0x8e: {  	[smem:$0x3FB8] =	sst s2  }
0x8f: {  	_ = 	snop  }
0x90: {  	s2 =	sld [smem:$0x3FC7];
	(tm) =	ssettm $0x1  }
0x91: {  	s18 =	sld [smem:$0x3FFB];
	_ =	sdelay $0x3  }
0x92: {  	_ =	strace s18  }
0x93: {  	s3 =	sld [smem:$0x3FFC];
	_ =	sdelay $0x3  }
0x94: {  	_ =	strace s3  }
0x95: {  	s3 =	sld [smem:$0x3FFD];
	_ =	sdelay $0x3  }
0x96: {  	_ =	strace s3  }
0x97: {  	_ =	strace $0x8FFFFFFF  }
0x98: {  	s19 =	sld [smem:$0x3FDB];
	_ =	sdelay $0x1  }
0x99: {  	s4 =	simm.s32 $_scs_section_size  }
0x9a: {  	s5 =	simm.s32 $_size__tile_overlayer_lowered;
	s6 =	simm.s32 $_tile_overlayer_lowered  }
0x9b: {  	s22 =	simm.s32 $0x1BFF;
	s21 =	sshll.u32 s6, $0x1;
	s3 =	sadd.s32 s4, s19  }
0x9c: {  	s7 =	simm.s32 $0x0;
	s20 =	sshll.u32 s5, $0x1;
	s5 =	sadd.s32 s21, s3  }
0x9d: {  	[timem:s7], [sflag:s22] =	dma.local [hbm:s5], s20  }
0x9e: {  	_ =	swait.ge [sflag:s22], s20  }
0x9f: {  	s4 =	ssub.s32 $0x0, s20;
	[sflag:s22] =	ssyncset.done $0x0  }
0xa0: {  	[sflag:s22] =	ssyncadd.s32 s4;
	_ =	sdelay $0x1  }
0xa1: {  	s23 =	simm.s32 $0x1B8B  }
0xa2: {  	_ =	swait.ge [sflag:s23], $0x1  }
0xa3: {  	[sflag:s23] =	ssyncset.done $0x0  }
0xa4: {  	s25 =	simm.s32 $0x1B8E;
	s24 =	sld [smem:$0x3FFE];
	[sflag:s23] =	ssyncadd.s32 $0xFFFFFFFF  }
0xa5: {  	s26 =	simm.s32 $execute0_lowered;
	[smem:$0x3FD2] =	sst s25  }
0xa6: {  	s5 =	sshll.u32 s26, $0x1;
	_ =	strace $0x80000046;
	[dreg:$0x1] =	wrdreg $0xFFFFFFFF  }
0xa7: {  	s28 =	simm.s32 $_size_execute0_lowered;
	s3 =	sadd.s32 s3, s5;
	[dreg:$0x0] =	wrdreg $0x0  }
0xa8: {  	s5 =	sshll.u32 s28, $0x1;
	[dreg:$0x2] =	wrdreg s3  }
0xa9: {  	[dreg:$0x3] =	wrdreg s5  }
0xaa: {  	[dreg:$0x4] =	wrdreg $0xC0  }
0xab: {  	_ =	task [dreg:s7], $0x5FFFF  }
0xac: {  	[dreg:$0x1] =	wrdreg $0xFFFFFFFF  }
0xad: {  	[dreg:$0x0] =	wrdreg $0x60  }
0xae: {  	[dreg:$0x2] =	wrdreg s24  }
0xaf: {  	[dreg:$0x3] =	wrdreg s2  }
0xb0: {  	[dreg:$0x4] =	wrdreg $0x0  }
0xb1: {  	[dreg:$0x5] =	wrdreg $0x9  }
0xb2: {  	_ =	task.clear_ibuf [dreg:s7], $0x6FFFF;
	_ =	strace $0x90000046  }
0xb3: {  	s29 =	simm.s32 $0x9;
	_ =	strace $0x80000048  }
0xb4: {  	_ =	swait.ge [sflag:s29], $0x1  }
0xb5: {  	[sflag:s29] =	ssyncadd.s32 $0xFFFFFFFF  }
0xb6: {  	_ =	strace $0x90000048  }
0xb7: {  	_ =	sfence  }
0xb8: {  	s30 =	sld [smem:$0x0];
	_ =	sdelay $0x2  }
0xb9: {  	s31 =	sshll.u32 s1, $0xD;
	s1 =	sshrl.u32 s1, $0x2  }
0xba: {  	s3 =	sand.u32 $0x4000, s31;
	s1 =	sadd.s32 s1, s30  }
0xbb: {  	s0 =	sor.u32 s3, s0;
	s1 =	sshll.u32 s1, $0x11  }
0xbc: {  	s0 =	sor.u32 s1, s0  }
0xbd: {  	s0 =	sadd.s32 $0x8F2B, s0  }
0xbe: {  	[sflag:s0] =	ssyncadd.remote.s32 $0x1  }
0xbf: {  	_ =	sfence.sel $0xFFFF  }
0xc0: {  	[dreg:$0x0] =	wrdreg $0xFFFFFFFF;
	(pc) =	sbr.abs _section_cstart, $3  }
0xc1: {  	[dreg:$0x1] =	wrdreg $0xFFFFFFFF  }
0xc2: {  	_ =	task.clear_ibuf [dreg:s7], $0x2FFFF;
	_ =	strace $0x9FFFFFFF  }
0xc3: {  	(tm) =	ssettm $0x7FFFFFFF  }
tec
execute0_lowered:
.L_overlay_start_1:
0x0: {  	(tag) =	ssettag $0x1  }
0x1: {  	s1 =	rddreg [dreg:$0x1]  }
0x2: {  	s0 =	srdreg.scid;
	s4 =	simm.s32 $0x0;
	s3 =	stileid.u32  }
0x3: {  	s9 =	sand.u32 $0x1, s0;
	[smem:$0x7FF] =	sst s4;
	s29 =	smul.u32 $0x18800, s3  }
0x4: {  	s2 =	rddreg [dreg:$0x2];
	s0 =	ssub.s32 $0x2, s9;
	_ =	strace $0x80000047  }
0x5: {  	s5 =	sshrl.u32 s0, $0x1;
	s3 =	sadd.s32 $0x1000, s29;
	s8 =	sadd.s32 $0x2000, s29  }
0x6: {  	s6 =	sadd.s32 $0x3000, s29;
	s7 =	sadd.s32 $0x4000, s29;
	s15 =	sadd.s32 $0x5000, s29  }
0x7: {  	s16 =	sadd.s32 $0x6000, s29;
	s17 =	sadd.s32 $0x7000, s29;
	s18 =	sadd.s32 $0x8000, s29  }
0x8: {  	s19 =	sadd.s32 $0x9000, s29;
	s20 =	sadd.s32 $0xA000, s29;
	s21 =	sadd.s32 $0xB000, s29  }
0x9: {  	s22 =	sadd.s32 $0xC000, s29;
	s23 =	sadd.s32 $0xD000, s29;
	s24 =	sadd.s32 $0xE000, s29  }
0xa: {  	s25 =	sadd.s32 $0xF000, s29;
	s26 =	sadd.s32 $0x10000, s29;
	s28 =	sadd.s32 $0x11000, s29  }
0xb: {  	s30 =	sadd.s32 $0x12000, s29;
	s31 =	sadd.s32 $0x13000, s29;
	s10 =	sadd.s32 $0x14000, s29  }
0xc: {  	s14 =	sadd.s32 $0x15000, s29;
	s0 =	ssub.s32 s0, s5;
	s5 =	smul.u32 $0x188000, s9  }
0xd: {  	s11 =	sadd.s32 $0x16000, s29;
	s12 =	sadd.s32 $0x17000, s29;
	[smem:$0x7DD] =	sst s3  }
0xe: {  	s13 =	sadd.s32 $0x18000, s29;
	[smem:$0x7F6] =	sst s0;
	s0 =	sadd.s32 s29, s5  }
0xf: {  	s29 =	sadd.s32 s5, s3;
	s3 =	sshrl.u32 s0, $0x3;
	s0 =	rddreg [dreg:$0x0]  }
0x10: {  	[smem:$0x7DE] =	sst s8;
	s0 =	sadd.s32 $0xC36800, s0  }
0x11: {  	[smem:$0x7DF] =	sst s6;
	s29 =	sshrl.u32 s29, $0x3;
	s3 =	sadd.s32 s0, s3  }
0x12: {  	s8 =	sadd.s32 s5, s8;
	[dreg:$0x4] =	wrdreg s3;
	s3 =	sadd.s32 s0, s29  }
0x13: {  	s29 =	sadd.s32 s5, s6;
	[dreg:$0x5] =	wrdreg s3;
	s3 =	sshrl.u32 s8, $0x3  }
0x14: {  	s8 =	sshrl.u32 s29, $0x3;
	s29 =	sadd.s32 s5, s17;
	s17 =	sadd.s32 s17, s2  }
0x15: {  	s3 =	sadd.s32 s0, s3;
	[smem:$0x7E4] =	sst s17  }
0x16: {  	s6 =	sadd.s32 s5, s7;
	s17 =	sadd.s32 s23, s2;
	[dreg:$0x6] =	wrdreg s3  }
0x17: {  	s6 =	sshrl.u32 s6, $0x3;
	s3 =	sadd.s32 s0, s8;
	[smem:$0x7EA] =	sst s17  }
0x18: {  	s8 =	sadd.s32 s0, s6;
	[dreg:$0x7] =	wrdreg s3  }
0x19: {  	s6 =	sadd.s32 s5, s15;
	s15 =	sadd.s32 s15, s2;
	[dreg:$0x8] =	wrdreg s8  }
0x1a: {  	s8 =	sadd.s32 s5, s16;
	[smem:$0x7E2] =	sst s15;
	s16 =	sadd.s32 s16, s2  }
0x1b: {  	s3 =	sshrl.u32 s6, $0x3;
	s15 =	sadd.s32 s21, s2;
	[smem:$0x7E3] =	sst s16  }
0x1c: {  	s3 =	sadd.s32 s0, s3;
	[smem:$0x7E8] =	sst s15  }
0x1d: {  	s6 =	sshrl.u32 s8, $0x3;
	s16 =	sadd.s32 s22, s2;
	[dreg:$0x9] =	wrdreg s3  }
0x1e: {  	s8 =	sshrl.u32 s29, $0x3;
	s3 =	sadd.s32 s0, s6;
	[smem:$0x7E9] =	sst s16  }
0x1f: {  	s29 =	sadd.s32 s5, s20;
	s8 =	sadd.s32 s0, s8;
	[dreg:$0xa] =	wrdreg s3  }
0x20: {  	s6 =	sadd.s32 s5, s18;
	s18 =	sadd.s32 s18, s2;
	[dreg:$0xb] =	wrdreg s8  }
0x21: {  	s3 =	sshrl.u32 s6, $0x3;
	s8 =	sadd.s32 s5, s19;
	[smem:$0x7E5] =	sst s18  }
0x22: {  	s3 =	sadd.s32 s0, s3;
	s6 =	sshrl.u32 s8, $0x3;
	s8 =	sshrl.u32 s29, $0x3  }
0x23: {  	s29 =	sadd.s32 s5, s23;
	s23 =	sadd.s32 s12, s2;
	[dreg:$0xc] =	wrdreg s3  }
0x24: {  	[smem:$0x7EE] =	sst s23  }
0x25: {  	s3 =	sadd.s32 s0, s6;
	s23 =	sld [smem:$0x7F6]  }
0x26: {  	s8 =	sadd.s32 s0, s8;
	s6 =	sadd.s32 s5, s21;
	[dreg:$0xd] =	wrdreg s3  }
0x27: {  	[dreg:$0xe] =	wrdreg s8;
	s3 =	sshrl.u32 s6, $0x3  }
0x28: {  	s8 =	sadd.s32 s5, s22;
	s22 =	sadd.s32 s11, s2;
	s3 =	sadd.s32 s0, s3  }
0x29: {  	s6 =	sshrl.u32 s8, $0x3;
	s8 =	sshrl.u32 s29, $0x3;
	[smem:$0x7ED] =	sst s22  }
0x2a: {  	s29 =	sadd.s32 s5, s26;
	s26 =	sadd.s32 s26, s2;
	[dreg:$0xf] =	wrdreg s3  }
0x2b: {  	s3 =	sadd.s32 s0, s6;
	s8 =	sadd.s32 s0, s8;
	[smem:$0x7FA] =	sst s26  }
0x2c: {  	s6 =	sadd.s32 s5, s24;
	s24 =	sadd.s32 s24, s2;
	[dreg:$0x10] =	wrdreg s3  }
0x2d: {  	[dreg:$0x11] =	wrdreg s8;
	s3 =	sshrl.u32 s6, $0x3;
	s8 =	sadd.s32 s5, s25  }
0x2e: {  	s25 =	sadd.s32 s25, s2;
	[smem:$0x7F8] =	sst s24;
	s3 =	sadd.s32 s0, s3  }
0x2f: {  	s6 =	sshrl.u32 s8, $0x3;
	s8 =	sshrl.u32 s29, $0x3;
	[smem:$0x7F9] =	sst s25  }
0x30: {  	s29 =	sadd.s32 s5, s31;
	s31 =	sadd.s32 s31, s2;
	[dreg:$0x12] =	wrdreg s3  }
0x31: {  	s3 =	sadd.s32 s0, s6;
	s8 =	sadd.s32 s0, s8;
	[smem:$0x7FD] =	sst s31  }
0x32: {  	s6 =	sadd.s32 s5, s28;
	s28 =	sadd.s32 s28, s2;
	[dreg:$0x13] =	wrdreg s3  }
0x33: {  	[dreg:$0x14] =	wrdreg s8;
	s3 =	sshrl.u32 s6, $0x3;
	s8 =	sadd.s32 s5, s30  }
0x34: {  	s30 =	sadd.s32 s30, s2;
	[smem:$0x7FB] =	sst s28;
	s3 =	sadd.s32 s0, s3  }
0x35: {  	s6 =	sshrl.u32 s8, $0x3;
	s8 =	sshrl.u32 s29, $0x3;
	[smem:$0x7FC] =	sst s30  }
0x36: {  	s29 =	sadd.s32 s5, s11;
	[dreg:$0x15] =	wrdreg s3;
	s3 =	sadd.s32 s0, s6  }
0x37: {  	s6 =	sadd.s32 s0, s8;
	s8 =	sadd.s32 s5, s10;
	[dreg:$0x16] =	wrdreg s3  }
0x38: {  	s3 =	sshrl.u32 s8, $0x3;
	s8 =	smov.u32 s14;
	s14 =	sadd.s32 s5, s14  }
0x39: {  	[dreg:$0x17] =	wrdreg s6;
	s3 =	sadd.s32 s0, s3;
	s6 =	sshrl.u32 s14, $0x3  }
0x3a: {  	s14 =	sshrl.u32 s29, $0x3;
	[dreg:$0x18] =	wrdreg s3;
	s3 =	sadd.s32 s0, s6  }
0x3b: {  	s14 =	sadd.s32 s0, s14;
	s6 =	sadd.s32 s5, s12;
	[dreg:$0x19] =	wrdreg s3  }
0x3c: {  	[dreg:$0x1a] =	wrdreg s14;
	s3 =	sshrl.u32 s6, $0x3;
	s14 =	stileid.u32  }
0x3d: {  	s5 =	sadd.s32 s5, s13;
	s3 =	sadd.s32 s0, s3;
	s6 =	smul.u32 $0x62000, s14  }
0x3e: {  	s5 =	sshrl.u32 s5, $0x3;
	[dreg:$0x1b] =	wrdreg s3  }
0x3f: {  	s3 =	smul.u32 $0x61A8, s9;
	s9 =	sld [smem:$0x7DD];
	s6 =	sshrl.u32 s6, $0x2  }
0x40: {  	s0 =	sadd.s32 s0, s5;
	s5 =	rddreg [dreg:$0x0];
	s6 =	sadd.s32 s6, s2  }
0x41: {  	[dreg:$0x1d] =	wrdreg s6  }
0x42: {  	s29 =	smul.u32 $0x61B, s14;
	s6 =	sadd.s32 s9, s2;
	s9 =	sld [smem:$0x7DE]  }
0x43: {  	s14 =	stileid.u32;
	[dreg:$0x1c] =	wrdreg s0  }
0x44: {  	s0 =	sadd.s32 $0x186B800, s5;
	s21 =	smul.u32 $0xC3600, s14;
	[dreg:$0x1e] =	wrdreg s6  }
0x45: {  	s18 =	smul.u32 $0x186C, s14;
	s6 =	sadd.s32 s9, s2;
	s9 =	sld [smem:$0x7DF]  }
0x46: {  	p0 =	seq.s32 s14, $0xF;
	s14 =	simm.s32 $0x1;
	s11 =	sadd.s32 s0, s21  }
0x47: {  	s5 =	ssub.s32 $0x61A8, s29;
	s12 =	sadd.s32 $0x1, s29;
	[smem:$0x7F1] =	sst s11  }
0x48: {  	s15 =	smin.u32 s29, $0x5B8D;
	[dreg:$0x1f] =	wrdreg s6;
	s6 =	sadd.s32 s9, s2  }
0x49: {  	s5 =	smin.u32 s5, $0x61B;
	s9 =	sadd.s32 s7, s2;
	[smem:$0x7E0] =	sst s6  }
0x4a: {  	s11 =	simm.s32 $0x19900;
	s7 =	sadd.s32 s19, s2;
	[smem:$0x7E1] =	sst s9  }
0x4b: {  	s19 =	sadd.s32 s10, s2;
	s10 =	sadd.s32 s1, s18;
	[smem:$0x7E6] =	sst s7  }
0x4c: {  	s18 =	sadd.s32 $0x61A, s15;
	s15 =	simm.s32 $0x20;
	[smem:$0x7EB] =	sst s19  }
0x4d: {  	s9 =	sadd.s32 s20, s2;
	s20 =	sadd.s32 s8, s2;
	[smem:$0x7F0] =	sst s10  }
0x4e: {  	s7 =	sshll.u32 s12, $0x9;
	s19 =	sshll.u32 s18, $0x2;
	s6 =	smax.u32 s23, $0x1  }
0x4f: {  	s8 =	simm.s32 $0x7;
	s10 =	simm.s32 $0x19880;
	[smem:$0x7E7] =	sst s9  }
0x50: {  	[smem:$0x7EC] =	sst s20;
	s9 =	sadd.s32 s13, s2;
	s13 =	sshll.u32 s12, $0x2  }
0x51: {  	s17 =	sadd.s32 s0, s7;
	s20 =	sadd.s32 s1, s19;
	[smem:$0x7F7] =	sst s6  }
0x52: {  	s7 =	sshll.u32 s18, $0x9;
	s12 =	simm.s32 $0x1A900;
	[smem:$0x7EF] =	sst s9  }
0x53: {  	s18 =	simm.s32 $0x4;
	s19 =	simm.s32 $0x5;
	[smem:$0x7F3] =	sst s17  }
0x54: {  	s16 =	sadd.s32 s1, s13;
	s9 =	simm.s32 $0x186A0;
	[smem:$0x7F4] =	sst s20  }
0x55: {  	s21 =	sadd.s32 s0, s7;
	s7 =	simm.s32 $0x18880;
	s13 =	simm.s32 $0x1A980  }
0x56: {  	s17 =	simm.s32 $0x3;
	[smem:$0x7F2] =	sst s16;
	s9 =	simm.s32 @!p0 $0x0  }
0x57: {  	s20 =	simm.s32 $0x6;
	[smem:$0x7F5] =	sst s21;
	s22 =	sadd.s32 s3, s9  }
0x58: {  	v1 =	vimm.f32 $0.0e+00;
	s16 =	simm.s32 $0x2;
	s21 =	simm.s32 $0x0;
	s9 =	simm.s32 $0x18800;
	v0 =	vmov s22  }
.LBB2_1:
0x59: {  	s22 =	simm.s32 $0x0;
	s23 =	simm.s32 $0x200  }
.LBB2_2:
0x5a: {  	p0 =	sne.s32 s23, $0x3E00;
	[tilespmem:s22+$0x188F0] =	vst v1  }
0x5b: {  	[tilespmem:s22+$0x18880] =	vst v1  }
0x5c: {  	[tilespmem:s22+$0x18890] =	vst v1  }
.Ltmp0:
0x5d: {  	[tilespmem:s22+$0x188A0] =	vst v1;
	(pc) =	sbr.rel @p0 .LBB2_2-.Ltmp0, $4  }
0x5e: {  	[tilespmem:s22+$0x188B0] =	vst v1  }
0x5f: {  	[tilespmem:s22+$0x188C0] =	vst v1  }
0x60: {  	[tilespmem:s22+$0x188D0] =	vst v1  }
0x61: {  	[tilespmem:s22+$0x188E0] =	vst v1;
	s22 =	sshra.s32 s23, $0x2;
	s23 =	sadd.s32 $0x200, s23  }
0x62: {  	[tilespmem:s22+$0x188F0] =	vst v1  }
0x63: {  	[tilespmem:s22+$0x18880] =	vst v1  }
0x64: {  	[tilespmem:s22+$0x18890] =	vst v1  }
0x65: {  	[tilespmem:s22+$0x188A0] =	vst v1  }
0x66: {  	[tilespmem:s22+$0x188B0] =	vst v1  }
0x67: {  	[tilespmem:s22+$0x188C0] =	vst v1  }
0x68: {  	[tilespmem:s22+$0x188D0] =	vst v1  }
0x69: {  	[tilespmem:s22+$0x188E0] =	vst v1;
	s6 =	rddreg [dreg:$0x1d]  }
0x6a: {  	[spmem:s6] =	stream.linear.scatter [tilespmem:s7], [sflag:$0x7], $0x1000, $0x38;
	[tilespmem:$0x1B980] =	vst v63  }
0x6b: {  	_ =	swait.ge [sflag:s8], $0x1000  }
0x6c: {  	[sflag:s8] =	ssyncset.done $0x0  }
0x6d: {  	s23 =	rddreg [dreg:$0x1e];
	[sflag:s8] =	ssyncadd.s32 $0xFFFFF000  }
0x6e: {  	[spmem:s23] =	stream.linear.scatter [tilespmem:s7], [sflag:$0x7], $0x1000, $0x38;
	[tilespmem:$0x1B980] =	vst v63  }
0x6f: {  	_ =	swait.ge [sflag:s8], $0x1000  }
0x70: {  	[sflag:s8] =	ssyncset.done $0x0  }
0x71: {  	s22 =	rddreg [dreg:$0x1f];
	[sflag:s8] =	ssyncadd.s32 $0xFFFFF000  }
0x72: {  	[spmem:s22] =	stream.linear.scatter [tilespmem:s7], [sflag:$0x7], $0x1000, $0x38;
	[tilespmem:$0x1B980] =	vst v63  }
0x73: {  	_ =	swait.ge [sflag:s8], $0x1000  }
0x74: {  	s23 =	sld [smem:$0x7E0]  }
0x75: {  	[sflag:s8] =	ssyncset.done $0x0  }
0x76: {  	[sflag:s8] =	ssyncadd.s32 $0xFFFFF000  }
0x77: {  	[spmem:s23] =	stream.linear.scatter [tilespmem:s7], [sflag:$0x7], $0x1000, $0x38;
	[tilespmem:$0x1B980] =	vst v63  }
0x78: {  	_ =	swait.ge [sflag:s8], $0x1000  }
0x79: {  	s22 =	sld [smem:$0x7E1]  }
0x7a: {  	[sflag:s8] =	ssyncset.done $0x0  }
0x7b: {  	[sflag:s8] =	ssyncadd.s32 $0xFFFFF000  }
0x7c: {  	[spmem:s22] =	stream.linear.scatter [tilespmem:s7], [sflag:$0x7], $0x1000, $0x38;
	[tilespmem:$0x1B980] =	vst v63  }
0x7d: {  	_ =	swait.ge [sflag:s8], $0x1000  }
0x7e: {  	s23 =	sld [smem:$0x7E2]  }
0x7f: {  	[sflag:s8] =	ssyncset.done $0x0  }
0x80: {  	[sflag:s8] =	ssyncadd.s32 $0xFFFFF000  }
0x81: {  	[spmem:s23] =	stream.linear.scatter [tilespmem:s7], [sflag:$0x7], $0x1000, $0x38;
	[tilespmem:$0x1B980] =	vst v63  }
0x82: {  	_ =	swait.ge [sflag:s8], $0x1000  }
0x83: {  	s22 =	sld [smem:$0x7E3]  }
0x84: {  	[sflag:s8] =	ssyncset.done $0x0  }
0x85: {  	[sflag:s8] =	ssyncadd.s32 $0xFFFFF000  }
0x86: {  	[spmem:s22] =	stream.linear.scatter [tilespmem:s7], [sflag:$0x7], $0x1000, $0x38;
	[tilespmem:$0x1B980] =	vst v63  }
0x87: {  	_ =	swait.ge [sflag:s8], $0x1000  }
0x88: {  	s23 =	sld [smem:$0x7E4]  }
0x89: {  	[sflag:s8] =	ssyncset.done $0x0  }
0x8a: {  	[sflag:s8] =	ssyncadd.s32 $0xFFFFF000  }
0x8b: {  	[spmem:s23] =	stream.linear.scatter [tilespmem:s7], [sflag:$0x7], $0x1000, $0x38;
	[tilespmem:$0x1B980] =	vst v63  }
0x8c: {  	_ =	swait.ge [sflag:s8], $0x1000  }
0x8d: {  	s22 =	sld [smem:$0x7E5]  }
0x8e: {  	[sflag:s8] =	ssyncset.done $0x0  }
0x8f: {  	[sflag:s8] =	ssyncadd.s32 $0xFFFFF000  }
0x90: {  	[spmem:s22] =	stream.linear.scatter [tilespmem:s7], [sflag:$0x7], $0x1000, $0x38;
	[tilespmem:$0x1B980] =	vst v63  }
0x91: {  	_ =	swait.ge [sflag:s8], $0x1000  }
0x92: {  	s23 =	sld [smem:$0x7E6]  }
0x93: {  	[sflag:s8] =	ssyncset.done $0x0  }
0x94: {  	[sflag:s8] =	ssyncadd.s32 $0xFFFFF000  }
0x95: {  	[spmem:s23] =	stream.linear.scatter [tilespmem:s7], [sflag:$0x7], $0x1000, $0x38;
	[tilespmem:$0x1B980] =	vst v63  }
0x96: {  	_ =	swait.ge [sflag:s8], $0x1000  }
0x97: {  	s22 =	sld [smem:$0x7E7]  }
0x98: {  	[sflag:s8] =	ssyncset.done $0x0  }
0x99: {  	[sflag:s8] =	ssyncadd.s32 $0xFFFFF000  }
0x9a: {  	[spmem:s22] =	stream.linear.scatter [tilespmem:s7], [sflag:$0x7], $0x1000, $0x38;
	[tilespmem:$0x1B980] =	vst v63  }
0x9b: {  	_ =	swait.ge [sflag:s8], $0x1000  }
0x9c: {  	s23 =	sld [smem:$0x7E8]  }
0x9d: {  	[sflag:s8] =	ssyncset.done $0x0  }
0x9e: {  	[sflag:s8] =	ssyncadd.s32 $0xFFFFF000  }
0x9f: {  	[spmem:s23] =	stream.linear.scatter [tilespmem:s7], [sflag:$0x7], $0x1000, $0x38;
	[tilespmem:$0x1B980] =	vst v63  }
0xa0: {  	_ =	swait.ge [sflag:s8], $0x1000  }
0xa1: {  	s22 =	sld [smem:$0x7E9]  }
0xa2: {  	[sflag:s8] =	ssyncset.done $0x0  }
0xa3: {  	[sflag:s8] =	ssyncadd.s32 $0xFFFFF000  }
0xa4: {  	[spmem:s22] =	stream.linear.scatter [tilespmem:s7], [sflag:$0x7], $0x1000, $0x38;
	[tilespmem:$0x1B980] =	vst v63  }
0xa5: {  	_ =	swait.ge [sflag:s8], $0x1000  }
0xa6: {  	s23 =	sld [smem:$0x7EA]  }
0xa7: {  	[sflag:s8] =	ssyncset.done $0x0  }
0xa8: {  	[sflag:s8] =	ssyncadd.s32 $0xFFFFF000  }
0xa9: {  	[spmem:s23] =	stream.linear.scatter [tilespmem:s7], [sflag:$0x7], $0x1000, $0x38;
	[tilespmem:$0x1B980] =	vst v63  }
0xaa: {  	_ =	swait.ge [sflag:s8], $0x1000  }
0xab: {  	[sflag:s8] =	ssyncset.done $0x0  }
0xac: {  	[sflag:s8] =	ssyncadd.s32 $0xFFFFF000  }
0xad: {  	[spmem:s24] =	stream.linear.scatter [tilespmem:s7], [sflag:$0x7], $0x1000, $0x38;
	[tilespmem:$0x1B980] =	vst v63  }
0xae: {  	_ =	swait.ge [sflag:s8], $0x1000  }
0xaf: {  	[sflag:s8] =	ssyncset.done $0x0  }
0xb0: {  	[sflag:s8] =	ssyncadd.s32 $0xFFFFF000  }
0xb1: {  	[spmem:s25] =	stream.linear.scatter [tilespmem:s7], [sflag:$0x7], $0x1000, $0x38;
	[tilespmem:$0x1B980] =	vst v63  }
0xb2: {  	_ =	swait.ge [sflag:s8], $0x1000  }
0xb3: {  	[sflag:s8] =	ssyncset.done $0x0  }
0xb4: {  	[sflag:s8] =	ssyncadd.s32 $0xFFFFF000  }
0xb5: {  	[spmem:s26] =	stream.linear.scatter [tilespmem:s7], [sflag:$0x7], $0x1000, $0x38;
	[tilespmem:$0x1B980] =	vst v63  }
0xb6: {  	_ =	swait.ge [sflag:s8], $0x1000  }
0xb7: {  	[sflag:s8] =	ssyncset.done $0x0  }
0xb8: {  	[sflag:s8] =	ssyncadd.s32 $0xFFFFF000  }
0xb9: {  	[spmem:s28] =	stream.linear.scatter [tilespmem:s7], [sflag:$0x7], $0x1000, $0x38;
	[tilespmem:$0x1B980] =	vst v63  }
0xba: {  	_ =	swait.ge [sflag:s8], $0x1000  }
0xbb: {  	[sflag:s8] =	ssyncset.done $0x0  }
0xbc: {  	[sflag:s8] =	ssyncadd.s32 $0xFFFFF000  }
0xbd: {  	[spmem:s30] =	stream.linear.scatter [tilespmem:s7], [sflag:$0x7], $0x1000, $0x38;
	[tilespmem:$0x1B980] =	vst v63  }
0xbe: {  	_ =	swait.ge [sflag:s8], $0x1000  }
0xbf: {  	[sflag:s8] =	ssyncset.done $0x0  }
0xc0: {  	[sflag:s8] =	ssyncadd.s32 $0xFFFFF000  }
0xc1: {  	[spmem:s31] =	stream.linear.scatter [tilespmem:s7], [sflag:$0x7], $0x1000, $0x38;
	[tilespmem:$0x1B980] =	vst v63  }
0xc2: {  	_ =	swait.ge [sflag:s8], $0x1000  }
0xc3: {  	s30 =	sld [smem:$0x7EB]  }
0xc4: {  	[sflag:s8] =	ssyncset.done $0x0  }
0xc5: {  	[sflag:s8] =	ssyncadd.s32 $0xFFFFF000  }
0xc6: {  	[spmem:s30] =	stream.linear.scatter [tilespmem:s7], [sflag:$0x7], $0x1000, $0x38;
	[tilespmem:$0x1B980] =	vst v63  }
0xc7: {  	_ =	swait.ge [sflag:s8], $0x1000  }
0xc8: {  	s31 =	sld [smem:$0x7EC]  }
0xc9: {  	[sflag:s8] =	ssyncset.done $0x0  }
0xca: {  	[sflag:s8] =	ssyncadd.s32 $0xFFFFF000  }
0xcb: {  	[spmem:s31] =	stream.linear.scatter [tilespmem:s7], [sflag:$0x7], $0x1000, $0x38;
	[tilespmem:$0x1B980] =	vst v63  }
0xcc: {  	_ =	swait.ge [sflag:s8], $0x1000  }
0xcd: {  	s22 =	sld [smem:$0x7ED]  }
0xce: {  	[sflag:s8] =	ssyncset.done $0x0  }
0xcf: {  	[sflag:s8] =	ssyncadd.s32 $0xFFFFF000  }
0xd0: {  	[spmem:s22] =	stream.linear.scatter [tilespmem:s7], [sflag:$0x7], $0x1000, $0x38;
	[tilespmem:$0x1B980] =	vst v63  }
0xd1: {  	_ =	swait.ge [sflag:s8], $0x1000  }
0xd2: {  	s23 =	sld [smem:$0x7EE]  }
0xd3: {  	[sflag:s8] =	ssyncset.done $0x0  }
0xd4: {  	[sflag:s8] =	ssyncadd.s32 $0xFFFFF000  }
0xd5: {  	[spmem:s23] =	stream.linear.scatter [tilespmem:s7], [sflag:$0x7], $0x1000, $0x38;
	[tilespmem:$0x1B980] =	vst v63  }
0xd6: {  	_ =	swait.ge [sflag:s8], $0x1000  }
0xd7: {  	s24 =	sld [smem:$0x7EF]  }
0xd8: {  	[sflag:s8] =	ssyncset.done $0x0  }
0xd9: {  	[sflag:s8] =	ssyncadd.s32 $0xFFFFF000  }
0xda: {  	[spmem:s24] =	stream.linear.scatter [tilespmem:s7], [sflag:$0x7], $0x800, $0x38;
	[tilespmem:$0x1B980] =	vst v63  }
0xdb: {  	_ =	swait.ge [sflag:s8], $0x800  }
0xdc: {  	[sflag:s8] =	ssyncset.done $0x0  }
0xdd: {  	[sflag:s8] =	ssyncadd.s32 $0xFFFFF800  }
0xde: {  	[bflag:$0x0] =	sbarrier.arrive $0xFFFF  }
0xdf: {  	s26 =	sld [smem:$0x7F0];
	_ =	sdelay $0x1  }
0xe0: {  	s25 =	simm.s32 $0x0;
	s28 =	sld [smem:$0x7F1]  }
0xe1: {  	[tilespmem:s9], [sflag:$0x1] =	stream.linear.gather [hbm4b:s26+s25], $0x20, $0x38;
	[tilespmem:$0x1B980] =	vst v63  }
0xe2: {  	s6 =	sadd.s32 $0x0, s29;
	s30 =	sld [smem:$0x7F2]  }
0xe3: {  	[tilespmem:s7], [sflag:$0x1] =	stream.linear.gather [hbm4b:s28+s25], $0x1000, $0x38;
	[tilespmem:$0x1B980] =	vst v63  }
0xe4: {  	p0 =	por $0x1, $0x1;
	s23 =	sadd.s32 $0x2, s6;
	s31 =	sld [smem:$0x7F3]  }
0xe5: {  	[tilespmem:s10], [sflag:$0x3] =	stream.linear.gather [hbm4b:s30+s25], $0x20, $0x38;
	[tilespmem:$0x1B980] =	vst v63  }
0xe6: {  	p1 =	slt.s32 s23, $0x61A7;
	s24 =	simm.s32 @!p0 $0x6  }
0xe7: {  	[tilespmem:s11], [sflag:$0x3] =	stream.linear.gather [hbm4b:s31+s25], $0x1000, $0x38;
	[tilespmem:$0x1B980] =	vst v63  }
0xe8: {  	s23 =	simm.s32 @!p1 $0x61A7;
	_ =	swait.ge @!p0 [sflag:s24], $0x1000  }
0xe9: {  	s26 =	sshll.u32 s23, $0x2;
	[sflag:s24] =	ssyncset.done @!p0 $0x0  }
0xea: {  	s23 =	sshll.u32 s23, $0x9;
	s28 =	sadd.s32 s1, s26;
	[sflag:s24] =	ssyncadd.s32 @!p0 $0xFFFFF000  }
0xeb: {  	[tilespmem:s12], [sflag:$0x5] =	stream.linear.gather [hbm4b:s28+s4], $0x20, $0x38;
	[tilespmem:$0x1B980] =	vst v63  }
0xec: {  	s23 =	sadd.s32 s0, s23  }
0xed: {  	[tilespmem:s13], [sflag:$0x5] =	stream.linear.gather [hbm4b:s23+s4], $0x1000, $0x38;
	[tilespmem:$0x1B980] =	vst v63  }
0xee: {  	_ =	swait.ge [sflag:s14], $0x20  }
0xef: {  	[sflag:s14] =	ssyncset.done $0x0  }
0xf0: {  	[sflag:s14] =	ssyncadd.s32 $0xFFFFFFE0  }
0xf1: {  	_ =	swait.ge [sflag:s14], $0x1000  }
0xf2: {  	[sflag:s14] =	ssyncset.done $0x0  }
0xf3: {  	[sflag:s14] =	ssyncadd.s32 $0xFFFFF000  }
0xf4: {  	v2 =	vld [tilespmem:$0x18800]  }
0xf5: {  	p0 =	sgt.u32 s5, $0x0;
	s23 =	simm.s32 $0x0;
	v3 =	vld [tilespmem:$0x18810]  }
0xf6: {  	s23 =	simm.s32 @!p0 $0x186A0  }
0xf7: {  	s23 =	sadd.s32 s3, s23  }
0xf8: {  	v4 =	vmov s23  }
0xf9: {  	v2 =	vsub.s32 v2, v4  }
0xfa: {  	v3 =	vsub.s32 v3, v4;
	vm0 =	vlt.u32 v2, $0x61A8;
	v2 =	vshra.s32 v2, $0x1  }
0xfb: {  	vm13 =	vlt.u32 v3, $0x61A8;
	v3 =	vshra.s32 v3, $0x1;
	v2 =	vnsel vm0, $0x30F8, v2  }
0xfc: {  	s23 =	sadd.s32 $0x3, s6;
	[tilespmem:$0x18800] =	vst v2;
	v2 =	vnsel vm13, $0x30F8, v3  }
0xfd: {  	p0 =	slt.s32 s23, $0x61A7;
	[tilespmem:$0x18810] =	vst v2  }
0xfe: {  	[spmem:s2] =	stream.indirect.scatter.add.f32 [tilespmem:s7], [sflag:$0x2], $0x80, s9, s15, $0xb8;
	[tilespmem:$0x1B980] =	vst v63  }
0xff: {  	s23 =	simm.s32 @!p0 $0x61A7;
	_ =	swait.ge [sflag:s16], $0x1000  }
0x100: {  	s30 =	sshll.u32 s23, $0x2;
	[sflag:s16] =	ssyncset.done $0x0  }
0x101: {  	s23 =	sshll.u32 s23, $0x9;
	s24 =	sadd.s32 s1, s30;
	[sflag:s16] =	ssyncadd.s32 $0xFFFFF000  }
0x102: {  	[tilespmem:s9], [sflag:$0x1] =	stream.linear.gather [hbm4b:s24+s4], $0x20, $0x38;
	[tilespmem:$0x1B980] =	vst v63  }
0x103: {  	s23 =	sadd.s32 s0, s23  }
0x104: {  	[tilespmem:s7], [sflag:$0x1] =	stream.linear.gather [hbm4b:s23+s4], $0x1000, $0x38;
	[tilespmem:$0x1B980] =	vst v63  }
0x105: {  	_ =	swait.ge [sflag:s17], $0x20  }
0x106: {  	[sflag:s17] =	ssyncset.done $0x0  }
0x107: {  	[sflag:s17] =	ssyncadd.s32 $0xFFFFFFE0  }
0x108: {  	_ =	swait.ge [sflag:s17], $0x1000  }
0x109: {  	[sflag:s17] =	ssyncset.done $0x0  }
0x10a: {  	[sflag:s17] =	ssyncadd.s32 $0xFFFFF000  }
0x10b: {  	v2 =	vld [tilespmem:$0x19880]  }
0x10c: {  	p0 =	sgt.u32 s5, $0x1;
	s23 =	simm.s32 $0x0;
	v3 =	vld [tilespmem:$0x19890]  }
0x10d: {  	s23 =	simm.s32 @!p0 $0x186A0  }
0x10e: {  	s23 =	sadd.s32 s3, s23  }
0x10f: {  	v4 =	vmov s23  }
0x110: {  	v2 =	vsub.s32 v2, v4  }
0x111: {  	v3 =	vsub.s32 v3, v4;
	vm14 =	vlt.u32 v2, $0x61A8;
	v2 =	vshra.s32 v2, $0x1  }
0x112: {  	vm15 =	vlt.u32 v3, $0x61A8;
	v3 =	vshra.s32 v3, $0x1;
	v2 =	vnsel vm14, $0x30F8, v2  }
0x113: {  	s22 =	sadd.s32 $0x4, s6;
	[tilespmem:$0x19880] =	vst v2;
	v2 =	vnsel vm15, $0x30F8, v3  }
0x114: {  	p0 =	slt.s32 s22, $0x61A7;
	[tilespmem:$0x19890] =	vst v2  }
0x115: {  	[spmem:s2] =	stream.indirect.scatter.add.f32 [tilespmem:s11], [sflag:$0x4], $0x80, s10, s15, $0xb8;
	[tilespmem:$0x1B980] =	vst v63  }
0x116: {  	s22 =	simm.s32 @!p0 $0x61A7;
	_ =	swait.ge [sflag:s18], $0x1000  }
0x117: {  	s31 =	sshll.u32 s22, $0x2;
	[sflag:s18] =	ssyncset.done $0x0  }
0x118: {  	s22 =	sshll.u32 s22, $0x9;
	s23 =	sadd.s32 s1, s31;
	[sflag:s18] =	ssyncadd.s32 $0xFFFFF000  }
0x119: {  	[tilespmem:s10], [sflag:$0x3] =	stream.linear.gather [hbm4b:s23+s4], $0x20, $0x38;
	[tilespmem:$0x1B980] =	vst v63  }
0x11a: {  	s22 =	sadd.s32 s0, s22  }
0x11b: {  	[tilespmem:s11], [sflag:$0x3] =	stream.linear.gather [hbm4b:s22+s4], $0x1000, $0x38;
	[tilespmem:$0x1B980] =	vst v63  }
0x11c: {  	_ =	swait.ge [sflag:s19], $0x20  }
0x11d: {  	[sflag:s19] =	ssyncset.done $0x0  }
0x11e: {  	[sflag:s19] =	ssyncadd.s32 $0xFFFFFFE0  }
0x11f: {  	_ =	swait.ge [sflag:s19], $0x1000  }
0x120: {  	[sflag:s19] =	ssyncset.done $0x0  }
0x121: {  	[sflag:s19] =	ssyncadd.s32 $0xFFFFF000  }
0x122: {  	v3 =	vld [tilespmem:$0x1A900]  }
0x123: {  	p0 =	sgt.u32 s5, $0x2;
	s23 =	simm.s32 $0x0;
	v2 =	vld [tilespmem:$0x1A910]  }
0x124: {  	s23 =	simm.s32 @!p0 $0x186A0;
	s22 =	simm.s32 $0x3  }
.LBB2_4:
0x125: {  	s24 =	sadd.s32 s3, s23;
	s23 =	smov.u32 s22;
	s22 =	sadd.s32 $0x3, s22  }
0x126: {  	s25 =	sadd.s32 s23, s29;
	p0 =	sne.s32 s22, $0x618;
	v4 =	vmov s24  }
0x127: {  	s24 =	sadd.s32 $0x2, s25;
	s26 =	sadd.s32 $0x3, s25;
	s30 =	sadd.s32 $0x4, s25;
	v3 =	vsub.s32 v3, v4  }
0x128: {  	p2 =	slt.s32 s24, $0x61A7;
	p3 =	slt.s32 s26, $0x61A7;
	p1 =	slt.s32 s30, $0x61A7;
	vm0 =	vlt.u32 v3, $0x61A8;
	v3 =	vshra.s32 v3, $0x1;
	v2 =	vsub.s32 v2, v4  }
0x129: {  	s24 =	simm.s32 @!p2 $0x61A7;
	s26 =	simm.s32 @!p3 $0x61A7;
	v3 =	vnsel vm0, $0x30F8, v3;
	vm0 =	vlt.u32 v2, $0x61A8;
	v2 =	vshra.s32 v2, $0x1  }
0x12a: {  	p2 =	seq.s32 s23, $0x0;
	s25 =	sshll.u32 s24, $0x2;
	s31 =	sshll.u32 s24, $0x9;
	[tilespmem:$0x1A900] =	vst v3;
	v2 =	vnsel vm0, $0x30F8, v2  }
0x12b: {  	s24 =	simm.s32 @!p2 $0x6;
	s28 =	sshll.u32 s26, $0x2;
	s26 =	sshll.u32 s26, $0x9;
	[tilespmem:$0x1A910] =	vst v2  }
0x12c: {  	[spmem:s2] =	stream.indirect.scatter.add.f32 [tilespmem:s13], [sflag:$0x6], $0x80, s12, s15, $0xb8;
	[tilespmem:$0x1B980] =	vst v63  }
0x12d: {  	s30 =	simm.s32 @!p1 $0x61A7;
	_ =	swait.ge @!p2 [sflag:s24], $0x1000  }
0x12e: {  	s6 =	sadd.s32 s1, s25;
	s25 =	sshll.u32 s30, $0x2;
	[sflag:s24] =	ssyncset.done @!p2 $0x0  }
0x12f: {  	[sflag:s24] =	ssyncadd.s32 @!p2 $0xFFFFF000;
	s24 =	sshll.u32 s30, $0x9  }
0x130: {  	[tilespmem:s12], [sflag:$0x5] =	stream.linear.gather [hbm4b:s6+s4], $0x20, $0x38;
	[tilespmem:$0x1B980] =	vst v63  }
0x131: {  	s6 =	sadd.s32 s0, s31  }
0x132: {  	[tilespmem:s13], [sflag:$0x5] =	stream.linear.gather [hbm4b:s6+s4], $0x1000, $0x38;
	[tilespmem:$0x1B980] =	vst v63  }
0x133: {  	_ =	swait.ge [sflag:s14], $0x20  }
0x134: {  	[sflag:s14] =	ssyncset.done $0x0  }
0x135: {  	[sflag:s14] =	ssyncadd.s32 $0xFFFFFFE0  }
0x136: {  	_ =	swait.ge [sflag:s14], $0x1000  }
0x137: {  	[sflag:s14] =	ssyncset.done $0x0  }
0x138: {  	[sflag:s14] =	ssyncadd.s32 $0xFFFFF000  }
0x139: {  	v2 =	vld [tilespmem:$0x18800]  }
0x13a: {  	p1 =	slt.u32 s23, s5;
	s6 =	simm.s32 $0x0;
	v3 =	vld [tilespmem:$0x18810]  }
0x13b: {  	s6 =	simm.s32 @!p1 $0x186A0  }
0x13c: {  	s6 =	sadd.s32 s3, s6  }
0x13d: {  	v4 =	vmov s6  }
0x13e: {  	v2 =	vsub.s32 v2, v4  }
0x13f: {  	vm0 =	vlt.u32 v2, $0x61A8;
	v2 =	vshra.s32 v2, $0x1;
	v3 =	vsub.s32 v3, v4  }
0x140: {  	v2 =	vnsel vm0, $0x30F8, v2;
	vm0 =	vlt.u32 v3, $0x61A8;
	v3 =	vshra.s32 v3, $0x1  }
0x141: {  	[tilespmem:$0x18800] =	vst v2;
	v2 =	vnsel vm0, $0x30F8, v3  }
0x142: {  	[tilespmem:$0x18810] =	vst v2  }
0x143: {  	[spmem:s2] =	stream.indirect.scatter.add.f32 [tilespmem:s7], [sflag:$0x2], $0x80, s9, s15, $0xb8;
	[tilespmem:$0x1B980] =	vst v63  }
0x144: {  	_ =	swait.ge [sflag:s16], $0x1000  }
0x145: {  	[sflag:s16] =	ssyncset.done $0x0  }
0x146: {  	s6 =	sadd.s32 s1, s28;
	[sflag:s16] =	ssyncadd.s32 $0xFFFFF000  }
0x147: {  	[tilespmem:s9], [sflag:$0x1] =	stream.linear.gather [hbm4b:s6+s4], $0x20, $0x38;
	[tilespmem:$0x1B980] =	vst v63  }
0x148: {  	s6 =	sadd.s32 s0, s26  }
0x149: {  	[tilespmem:s7], [sflag:$0x1] =	stream.linear.gather [hbm4b:s6+s4], $0x1000, $0x38;
	[tilespmem:$0x1B980] =	vst v63  }
0x14a: {  	_ =	swait.ge [sflag:s17], $0x20  }
0x14b: {  	[sflag:s17] =	ssyncset.done $0x0  }
0x14c: {  	[sflag:s17] =	ssyncadd.s32 $0xFFFFFFE0  }
0x14d: {  	_ =	swait.ge [sflag:s17], $0x1000  }
0x14e: {  	[sflag:s17] =	ssyncset.done $0x0  }
0x14f: {  	[sflag:s17] =	ssyncadd.s32 $0xFFFFF000  }
0x150: {  	s6 =	sadd.s32 $0x1, s23;
	v2 =	vld [tilespmem:$0x19880]  }
0x151: {  	p1 =	slt.u32 s6, s5;
	s6 =	simm.s32 $0x0;
	v3 =	vld [tilespmem:$0x19890]  }
0x152: {  	s6 =	simm.s32 @!p1 $0x186A0  }
0x153: {  	s6 =	sadd.s32 s3, s6  }
0x154: {  	v4 =	vmov s6  }
0x155: {  	v2 =	vsub.s32 v2, v4  }
0x156: {  	vm0 =	vlt.u32 v2, $0x61A8;
	v2 =	vshra.s32 v2, $0x1;
	v3 =	vsub.s32 v3, v4  }
0x157: {  	v2 =	vnsel vm0, $0x30F8, v2;
	vm0 =	vlt.u32 v3, $0x61A8;
	v3 =	vshra.s32 v3, $0x1  }
0x158: {  	[tilespmem:$0x19880] =	vst v2;
	v2 =	vnsel vm0, $0x30F8, v3  }
0x159: {  	[tilespmem:$0x19890] =	vst v2  }
0x15a: {  	[spmem:s2] =	stream.indirect.scatter.add.f32 [tilespmem:s11], [sflag:$0x4], $0x80, s10, s15, $0xb8;
	[tilespmem:$0x1B980] =	vst v63  }
0x15b: {  	_ =	swait.ge [sflag:s18], $0x1000  }
0x15c: {  	[sflag:s18] =	ssyncset.done $0x0  }
0x15d: {  	s6 =	sadd.s32 s1, s25;
	[sflag:s18] =	ssyncadd.s32 $0xFFFFF000  }
0x15e: {  	[tilespmem:s10], [sflag:$0x3] =	stream.linear.gather [hbm4b:s6+s4], $0x20, $0x38;
	[tilespmem:$0x1B980] =	vst v63  }
0x15f: {  	s6 =	sadd.s32 s0, s24  }
0x160: {  	[tilespmem:s11], [sflag:$0x3] =	stream.linear.gather [hbm4b:s6+s4], $0x1000, $0x38;
	[tilespmem:$0x1B980] =	vst v63  }
0x161: {  	_ =	swait.ge [sflag:s19], $0x20  }
0x162: {  	[sflag:s19] =	ssyncset.done $0x0  }
0x163: {  	[sflag:s19] =	ssyncadd.s32 $0xFFFFFFE0  }
0x164: {  	_ =	swait.ge [sflag:s19], $0x1000  }
.Ltmp1:
0x165: {  	[sflag:s19] =	ssyncset.done $0x0;
	(pc) =	sbr.rel @p0 .LBB2_4-.Ltmp1, $4  }
0x166: {  	[sflag:s19] =	ssyncadd.s32 $0xFFFFF000  }
0x167: {  	s6 =	sadd.s32 $0x2, s23;
	v3 =	vld [tilespmem:$0x1A900]  }
0x168: {  	s23 =	simm.s32 $0x0;
	p1 =	slt.u32 s6, s5;
	v2 =	vld [tilespmem:$0x1A910]  }
0x169: {  	s23 =	simm.s32 @!p1 $0x186A0  }
0x16a: {  	s6 =	sadd.s32 s3, s23  }
0x16b: {  	v4 =	vmov s6  }
0x16c: {  	v3 =	vsub.s32 v3, v4  }
0x16d: {  	vm0 =	vlt.u32 v3, $0x61A8;
	v3 =	vshra.s32 v3, $0x1;
	v2 =	vsub.s32 v2, v4  }
0x16e: {  	v3 =	vnsel vm0, $0x30F8, v3;
	vm9 =	vlt.u32 v2, $0x61A8;
	v2 =	vshra.s32 v2, $0x1  }
0x16f: {  	[tilespmem:$0x1A900] =	vst v3;
	v2 =	vnsel vm9, $0x30F8, v2  }
0x170: {  	[tilespmem:$0x1A910] =	vst v2  }
0x171: {  	[spmem:s2] =	stream.indirect.scatter.add.f32 [tilespmem:s13], [sflag:$0x6], $0x80, s12, s15, $0xb8;
	[tilespmem:$0x1B980] =	vst v63  }
0x172: {  	_ =	swait.ge [sflag:s20], $0x1000  }
0x173: {  	s26 =	sld [smem:$0x7F4]  }
0x174: {  	[sflag:s20] =	ssyncset.done $0x0  }
0x175: {  	s22 =	sld [smem:$0x7F5];
	[sflag:s20] =	ssyncadd.s32 $0xFFFFF000  }
0x176: {  	[tilespmem:s12], [sflag:$0x5] =	stream.linear.gather [hbm4b:s26+s4], $0x20, $0x38;
	[tilespmem:$0x1B980] =	vst v63  }
0x177: {  	_ = 	snop  }
0x178: {  	[tilespmem:s13], [sflag:$0x5] =	stream.linear.gather [hbm4b:s22+s4], $0x1000, $0x38;
	[tilespmem:$0x1B980] =	vst v63  }
0x179: {  	_ =	swait.ge [sflag:s14], $0x20  }
0x17a: {  	[sflag:s14] =	ssyncset.done $0x0  }
0x17b: {  	[sflag:s14] =	ssyncadd.s32 $0xFFFFFFE0  }
0x17c: {  	_ =	swait.ge [sflag:s14], $0x1000  }
0x17d: {  	[sflag:s14] =	ssyncset.done $0x0  }
0x17e: {  	[sflag:s14] =	ssyncadd.s32 $0xFFFFF000  }
0x17f: {  	v2 =	vld [tilespmem:$0x18800]  }
0x180: {  	v3 =	vld [tilespmem:$0x18810];
	_ =	sdelay $0x3  }
0x181: {  	v2 =	vsub.s32 v2, v0  }
0x182: {  	v3 =	vsub.s32 v3, v0;
	vm10 =	vlt.u32 v2, $0x61A8;
	v2 =	vshra.s32 v2, $0x1  }
0x183: {  	vm11 =	vlt.u32 v3, $0x61A8;
	v3 =	vshra.s32 v3, $0x1;
	v2 =	vnsel vm10, $0x30F8, v2  }
0x184: {  	[tilespmem:$0x18800] =	vst v2;
	v2 =	vnsel vm11, $0x30F8, v3  }
0x185: {  	[tilespmem:$0x18810] =	vst v2  }
0x186: {  	[spmem:s2] =	stream.indirect.scatter.add.f32 [tilespmem:s7], [sflag:$0x2], $0x80, s9, s15, $0xb8;
	[tilespmem:$0x1B980] =	vst v63  }
0x187: {  	_ =	swait.ge [sflag:s16], $0x1000  }
0x188: {  	[sflag:s16] =	ssyncset.done $0x0  }
0x189: {  	[sflag:s16] =	ssyncadd.s32 $0xFFFFF000  }
0x18a: {  	_ =	swait.ge [sflag:s17], $0x20  }
0x18b: {  	[sflag:s17] =	ssyncset.done $0x0  }
0x18c: {  	[sflag:s17] =	ssyncadd.s32 $0xFFFFFFE0  }
0x18d: {  	_ =	swait.ge [sflag:s17], $0x1000  }
0x18e: {  	[sflag:s17] =	ssyncset.done $0x0  }
0x18f: {  	[sflag:s17] =	ssyncadd.s32 $0xFFFFF000  }
0x190: {  	v2 =	vld [tilespmem:$0x19880]  }
0x191: {  	v3 =	vld [tilespmem:$0x19890];
	_ =	sdelay $0x3  }
0x192: {  	v2 =	vsub.s32 v2, v0  }
0x193: {  	v3 =	vsub.s32 v3, v0;
	vm12 =	vlt.u32 v2, $0x61A8;
	v2 =	vshra.s32 v2, $0x1  }
0x194: {  	vm13 =	vlt.u32 v3, $0x61A8;
	v3 =	vshra.s32 v3, $0x1;
	v2 =	vnsel vm12, $0x30F8, v2  }
0x195: {  	[tilespmem:$0x19880] =	vst v2;
	v2 =	vnsel vm13, $0x30F8, v3  }
0x196: {  	[tilespmem:$0x19890] =	vst v2  }
0x197: {  	[spmem:s2] =	stream.indirect.scatter.add.f32 [tilespmem:s11], [sflag:$0x4], $0x80, s10, s15, $0xb8;
	[tilespmem:$0x1B980] =	vst v63  }
0x198: {  	_ =	swait.ge [sflag:s18], $0x1000  }
0x199: {  	[sflag:s18] =	ssyncset.done $0x0  }
0x19a: {  	[sflag:s18] =	ssyncadd.s32 $0xFFFFF000  }
0x19b: {  	_ =	swait.ge [sflag:s19], $0x20  }
0x19c: {  	[sflag:s19] =	ssyncset.done $0x0  }
0x19d: {  	[sflag:s19] =	ssyncadd.s32 $0xFFFFFFE0  }
0x19e: {  	_ =	swait.ge [sflag:s19], $0x1000  }
0x19f: {  	[sflag:s19] =	ssyncset.done $0x0  }
0x1a0: {  	[sflag:s19] =	ssyncadd.s32 $0xFFFFF000  }
0x1a1: {  	v2 =	vld [tilespmem:$0x1A900]  }
0x1a2: {  	v3 =	vld [tilespmem:$0x1A910];
	_ =	sdelay $0x3  }
0x1a3: {  	v2 =	vsub.s32 v2, v0  }
0x1a4: {  	v3 =	vsub.s32 v3, v0;
	vm14 =	vlt.u32 v2, $0x61A8;
	v2 =	vshra.s32 v2, $0x1  }
0x1a5: {  	vm15 =	vlt.u32 v3, $0x61A8;
	v3 =	vshra.s32 v3, $0x1;
	v2 =	vnsel vm14, $0x30F8, v2  }
0x1a6: {  	[tilespmem:$0x1A900] =	vst v2;
	v2 =	vnsel vm15, $0x30F8, v3  }
0x1a7: {  	[tilespmem:$0x1A910] =	vst v2  }
0x1a8: {  	[spmem:s2] =	stream.indirect.scatter.add.f32 [tilespmem:s13], [sflag:$0x6], $0x80, s12, s15, $0xb8;
	[tilespmem:$0x1B980] =	vst v63  }
0x1a9: {  	_ =	swait.ge [sflag:s20], $0x1000  }
0x1aa: {  	[sflag:s20] =	ssyncset.done $0x0  }
0x1ab: {  	[sflag:s20] =	ssyncadd.s32 $0xFFFFF000  }
0x1ac: {  	[bflag:$0x0] =	sbarrier.arrive $0xFFFF  }
0x1ad: {  	s23 =	rddreg [dreg:$0x1d]  }
0x1ae: {  	[tilespmem:s7], [sflag:$0x7] =	stream.linear.gather [spmem:s23], $0x1000, $0x38;
	[tilespmem:$0x1B980] =	vst v63  }
0x1af: {  	_ =	swait.ge [sflag:s8], $0x1000  }
0x1b0: {  	[sflag:s8] =	ssyncset.done $0x0  }
0x1b1: {  	s24 =	rddreg [dreg:$0x4];
	[sflag:s8] =	ssyncadd.s32 $0xFFFFF000  }
0x1b2: {  	[hbm4b:s24+s4] =	stream.linear.scatter [tilespmem:s7], [sflag:$0x7], $0x1000, $0x38;
	[tilespmem:$0x1B980] =	vst v63  }
0x1b3: {  	_ =	swait.ge [sflag:s8], $0x1000  }
0x1b4: {  	[sflag:s8] =	ssyncset.done $0x0  }
0x1b5: {  	s25 =	rddreg [dreg:$0x1e];
	[sflag:s8] =	ssyncadd.s32 $0xFFFFF000  }
0x1b6: {  	[tilespmem:s7], [sflag:$0x7] =	stream.linear.gather [spmem:s25], $0x1000, $0x38;
	[tilespmem:$0x1B980] =	vst v63  }
0x1b7: {  	_ =	swait.ge [sflag:s8], $0x1000  }
0x1b8: {  	[sflag:s8] =	ssyncset.done $0x0  }
0x1b9: {  	s26 =	rddreg [dreg:$0x5];
	[sflag:s8] =	ssyncadd.s32 $0xFFFFF000  }
0x1ba: {  	[hbm4b:s26+s4] =	stream.linear.scatter [tilespmem:s7], [sflag:$0x7], $0x1000, $0x38;
	[tilespmem:$0x1B980] =	vst v63  }
0x1bb: {  	_ =	swait.ge [sflag:s8], $0x1000  }
0x1bc: {  	[sflag:s8] =	ssyncset.done $0x0  }
0x1bd: {  	s22 =	rddreg [dreg:$0x1f];
	[sflag:s8] =	ssyncadd.s32 $0xFFFFF000  }
0x1be: {  	[tilespmem:s7], [sflag:$0x7] =	stream.linear.gather [spmem:s22], $0x1000, $0x38;
	[tilespmem:$0x1B980] =	vst v63  }
0x1bf: {  	_ =	swait.ge [sflag:s8], $0x1000  }
0x1c0: {  	[sflag:s8] =	ssyncset.done $0x0  }
0x1c1: {  	s23 =	rddreg [dreg:$0x6];
	[sflag:s8] =	ssyncadd.s32 $0xFFFFF000  }
0x1c2: {  	[hbm4b:s23+s4] =	stream.linear.scatter [tilespmem:s7], [sflag:$0x7], $0x1000, $0x38;
	[tilespmem:$0x1B980] =	vst v63  }
0x1c3: {  	_ =	swait.ge [sflag:s8], $0x1000  }
0x1c4: {  	s24 =	sld [smem:$0x7E0]  }
0x1c5: {  	[sflag:s8] =	ssyncset.done $0x0  }
0x1c6: {  	[sflag:s8] =	ssyncadd.s32 $0xFFFFF000  }
0x1c7: {  	[tilespmem:s7], [sflag:$0x7] =	stream.linear.gather [spmem:s24], $0x1000, $0x38;
	[tilespmem:$0x1B980] =	vst v63  }
0x1c8: {  	_ =	swait.ge [sflag:s8], $0x1000  }
0x1c9: {  	[sflag:s8] =	ssyncset.done $0x0  }
0x1ca: {  	s25 =	rddreg [dreg:$0x7];
	[sflag:s8] =	ssyncadd.s32 $0xFFFFF000  }
0x1cb: {  	[hbm4b:s25+s4] =	stream.linear.scatter [tilespmem:s7], [sflag:$0x7], $0x1000, $0x38;
	[tilespmem:$0x1B980] =	vst v63  }
0x1cc: {  	_ =	swait.ge [sflag:s8], $0x1000  }
0x1cd: {  	s26 =	sld [smem:$0x7E1]  }
0x1ce: {  	[sflag:s8] =	ssyncset.done $0x0  }
0x1cf: {  	[sflag:s8] =	ssyncadd.s32 $0xFFFFF000  }
0x1d0: {  	[tilespmem:s7], [sflag:$0x7] =	stream.linear.gather [spmem:s26], $0x1000, $0x38;
	[tilespmem:$0x1B980] =	vst v63  }
0x1d1: {  	_ =	swait.ge [sflag:s8], $0x1000  }
0x1d2: {  	[sflag:s8] =	ssyncset.done $0x0  }
0x1d3: {  	s22 =	rddreg [dreg:$0x8];
	[sflag:s8] =	ssyncadd.s32 $0xFFFFF000  }
0x1d4: {  	[hbm4b:s22+s4] =	stream.linear.scatter [tilespmem:s7], [sflag:$0x7], $0x1000, $0x38;
	[tilespmem:$0x1B980] =	vst v63  }
0x1d5: {  	_ =	swait.ge [sflag:s8], $0x1000  }
0x1d6: {  	s23 =	sld [smem:$0x7E2]  }
0x1d7: {  	[sflag:s8] =	ssyncset.done $0x0  }
0x1d8: {  	[sflag:s8] =	ssyncadd.s32 $0xFFFFF000  }
0x1d9: {  	[tilespmem:s7], [sflag:$0x7] =	stream.linear.gather [spmem:s23], $0x1000, $0x38;
	[tilespmem:$0x1B980] =	vst v63  }
0x1da: {  	_ =	swait.ge [sflag:s8], $0x1000  }
0x1db: {  	[sflag:s8] =	ssyncset.done $0x0  }
0x1dc: {  	s24 =	rddreg [dreg:$0x9];
	[sflag:s8] =	ssyncadd.s32 $0xFFFFF000  }
0x1dd: {  	[hbm4b:s24+s4] =	stream.linear.scatter [tilespmem:s7], [sflag:$0x7], $0x1000, $0x38;
	[tilespmem:$0x1B980] =	vst v63  }
0x1de: {  	_ =	swait.ge [sflag:s8], $0x1000  }
0x1df: {  	s25 =	sld [smem:$0x7E3]  }
0x1e0: {  	[sflag:s8] =	ssyncset.done $0x0  }
0x1e1: {  	[sflag:s8] =	ssyncadd.s32 $0xFFFFF000  }
0x1e2: {  	[tilespmem:s7], [sflag:$0x7] =	stream.linear.gather [spmem:s25], $0x1000, $0x38;
	[tilespmem:$0x1B980] =	vst v63  }
0x1e3: {  	_ =	swait.ge [sflag:s8], $0x1000  }
0x1e4: {  	[sflag:s8] =	ssyncset.done $0x0  }
0x1e5: {  	s26 =	rddreg [dreg:$0xa];
	[sflag:s8] =	ssyncadd.s32 $0xFFFFF000  }
0x1e6: {  	[hbm4b:s26+s4] =	stream.linear.scatter [tilespmem:s7], [sflag:$0x7], $0x1000, $0x38;
	[tilespmem:$0x1B980] =	vst v63  }
0x1e7: {  	_ =	swait.ge [sflag:s8], $0x1000  }
0x1e8: {  	s22 =	sld [smem:$0x7E4]  }
0x1e9: {  	[sflag:s8] =	ssyncset.done $0x0  }
0x1ea: {  	[sflag:s8] =	ssyncadd.s32 $0xFFFFF000  }
0x1eb: {  	[tilespmem:s7], [sflag:$0x7] =	stream.linear.gather [spmem:s22], $0x1000, $0x38;
	[tilespmem:$0x1B980] =	vst v63  }
0x1ec: {  	_ =	swait.ge [sflag:s8], $0x1000  }
0x1ed: {  	[sflag:s8] =	ssyncset.done $0x0  }
0x1ee: {  	s23 =	rddreg [dreg:$0xb];
	[sflag:s8] =	ssyncadd.s32 $0xFFFFF000  }
0x1ef: {  	[hbm4b:s23+s4] =	stream.linear.scatter [tilespmem:s7], [sflag:$0x7], $0x1000, $0x38;
	[tilespmem:$0x1B980] =	vst v63  }
0x1f0: {  	_ =	swait.ge [sflag:s8], $0x1000  }
0x1f1: {  	s24 =	sld [smem:$0x7E5]  }
0x1f2: {  	[sflag:s8] =	ssyncset.done $0x0  }
0x1f3: {  	[sflag:s8] =	ssyncadd.s32 $0xFFFFF000  }
0x1f4: {  	[tilespmem:s7], [sflag:$0x7] =	stream.linear.gather [spmem:s24], $0x1000, $0x38;
	[tilespmem:$0x1B980] =	vst v63  }
0x1f5: {  	_ =	swait.ge [sflag:s8], $0x1000  }
0x1f6: {  	[sflag:s8] =	ssyncset.done $0x0  }
0x1f7: {  	s25 =	rddreg [dreg:$0xc];
	[sflag:s8] =	ssyncadd.s32 $0xFFFFF000  }
0x1f8: {  	[hbm4b:s25+s4] =	stream.linear.scatter [tilespmem:s7], [sflag:$0x7], $0x1000, $0x38;
	[tilespmem:$0x1B980] =	vst v63  }
0x1f9: {  	_ =	swait.ge [sflag:s8], $0x1000  }
0x1fa: {  	s26 =	sld [smem:$0x7E6]  }
0x1fb: {  	[sflag:s8] =	ssyncset.done $0x0  }
0x1fc: {  	[sflag:s8] =	ssyncadd.s32 $0xFFFFF000  }
0x1fd: {  	[tilespmem:s7], [sflag:$0x7] =	stream.linear.gather [spmem:s26], $0x1000, $0x38;
	[tilespmem:$0x1B980] =	vst v63  }
0x1fe: {  	_ =	swait.ge [sflag:s8], $0x1000  }
0x1ff: {  	[sflag:s8] =	ssyncset.done $0x0  }
0x200: {  	s22 =	rddreg [dreg:$0xd];
	[sflag:s8] =	ssyncadd.s32 $0xFFFFF000  }
0x201: {  	[hbm4b:s22+s4] =	stream.linear.scatter [tilespmem:s7], [sflag:$0x7], $0x1000, $0x38;
	[tilespmem:$0x1B980] =	vst v63  }
0x202: {  	_ =	swait.ge [sflag:s8], $0x1000  }
0x203: {  	s23 =	sld [smem:$0x7E7]  }
0x204: {  	[sflag:s8] =	ssyncset.done $0x0  }
0x205: {  	[sflag:s8] =	ssyncadd.s32 $0xFFFFF000  }
0x206: {  	[tilespmem:s7], [sflag:$0x7] =	stream.linear.gather [spmem:s23], $0x1000, $0x38;
	[tilespmem:$0x1B980] =	vst v63  }
0x207: {  	_ =	swait.ge [sflag:s8], $0x1000  }
0x208: {  	[sflag:s8] =	ssyncset.done $0x0  }
0x209: {  	s24 =	rddreg [dreg:$0xe];
	[sflag:s8] =	ssyncadd.s32 $0xFFFFF000  }
0x20a: {  	[hbm4b:s24+s4] =	stream.linear.scatter [tilespmem:s7], [sflag:$0x7], $0x1000, $0x38;
	[tilespmem:$0x1B980] =	vst v63  }
0x20b: {  	_ =	swait.ge [sflag:s8], $0x1000  }
0x20c: {  	s25 =	sld [smem:$0x7E8]  }
0x20d: {  	[sflag:s8] =	ssyncset.done $0x0  }
0x20e: {  	[sflag:s8] =	ssyncadd.s32 $0xFFFFF000  }
0x20f: {  	[tilespmem:s7], [sflag:$0x7] =	stream.linear.gather [spmem:s25], $0x1000, $0x38;
	[tilespmem:$0x1B980] =	vst v63  }
0x210: {  	_ =	swait.ge [sflag:s8], $0x1000  }
0x211: {  	[sflag:s8] =	ssyncset.done $0x0  }
0x212: {  	s26 =	rddreg [dreg:$0xf];
	[sflag:s8] =	ssyncadd.s32 $0xFFFFF000  }
0x213: {  	[hbm4b:s26+s4] =	stream.linear.scatter [tilespmem:s7], [sflag:$0x7], $0x1000, $0x38;
	[tilespmem:$0x1B980] =	vst v63  }
0x214: {  	_ =	swait.ge [sflag:s8], $0x1000  }
0x215: {  	s22 =	sld [smem:$0x7E9]  }
0x216: {  	[sflag:s8] =	ssyncset.done $0x0  }
0x217: {  	[sflag:s8] =	ssyncadd.s32 $0xFFFFF000  }
0x218: {  	[tilespmem:s7], [sflag:$0x7] =	stream.linear.gather [spmem:s22], $0x1000, $0x38;
	[tilespmem:$0x1B980] =	vst v63  }
0x219: {  	_ =	swait.ge [sflag:s8], $0x1000  }
0x21a: {  	[sflag:s8] =	ssyncset.done $0x0  }
0x21b: {  	s23 =	rddreg [dreg:$0x10];
	[sflag:s8] =	ssyncadd.s32 $0xFFFFF000  }
0x21c: {  	[hbm4b:s23+s4] =	stream.linear.scatter [tilespmem:s7], [sflag:$0x7], $0x1000, $0x38;
	[tilespmem:$0x1B980] =	vst v63  }
0x21d: {  	_ =	swait.ge [sflag:s8], $0x1000  }
0x21e: {  	s24 =	sld [smem:$0x7EA]  }
0x21f: {  	[sflag:s8] =	ssyncset.done $0x0  }
0x220: {  	[sflag:s8] =	ssyncadd.s32 $0xFFFFF000  }
0x221: {  	[tilespmem:s7], [sflag:$0x7] =	stream.linear.gather [spmem:s24], $0x1000, $0x38;
	[tilespmem:$0x1B980] =	vst v63  }
0x222: {  	_ =	swait.ge [sflag:s8], $0x1000  }
0x223: {  	[sflag:s8] =	ssyncset.done $0x0  }
0x224: {  	s25 =	rddreg [dreg:$0x11];
	[sflag:s8] =	ssyncadd.s32 $0xFFFFF000  }
0x225: {  	[hbm4b:s25+s4] =	stream.linear.scatter [tilespmem:s7], [sflag:$0x7], $0x1000, $0x38;
	[tilespmem:$0x1B980] =	vst v63  }
0x226: {  	_ =	swait.ge [sflag:s8], $0x1000  }
0x227: {  	s24 =	sld [smem:$0x7F8]  }
0x228: {  	[sflag:s8] =	ssyncset.done $0x0  }
0x229: {  	[sflag:s8] =	ssyncadd.s32 $0xFFFFF000  }
0x22a: {  	[tilespmem:s7], [sflag:$0x7] =	stream.linear.gather [spmem:s24], $0x1000, $0x38;
	[tilespmem:$0x1B980] =	vst v63  }
0x22b: {  	_ =	swait.ge [sflag:s8], $0x1000  }
0x22c: {  	[sflag:s8] =	ssyncset.done $0x0  }
0x22d: {  	s26 =	rddreg [dreg:$0x12];
	[sflag:s8] =	ssyncadd.s32 $0xFFFFF000  }
0x22e: {  	[hbm4b:s26+s4] =	stream.linear.scatter [tilespmem:s7], [sflag:$0x7], $0x1000, $0x38;
	[tilespmem:$0x1B980] =	vst v63  }
0x22f: {  	_ =	swait.ge [sflag:s8], $0x1000  }
0x230: {  	s25 =	sld [smem:$0x7F9]  }
0x231: {  	[sflag:s8] =	ssyncset.done $0x0  }
0x232: {  	[sflag:s8] =	ssyncadd.s32 $0xFFFFF000  }
0x233: {  	[tilespmem:s7], [sflag:$0x7] =	stream.linear.gather [spmem:s25], $0x1000, $0x38;
	[tilespmem:$0x1B980] =	vst v63  }
0x234: {  	_ =	swait.ge [sflag:s8], $0x1000  }
0x235: {  	[sflag:s8] =	ssyncset.done $0x0  }
0x236: {  	s22 =	rddreg [dreg:$0x13];
	[sflag:s8] =	ssyncadd.s32 $0xFFFFF000  }
0x237: {  	[hbm4b:s22+s4] =	stream.linear.scatter [tilespmem:s7], [sflag:$0x7], $0x1000, $0x38;
	[tilespmem:$0x1B980] =	vst v63  }
0x238: {  	_ =	swait.ge [sflag:s8], $0x1000  }
0x239: {  	s26 =	sld [smem:$0x7FA]  }
0x23a: {  	[sflag:s8] =	ssyncset.done $0x0  }
0x23b: {  	[sflag:s8] =	ssyncadd.s32 $0xFFFFF000  }
0x23c: {  	[tilespmem:s7], [sflag:$0x7] =	stream.linear.gather [spmem:s26], $0x1000, $0x38;
	[tilespmem:$0x1B980] =	vst v63  }
0x23d: {  	_ =	swait.ge [sflag:s8], $0x1000  }
0x23e: {  	[sflag:s8] =	ssyncset.done $0x0  }
0x23f: {  	s23 =	rddreg [dreg:$0x14];
	[sflag:s8] =	ssyncadd.s32 $0xFFFFF000  }
0x240: {  	[hbm4b:s23+s4] =	stream.linear.scatter [tilespmem:s7], [sflag:$0x7], $0x1000, $0x38;
	[tilespmem:$0x1B980] =	vst v63  }
0x241: {  	_ =	swait.ge [sflag:s8], $0x1000  }
0x242: {  	s28 =	sld [smem:$0x7FB]  }
0x243: {  	[sflag:s8] =	ssyncset.done $0x0  }
0x244: {  	[sflag:s8] =	ssyncadd.s32 $0xFFFFF000  }
0x245: {  	[tilespmem:s7], [sflag:$0x7] =	stream.linear.gather [spmem:s28], $0x1000, $0x38;
	[tilespmem:$0x1B980] =	vst v63  }
0x246: {  	_ =	swait.ge [sflag:s8], $0x1000  }
0x247: {  	[sflag:s8] =	ssyncset.done $0x0  }
0x248: {  	s22 =	rddreg [dreg:$0x15];
	[sflag:s8] =	ssyncadd.s32 $0xFFFFF000  }
0x249: {  	[hbm4b:s22+s4] =	stream.linear.scatter [tilespmem:s7], [sflag:$0x7], $0x1000, $0x38;
	[tilespmem:$0x1B980] =	vst v63  }
0x24a: {  	_ =	swait.ge [sflag:s8], $0x1000  }
0x24b: {  	s30 =	sld [smem:$0x7FC]  }
0x24c: {  	[sflag:s8] =	ssyncset.done $0x0  }
0x24d: {  	[sflag:s8] =	ssyncadd.s32 $0xFFFFF000  }
0x24e: {  	[tilespmem:s7], [sflag:$0x7] =	stream.linear.gather [spmem:s30], $0x1000, $0x38;
	[tilespmem:$0x1B980] =	vst v63  }
0x24f: {  	_ =	swait.ge [sflag:s8], $0x1000  }
0x250: {  	[sflag:s8] =	ssyncset.done $0x0  }
0x251: {  	s23 =	rddreg [dreg:$0x16];
	[sflag:s8] =	ssyncadd.s32 $0xFFFFF000  }
0x252: {  	[hbm4b:s23+s4] =	stream.linear.scatter [tilespmem:s7], [sflag:$0x7], $0x1000, $0x38;
	[tilespmem:$0x1B980] =	vst v63  }
0x253: {  	_ =	swait.ge [sflag:s8], $0x1000  }
0x254: {  	s31 =	sld [smem:$0x7FD]  }
0x255: {  	[sflag:s8] =	ssyncset.done $0x0  }
0x256: {  	[sflag:s8] =	ssyncadd.s32 $0xFFFFF000  }
0x257: {  	[tilespmem:s7], [sflag:$0x7] =	stream.linear.gather [spmem:s31], $0x1000, $0x38;
	[tilespmem:$0x1B980] =	vst v63  }
0x258: {  	_ =	swait.ge [sflag:s8], $0x1000  }
0x259: {  	[sflag:s8] =	ssyncset.done $0x0  }
0x25a: {  	s22 =	rddreg [dreg:$0x17];
	[sflag:s8] =	ssyncadd.s32 $0xFFFFF000  }
0x25b: {  	[hbm4b:s22+s4] =	stream.linear.scatter [tilespmem:s7], [sflag:$0x7], $0x1000, $0x38;
	[tilespmem:$0x1B980] =	vst v63  }
0x25c: {  	_ =	swait.ge [sflag:s8], $0x1000  }
0x25d: {  	s23 =	sld [smem:$0x7EB]  }
0x25e: {  	[sflag:s8] =	ssyncset.done $0x0  }
0x25f: {  	[sflag:s8] =	ssyncadd.s32 $0xFFFFF000  }
0x260: {  	[tilespmem:s7], [sflag:$0x7] =	stream.linear.gather [spmem:s23], $0x1000, $0x38;
	[tilespmem:$0x1B980] =	vst v63  }
0x261: {  	_ =	swait.ge [sflag:s8], $0x1000  }
0x262: {  	[sflag:s8] =	ssyncset.done $0x0  }
0x263: {  	s22 =	rddreg [dreg:$0x18];
	[sflag:s8] =	ssyncadd.s32 $0xFFFFF000  }
0x264: {  	[hbm4b:s22+s4] =	stream.linear.scatter [tilespmem:s7], [sflag:$0x7], $0x1000, $0x38;
	[tilespmem:$0x1B980] =	vst v63  }
0x265: {  	_ =	swait.ge [sflag:s8], $0x1000  }
0x266: {  	s23 =	sld [smem:$0x7EC]  }
0x267: {  	[sflag:s8] =	ssyncset.done $0x0  }
0x268: {  	[sflag:s8] =	ssyncadd.s32 $0xFFFFF000  }
0x269: {  	[tilespmem:s7], [sflag:$0x7] =	stream.linear.gather [spmem:s23], $0x1000, $0x38;
	[tilespmem:$0x1B980] =	vst v63  }
0x26a: {  	_ =	swait.ge [sflag:s8], $0x1000  }
0x26b: {  	[sflag:s8] =	ssyncset.done $0x0  }
0x26c: {  	s22 =	rddreg [dreg:$0x19];
	[sflag:s8] =	ssyncadd.s32 $0xFFFFF000  }
0x26d: {  	[hbm4b:s22+s4] =	stream.linear.scatter [tilespmem:s7], [sflag:$0x7], $0x1000, $0x38;
	[tilespmem:$0x1B980] =	vst v63  }
0x26e: {  	_ =	swait.ge [sflag:s8], $0x1000  }
0x26f: {  	s23 =	sld [smem:$0x7ED]  }
0x270: {  	[sflag:s8] =	ssyncset.done $0x0  }
0x271: {  	[sflag:s8] =	ssyncadd.s32 $0xFFFFF000  }
0x272: {  	[tilespmem:s7], [sflag:$0x7] =	stream.linear.gather [spmem:s23], $0x1000, $0x38;
	[tilespmem:$0x1B980] =	vst v63  }
0x273: {  	_ =	swait.ge [sflag:s8], $0x1000  }
0x274: {  	[sflag:s8] =	ssyncset.done $0x0  }
0x275: {  	s22 =	rddreg [dreg:$0x1a];
	[sflag:s8] =	ssyncadd.s32 $0xFFFFF000  }
0x276: {  	[hbm4b:s22+s4] =	stream.linear.scatter [tilespmem:s7], [sflag:$0x7], $0x1000, $0x38;
	[tilespmem:$0x1B980] =	vst v63  }
0x277: {  	_ =	swait.ge [sflag:s8], $0x1000  }
0x278: {  	s23 =	sld [smem:$0x7EE]  }
0x279: {  	[sflag:s8] =	ssyncset.done $0x0  }
0x27a: {  	[sflag:s8] =	ssyncadd.s32 $0xFFFFF000  }
0x27b: {  	[tilespmem:s7], [sflag:$0x7] =	stream.linear.gather [spmem:s23], $0x1000, $0x38;
	[tilespmem:$0x1B980] =	vst v63  }
0x27c: {  	_ =	swait.ge [sflag:s8], $0x1000  }
0x27d: {  	[sflag:s8] =	ssyncset.done $0x0  }
0x27e: {  	s22 =	rddreg [dreg:$0x1b];
	[sflag:s8] =	ssyncadd.s32 $0xFFFFF000  }
0x27f: {  	[hbm4b:s22+s4] =	stream.linear.scatter [tilespmem:s7], [sflag:$0x7], $0x1000, $0x38;
	[tilespmem:$0x1B980] =	vst v63  }
0x280: {  	_ =	swait.ge [sflag:s8], $0x1000  }
0x281: {  	s23 =	sld [smem:$0x7EF]  }
0x282: {  	[sflag:s8] =	ssyncset.done $0x0  }
0x283: {  	[sflag:s8] =	ssyncadd.s32 $0xFFFFF000  }
0x284: {  	[tilespmem:s7], [sflag:$0x7] =	stream.linear.gather [spmem:s23], $0x800, $0x38;
	[tilespmem:$0x1B980] =	vst v63  }
0x285: {  	_ =	swait.ge [sflag:s8], $0x800  }
0x286: {  	[sflag:s8] =	ssyncset.done $0x0  }
0x287: {  	s22 =	rddreg [dreg:$0x1c];
	[sflag:s8] =	ssyncadd.s32 $0xFFFFF800  }
0x288: {  	[hbm4b:s22+s4] =	stream.linear.scatter [tilespmem:s7], [sflag:$0x7], $0x800, $0x38;
	[tilespmem:$0x1B980] =	vst v63  }
0x289: {  	_ =	swait.ge [sflag:s8], $0x800  }
0x28a: {  	s23 =	sld [smem:$0x7F7];
	_ =	sdelay $0x1  }
0x28b: {  	s21 =	sadd.s32 $0x1, s21  }
0x28c: {  	p0 =	sne.s32 s21, s23  }
.Ltmp2:
0x28d: {  	_ = 	snop;
	(pc) =	sbr.rel @p0 .LBB2_1-.Ltmp2, $3  }
0x28e: {  	_ =	sdelay $0x1  }
0x28f: {  	[sflag:s8] =	ssyncset.done $0x0  }
0x290: {  	[sflag:s8] =	ssyncadd.s32 $0xFFFFF800  }
0x291: {  	_ =	sfence.sel $0x180000  }
0x292: {  	[bflag:$0x0] =	sbarrier.arrive $0xFFFF  }
0x293: {  	_ =	strace $0x90000047  }
0x294: {  	s0 =	stileid.u32;
	[bflag:$0x2] =	sbarrier.arrive $0xFFFF  }
0x295: {  	p0 =	sne.s32 s0, $0x0;
	s0 =	rddreg [dreg:$0x3]  }
0x296: {  	s0 =	sadd.s32 @!p0 $0x100000, s0  }
0x297: {  	[sflag:s0] =	ssyncadd.tile.s32 @!p0 $0x1;
	_ =	shalt  }
.Lfunc_end2:
_tile_overlayer_lowered:
.L_overlay_start_2:
0x298: {  	(tag) =	ssettag $0x2  }
0x299: {  	s0 =	rddreg [dreg:$0x0];
	s2 =	stileid.u32  }
0x29a: {  	s1 =	rddreg [dreg:$0x1];
	p0 =	sne.s32 s2, $0x0  }
0x29b: {  	s3 =	rddreg [dreg:$0x2];
	[bflag:$0x3] =	sbarrier.arrive $0xFFFF;
	s2 =	simm.s32 @!p0 $0x1C07  }
0x29c: {  	[timem:s3], [sflag:s2] =	dma.local @!p0 [hbm:s0], s1  }
0x29d: {  	s0 =	simm.s32 @!p0 $0x7  }
0x29e: {  	_ =	swait.ge @!p0 [sflag:s0], s1  }
0x29f: {  	s1 =	ssub.s32 @!p0 $0x0, s1;
	[sflag:s0] =	ssyncset.done @!p0 $0x0  }
0x2a0: {  	[sflag:s0] =	ssyncadd.s32 @!p0 s1  }
0x2a1: {  	[bflag:$0x3] =	sbarrier.arrive $0xFFFF  }
0x2a2: {  	_ =	shalt  }

</sc_bundles>
